<compile_context>
chip_gen: v7x
topology: tpu7x:2x2x1
jax: 0.10.2.dev20260603
libtpu: 0.0.44.dev20260713+nightly
codegen_flags: <defaults>
</compile_context>

<pallas_src>
import functools

import jax
import jax.numpy as jnp
from jax import lax
from jax.experimental import pallas as pl
from jax.experimental.pallas import tpu as pltpu
from jax.experimental.pallas import tpu_sc as plsc

N = 10000
K = 16
C = 128
O = 128

NW = 32
NPT = 320
NPAD = NW * NPT
G = 8
EG = G * K
NGROUPS = NPT // G

BN = 512


def _tc_body(x_ref, dis_ref, A_ref, W2_ref, b_ref, attw_ref, attb_ref,
             y1_ref, y2_ref, supp_ref):
    xb = x_ref[...]
    A = A_ref[...]
    W2 = W2_ref[...]
    dn = (((0,), (1,)), ((), ()))
    y1 = lax.dot_general(xb, A, dn, preferred_element_type=jnp.float32)
    y1_ref[...] = y1 + b_ref[...]
    y2_ref[...] = lax.dot_general(xb, W2, dn, preferred_element_type=jnp.float32)
    disb = dis_ref[...]
    scal = jnp.sum(disb * attw_ref[...], axis=1, keepdims=True) + attb_ref[0, 0]
    scal = jnp.tanh(scal) + 1.0
    supp_ref[...] = 2.0 * jax.nn.sigmoid(-disb * scal)


_tc_call = pl.pallas_call(
    _tc_body,
    grid=(NPAD // BN,),
    in_specs=[
        pl.BlockSpec((C, BN), lambda i: (0, i)),
        pl.BlockSpec((BN, K), lambda i: (i, 0)),
        pl.BlockSpec((O, C), lambda i: (0, 0)),
        pl.BlockSpec((O, C), lambda i: (0, 0)),
        pl.BlockSpec((1, O), lambda i: (0, 0)),
        pl.BlockSpec((1, K), lambda i: (0, 0)),
        pl.BlockSpec((1, 1), lambda i: (0, 0)),
    ],
    out_specs=[
        pl.BlockSpec((BN, O), lambda i: (i, 0)),
        pl.BlockSpec((BN, O), lambda i: (i, 0)),
        pl.BlockSpec((BN, K), lambda i: (i, 0)),
    ],
    out_shape=[
        jax.ShapeDtypeStruct((NPAD, O), jnp.float32),
        jax.ShapeDtypeStruct((NPAD, O), jnp.float32),
        jax.ShapeDtypeStruct((NPAD, K), jnp.float32),
    ],
)


_sc_mesh = plsc.VectorSubcoreMesh(core_axis_name="c", subcore_axis_name="s")


@functools.partial(
    pl.kernel,
    out_type=jax.ShapeDtypeStruct((NPAD, O), jnp.float32),
    mesh=_sc_mesh,
    scratch_types=[
        pltpu.VMEM((NPT * K,), jnp.int32),
        pltpu.VMEM((NPT * K,), jnp.int32),
        pltpu.VMEM((NPT * K,), jnp.float32),
        pltpu.VMEM((2 * EG, O), jnp.float32),
        pltpu.VMEM((2 * EG, O), jnp.float32),
        pltpu.VMEM((NPT, O), jnp.float32),
        pltpu.SemaphoreType.DMA,
        pltpu.SemaphoreType.DMA,
        pltpu.SemaphoreType.DMA,
        pltpu.SemaphoreType.DMA,
        pltpu.SemaphoreType.DMA,
        pltpu.SemaphoreType.DMA,
        pltpu.SemaphoreType.DMA,
        pltpu.SemaphoreType.DMA,
    ],
)
def _sc_kernel(y1_hbm, y2_hbm, idxi_hbm, idxj_hbm, supp_hbm, out_hbm,
               idxi_v, idxj_v, supp_v, r1_v, r2_v, out_v,
               s0, s1, s2, s3, s4, s5, s6, s7):
    wid = lax.axis_index("s") * 2 + lax.axis_index("c")
    ebase = wid * (NPT * K)
    nbase = wid * NPT
    sems = [[s0, s1, s2, s3], [s4, s5, s6, s7]]
    EH = EG // 2

    pltpu.sync_copy(idxi_hbm.at[pl.ds(ebase, NPT * K)], idxi_v)
    pltpu.sync_copy(idxj_hbm.at[pl.ds(ebase, NPT * K)], idxj_v)
    pltpu.sync_copy(supp_hbm.at[pl.ds(ebase, NPT * K)], supp_v)

    def _descs(gi, p):
        out = []
        for h in range(2):
            out.append((y1_hbm.at[idxi_v.at[pl.ds(gi * EG + h * EH, EH)]],
                        r1_v.at[pl.ds(p * EG + h * EH, EH)], sems[p][h]))
            out.append((y2_hbm.at[idxj_v.at[pl.ds(gi * EG + h * EH, EH)]],
                        r2_v.at[pl.ds(p * EG + h * EH, EH)], sems[p][2 + h]))
        return out

    def fire(gi, p):
        for src, dst, sem in _descs(gi, p):
            pltpu.async_copy(src, dst, sem)

    def drain(gi, p):
        for src, dst, sem in _descs(gi, p):
            pltpu.make_async_copy(src, dst, sem).wait()

    def compute(gi, p):
        def node(n, carry2):
            accs = [jnp.zeros((16,), jnp.float32) for _ in range(O // 16)]
            sv = supp_v[pl.ds(gi * EG + n * K, K)]
            for k in range(K):
                e = p * EG + n * K + k
                s = sv[k]
                for c8 in range(O // 16):
                    v = r1_v[e, pl.ds(c8 * 16, 16)] + r2_v[e, pl.ds(c8 * 16, 16)]
                    v = jnp.maximum(v, 0.0) * s
                    accs[c8] = jnp.maximum(accs[c8], v)
            for c8 in range(O // 16):
                out_v[gi * G + n, pl.ds(c8 * 16, 16)] = accs[c8]
            return carry2

        lax.fori_loop(0, G, node, 0)

    fire(0, 0)

    @pl.loop(0, NGROUPS, step=2)
    def body(g):
        for p in range(2):
            gi = g + p

            @pl.when(gi + 1 < NGROUPS)
            def _():
                fire(gi + 1, 1 - p)

            drain(gi, p)
            compute(gi, p)

    pltpu.sync_copy(out_v, out_hbm.at[pl.ds(nbase, NPT)])


def kernel(x, edge_index, pos, dis, W, b, att_W, att_b):
    del pos
    xf = x[0, :, :, 0]
    xf = jnp.pad(xf, ((0, 0), (0, NPAD - N)))
    disf = jnp.pad(dis[0], ((0, NPAD - N), (0, 0)))
    A = W[:, :C] - W[:, C:]
    W2 = W[:, C:]
    y1, y2, supp = _tc_call(
        xf, disf, A, W2, b.reshape(1, O).astype(jnp.float32),
        att_W.astype(jnp.float32), att_b.reshape(1, 1).astype(jnp.float32))
    idx = edge_index.astype(jnp.int32).reshape(2, N * K)
    idx = jnp.pad(idx, ((0, 0), (0, (NPAD - N) * K)))
    out = _sc_kernel(y1, y2, idx[1], idx[0], supp.reshape(-1))
    return out[:N].T.reshape(1, O, N, 1)

# --- scband reference (transcript-rebuilt; emitter-appended) ---
"""Pipeline reference for scband-edge-conv-24756191494465 (READ-ONLY COPY).

The authoritative reference and input builder live on the scoring server;
editing this copy changes nothing except your own understanding.
"""

import jax, jax.numpy as jnp
import numpy as np


def setup_inputs(seed: int = 0) -> dict:
    key = jax.random.key(seed)
    ks = jax.random.split(key, 8)
    B, C, N, K, O = 1, 128, 10000, 16, 128
    x = jax.random.normal(ks[0], (B, C, N, 1), dtype=jnp.float32)
    edge_index = jax.random.randint(ks[1], (2, B, N, K), 0, N)
    pos = jax.random.normal(ks[2], (B, N, 3), dtype=jnp.float32)
    dis = jax.random.uniform(ks[3], (B, N, K), dtype=jnp.float32)
    # nn: Conv2d(2C -> O, kernel 1), kaiming-normal weight, zero bias
    W = jax.random.normal(ks[4], (O, 2 * C), dtype=jnp.float32) * np.sqrt(2.0 / (2 * C))
    b = jnp.zeros((O,), dtype=jnp.float32)
    # att: Conv2d(k -> 1, kernel 1)
    att_W = jax.random.normal(ks[5], (1, K), dtype=jnp.float32) * np.sqrt(1.0 / K)
    att_b = jnp.zeros((1,), dtype=jnp.float32)
    return {"x": x, "edge_index": edge_index, "pos": pos, "dis": dis,
            "W": W, "b": b, "att_W": att_W, "att_b": att_b}


def _batched_index_select(x, idx):
    # x: [B, C, N, 1], idx: [B, N, K] -> [B, C, N, K]
    xf = x[:, :, :, 0]  # [B, C, N]
    return jnp.take_along_axis(xf[:, :, :, None], idx[:, None, :, :], axis=2)


def reference(x, edge_index, pos, dis, W, b, att_W, att_b):
    x_i = _batched_index_select(x, edge_index[1])
    x_j = _batched_index_select(x, edge_index[0])
    fc = jnp.concatenate([x_i, x_j - x_i], axis=1)  # [B, 2C, N, K]
    feature = jnp.einsum('oc,bcnk->bonk', W, fc) + b[None, :, None, None]
    feature = jax.nn.relu(feature)
    # attention over k: Conv2d(k->1,1) applied to dis.transpose(0,2).unsqueeze(0)
    # equivalent to scaler[b, n] = sum_k att_W[0, k] * dis[b, n, k] + att_b[0]
    scaler = jnp.einsum('bnk,k->bn', dis, att_W[0]) + att_b[0]
    scaler = jnp.tanh(scaler)[:, :, None] + 1.0  # [B, N, 1]
    suppression = 2.0 * jax.nn.sigmoid(-dis * scaler)  # [B, N, K]
    feature = feature * suppression[:, None, :, :]
    max_value = jnp.max(feature, axis=-1, keepdims=True)  # [B, O, N, 1]
    return max_value

if __name__ == "__main__":
    import jax
    _d = setup_inputs()
    print(jax.jit(kernel)(*tuple(_d.values())))

</pallas_src>

<mosaic_0001>
#map = affine_map<(d0, d1) -> (0, 0)>
#map1 = affine_map<(d0, d1) -> (0)>
module attributes {stable_mosaic.version = 14 : i64} {
  func.func @_sc_kernel(%arg0: i32, %arg1: i32, %arg2: memref<10240x128xf32, #tpu.memory_space<hbm>>, %arg3: memref<10240x128xf32, #tpu.memory_space<hbm>>, %arg4: memref<163840xi32, #tpu.memory_space<hbm>>, %arg5: memref<163840xi32, #tpu.memory_space<hbm>>, %arg6: memref<163840xf32, #tpu.memory_space<hbm>>, %arg7: memref<10240x128xf32, #tpu.memory_space<hbm>>, %arg8: memref<5120xi32, #tpu.memory_space<vmem>>, %arg9: memref<5120xi32, #tpu.memory_space<vmem>>, %arg10: memref<5120xf32, #tpu.memory_space<vmem>>, %arg11: memref<256x128xf32, #tpu.memory_space<vmem>>, %arg12: memref<256x128xf32, #tpu.memory_space<vmem>>, %arg13: memref<320x128xf32, #tpu.memory_space<vmem>>, %arg14: memref<!tpu.dma_semaphore, #tpu.memory_space<semaphore_mem>>, %arg15: memref<!tpu.dma_semaphore, #tpu.memory_space<semaphore_mem>>, %arg16: memref<!tpu.dma_semaphore, #tpu.memory_space<semaphore_mem>>, %arg17: memref<!tpu.dma_semaphore, #tpu.memory_space<semaphore_mem>>, %arg18: memref<!tpu.dma_semaphore, #tpu.memory_space<semaphore_mem>>, %arg19: memref<!tpu.dma_semaphore, #tpu.memory_space<semaphore_mem>>, %arg20: memref<!tpu.dma_semaphore, #tpu.memory_space<semaphore_mem>>, %arg21: memref<!tpu.dma_semaphore, #tpu.memory_space<semaphore_mem>>) attributes {dimension_semantics = [#tpu.dimension_semantics<core_parallel>, #tpu.dimension_semantics<subcore_parallel>], iteration_bounds = array<i64: 2, 16>, scalar_prefetch = 0 : i64, scratch_operands = 14 : i64, tpu.core_type = #tpu.core_type<sc_vector_subcore>, window_params = [{transform_indices = #map}, {transform_indices = #map}, {transform_indices = #map1}, {transform_indices = #map1}, {transform_indices = #map1}, {transform_indices = #map}]} {
    %mul3A = arith.constant 2 : i32
    %mul3A_0 = arith.muli %arg1, %mul3A : i32
    %add3A = arith.addi %mul3A_0, %arg0 : i32
    %mul3A_1 = arith.constant 5120 : i32
    %mul3A_2 = arith.muli %add3A, %mul3A_1 : i32
    %mul3A_3 = arith.constant 320 : i32
    %mul3A_4 = arith.muli %add3A, %mul3A_3 : i32
    "tpu.region"() ({
      %run_scoped3A = tpu.sem_alloc : memref<!tpu.dma_semaphore, #tpu.memory_space<semaphore_mem>>
      %dma_start3A_40 = tpu.memref_slice %arg4[%mul3A_2] : memref<163840xi32, #tpu.memory_space<hbm>> -> memref<5120xi32, #tpu.memory_space<hbm>>
      %dma_start3A_41 = tpu.memref_slice %arg4[%mul3A_2] : memref<163840xi32, #tpu.memory_space<hbm>> -> memref<5120xi32, #tpu.memory_space<hbm>>
      tpu.enqueue_dma source(%dma_start3A_41 : memref<5120xi32, #tpu.memory_space<hbm>>) target(%arg8 : memref<5120xi32, #tpu.memory_space<vmem>>) target_semaphore(%run_scoped3A : memref<!tpu.dma_semaphore, #tpu.memory_space<semaphore_mem>>)
      %dma_wait3A = tpu.memref_slice %arg4[%mul3A_2] : memref<163840xi32, #tpu.memory_space<hbm>> -> memref<5120xi32, #tpu.memory_space<hbm>>
      %dma_wait3A_42 = tpu.memref_slice %arg4[%mul3A_2] : memref<163840xi32, #tpu.memory_space<hbm>> -> memref<5120xi32, #tpu.memory_space<hbm>>
      tpu.wait_dma2 semaphore(%run_scoped3A : memref<!tpu.dma_semaphore, #tpu.memory_space<semaphore_mem>>) src(%dma_wait3A_42 : memref<5120xi32, #tpu.memory_space<hbm>>) dst(%arg8 : memref<5120xi32, #tpu.memory_space<vmem>>)
      tpu.yield
    }) : () -> ()
    "tpu.region"() ({
      %run_scoped3A = tpu.sem_alloc : memref<!tpu.dma_semaphore, #tpu.memory_space<semaphore_mem>>
      %dma_start3A_40 = tpu.memref_slice %arg5[%mul3A_2] : memref<163840xi32, #tpu.memory_space<hbm>> -> memref<5120xi32, #tpu.memory_space<hbm>>
      %dma_start3A_41 = tpu.memref_slice %arg5[%mul3A_2] : memref<163840xi32, #tpu.memory_space<hbm>> -> memref<5120xi32, #tpu.memory_space<hbm>>
      tpu.enqueue_dma source(%dma_start3A_41 : memref<5120xi32, #tpu.memory_space<hbm>>) target(%arg9 : memref<5120xi32, #tpu.memory_space<vmem>>) target_semaphore(%run_scoped3A : memref<!tpu.dma_semaphore, #tpu.memory_space<semaphore_mem>>)
      %dma_wait3A = tpu.memref_slice %arg5[%mul3A_2] : memref<163840xi32, #tpu.memory_space<hbm>> -> memref<5120xi32, #tpu.memory_space<hbm>>
      %dma_wait3A_42 = tpu.memref_slice %arg5[%mul3A_2] : memref<163840xi32, #tpu.memory_space<hbm>> -> memref<5120xi32, #tpu.memory_space<hbm>>
      tpu.wait_dma2 semaphore(%run_scoped3A : memref<!tpu.dma_semaphore, #tpu.memory_space<semaphore_mem>>) src(%dma_wait3A_42 : memref<5120xi32, #tpu.memory_space<hbm>>) dst(%arg9 : memref<5120xi32, #tpu.memory_space<vmem>>)
      tpu.yield
    }) : () -> ()
    "tpu.region"() ({
      %run_scoped3A = tpu.sem_alloc : memref<!tpu.dma_semaphore, #tpu.memory_space<semaphore_mem>>
      %dma_start3A_40 = tpu.memref_slice %arg6[%mul3A_2] : memref<163840xf32, #tpu.memory_space<hbm>> -> memref<5120xf32, #tpu.memory_space<hbm>>
      %dma_start3A_41 = tpu.memref_slice %arg6[%mul3A_2] : memref<163840xf32, #tpu.memory_space<hbm>> -> memref<5120xf32, #tpu.memory_space<hbm>>
      tpu.enqueue_dma source(%dma_start3A_41 : memref<5120xf32, #tpu.memory_space<hbm>>) target(%arg10 : memref<5120xf32, #tpu.memory_space<vmem>>) target_semaphore(%run_scoped3A : memref<!tpu.dma_semaphore, #tpu.memory_space<semaphore_mem>>)
      %dma_wait3A = tpu.memref_slice %arg6[%mul3A_2] : memref<163840xf32, #tpu.memory_space<hbm>> -> memref<5120xf32, #tpu.memory_space<hbm>>
      %dma_wait3A_42 = tpu.memref_slice %arg6[%mul3A_2] : memref<163840xf32, #tpu.memory_space<hbm>> -> memref<5120xf32, #tpu.memory_space<hbm>>
      tpu.wait_dma2 semaphore(%run_scoped3A : memref<!tpu.dma_semaphore, #tpu.memory_space<semaphore_mem>>) src(%dma_wait3A_42 : memref<5120xf32, #tpu.memory_space<hbm>>) dst(%arg10 : memref<5120xf32, #tpu.memory_space<vmem>>)
      tpu.yield
    }) : () -> ()
    %dma_start3A = arith.constant 0 : i32
    %dma_start3A_5 = arith.constant 0 : i32
    %dma_start3A_6 = tpu.memref_slice %arg11[%dma_start3A, %dma_start3A_5] : memref<256x128xf32, #tpu.memory_space<vmem>> -> memref<64x128xf32, #tpu.memory_space<vmem>>
    %dma_start3A_7 = arith.constant 0 : i32
    %dma_start3A_8 = tpu.memref_slice %arg8[%dma_start3A_7] : memref<5120xi32, #tpu.memory_space<vmem>> -> memref<64xi32, #tpu.memory_space<vmem>>
    %dma_start3A_9 = arith.constant 0 : i32
    %dma_start3A_10 = arith.constant 0 : i32
    %dma_start3A_11 = tpu.memref_slice %arg2[%dma_start3A_9, %dma_start3A_10] : memref<10240x128xf32, #tpu.memory_space<hbm>> -> memref<10240x128xf32, #tpu.memory_space<hbm>>
    tpu.enqueue_indirect_dma source(%dma_start3A_11 : memref<10240x128xf32, #tpu.memory_space<hbm>>) target(%dma_start3A_6 : memref<64x128xf32, #tpu.memory_space<vmem>>) offsets(%dma_start3A_8 : memref<64xi32, #tpu.memory_space<vmem>>) semaphore(%arg14 : memref<!tpu.dma_semaphore, #tpu.memory_space<semaphore_mem>>)
    %dma_start3A_12 = arith.constant 0 : i32
    %dma_start3A_13 = arith.constant 0 : i32
    %dma_start3A_14 = tpu.memref_slice %arg12[%dma_start3A_12, %dma_start3A_13] : memref<256x128xf32, #tpu.memory_space<vmem>> -> memref<64x128xf32, #tpu.memory_space<vmem>>
    %dma_start3A_15 = arith.constant 0 : i32
    %dma_start3A_16 = tpu.memref_slice %arg9[%dma_start3A_15] : memref<5120xi32, #tpu.memory_space<vmem>> -> memref<64xi32, #tpu.memory_space<vmem>>
    %dma_start3A_17 = arith.constant 0 : i32
    %dma_start3A_18 = arith.constant 0 : i32
    %dma_start3A_19 = tpu.memref_slice %arg3[%dma_start3A_17, %dma_start3A_18] : memref<10240x128xf32, #tpu.memory_space<hbm>> -> memref<10240x128xf32, #tpu.memory_space<hbm>>
    tpu.enqueue_indirect_dma source(%dma_start3A_19 : memref<10240x128xf32, #tpu.memory_space<hbm>>) target(%dma_start3A_14 : memref<64x128xf32, #tpu.memory_space<vmem>>) offsets(%dma_start3A_16 : memref<64xi32, #tpu.memory_space<vmem>>) semaphore(%arg16 : memref<!tpu.dma_semaphore, #tpu.memory_space<semaphore_mem>>)
    %dma_start3A_20 = arith.constant 64 : i32
    %dma_start3A_21 = arith.constant 0 : i32
    %dma_start3A_22 = tpu.memref_slice %arg11[%dma_start3A_20, %dma_start3A_21] : memref<256x128xf32, #tpu.memory_space<vmem>> -> memref<64x128xf32, #tpu.memory_space<vmem>>
    %dma_start3A_23 = arith.constant 64 : i32
    %dma_start3A_24 = tpu.memref_slice %arg8[%dma_start3A_23] : memref<5120xi32, #tpu.memory_space<vmem>> -> memref<64xi32, #tpu.memory_space<vmem>>
    %dma_start3A_25 = arith.constant 0 : i32
    %dma_start3A_26 = arith.constant 0 : i32
    %dma_start3A_27 = tpu.memref_slice %arg2[%dma_start3A_25, %dma_start3A_26] : memref<10240x128xf32, #tpu.memory_space<hbm>> -> memref<10240x128xf32, #tpu.memory_space<hbm>>
    tpu.enqueue_indirect_dma source(%dma_start3A_27 : memref<10240x128xf32, #tpu.memory_space<hbm>>) target(%dma_start3A_22 : memref<64x128xf32, #tpu.memory_space<vmem>>) offsets(%dma_start3A_24 : memref<64xi32, #tpu.memory_space<vmem>>) semaphore(%arg15 : memref<!tpu.dma_semaphore, #tpu.memory_space<semaphore_mem>>)
    %dma_start3A_28 = arith.constant 64 : i32
    %dma_start3A_29 = arith.constant 0 : i32
    %dma_start3A_30 = tpu.memref_slice %arg12[%dma_start3A_28, %dma_start3A_29] : memref<256x128xf32, #tpu.memory_space<vmem>> -> memref<64x128xf32, #tpu.memory_space<vmem>>
    %dma_start3A_31 = arith.constant 64 : i32
    %dma_start3A_32 = tpu.memref_slice %arg9[%dma_start3A_31] : memref<5120xi32, #tpu.memory_space<vmem>> -> memref<64xi32, #tpu.memory_space<vmem>>
    %dma_start3A_33 = arith.constant 0 : i32
    %dma_start3A_34 = arith.constant 0 : i32
    %dma_start3A_35 = tpu.memref_slice %arg3[%dma_start3A_33, %dma_start3A_34] : memref<10240x128xf32, #tpu.memory_space<hbm>> -> memref<10240x128xf32, #tpu.memory_space<hbm>>
    tpu.enqueue_indirect_dma source(%dma_start3A_35 : memref<10240x128xf32, #tpu.memory_space<hbm>>) target(%dma_start3A_30 : memref<64x128xf32, #tpu.memory_space<vmem>>) offsets(%dma_start3A_32 : memref<64xi32, #tpu.memory_space<vmem>>) semaphore(%arg17 : memref<!tpu.dma_semaphore, #tpu.memory_space<semaphore_mem>>)
    %scan3A = arith.constant 0 : i32
    %scan3A_36 = arith.constant 20 : i32
    %scan3A_37 = arith.addi %scan3A, %scan3A_36 : i32
    %scan3A_38 = arith.constant 1 : i32
    scf.for %scan3A_40 = %scan3A to %scan3A_37 step %scan3A_38  : i32 {
      %mul3A_41 = arith.constant 2 : i32
      %mul3A_42 = arith.muli %scan3A_40, %mul3A_41 : i32
      %add3A_43 = arith.constant 0 : i32
      %add3A_44 = arith.addi %add3A_43, %mul3A_42 : i32
      %add3A_45 = arith.constant 0 : i32
      %add3A_46 = arith.addi %add3A_44, %add3A_45 : i32
      %add3A_47 = arith.constant 1 : i32
      %add3A_48 = arith.addi %add3A_46, %add3A_47 : i32
      %lt3A = arith.constant 40 : i32
      %lt3A_49 = arith.cmpi slt, %add3A_48, %lt3A : i32
      %convert_element_type3A = arith.extui %lt3A_49 : i1 to i32
      %cond3A = arith.constant 0 : i32
      %cond3A_50 = arith.cmpi ne, %convert_element_type3A, %cond3A : i32
      scf.if %cond3A_50 {
        %add3A_159 = arith.constant 1 : i32
        %add3A_160 = arith.addi %add3A_46, %add3A_159 : i32
        %mul3A_161 = arith.constant 128 : i32
        %mul3A_162 = arith.muli %add3A_160, %mul3A_161 : i32
        %add3A_163 = arith.constant 0 : i32
        %add3A_164 = arith.addi %mul3A_162, %add3A_163 : i32
        %mul3A_165 = arith.constant 128 : i32
        %mul3A_166 = arith.muli %add3A_160, %mul3A_165 : i32
        %add3A_167 = arith.constant 0 : i32
        %add3A_168 = arith.addi %mul3A_166, %add3A_167 : i32
        %mul3A_169 = arith.constant 128 : i32
        %mul3A_170 = arith.muli %add3A_160, %mul3A_169 : i32
        %add3A_171 = arith.constant 64 : i32
        %add3A_172 = arith.addi %mul3A_170, %add3A_171 : i32
        %mul3A_173 = arith.constant 128 : i32
        %mul3A_174 = arith.muli %add3A_160, %mul3A_173 : i32
        %add3A_175 = arith.constant 64 : i32
        %add3A_176 = arith.addi %mul3A_174, %add3A_175 : i32
        %dma_start3A_177 = arith.constant 128 : i32
        %dma_start3A_178 = arith.constant 0 : i32
        %dma_start3A_179 = tpu.memref_slice %arg11[%dma_start3A_177, %dma_start3A_178] : memref<256x128xf32, #tpu.memory_space<vmem>> -> memref<64x128xf32, #tpu.memory_space<vmem>>
        %dma_start3A_180 = tpu.memref_slice %arg8[%add3A_164] : memref<5120xi32, #tpu.memory_space<vmem>> -> memref<64xi32, #tpu.memory_space<vmem>>
        %dma_start3A_181 = arith.constant 0 : i32
        %dma_start3A_182 = arith.constant 0 : i32
        %dma_start3A_183 = tpu.memref_slice %arg2[%dma_start3A_181, %dma_start3A_182] : memref<10240x128xf32, #tpu.memory_space<hbm>> -> memref<10240x128xf32, #tpu.memory_space<hbm>>
        tpu.enqueue_indirect_dma source(%dma_start3A_183 : memref<10240x128xf32, #tpu.memory_space<hbm>>) target(%dma_start3A_179 : memref<64x128xf32, #tpu.memory_space<vmem>>) offsets(%dma_start3A_180 : memref<64xi32, #tpu.memory_space<vmem>>) semaphore(%arg18 : memref<!tpu.dma_semaphore, #tpu.memory_space<semaphore_mem>>)
        %dma_start3A_184 = arith.constant 128 : i32
        %dma_start3A_185 = arith.constant 0 : i32
        %dma_start3A_186 = tpu.memref_slice %arg12[%dma_start3A_184, %dma_start3A_185] : memref<256x128xf32, #tpu.memory_space<vmem>> -> memref<64x128xf32, #tpu.memory_space<vmem>>
        %dma_start3A_187 = tpu.memref_slice %arg9[%add3A_168] : memref<5120xi32, #tpu.memory_space<vmem>> -> memref<64xi32, #tpu.memory_space<vmem>>
        %dma_start3A_188 = arith.constant 0 : i32
        %dma_start3A_189 = arith.constant 0 : i32
        %dma_start3A_190 = tpu.memref_slice %arg3[%dma_start3A_188, %dma_start3A_189] : memref<10240x128xf32, #tpu.memory_space<hbm>> -> memref<10240x128xf32, #tpu.memory_space<hbm>>
        tpu.enqueue_indirect_dma source(%dma_start3A_190 : memref<10240x128xf32, #tpu.memory_space<hbm>>) target(%dma_start3A_186 : memref<64x128xf32, #tpu.memory_space<vmem>>) offsets(%dma_start3A_187 : memref<64xi32, #tpu.memory_space<vmem>>) semaphore(%arg20 : memref<!tpu.dma_semaphore, #tpu.memory_space<semaphore_mem>>)
        %dma_start3A_191 = arith.constant 192 : i32
        %dma_start3A_192 = arith.constant 0 : i32
        %dma_start3A_193 = tpu.memref_slice %arg11[%dma_start3A_191, %dma_start3A_192] : memref<256x128xf32, #tpu.memory_space<vmem>> -> memref<64x128xf32, #tpu.memory_space<vmem>>
        %dma_start3A_194 = tpu.memref_slice %arg8[%add3A_172] : memref<5120xi32, #tpu.memory_space<vmem>> -> memref<64xi32, #tpu.memory_space<vmem>>
        %dma_start3A_195 = arith.constant 0 : i32
        %dma_start3A_196 = arith.constant 0 : i32
        %dma_start3A_197 = tpu.memref_slice %arg2[%dma_start3A_195, %dma_start3A_196] : memref<10240x128xf32, #tpu.memory_space<hbm>> -> memref<10240x128xf32, #tpu.memory_space<hbm>>
        tpu.enqueue_indirect_dma source(%dma_start3A_197 : memref<10240x128xf32, #tpu.memory_space<hbm>>) target(%dma_start3A_193 : memref<64x128xf32, #tpu.memory_space<vmem>>) offsets(%dma_start3A_194 : memref<64xi32, #tpu.memory_space<vmem>>) semaphore(%arg19 : memref<!tpu.dma_semaphore, #tpu.memory_space<semaphore_mem>>)
        %dma_start3A_198 = arith.constant 192 : i32
        %dma_start3A_199 = arith.constant 0 : i32
        %dma_start3A_200 = tpu.memref_slice %arg12[%dma_start3A_198, %dma_start3A_199] : memref<256x128xf32, #tpu.memory_space<vmem>> -> memref<64x128xf32, #tpu.memory_space<vmem>>
        %dma_start3A_201 = tpu.memref_slice %arg9[%add3A_176] : memref<5120xi32, #tpu.memory_space<vmem>> -> memref<64xi32, #tpu.memory_space<vmem>>
        %dma_start3A_202 = arith.constant 0 : i32
        %dma_start3A_203 = arith.constant 0 : i32
        %dma_start3A_204 = tpu.memref_slice %arg3[%dma_start3A_202, %dma_start3A_203] : memref<10240x128xf32, #tpu.memory_space<hbm>> -> memref<10240x128xf32, #tpu.memory_space<hbm>>
        tpu.enqueue_indirect_dma source(%dma_start3A_204 : memref<10240x128xf32, #tpu.memory_space<hbm>>) target(%dma_start3A_200 : memref<64x128xf32, #tpu.memory_space<vmem>>) offsets(%dma_start3A_201 : memref<64xi32, #tpu.memory_space<vmem>>) semaphore(%arg21 : memref<!tpu.dma_semaphore, #tpu.memory_space<semaphore_mem>>)
      } else {
      }
      %mul3A_51 = arith.constant 128 : i32
      %mul3A_52 = arith.muli %add3A_46, %mul3A_51 : i32
      %add3A_53 = arith.constant 0 : i32
      %add3A_54 = arith.addi %mul3A_52, %add3A_53 : i32
      %mul3A_55 = arith.constant 128 : i32
      %mul3A_56 = arith.muli %add3A_46, %mul3A_55 : i32
      %add3A_57 = arith.constant 0 : i32
      %add3A_58 = arith.addi %mul3A_56, %add3A_57 : i32
      %mul3A_59 = arith.constant 128 : i32
      %mul3A_60 = arith.muli %add3A_46, %mul3A_59 : i32
      %add3A_61 = arith.constant 64 : i32
      %add3A_62 = arith.addi %mul3A_60, %add3A_61 : i32
      %mul3A_63 = arith.constant 128 : i32
      %mul3A_64 = arith.muli %add3A_46, %mul3A_63 : i32
      %add3A_65 = arith.constant 64 : i32
      %add3A_66 = arith.addi %mul3A_64, %add3A_65 : i32
      %dma_wait3A = arith.constant 0 : i32
      %dma_wait3A_67 = arith.constant 0 : i32
      %dma_wait3A_68 = tpu.memref_slice %arg11[%dma_wait3A, %dma_wait3A_67] : memref<256x128xf32, #tpu.memory_space<vmem>> -> memref<64x128xf32, #tpu.memory_space<vmem>>
      %dma_wait3A_69 = tpu.memref_slice %arg8[%add3A_54] : memref<5120xi32, #tpu.memory_space<vmem>> -> memref<64xi32, #tpu.memory_space<vmem>>
      %dma_wait3A_70 = arith.constant 0 : i32
      %dma_wait3A_71 = arith.constant 0 : i32
      %dma_wait3A_72 = tpu.memref_slice %arg2[%dma_wait3A_70, %dma_wait3A_71] : memref<10240x128xf32, #tpu.memory_space<hbm>> -> memref<10240x128xf32, #tpu.memory_space<hbm>>
      tpu.wait_indirect_dma semaphore(%arg14 : memref<!tpu.dma_semaphore, #tpu.memory_space<semaphore_mem>>) src(%dma_wait3A_72 : memref<10240x128xf32, #tpu.memory_space<hbm>>) dst(%dma_wait3A_68 : memref<64x128xf32, #tpu.memory_space<vmem>>)
      %dma_wait3A_73 = arith.constant 0 : i32
      %dma_wait3A_74 = arith.constant 0 : i32
      %dma_wait3A_75 = tpu.memref_slice %arg12[%dma_wait3A_73, %dma_wait3A_74] : memref<256x128xf32, #tpu.memory_space<vmem>> -> memref<64x128xf32, #tpu.memory_space<vmem>>
      %dma_wait3A_76 = tpu.memref_slice %arg9[%add3A_58] : memref<5120xi32, #tpu.memory_space<vmem>> -> memref<64xi32, #tpu.memory_space<vmem>>
      %dma_wait3A_77 = arith.constant 0 : i32
      %dma_wait3A_78 = arith.constant 0 : i32
      %dma_wait3A_79 = tpu.memref_slice %arg3[%dma_wait3A_77, %dma_wait3A_78] : memref<10240x128xf32, #tpu.memory_space<hbm>> -> memref<10240x128xf32, #tpu.memory_space<hbm>>
      tpu.wait_indirect_dma semaphore(%arg16 : memref<!tpu.dma_semaphore, #tpu.memory_space<semaphore_mem>>) src(%dma_wait3A_79 : memref<10240x128xf32, #tpu.memory_space<hbm>>) dst(%dma_wait3A_75 : memref<64x128xf32, #tpu.memory_space<vmem>>)
      %dma_wait3A_80 = arith.constant 64 : i32
      %dma_wait3A_81 = arith.constant 0 : i32
      %dma_wait3A_82 = tpu.memref_slice %arg11[%dma_wait3A_80, %dma_wait3A_81] : memref<256x128xf32, #tpu.memory_space<vmem>> -> memref<64x128xf32, #tpu.memory_space<vmem>>
      %dma_wait3A_83 = tpu.memref_slice %arg8[%add3A_62] : memref<5120xi32, #tpu.memory_space<vmem>> -> memref<64xi32, #tpu.memory_space<vmem>>
      %dma_wait3A_84 = arith.constant 0 : i32
      %dma_wait3A_85 = arith.constant 0 : i32
      %dma_wait3A_86 = tpu.memref_slice %arg2[%dma_wait3A_84, %dma_wait3A_85] : memref<10240x128xf32, #tpu.memory_space<hbm>> -> memref<10240x128xf32, #tpu.memory_space<hbm>>
      tpu.wait_indirect_dma semaphore(%arg15 : memref<!tpu.dma_semaphore, #tpu.memory_space<semaphore_mem>>) src(%dma_wait3A_86 : memref<10240x128xf32, #tpu.memory_space<hbm>>) dst(%dma_wait3A_82 : memref<64x128xf32, #tpu.memory_space<vmem>>)
      %dma_wait3A_87 = arith.constant 64 : i32
      %dma_wait3A_88 = arith.constant 0 : i32
      %dma_wait3A_89 = tpu.memref_slice %arg12[%dma_wait3A_87, %dma_wait3A_88] : memref<256x128xf32, #tpu.memory_space<vmem>> -> memref<64x128xf32, #tpu.memory_space<vmem>>
      %dma_wait3A_90 = tpu.memref_slice %arg9[%add3A_66] : memref<5120xi32, #tpu.memory_space<vmem>> -> memref<64xi32, #tpu.memory_space<vmem>>
      %dma_wait3A_91 = arith.constant 0 : i32
      %dma_wait3A_92 = arith.constant 0 : i32
      %dma_wait3A_93 = tpu.memref_slice %arg3[%dma_wait3A_91, %dma_wait3A_92] : memref<10240x128xf32, #tpu.memory_space<hbm>> -> memref<10240x128xf32, #tpu.memory_space<hbm>>
      tpu.wait_indirect_dma semaphore(%arg17 : memref<!tpu.dma_semaphore, #tpu.memory_space<semaphore_mem>>) src(%dma_wait3A_93 : memref<10240x128xf32, #tpu.memory_space<hbm>>) dst(%dma_wait3A_89 : memref<64x128xf32, #tpu.memory_space<vmem>>)
      %scan3A_94 = arith.constant 0 : i32
      %scan3A_95 = arith.constant 0 : i32
      %scan3A_96 = arith.constant 8 : i32
      %scan3A_97 = arith.addi %scan3A_95, %scan3A_96 : i32
      %scan3A_98 = arith.constant 1 : i32
      scf.for %scan3A_159 = %scan3A_95 to %scan3A_97 step %scan3A_98  : i32 {
        %broadcast_in_dim3A = arith.constant 0.000000e+00 : f32
        %broadcast_in_dim3A_160 = vector.broadcast %broadcast_in_dim3A : f32 to vector<16xf32>
        %broadcast_in_dim3A_161 = arith.constant 0.000000e+00 : f32
        %broadcast_in_dim3A_162 = vector.broadcast %broadcast_in_dim3A_161 : f32 to vector<16xf32>
        %broadcast_in_dim3A_163 = arith.constant 0.000000e+00 : f32
        %broadcast_in_dim3A_164 = vector.broadcast %broadcast_in_dim3A_163 : f32 to vector<16xf32>
        %broadcast_in_dim3A_165 = arith.constant 0.000000e+00 : f32
        %broadcast_in_dim3A_166 = vector.broadcast %broadcast_in_dim3A_165 : f32 to vector<16xf32>
        %broadcast_in_dim3A_167 = arith.constant 0.000000e+00 : f32
        %broadcast_in_dim3A_168 = vector.broadcast %broadcast_in_dim3A_167 : f32 to vector<16xf32>
        %broadcast_in_dim3A_169 = arith.constant 0.000000e+00 : f32
        %broadcast_in_dim3A_170 = vector.broadcast %broadcast_in_dim3A_169 : f32 to vector<16xf32>
        %broadcast_in_dim3A_171 = arith.constant 0.000000e+00 : f32
        %broadcast_in_dim3A_172 = vector.broadcast %broadcast_in_dim3A_171 : f32 to vector<16xf32>
        %broadcast_in_dim3A_173 = arith.constant 0.000000e+00 : f32
        %broadcast_in_dim3A_174 = vector.broadcast %broadcast_in_dim3A_173 : f32 to vector<16xf32>
        %mul3A_175 = arith.constant 128 : i32
        %mul3A_176 = arith.muli %add3A_46, %mul3A_175 : i32
        %mul3A_177 = arith.constant 16 : i32
        %mul3A_178 = arith.muli %scan3A_159, %mul3A_177 : i32
        %add3A_179 = arith.addi %mul3A_176, %mul3A_178 : i32
        %get3A = arith.index_cast %add3A_179 : i32 to index
        %get3A_180 = tpu.vector_load %arg10[%get3A] {strides = array<i32>} : memref<5120xf32, #tpu.memory_space<vmem>>, vector<16xf32>,
        %get3A_181 = vector.shape_cast %get3A_180 : vector<16xf32> to vector<16xf32>
        %mul3A_182 = arith.constant 16 : i32
        %mul3A_183 = arith.muli %scan3A_159, %mul3A_182 : i32
        %add3A_184 = arith.constant 0 : i32
        %add3A_185 = arith.addi %add3A_184, %mul3A_183 : i32
        %add3A_186 = arith.constant 0 : i32
        %add3A_187 = arith.addi %add3A_185, %add3A_186 : i32
        %slice3A = vector.extract_strided_slice %get3A_181 {offsets = [0], sizes = [1], strides = [1]} : vector<16xf32> to vector<1xf32>
        %squeeze3A = vector.extract %slice3A[0] : f32 from vector<1xf32>
        %get3A_188 = arith.index_cast %add3A_187 : i32 to index
        %get3A_189 = arith.constant 0 : index
        %get3A_190 = tpu.vector_load %arg11[%get3A_188, %get3A_189] {strides = array<i32>} : memref<256x128xf32, #tpu.memory_space<vmem>>, vector<1x16xf32>,
        %get3A_191 = vector.shape_cast %get3A_190 : vector<1x16xf32> to vector<16xf32>
        %get3A_192 = arith.index_cast %add3A_187 : i32 to index
        %get3A_193 = arith.constant 0 : index
        %get3A_194 = tpu.vector_load %arg12[%get3A_192, %get3A_193] {strides = array<i32>} : memref<256x128xf32, #tpu.memory_space<vmem>>, vector<1x16xf32>,
        %get3A_195 = vector.shape_cast %get3A_194 : vector<1x16xf32> to vector<16xf32>
        %add3A_196 = arith.addf %get3A_191, %get3A_195 : vector<16xf32>
        %max3A = arith.constant 0.000000e+00 : f32
        %max3A_197 = vector.broadcast %max3A : f32 to vector<16xf32>
        %max3A_198 = arith.maximumf %add3A_196, %max3A_197 : vector<16xf32>
        %mul3A_199 = vector.broadcast %squeeze3A : f32 to vector<16xf32>
        %mul3A_200 = arith.mulf %max3A_198, %mul3A_199 : vector<16xf32>
        %max3A_201 = arith.maximumf %broadcast_in_dim3A_160, %mul3A_200 : vector<16xf32>
        %get3A_202 = arith.index_cast %add3A_187 : i32 to index
        %get3A_203 = arith.constant 16 : index
        %get3A_204 = tpu.vector_load %arg11[%get3A_202, %get3A_203] {strides = array<i32>} : memref<256x128xf32, #tpu.memory_space<vmem>>, vector<1x16xf32>,
        %get3A_205 = vector.shape_cast %get3A_204 : vector<1x16xf32> to vector<16xf32>
        %get3A_206 = arith.index_cast %add3A_187 : i32 to index
        %get3A_207 = arith.constant 16 : index
        %get3A_208 = tpu.vector_load %arg12[%get3A_206, %get3A_207] {strides = array<i32>} : memref<256x128xf32, #tpu.memory_space<vmem>>, vector<1x16xf32>,
        %get3A_209 = vector.shape_cast %get3A_208 : vector<1x16xf32> to vector<16xf32>
        %add3A_210 = arith.addf %get3A_205, %get3A_209 : vector<16xf32>
        %max3A_211 = arith.constant 0.000000e+00 : f32
        %max3A_212 = vector.broadcast %max3A_211 : f32 to vector<16xf32>
        %max3A_213 = arith.maximumf %add3A_210, %max3A_212 : vector<16xf32>
        %mul3A_214 = vector.broadcast %squeeze3A : f32 to vector<16xf32>
        %mul3A_215 = arith.mulf %max3A_213, %mul3A_214 : vector<16xf32>
        %max3A_216 = arith.maximumf %broadcast_in_dim3A_162, %mul3A_215 : vector<16xf32>
        %get3A_217 = arith.index_cast %add3A_187 : i32 to index
        %get3A_218 = arith.constant 32 : index
        %get3A_219 = tpu.vector_load %arg11[%get3A_217, %get3A_218] {strides = array<i32>} : memref<256x128xf32, #tpu.memory_space<vmem>>, vector<1x16xf32>,
        %get3A_220 = vector.shape_cast %get3A_219 : vector<1x16xf32> to vector<16xf32>
        %get3A_221 = arith.index_cast %add3A_187 : i32 to index
        %get3A_222 = arith.constant 32 : index
        %get3A_223 = tpu.vector_load %arg12[%get3A_221, %get3A_222] {strides = array<i32>} : memref<256x128xf32, #tpu.memory_space<vmem>>, vector<1x16xf32>,
        %get3A_224 = vector.shape_cast %get3A_223 : vector<1x16xf32> to vector<16xf32>
        %add3A_225 = arith.addf %get3A_220, %get3A_224 : vector<16xf32>
        %max3A_226 = arith.constant 0.000000e+00 : f32
        %max3A_227 = vector.broadcast %max3A_226 : f32 to vector<16xf32>
        %max3A_228 = arith.maximumf %add3A_225, %max3A_227 : vector<16xf32>
        %mul3A_229 = vector.broadcast %squeeze3A : f32 to vector<16xf32>
        %mul3A_230 = arith.mulf %max3A_228, %mul3A_229 : vector<16xf32>
        %max3A_231 = arith.maximumf %broadcast_in_dim3A_164, %mul3A_230 : vector<16xf32>
        %get3A_232 = arith.index_cast %add3A_187 : i32 to index
        %get3A_233 = arith.constant 48 : index
        %get3A_234 = tpu.vector_load %arg11[%get3A_232, %get3A_233] {strides = array<i32>} : memref<256x128xf32, #tpu.memory_space<vmem>>, vector<1x16xf32>,
        %get3A_235 = vector.shape_cast %get3A_234 : vector<1x16xf32> to vector<16xf32>
        %get3A_236 = arith.index_cast %add3A_187 : i32 to index
        %get3A_237 = arith.constant 48 : index
        %get3A_238 = tpu.vector_load %arg12[%get3A_236, %get3A_237] {strides = array<i32>} : memref<256x128xf32, #tpu.memory_space<vmem>>, vector<1x16xf32>,
        %get3A_239 = vector.shape_cast %get3A_238 : vector<1x16xf32> to vector<16xf32>
        %add3A_240 = arith.addf %get3A_235, %get3A_239 : vector<16xf32>
        %max3A_241 = arith.constant 0.000000e+00 : f32
        %max3A_242 = vector.broadcast %max3A_241 : f32 to vector<16xf32>
        %max3A_243 = arith.maximumf %add3A_240, %max3A_242 : vector<16xf32>
        %mul3A_244 = vector.broadcast %squeeze3A : f32 to vector<16xf32>
        %mul3A_245 = arith.mulf %max3A_243, %mul3A_244 : vector<16xf32>
        %max3A_246 = arith.maximumf %broadcast_in_dim3A_166, %mul3A_245 : vector<16xf32>
        %get3A_247 = arith.index_cast %add3A_187 : i32 to index
        %get3A_248 = arith.constant 64 : index
        %get3A_249 = tpu.vector_load %arg11[%get3A_247, %get3A_248] {strides = array<i32>} : memref<256x128xf32, #tpu.memory_space<vmem>>, vector<1x16xf32>,
        %get3A_250 = vector.shape_cast %get3A_249 : vector<1x16xf32> to vector<16xf32>
        %get3A_251 = arith.index_cast %add3A_187 : i32 to index
        %get3A_252 = arith.constant 64 : index
        %get3A_253 = tpu.vector_load %arg12[%get3A_251, %get3A_252] {strides = array<i32>} : memref<256x128xf32, #tpu.memory_space<vmem>>, vector<1x16xf32>,
        %get3A_254 = vector.shape_cast %get3A_253 : vector<1x16xf32> to vector<16xf32>
        %add3A_255 = arith.addf %get3A_250, %get3A_254 : vector<16xf32>
        %max3A_256 = arith.constant 0.000000e+00 : f32
        %max3A_257 = vector.broadcast %max3A_256 : f32 to vector<16xf32>
        %max3A_258 = arith.maximumf %add3A_255, %max3A_257 : vector<16xf32>
        %mul3A_259 = vector.broadcast %squeeze3A : f32 to vector<16xf32>
        %mul3A_260 = arith.mulf %max3A_258, %mul3A_259 : vector<16xf32>
        %max3A_261 = arith.maximumf %broadcast_in_dim3A_168, %mul3A_260 : vector<16xf32>
        %get3A_262 = arith.index_cast %add3A_187 : i32 to index
        %get3A_263 = arith.constant 80 : index
        %get3A_264 = tpu.vector_load %arg11[%get3A_262, %get3A_263] {strides = array<i32>} : memref<256x128xf32, #tpu.memory_space<vmem>>, vector<1x16xf32>,
        %get3A_265 = vector.shape_cast %get3A_264 : vector<1x16xf32> to vector<16xf32>
        %get3A_266 = arith.index_cast %add3A_187 : i32 to index
        %get3A_267 = arith.constant 80 : index
        %get3A_268 = tpu.vector_load %arg12[%get3A_266, %get3A_267] {strides = array<i32>} : memref<256x128xf32, #tpu.memory_space<vmem>>, vector<1x16xf32>,
        %get3A_269 = vector.shape_cast %get3A_268 : vector<1x16xf32> to vector<16xf32>
        %add3A_270 = arith.addf %get3A_265, %get3A_269 : vector<16xf32>
        %max3A_271 = arith.constant 0.000000e+00 : f32
        %max3A_272 = vector.broadcast %max3A_271 : f32 to vector<16xf32>
        %max3A_273 = arith.maximumf %add3A_270, %max3A_272 : vector<16xf32>
        %mul3A_274 = vector.broadcast %squeeze3A : f32 to vector<16xf32>
        %mul3A_275 = arith.mulf %max3A_273, %mul3A_274 : vector<16xf32>
        %max3A_276 = arith.maximumf %broadcast_in_dim3A_170, %mul3A_275 : vector<16xf32>
        %get3A_277 = arith.index_cast %add3A_187 : i32 to index
        %get3A_278 = arith.constant 96 : index
        %get3A_279 = tpu.vector_load %arg11[%get3A_277, %get3A_278] {strides = array<i32>} : memref<256x128xf32, #tpu.memory_space<vmem>>, vector<1x16xf32>,
        %get3A_280 = vector.shape_cast %get3A_279 : vector<1x16xf32> to vector<16xf32>
        %get3A_281 = arith.index_cast %add3A_187 : i32 to index
        %get3A_282 = arith.constant 96 : index
        %get3A_283 = tpu.vector_load %arg12[%get3A_281, %get3A_282] {strides = array<i32>} : memref<256x128xf32, #tpu.memory_space<vmem>>, vector<1x16xf32>,
        %get3A_284 = vector.shape_cast %get3A_283 : vector<1x16xf32> to vector<16xf32>
        %add3A_285 = arith.addf %get3A_280, %get3A_284 : vector<16xf32>
        %max3A_286 = arith.constant 0.000000e+00 : f32
        %max3A_287 = vector.broadcast %max3A_286 : f32 to vector<16xf32>
        %max3A_288 = arith.maximumf %add3A_285, %max3A_287 : vector<16xf32>
        %mul3A_289 = vector.broadcast %squeeze3A : f32 to vector<16xf32>
        %mul3A_290 = arith.mulf %max3A_288, %mul3A_289 : vector<16xf32>
        %max3A_291 = arith.maximumf %broadcast_in_dim3A_172, %mul3A_290 : vector<16xf32>
        %get3A_292 = arith.index_cast %add3A_187 : i32 to index
        %get3A_293 = arith.constant 112 : index
        %get3A_294 = tpu.vector_load %arg11[%get3A_292, %get3A_293] {strides = array<i32>} : memref<256x128xf32, #tpu.memory_space<vmem>>, vector<1x16xf32>,
        %get3A_295 = vector.shape_cast %get3A_294 : vector<1x16xf32> to vector<16xf32>
        %get3A_296 = arith.index_cast %add3A_187 : i32 to index
        %get3A_297 = arith.constant 112 : index
        %get3A_298 = tpu.vector_load %arg12[%get3A_296, %get3A_297] {strides = array<i32>} : memref<256x128xf32, #tpu.memory_space<vmem>>, vector<1x16xf32>,
        %get3A_299 = vector.shape_cast %get3A_298 : vector<1x16xf32> to vector<16xf32>
        %add3A_300 = arith.addf %get3A_295, %get3A_299 : vector<16xf32>
        %max3A_301 = arith.constant 0.000000e+00 : f32
        %max3A_302 = vector.broadcast %max3A_301 : f32 to vector<16xf32>
        %max3A_303 = arith.maximumf %add3A_300, %max3A_302 : vector<16xf32>
        %mul3A_304 = vector.broadcast %squeeze3A : f32 to vector<16xf32>
        %mul3A_305 = arith.mulf %max3A_303, %mul3A_304 : vector<16xf32>
        %max3A_306 = arith.maximumf %broadcast_in_dim3A_174, %mul3A_305 : vector<16xf32>
        %mul3A_307 = arith.constant 16 : i32
        %mul3A_308 = arith.muli %scan3A_159, %mul3A_307 : i32
        %add3A_309 = arith.constant 0 : i32
        %add3A_310 = arith.addi %add3A_309, %mul3A_308 : i32
        %add3A_311 = arith.constant 1 : i32
        %add3A_312 = arith.addi %add3A_310, %add3A_311 : i32
        %slice3A_313 = vector.extract_strided_slice %get3A_181 {offsets = [1], sizes = [1], strides = [1]} : vector<16xf32> to vector<1xf32>
        %squeeze3A_314 = vector.extract %slice3A_313[0] : f32 from vector<1xf32>
        %get3A_315 = arith.index_cast %add3A_312 : i32 to index
        %get3A_316 = arith.constant 0 : index
        %get3A_317 = tpu.vector_load %arg11[%get3A_315, %get3A_316] {strides = array<i32>} : memref<256x128xf32, #tpu.memory_space<vmem>>, vector<1x16xf32>,
        %get3A_318 = vector.shape_cast %get3A_317 : vector<1x16xf32> to vector<16xf32>
        %get3A_319 = arith.index_cast %add3A_312 : i32 to index
        %get3A_320 = arith.constant 0 : index
        %get3A_321 = tpu.vector_load %arg12[%get3A_319, %get3A_320] {strides = array<i32>} : memref<256x128xf32, #tpu.memory_space<vmem>>, vector<1x16xf32>,
        %get3A_322 = vector.shape_cast %get3A_321 : vector<1x16xf32> to vector<16xf32>
        %add3A_323 = arith.addf %get3A_318, %get3A_322 : vector<16xf32>
        %max3A_324 = arith.constant 0.000000e+00 : f32
        %max3A_325 = vector.broadcast %max3A_324 : f32 to vector<16xf32>
        %max3A_326 = arith.maximumf %add3A_323, %max3A_325 : vector<16xf32>
        %mul3A_327 = vector.broadcast %squeeze3A_314 : f32 to vector<16xf32>
        %mul3A_328 = arith.mulf %max3A_326, %mul3A_327 : vector<16xf32>
        %max3A_329 = arith.maximumf %max3A_201, %mul3A_328 : vector<16xf32>
        %get3A_330 = arith.index_cast %add3A_312 : i32 to index
        %get3A_331 = arith.constant 16 : index
        %get3A_332 = tpu.vector_load %arg11[%get3A_330, %get3A_331] {strides = array<i32>} : memref<256x128xf32, #tpu.memory_space<vmem>>, vector<1x16xf32>,
        %get3A_333 = vector.shape_cast %get3A_332 : vector<1x16xf32> to vector<16xf32>
        %get3A_334 = arith.index_cast %add3A_312 : i32 to index
        %get3A_335 = arith.constant 16 : index
        %get3A_336 = tpu.vector_load %arg12[%get3A_334, %get3A_335] {strides = array<i32>} : memref<256x128xf32, #tpu.memory_space<vmem>>, vector<1x16xf32>,
        %get3A_337 = vector.shape_cast %get3A_336 : vector<1x16xf32> to vector<16xf32>
        %add3A_338 = arith.addf %get3A_333, %get3A_337 : vector<16xf32>
        %max3A_339 = arith.constant 0.000000e+00 : f32
        %max3A_340 = vector.broadcast %max3A_339 : f32 to vector<16xf32>
        %max3A_341 = arith.maximumf %add3A_338, %max3A_340 : vector<16xf32>
        %mul3A_342 = vector.broadcast %squeeze3A_314 : f32 to vector<16xf32>
        %mul3A_343 = arith.mulf %max3A_341, %mul3A_342 : vector<16xf32>
        %max3A_344 = arith.maximumf %max3A_216, %mul3A_343 : vector<16xf32>
        %get3A_345 = arith.index_cast %add3A_312 : i32 to index
        %get3A_346 = arith.constant 32 : index
        %get3A_347 = tpu.vector_load %arg11[%get3A_345, %get3A_346] {strides = array<i32>} : memref<256x128xf32, #tpu.memory_space<vmem>>, vector<1x16xf32>,
        %get3A_348 = vector.shape_cast %get3A_347 : vector<1x16xf32> to vector<16xf32>
        %get3A_349 = arith.index_cast %add3A_312 : i32 to index
        %get3A_350 = arith.constant 32 : index
        %get3A_351 = tpu.vector_load %arg12[%get3A_349, %get3A_350] {strides = array<i32>} : memref<256x128xf32, #tpu.memory_space<vmem>>, vector<1x16xf32>,
        %get3A_352 = vector.shape_cast %get3A_351 : vector<1x16xf32> to vector<16xf32>
        %add3A_353 = arith.addf %get3A_348, %get3A_352 : vector<16xf32>
        %max3A_354 = arith.constant 0.000000e+00 : f32
        %max3A_355 = vector.broadcast %max3A_354 : f32 to vector<16xf32>
        %max3A_356 = arith.maximumf %add3A_353, %max3A_355 : vector<16xf32>
        %mul3A_357 = vector.broadcast %squeeze3A_314 : f32 to vector<16xf32>
        %mul3A_358 = arith.mulf %max3A_356, %mul3A_357 : vector<16xf32>
        %max3A_359 = arith.maximumf %max3A_231, %mul3A_358 : vector<16xf32>
        %get3A_360 = arith.index_cast %add3A_312 : i32 to index
        %get3A_361 = arith.constant 48 : index
        %get3A_362 = tpu.vector_load %arg11[%get3A_360, %get3A_361] {strides = array<i32>} : memref<256x128xf32, #tpu.memory_space<vmem>>, vector<1x16xf32>,
        %get3A_363 = vector.shape_cast %get3A_362 : vector<1x16xf32> to vector<16xf32>
        %get3A_364 = arith.index_cast %add3A_312 : i32 to index
        %get3A_365 = arith.constant 48 : index
        %get3A_366 = tpu.vector_load %arg12[%get3A_364, %get3A_365] {strides = array<i32>} : memref<256x128xf32, #tpu.memory_space<vmem>>, vector<1x16xf32>,
        %get3A_367 = vector.shape_cast %get3A_366 : vector<1x16xf32> to vector<16xf32>
        %add3A_368 = arith.addf %get3A_363, %get3A_367 : vector<16xf32>
        %max3A_369 = arith.constant 0.000000e+00 : f32
        %max3A_370 = vector.broadcast %max3A_369 : f32 to vector<16xf32>
        %max3A_371 = arith.maximumf %add3A_368, %max3A_370 : vector<16xf32>
        %mul3A_372 = vector.broadcast %squeeze3A_314 : f32 to vector<16xf32>
        %mul3A_373 = arith.mulf %max3A_371, %mul3A_372 : vector<16xf32>
        %max3A_374 = arith.maximumf %max3A_246, %mul3A_373 : vector<16xf32>
        %get3A_375 = arith.index_cast %add3A_312 : i32 to index
        %get3A_376 = arith.constant 64 : index
        %get3A_377 = tpu.vector_load %arg11[%get3A_375, %get3A_376] {strides = array<i32>} : memref<256x128xf32, #tpu.memory_space<vmem>>, vector<1x16xf32>,
        %get3A_378 = vector.shape_cast %get3A_377 : vector<1x16xf32> to vector<16xf32>
        %get3A_379 = arith.index_cast %add3A_312 : i32 to index
        %get3A_380 = arith.constant 64 : index
        %get3A_381 = tpu.vector_load %arg12[%get3A_379, %get3A_380] {strides = array<i32>} : memref<256x128xf32, #tpu.memory_space<vmem>>, vector<1x16xf32>,
        %get3A_382 = vector.shape_cast %get3A_381 : vector<1x16xf32> to vector<16xf32>
        %add3A_383 = arith.addf %get3A_378, %get3A_382 : vector<16xf32>
        %max3A_384 = arith.constant 0.000000e+00 : f32
        %max3A_385 = vector.broadcast %max3A_384 : f32 to vector<16xf32>
        %max3A_386 = arith.maximumf %add3A_383, %max3A_385 : vector<16xf32>
        %mul3A_387 = vector.broadcast %squeeze3A_314 : f32 to vector<16xf32>
        %mul3A_388 = arith.mulf %max3A_386, %mul3A_387 : vector<16xf32>
        %max3A_389 = arith.maximumf %max3A_261, %mul3A_388 : vector<16xf32>
        %get3A_390 = arith.index_cast %add3A_312 : i32 to index
        %get3A_391 = arith.constant 80 : index
        %get3A_392 = tpu.vector_load %arg11[%get3A_390, %get3A_391] {strides = array<i32>} : memref<256x128xf32, #tpu.memory_space<vmem>>, vector<1x16xf32>,
        %get3A_393 = vector.shape_cast %get3A_392 : vector<1x16xf32> to vector<16xf32>
        %get3A_394 = arith.index_cast %add3A_312 : i32 to index
        %get3A_395 = arith.constant 80 : index
        %get3A_396 = tpu.vector_load %arg12[%get3A_394, %get3A_395] {strides = array<i32>} : memref<256x128xf32, #tpu.memory_space<vmem>>, vector<1x16xf32>,
        %get3A_397 = vector.shape_cast %get3A_396 : vector<1x16xf32> to vector<16xf32>
        %add3A_398 = arith.addf %get3A_393, %get3A_397 : vector<16xf32>
        %max3A_399 = arith.constant 0.000000e+00 : f32
        %max3A_400 = vector.broadcast %max3A_399 : f32 to vector<16xf32>
        %max3A_401 = arith.maximumf %add3A_398, %max3A_400 : vector<16xf32>
        %mul3A_402 = vector.broadcast %squeeze3A_314 : f32 to vector<16xf32>
        %mul3A_403 = arith.mulf %max3A_401, %mul3A_402 : vector<16xf32>
        %max3A_404 = arith.maximumf %max3A_276, %mul3A_403 : vector<16xf32>
        %get3A_405 = arith.index_cast %add3A_312 : i32 to index
        %get3A_406 = arith.constant 96 : index
        %get3A_407 = tpu.vector_load %arg11[%get3A_405, %get3A_406] {strides = array<i32>} : memref<256x128xf32, #tpu.memory_space<vmem>>, vector<1x16xf32>,
        %get3A_408 = vector.shape_cast %get3A_407 : vector<1x16xf32> to vector<16xf32>
        %get3A_409 = arith.index_cast %add3A_312 : i32 to index
        %get3A_410 = arith.constant 96 : index
        %get3A_411 = tpu.vector_load %arg12[%get3A_409, %get3A_410] {strides = array<i32>} : memref<256x128xf32, #tpu.memory_space<vmem>>, vector<1x16xf32>,
        %get3A_412 = vector.shape_cast %get3A_411 : vector<1x16xf32> to vector<16xf32>
        %add3A_413 = arith.addf %get3A_408, %get3A_412 : vector<16xf32>
        %max3A_414 = arith.constant 0.000000e+00 : f32
        %max3A_415 = vector.broadcast %max3A_414 : f32 to vector<16xf32>
        %max3A_416 = arith.maximumf %add3A_413, %max3A_415 : vector<16xf32>
        %mul3A_417 = vector.broadcast %squeeze3A_314 : f32 to vector<16xf32>
        %mul3A_418 = arith.mulf %max3A_416, %mul3A_417 : vector<16xf32>
        %max3A_419 = arith.maximumf %max3A_291, %mul3A_418 : vector<16xf32>
        %get3A_420 = arith.index_cast %add3A_312 : i32 to index
        %get3A_421 = arith.constant 112 : index
        %get3A_422 = tpu.vector_load %arg11[%get3A_420, %get3A_421] {strides = array<i32>} : memref<256x128xf32, #tpu.memory_space<vmem>>, vector<1x16xf32>,
        %get3A_423 = vector.shape_cast %get3A_422 : vector<1x16xf32> to vector<16xf32>
        %get3A_424 = arith.index_cast %add3A_312 : i32 to index
        %get3A_425 = arith.constant 112 : index
        %get3A_426 = tpu.vector_load %arg12[%get3A_424, %get3A_425] {strides = array<i32>} : memref<256x128xf32, #tpu.memory_space<vmem>>, vector<1x16xf32>,
        %get3A_427 = vector.shape_cast %get3A_426 : vector<1x16xf32> to vector<16xf32>
        %add3A_428 = arith.addf %get3A_423, %get3A_427 : vector<16xf32>
        %max3A_429 = arith.constant 0.000000e+00 : f32
        %max3A_430 = vector.broadcast %max3A_429 : f32 to vector<16xf32>
        %max3A_431 = arith.maximumf %add3A_428, %max3A_430 : vector<16xf32>
        %mul3A_432 = vector.broadcast %squeeze3A_314 : f32 to vector<16xf32>
        %mul3A_433 = arith.mulf %max3A_431, %mul3A_432 : vector<16xf32>
        %max3A_434 = arith.maximumf %max3A_306, %mul3A_433 : vector<16xf32>
        %mul3A_435 = arith.constant 16 : i32
        %mul3A_436 = arith.muli %scan3A_159, %mul3A_435 : i32
        %add3A_437 = arith.constant 0 : i32
        %add3A_438 = arith.addi %add3A_437, %mul3A_436 : i32
        %add3A_439 = arith.constant 2 : i32
        %add3A_440 = arith.addi %add3A_438, %add3A_439 : i32
        %slice3A_441 = vector.extract_strided_slice %get3A_181 {offsets = [2], sizes = [1], strides = [1]} : vector<16xf32> to vector<1xf32>
        %squeeze3A_442 = vector.extract %slice3A_441[0] : f32 from vector<1xf32>
        %get3A_443 = arith.index_cast %add3A_440 : i32 to index
        %get3A_444 = arith.constant 0 : index
        %get3A_445 = tpu.vector_load %arg11[%get3A_443, %get3A_444] {strides = array<i32>} : memref<256x128xf32, #tpu.memory_space<vmem>>, vector<1x16xf32>,
        %get3A_446 = vector.shape_cast %get3A_445 : vector<1x16xf32> to vector<16xf32>
        %get3A_447 = arith.index_cast %add3A_440 : i32 to index
        %get3A_448 = arith.constant 0 : index
        %get3A_449 = tpu.vector_load %arg12[%get3A_447, %get3A_448] {strides = array<i32>} : memref<256x128xf32, #tpu.memory_space<vmem>>, vector<1x16xf32>,
        %get3A_450 = vector.shape_cast %get3A_449 : vector<1x16xf32> to vector<16xf32>
        %add3A_451 = arith.addf %get3A_446, %get3A_450 : vector<16xf32>
        %max3A_452 = arith.constant 0.000000e+00 : f32
        %max3A_453 = vector.broadcast %max3A_452 : f32 to vector<16xf32>
        %max3A_454 = arith.maximumf %add3A_451, %max3A_453 : vector<16xf32>
        %mul3A_455 = vector.broadcast %squeeze3A_442 : f32 to vector<16xf32>
        %mul3A_456 = arith.mulf %max3A_454, %mul3A_455 : vector<16xf32>
        %max3A_457 = arith.maximumf %max3A_329, %mul3A_456 : vector<16xf32>
        %get3A_458 = arith.index_cast %add3A_440 : i32 to index
        %get3A_459 = arith.constant 16 : index
        %get3A_460 = tpu.vector_load %arg11[%get3A_458, %get3A_459] {strides = array<i32>} : memref<256x128xf32, #tpu.memory_space<vmem>>, vector<1x16xf32>,
        %get3A_461 = vector.shape_cast %get3A_460 : vector<1x16xf32> to vector<16xf32>
        %get3A_462 = arith.index_cast %add3A_440 : i32 to index
        %get3A_463 = arith.constant 16 : index
        %get3A_464 = tpu.vector_load %arg12[%get3A_462, %get3A_463] {strides = array<i32>} : memref<256x128xf32, #tpu.memory_space<vmem>>, vector<1x16xf32>,
        %get3A_465 = vector.shape_cast %get3A_464 : vector<1x16xf32> to vector<16xf32>
        %add3A_466 = arith.addf %get3A_461, %get3A_465 : vector<16xf32>
        %max3A_467 = arith.constant 0.000000e+00 : f32
        %max3A_468 = vector.broadcast %max3A_467 : f32 to vector<16xf32>
        %max3A_469 = arith.maximumf %add3A_466, %max3A_468 : vector<16xf32>
        %mul3A_470 = vector.broadcast %squeeze3A_442 : f32 to vector<16xf32>
        %mul3A_471 = arith.mulf %max3A_469, %mul3A_470 : vector<16xf32>
        %max3A_472 = arith.maximumf %max3A_344, %mul3A_471 : vector<16xf32>
        %get3A_473 = arith.index_cast %add3A_440 : i32 to index
        %get3A_474 = arith.constant 32 : index
        %get3A_475 = tpu.vector_load %arg11[%get3A_473, %get3A_474] {strides = array<i32>} : memref<256x128xf32, #tpu.memory_space<vmem>>, vector<1x16xf32>,
        %get3A_476 = vector.shape_cast %get3A_475 : vector<1x16xf32> to vector<16xf32>
        %get3A_477 = arith.index_cast %add3A_440 : i32 to index
        %get3A_478 = arith.constant 32 : index
        %get3A_479 = tpu.vector_load %arg12[%get3A_477, %get3A_478] {strides = array<i32>} : memref<256x128xf32, #tpu.memory_space<vmem>>, vector<1x16xf32>,
        %get3A_480 = vector.shape_cast %get3A_479 : vector<1x16xf32> to vector<16xf32>
        %add3A_481 = arith.addf %get3A_476, %get3A_480 : vector<16xf32>
        %max3A_482 = arith.constant 0.000000e+00 : f32
        %max3A_483 = vector.broadcast %max3A_482 : f32 to vector<16xf32>
        %max3A_484 = arith.maximumf %add3A_481, %max3A_483 : vector<16xf32>
        %mul3A_485 = vector.broadcast %squeeze3A_442 : f32 to vector<16xf32>
        %mul3A_486 = arith.mulf %max3A_484, %mul3A_485 : vector<16xf32>
        %max3A_487 = arith.maximumf %max3A_359, %mul3A_486 : vector<16xf32>
        %get3A_488 = arith.index_cast %add3A_440 : i32 to index
        %get3A_489 = arith.constant 48 : index
        %get3A_490 = tpu.vector_load %arg11[%get3A_488, %get3A_489] {strides = array<i32>} : memref<256x128xf32, #tpu.memory_space<vmem>>, vector<1x16xf32>,
        %get3A_491 = vector.shape_cast %get3A_490 : vector<1x16xf32> to vector<16xf32>
        %get3A_492 = arith.index_cast %add3A_440 : i32 to index
        %get3A_493 = arith.constant 48 : index
        %get3A_494 = tpu.vector_load %arg12[%get3A_492, %get3A_493] {strides = array<i32>} : memref<256x128xf32, #tpu.memory_space<vmem>>, vector<1x16xf32>,
        %get3A_495 = vector.shape_cast %get3A_494 : vector<1x16xf32> to vector<16xf32>
        %add3A_496 = arith.addf %get3A_491, %get3A_495 : vector<16xf32>
        %max3A_497 = arith.constant 0.000000e+00 : f32
        %max3A_498 = vector.broadcast %max3A_497 : f32 to vector<16xf32>
        %max3A_499 = arith.maximumf %add3A_496, %max3A_498 : vector<16xf32>
        %mul3A_500 = vector.broadcast %squeeze3A_442 : f32 to vector<16xf32>
        %mul3A_501 = arith.mulf %max3A_499, %mul3A_500 : vector<16xf32>
        %max3A_502 = arith.maximumf %max3A_374, %mul3A_501 : vector<16xf32>
        %get3A_503 = arith.index_cast %add3A_440 : i32 to index
        %get3A_504 = arith.constant 64 : index
        %get3A_505 = tpu.vector_load %arg11[%get3A_503, %get3A_504] {strides = array<i32>} : memref<256x128xf32, #tpu.memory_space<vmem>>, vector<1x16xf32>,
        %get3A_506 = vector.shape_cast %get3A_505 : vector<1x16xf32> to vector<16xf32>
        %get3A_507 = arith.index_cast %add3A_440 : i32 to index
        %get3A_508 = arith.constant 64 : index
        %get3A_509 = tpu.vector_load %arg12[%get3A_507, %get3A_508] {strides = array<i32>} : memref<256x128xf32, #tpu.memory_space<vmem>>, vector<1x16xf32>,
        %get3A_510 = vector.shape_cast %get3A_509 : vector<1x16xf32> to vector<16xf32>
        %add3A_511 = arith.addf %get3A_506, %get3A_510 : vector<16xf32>
        %max3A_512 = arith.constant 0.000000e+00 : f32
        %max3A_513 = vector.broadcast %max3A_512 : f32 to vector<16xf32>
        %max3A_514 = arith.maximumf %add3A_511, %max3A_513 : vector<16xf32>
        %mul3A_515 = vector.broadcast %squeeze3A_442 : f32 to vector<16xf32>
        %mul3A_516 = arith.mulf %max3A_514, %mul3A_515 : vector<16xf32>
        %max3A_517 = arith.maximumf %max3A_389, %mul3A_516 : vector<16xf32>
        %get3A_518 = arith.index_cast %add3A_440 : i32 to index
        %get3A_519 = arith.constant 80 : index
        %get3A_520 = tpu.vector_load %arg11[%get3A_518, %get3A_519] {strides = array<i32>} : memref<256x128xf32, #tpu.memory_space<vmem>>, vector<1x16xf32>,
        %get3A_521 = vector.shape_cast %get3A_520 : vector<1x16xf32> to vector<16xf32>
        %get3A_522 = arith.index_cast %add3A_440 : i32 to index
        %get3A_523 = arith.constant 80 : index
        %get3A_524 = tpu.vector_load %arg12[%get3A_522, %get3A_523] {strides = array<i32>} : memref<256x128xf32, #tpu.memory_space<vmem>>, vector<1x16xf32>,
        %get3A_525 = vector.shape_cast %get3A_524 : vector<1x16xf32> to vector<16xf32>
        %add3A_526 = arith.addf %get3A_521, %get3A_525 : vector<16xf32>
        %max3A_527 = arith.constant 0.000000e+00 : f32
        %max3A_528 = vector.broadcast %max3A_527 : f32 to vector<16xf32>
        %max3A_529 = arith.maximumf %add3A_526, %max3A_528 : vector<16xf32>
        %mul3A_530 = vector.broadcast %squeeze3A_442 : f32 to vector<16xf32>
        %mul3A_531 = arith.mulf %max3A_529, %mul3A_530 : vector<16xf32>
        %max3A_532 = arith.maximumf %max3A_404, %mul3A_531 : vector<16xf32>
        %get3A_533 = arith.index_cast %add3A_440 : i32 to index
        %get3A_534 = arith.constant 96 : index
        %get3A_535 = tpu.vector_load %arg11[%get3A_533, %get3A_534] {strides = array<i32>} : memref<256x128xf32, #tpu.memory_space<vmem>>, vector<1x16xf32>,
        %get3A_536 = vector.shape_cast %get3A_535 : vector<1x16xf32> to vector<16xf32>
        %get3A_537 = arith.index_cast %add3A_440 : i32 to index
        %get3A_538 = arith.constant 96 : index
        %get3A_539 = tpu.vector_load %arg12[%get3A_537, %get3A_538] {strides = array<i32>} : memref<256x128xf32, #tpu.memory_space<vmem>>, vector<1x16xf32>,
        %get3A_540 = vector.shape_cast %get3A_539 : vector<1x16xf32> to vector<16xf32>
        %add3A_541 = arith.addf %get3A_536, %get3A_540 : vector<16xf32>
        %max3A_542 = arith.constant 0.000000e+00 : f32
        %max3A_543 = vector.broadcast %max3A_542 : f32 to vector<16xf32>
        %max3A_544 = arith.maximumf %add3A_541, %max3A_543 : vector<16xf32>
        %mul3A_545 = vector.broadcast %squeeze3A_442 : f32 to vector<16xf32>
        %mul3A_546 = arith.mulf %max3A_544, %mul3A_545 : vector<16xf32>
        %max3A_547 = arith.maximumf %max3A_419, %mul3A_546 : vector<16xf32>
        %get3A_548 = arith.index_cast %add3A_440 : i32 to index
        %get3A_549 = arith.constant 112 : index
        %get3A_550 = tpu.vector_load %arg11[%get3A_548, %get3A_549] {strides = array<i32>} : memref<256x128xf32, #tpu.memory_space<vmem>>, vector<1x16xf32>,
        %get3A_551 = vector.shape_cast %get3A_550 : vector<1x16xf32> to vector<16xf32>
        %get3A_552 = arith.index_cast %add3A_440 : i32 to index
        %get3A_553 = arith.constant 112 : index
        %get3A_554 = tpu.vector_load %arg12[%get3A_552, %get3A_553] {strides = array<i32>} : memref<256x128xf32, #tpu.memory_space<vmem>>, vector<1x16xf32>,
        %get3A_555 = vector.shape_cast %get3A_554 : vector<1x16xf32> to vector<16xf32>
        %add3A_556 = arith.addf %get3A_551, %get3A_555 : vector<16xf32>
        %max3A_557 = arith.constant 0.000000e+00 : f32
        %max3A_558 = vector.broadcast %max3A_557 : f32 to vector<16xf32>
        %max3A_559 = arith.maximumf %add3A_556, %max3A_558 : vector<16xf32>
        %mul3A_560 = vector.broadcast %squeeze3A_442 : f32 to vector<16xf32>
        %mul3A_561 = arith.mulf %max3A_559, %mul3A_560 : vector<16xf32>
        %max3A_562 = arith.maximumf %max3A_434, %mul3A_561 : vector<16xf32>
        %mul3A_563 = arith.constant 16 : i32
        %mul3A_564 = arith.muli %scan3A_159, %mul3A_563 : i32
        %add3A_565 = arith.constant 0 : i32
        %add3A_566 = arith.addi %add3A_565, %mul3A_564 : i32
        %add3A_567 = arith.constant 3 : i32
        %add3A_568 = arith.addi %add3A_566, %add3A_567 : i32
        %slice3A_569 = vector.extract_strided_slice %get3A_181 {offsets = [3], sizes = [1], strides = [1]} : vector<16xf32> to vector<1xf32>
        %squeeze3A_570 = vector.extract %slice3A_569[0] : f32 from vector<1xf32>
        %get3A_571 = arith.index_cast %add3A_568 : i32 to index
        %get3A_572 = arith.constant 0 : index
        %get3A_573 = tpu.vector_load %arg11[%get3A_571, %get3A_572] {strides = array<i32>} : memref<256x128xf32, #tpu.memory_space<vmem>>, vector<1x16xf32>,
        %get3A_574 = vector.shape_cast %get3A_573 : vector<1x16xf32> to vector<16xf32>
        %get3A_575 = arith.index_cast %add3A_568 : i32 to index
        %get3A_576 = arith.constant 0 : index
        %get3A_577 = tpu.vector_load %arg12[%get3A_575, %get3A_576] {strides = array<i32>} : memref<256x128xf32, #tpu.memory_space<vmem>>, vector<1x16xf32>,
        %get3A_578 = vector.shape_cast %get3A_577 : vector<1x16xf32> to vector<16xf32>
        %add3A_579 = arith.addf %get3A_574, %get3A_578 : vector<16xf32>
        %max3A_580 = arith.constant 0.000000e+00 : f32
        %max3A_581 = vector.broadcast %max3A_580 : f32 to vector<16xf32>
        %max3A_582 = arith.maximumf %add3A_579, %max3A_581 : vector<16xf32>
        %mul3A_583 = vector.broadcast %squeeze3A_570 : f32 to vector<16xf32>
        %mul3A_584 = arith.mulf %max3A_582, %mul3A_583 : vector<16xf32>
        %max3A_585 = arith.maximumf %max3A_457, %mul3A_584 : vector<16xf32>
        %get3A_586 = arith.index_cast %add3A_568 : i32 to index
        %get3A_587 = arith.constant 16 : index
        %get3A_588 = tpu.vector_load %arg11[%get3A_586, %get3A_587] {strides = array<i32>} : memref<256x128xf32, #tpu.memory_space<vmem>>, vector<1x16xf32>,
        %get3A_589 = vector.shape_cast %get3A_588 : vector<1x16xf32> to vector<16xf32>
        %get3A_590 = arith.index_cast %add3A_568 : i32 to index
        %get3A_591 = arith.constant 16 : index
        %get3A_592 = tpu.vector_load %arg12[%get3A_590, %get3A_591] {strides = array<i32>} : memref<256x128xf32, #tpu.memory_space<vmem>>, vector<1x16xf32>,
        %get3A_593 = vector.shape_cast %get3A_592 : vector<1x16xf32> to vector<16xf32>
        %add3A_594 = arith.addf %get3A_589, %get3A_593 : vector<16xf32>
        %max3A_595 = arith.constant 0.000000e+00 : f32
        %max3A_596 = vector.broadcast %max3A_595 : f32 to vector<16xf32>
        %max3A_597 = arith.maximumf %add3A_594, %max3A_596 : vector<16xf32>
        %mul3A_598 = vector.broadcast %squeeze3A_570 : f32 to vector<16xf32>
        %mul3A_599 = arith.mulf %max3A_597, %mul3A_598 : vector<16xf32>
        %max3A_600 = arith.maximumf %max3A_472, %mul3A_599 : vector<16xf32>
        %get3A_601 = arith.index_cast %add3A_568 : i32 to index
        %get3A_602 = arith.constant 32 : index
        %get3A_603 = tpu.vector_load %arg11[%get3A_601, %get3A_602] {strides = array<i32>} : memref<256x128xf32, #tpu.memory_space<vmem>>, vector<1x16xf32>,
        %get3A_604 = vector.shape_cast %get3A_603 : vector<1x16xf32> to vector<16xf32>
        %get3A_605 = arith.index_cast %add3A_568 : i32 to index
        %get3A_606 = arith.constant 32 : index
        %get3A_607 = tpu.vector_load %arg12[%get3A_605, %get3A_606] {strides = array<i32>} : memref<256x128xf32, #tpu.memory_space<vmem>>, vector<1x16xf32>,
        %get3A_608 = vector.shape_cast %get3A_607 : vector<1x16xf32> to vector<16xf32>
        %add3A_609 = arith.addf %get3A_604, %get3A_608 : vector<16xf32>
        %max3A_610 = arith.constant 0.000000e+00 : f32
        %max3A_611 = vector.broadcast %max3A_610 : f32 to vector<16xf32>
        %max3A_612 = arith.maximumf %add3A_609, %max3A_611 : vector<16xf32>
        %mul3A_613 = vector.broadcast %squeeze3A_570 : f32 to vector<16xf32>
        %mul3A_614 = arith.mulf %max3A_612, %mul3A_613 : vector<16xf32>
        %max3A_615 = arith.maximumf %max3A_487, %mul3A_614 : vector<16xf32>
        %get3A_616 = arith.index_cast %add3A_568 : i32 to index
        %get3A_617 = arith.constant 48 : index
        %get3A_618 = tpu.vector_load %arg11[%get3A_616, %get3A_617] {strides = array<i32>} : memref<256x128xf32, #tpu.memory_space<vmem>>, vector<1x16xf32>,
        %get3A_619 = vector.shape_cast %get3A_618 : vector<1x16xf32> to vector<16xf32>
        %get3A_620 = arith.index_cast %add3A_568 : i32 to index
        %get3A_621 = arith.constant 48 : index
        %get3A_622 = tpu.vector_load %arg12[%get3A_620, %get3A_621] {strides = array<i32>} : memref<256x128xf32, #tpu.memory_space<vmem>>, vector<1x16xf32>,
        %get3A_623 = vector.shape_cast %get3A_622 : vector<1x16xf32> to vector<16xf32>
        %add3A_624 = arith.addf %get3A_619, %get3A_623 : vector<16xf32>
        %max3A_625 = arith.constant 0.000000e+00 : f32
        %max3A_626 = vector.broadcast %max3A_625 : f32 to vector<16xf32>
        %max3A_627 = arith.maximumf %add3A_624, %max3A_626 : vector<16xf32>
        %mul3A_628 = vector.broadcast %squeeze3A_570 : f32 to vector<16xf32>
        %mul3A_629 = arith.mulf %max3A_627, %mul3A_628 : vector<16xf32>
        %max3A_630 = arith.maximumf %max3A_502, %mul3A_629 : vector<16xf32>
        %get3A_631 = arith.index_cast %add3A_568 : i32 to index
        %get3A_632 = arith.constant 64 : index
        %get3A_633 = tpu.vector_load %arg11[%get3A_631, %get3A_632] {strides = array<i32>} : memref<256x128xf32, #tpu.memory_space<vmem>>, vector<1x16xf32>,
        %get3A_634 = vector.shape_cast %get3A_633 : vector<1x16xf32> to vector<16xf32>
        %get3A_635 = arith.index_cast %add3A_568 : i32 to index
        %get3A_636 = arith.constant 64 : index
        %get3A_637 = tpu.vector_load %arg12[%get3A_635, %get3A_636] {strides = array<i32>} : memref<256x128xf32, #tpu.memory_space<vmem>>, vector<1x16xf32>,
        %get3A_638 = vector.shape_cast %get3A_637 : vector<1x16xf32> to vector<16xf32>
        %add3A_639 = arith.addf %get3A_634, %get3A_638 : vector<16xf32>
        %max3A_640 = arith.constant 0.000000e+00 : f32
        %max3A_641 = vector.broadcast %max3A_640 : f32 to vector<16xf32>
        %max3A_642 = arith.maximumf %add3A_639, %max3A_641 : vector<16xf32>
        %mul3A_643 = vector.broadcast %squeeze3A_570 : f32 to vector<16xf32>
        %mul3A_644 = arith.mulf %max3A_642, %mul3A_643 : vector<16xf32>
        %max3A_645 = arith.maximumf %max3A_517, %mul3A_644 : vector<16xf32>
        %get3A_646 = arith.index_cast %add3A_568 : i32 to index
        %get3A_647 = arith.constant 80 : index
        %get3A_648 = tpu.vector_load %arg11[%get3A_646, %get3A_647] {strides = array<i32>} : memref<256x128xf32, #tpu.memory_space<vmem>>, vector<1x16xf32>,
        %get3A_649 = vector.shape_cast %get3A_648 : vector<1x16xf32> to vector<16xf32>
        %get3A_650 = arith.index_cast %add3A_568 : i32 to index
        %get3A_651 = arith.constant 80 : index
        %get3A_652 = tpu.vector_load %arg12[%get3A_650, %get3A_651] {strides = array<i32>} : memref<256x128xf32, #tpu.memory_space<vmem>>, vector<1x16xf32>,
        %get3A_653 = vector.shape_cast %get3A_652 : vector<1x16xf32> to vector<16xf32>
        %add3A_654 = arith.addf %get3A_649, %get3A_653 : vector<16xf32>
        %max3A_655 = arith.constant 0.000000e+00 : f32
        %max3A_656 = vector.broadcast %max3A_655 : f32 to vector<16xf32>
        %max3A_657 = arith.maximumf %add3A_654, %max3A_656 : vector<16xf32>
        %mul3A_658 = vector.broadcast %squeeze3A_570 : f32 to vector<16xf32>
        %mul3A_659 = arith.mulf %max3A_657, %mul3A_658 : vector<16xf32>
        %max3A_660 = arith.maximumf %max3A_532, %mul3A_659 : vector<16xf32>
        %get3A_661 = arith.index_cast %add3A_568 : i32 to index
        %get3A_662 = arith.constant 96 : index
        %get3A_663 = tpu.vector_load %arg11[%get3A_661, %get3A_662] {strides = array<i32>} : memref<256x128xf32, #tpu.memory_space<vmem>>, vector<1x16xf32>,
        %get3A_664 = vector.shape_cast %get3A_663 : vector<1x16xf32> to vector<16xf32>
        %get3A_665 = arith.index_cast %add3A_568 : i32 to index
        %get3A_666 = arith.constant 96 : index
        %get3A_667 = tpu.vector_load %arg12[%get3A_665, %get3A_666] {strides = array<i32>} : memref<256x128xf32, #tpu.memory_space<vmem>>, vector<1x16xf32>,
        %get3A_668 = vector.shape_cast %get3A_667 : vector<1x16xf32> to vector<16xf32>
        %add3A_669 = arith.addf %get3A_664, %get3A_668 : vector<16xf32>
        %max3A_670 = arith.constant 0.000000e+00 : f32
        %max3A_671 = vector.broadcast %max3A_670 : f32 to vector<16xf32>
        %max3A_672 = arith.maximumf %add3A_669, %max3A_671 : vector<16xf32>
        %mul3A_673 = vector.broadcast %squeeze3A_570 : f32 to vector<16xf32>
        %mul3A_674 = arith.mulf %max3A_672, %mul3A_673 : vector<16xf32>
        %max3A_675 = arith.maximumf %max3A_547, %mul3A_674 : vector<16xf32>
        %get3A_676 = arith.index_cast %add3A_568 : i32 to index
        %get3A_677 = arith.constant 112 : index
        %get3A_678 = tpu.vector_load %arg11[%get3A_676, %get3A_677] {strides = array<i32>} : memref<256x128xf32, #tpu.memory_space<vmem>>, vector<1x16xf32>,
        %get3A_679 = vector.shape_cast %get3A_678 : vector<1x16xf32> to vector<16xf32>
        %get3A_680 = arith.index_cast %add3A_568 : i32 to index
        %get3A_681 = arith.constant 112 : index
        %get3A_682 = tpu.vector_load %arg12[%get3A_680, %get3A_681] {strides = array<i32>} : memref<256x128xf32, #tpu.memory_space<vmem>>, vector<1x16xf32>,
        %get3A_683 = vector.shape_cast %get3A_682 : vector<1x16xf32> to vector<16xf32>
        %add3A_684 = arith.addf %get3A_679, %get3A_683 : vector<16xf32>
        %max3A_685 = arith.constant 0.000000e+00 : f32
        %max3A_686 = vector.broadcast %max3A_685 : f32 to vector<16xf32>
        %max3A_687 = arith.maximumf %add3A_684, %max3A_686 : vector<16xf32>
        %mul3A_688 = vector.broadcast %squeeze3A_570 : f32 to vector<16xf32>
        %mul3A_689 = arith.mulf %max3A_687, %mul3A_688 : vector<16xf32>
        %max3A_690 = arith.maximumf %max3A_562, %mul3A_689 : vector<16xf32>
        %mul3A_691 = arith.constant 16 : i32
        %mul3A_692 = arith.muli %scan3A_159, %mul3A_691 : i32
        %add3A_693 = arith.constant 0 : i32
        %add3A_694 = arith.addi %add3A_693, %mul3A_692 : i32
        %add3A_695 = arith.constant 4 : i32
        %add3A_696 = arith.addi %add3A_694, %add3A_695 : i32
        %slice3A_697 = vector.extract_strided_slice %get3A_181 {offsets = [4], sizes = [1], strides = [1]} : vector<16xf32> to vector<1xf32>
        %squeeze3A_698 = vector.extract %slice3A_697[0] : f32 from vector<1xf32>
        %get3A_699 = arith.index_cast %add3A_696 : i32 to index
        %get3A_700 = arith.constant 0 : index
        %get3A_701 = tpu.vector_load %arg11[%get3A_699, %get3A_700] {strides = array<i32>} : memref<256x128xf32, #tpu.memory_space<vmem>>, vector<1x16xf32>,
        %get3A_702 = vector.shape_cast %get3A_701 : vector<1x16xf32> to vector<16xf32>
        %get3A_703 = arith.index_cast %add3A_696 : i32 to index
        %get3A_704 = arith.constant 0 : index
        %get3A_705 = tpu.vector_load %arg12[%get3A_703, %get3A_704] {strides = array<i32>} : memref<256x128xf32, #tpu.memory_space<vmem>>, vector<1x16xf32>,
        %get3A_706 = vector.shape_cast %get3A_705 : vector<1x16xf32> to vector<16xf32>
        %add3A_707 = arith.addf %get3A_702, %get3A_706 : vector<16xf32>
        %max3A_708 = arith.constant 0.000000e+00 : f32
        %max3A_709 = vector.broadcast %max3A_708 : f32 to vector<16xf32>
        %max3A_710 = arith.maximumf %add3A_707, %max3A_709 : vector<16xf32>
        %mul3A_711 = vector.broadcast %squeeze3A_698 : f32 to vector<16xf32>
        %mul3A_712 = arith.mulf %max3A_710, %mul3A_711 : vector<16xf32>
        %max3A_713 = arith.maximumf %max3A_585, %mul3A_712 : vector<16xf32>
        %get3A_714 = arith.index_cast %add3A_696 : i32 to index
        %get3A_715 = arith.constant 16 : index
        %get3A_716 = tpu.vector_load %arg11[%get3A_714, %get3A_715] {strides = array<i32>} : memref<256x128xf32, #tpu.memory_space<vmem>>, vector<1x16xf32>,
        %get3A_717 = vector.shape_cast %get3A_716 : vector<1x16xf32> to vector<16xf32>
        %get3A_718 = arith.index_cast %add3A_696 : i32 to index
        %get3A_719 = arith.constant 16 : index
        %get3A_720 = tpu.vector_load %arg12[%get3A_718, %get3A_719] {strides = array<i32>} : memref<256x128xf32, #tpu.memory_space<vmem>>, vector<1x16xf32>,
        %get3A_721 = vector.shape_cast %get3A_720 : vector<1x16xf32> to vector<16xf32>
        %add3A_722 = arith.addf %get3A_717, %get3A_721 : vector<16xf32>
        %max3A_723 = arith.constant 0.000000e+00 : f32
        %max3A_724 = vector.broadcast %max3A_723 : f32 to vector<16xf32>
        %max3A_725 = arith.maximumf %add3A_722, %max3A_724 : vector<16xf32>
        %mul3A_726 = vector.broadcast %squeeze3A_698 : f32 to vector<16xf32>
        %mul3A_727 = arith.mulf %max3A_725, %mul3A_726 : vector<16xf32>
        %max3A_728 = arith.maximumf %max3A_600, %mul3A_727 : vector<16xf32>
        %get3A_729 = arith.index_cast %add3A_696 : i32 to index
        %get3A_730 = arith.constant 32 : index
        %get3A_731 = tpu.vector_load %arg11[%get3A_729, %get3A_730] {strides = array<i32>} : memref<256x128xf32, #tpu.memory_space<vmem>>, vector<1x16xf32>,
        %get3A_732 = vector.shape_cast %get3A_731 : vector<1x16xf32> to vector<16xf32>
        %get3A_733 = arith.index_cast %add3A_696 : i32 to index
        %get3A_734 = arith.constant 32 : index
        %get3A_735 = tpu.vector_load %arg12[%get3A_733, %get3A_734] {strides = array<i32>} : memref<256x128xf32, #tpu.memory_space<vmem>>, vector<1x16xf32>,
        %get3A_736 = vector.shape_cast %get3A_735 : vector<1x16xf32> to vector<16xf32>
        %add3A_737 = arith.addf %get3A_732, %get3A_736 : vector<16xf32>
        %max3A_738 = arith.constant 0.000000e+00 : f32
        %max3A_739 = vector.broadcast %max3A_738 : f32 to vector<16xf32>
        %max3A_740 = arith.maximumf %add3A_737, %max3A_739 : vector<16xf32>
        %mul3A_741 = vector.broadcast %squeeze3A_698 : f32 to vector<16xf32>
        %mul3A_742 = arith.mulf %max3A_740, %mul3A_741 : vector<16xf32>
        %max3A_743 = arith.maximumf %max3A_615, %mul3A_742 : vector<16xf32>
        %get3A_744 = arith.index_cast %add3A_696 : i32 to index
        %get3A_745 = arith.constant 48 : index
        %get3A_746 = tpu.vector_load %arg11[%get3A_744, %get3A_745] {strides = array<i32>} : memref<256x128xf32, #tpu.memory_space<vmem>>, vector<1x16xf32>,
        %get3A_747 = vector.shape_cast %get3A_746 : vector<1x16xf32> to vector<16xf32>
        %get3A_748 = arith.index_cast %add3A_696 : i32 to index
        %get3A_749 = arith.constant 48 : index
        %get3A_750 = tpu.vector_load %arg12[%get3A_748, %get3A_749] {strides = array<i32>} : memref<256x128xf32, #tpu.memory_space<vmem>>, vector<1x16xf32>,
        %get3A_751 = vector.shape_cast %get3A_750 : vector<1x16xf32> to vector<16xf32>
        %add3A_752 = arith.addf %get3A_747, %get3A_751 : vector<16xf32>
        %max3A_753 = arith.constant 0.000000e+00 : f32
        %max3A_754 = vector.broadcast %max3A_753 : f32 to vector<16xf32>
        %max3A_755 = arith.maximumf %add3A_752, %max3A_754 : vector<16xf32>
        %mul3A_756 = vector.broadcast %squeeze3A_698 : f32 to vector<16xf32>
        %mul3A_757 = arith.mulf %max3A_755, %mul3A_756 : vector<16xf32>
        %max3A_758 = arith.maximumf %max3A_630, %mul3A_757 : vector<16xf32>
        %get3A_759 = arith.index_cast %add3A_696 : i32 to index
        %get3A_760 = arith.constant 64 : index
        %get3A_761 = tpu.vector_load %arg11[%get3A_759, %get3A_760] {strides = array<i32>} : memref<256x128xf32, #tpu.memory_space<vmem>>, vector<1x16xf32>,
        %get3A_762 = vector.shape_cast %get3A_761 : vector<1x16xf32> to vector<16xf32>
        %get3A_763 = arith.index_cast %add3A_696 : i32 to index
        %get3A_764 = arith.constant 64 : index
        %get3A_765 = tpu.vector_load %arg12[%get3A_763, %get3A_764] {strides = array<i32>} : memref<256x128xf32, #tpu.memory_space<vmem>>, vector<1x16xf32>,
        %get3A_766 = vector.shape_cast %get3A_765 : vector<1x16xf32> to vector<16xf32>
        %add3A_767 = arith.addf %get3A_762, %get3A_766 : vector<16xf32>
        %max3A_768 = arith.constant 0.000000e+00 : f32
        %max3A_769 = vector.broadcast %max3A_768 : f32 to vector<16xf32>
        %max3A_770 = arith.maximumf %add3A_767, %max3A_769 : vector<16xf32>
        %mul3A_771 = vector.broadcast %squeeze3A_698 : f32 to vector<16xf32>
        %mul3A_772 = arith.mulf %max3A_770, %mul3A_771 : vector<16xf32>
        %max3A_773 = arith.maximumf %max3A_645, %mul3A_772 : vector<16xf32>
        %get3A_774 = arith.index_cast %add3A_696 : i32 to index
        %get3A_775 = arith.constant 80 : index
        %get3A_776 = tpu.vector_load %arg11[%get3A_774, %get3A_775] {strides = array<i32>} : memref<256x128xf32, #tpu.memory_space<vmem>>, vector<1x16xf32>,
        %get3A_777 = vector.shape_cast %get3A_776 : vector<1x16xf32> to vector<16xf32>
        %get3A_778 = arith.index_cast %add3A_696 : i32 to index
        %get3A_779 = arith.constant 80 : index
        %get3A_780 = tpu.vector_load %arg12[%get3A_778, %get3A_779] {strides = array<i32>} : memref<256x128xf32, #tpu.memory_space<vmem>>, vector<1x16xf32>,
        %get3A_781 = vector.shape_cast %get3A_780 : vector<1x16xf32> to vector<16xf32>
        %add3A_782 = arith.addf %get3A_777, %get3A_781 : vector<16xf32>
        %max3A_783 = arith.constant 0.000000e+00 : f32
        %max3A_784 = vector.broadcast %max3A_783 : f32 to vector<16xf32>
        %max3A_785 = arith.maximumf %add3A_782, %max3A_784 : vector<16xf32>
        %mul3A_786 = vector.broadcast %squeeze3A_698 : f32 to vector<16xf32>
        %mul3A_787 = arith.mulf %max3A_785, %mul3A_786 : vector<16xf32>
        %max3A_788 = arith.maximumf %max3A_660, %mul3A_787 : vector<16xf32>
        %get3A_789 = arith.index_cast %add3A_696 : i32 to index
        %get3A_790 = arith.constant 96 : index
        %get3A_791 = tpu.vector_load %arg11[%get3A_789, %get3A_790] {strides = array<i32>} : memref<256x128xf32, #tpu.memory_space<vmem>>, vector<1x16xf32>,
        %get3A_792 = vector.shape_cast %get3A_791 : vector<1x16xf32> to vector<16xf32>
        %get3A_793 = arith.index_cast %add3A_696 : i32 to index
        %get3A_794 = arith.constant 96 : index
        %get3A_795 = tpu.vector_load %arg12[%get3A_793, %get3A_794] {strides = array<i32>} : memref<256x128xf32, #tpu.memory_space<vmem>>, vector<1x16xf32>,
        %get3A_796 = vector.shape_cast %get3A_795 : vector<1x16xf32> to vector<16xf32>
        %add3A_797 = arith.addf %get3A_792, %get3A_796 : vector<16xf32>
        %max3A_798 = arith.constant 0.000000e+00 : f32
        %max3A_799 = vector.broadcast %max3A_798 : f32 to vector<16xf32>
        %max3A_800 = arith.maximumf %add3A_797, %max3A_799 : vector<16xf32>
        %mul3A_801 = vector.broadcast %squeeze3A_698 : f32 to vector<16xf32>
        %mul3A_802 = arith.mulf %max3A_800, %mul3A_801 : vector<16xf32>
        %max3A_803 = arith.maximumf %max3A_675, %mul3A_802 : vector<16xf32>
        %get3A_804 = arith.index_cast %add3A_696 : i32 to index
        %get3A_805 = arith.constant 112 : index
        %get3A_806 = tpu.vector_load %arg11[%get3A_804, %get3A_805] {strides = array<i32>} : memref<256x128xf32, #tpu.memory_space<vmem>>, vector<1x16xf32>,
        %get3A_807 = vector.shape_cast %get3A_806 : vector<1x16xf32> to vector<16xf32>
        %get3A_808 = arith.index_cast %add3A_696 : i32 to index
        %get3A_809 = arith.constant 112 : index
        %get3A_810 = tpu.vector_load %arg12[%get3A_808, %get3A_809] {strides = array<i32>} : memref<256x128xf32, #tpu.memory_space<vmem>>, vector<1x16xf32>,
        %get3A_811 = vector.shape_cast %get3A_810 : vector<1x16xf32> to vector<16xf32>
        %add3A_812 = arith.addf %get3A_807, %get3A_811 : vector<16xf32>
        %max3A_813 = arith.constant 0.000000e+00 : f32
        %max3A_814 = vector.broadcast %max3A_813 : f32 to vector<16xf32>
        %max3A_815 = arith.maximumf %add3A_812, %max3A_814 : vector<16xf32>
        %mul3A_816 = vector.broadcast %squeeze3A_698 : f32 to vector<16xf32>
        %mul3A_817 = arith.mulf %max3A_815, %mul3A_816 : vector<16xf32>
        %max3A_818 = arith.maximumf %max3A_690, %mul3A_817 : vector<16xf32>
        %mul3A_819 = arith.constant 16 : i32
        %mul3A_820 = arith.muli %scan3A_159, %mul3A_819 : i32
        %add3A_821 = arith.constant 0 : i32
        %add3A_822 = arith.addi %add3A_821, %mul3A_820 : i32
        %add3A_823 = arith.constant 5 : i32
        %add3A_824 = arith.addi %add3A_822, %add3A_823 : i32
        %slice3A_825 = vector.extract_strided_slice %get3A_181 {offsets = [5], sizes = [1], strides = [1]} : vector<16xf32> to vector<1xf32>
        %squeeze3A_826 = vector.extract %slice3A_825[0] : f32 from vector<1xf32>
        %get3A_827 = arith.index_cast %add3A_824 : i32 to index
        %get3A_828 = arith.constant 0 : index
        %get3A_829 = tpu.vector_load %arg11[%get3A_827, %get3A_828] {strides = array<i32>} : memref<256x128xf32, #tpu.memory_space<vmem>>, vector<1x16xf32>,
        %get3A_830 = vector.shape_cast %get3A_829 : vector<1x16xf32> to vector<16xf32>
        %get3A_831 = arith.index_cast %add3A_824 : i32 to index
        %get3A_832 = arith.constant 0 : index
        %get3A_833 = tpu.vector_load %arg12[%get3A_831, %get3A_832] {strides = array<i32>} : memref<256x128xf32, #tpu.memory_space<vmem>>, vector<1x16xf32>,
        %get3A_834 = vector.shape_cast %get3A_833 : vector<1x16xf32> to vector<16xf32>
        %add3A_835 = arith.addf %get3A_830, %get3A_834 : vector<16xf32>
        %max3A_836 = arith.constant 0.000000e+00 : f32
        %max3A_837 = vector.broadcast %max3A_836 : f32 to vector<16xf32>
        %max3A_838 = arith.maximumf %add3A_835, %max3A_837 : vector<16xf32>
        %mul3A_839 = vector.broadcast %squeeze3A_826 : f32 to vector<16xf32>
        %mul3A_840 = arith.mulf %max3A_838, %mul3A_839 : vector<16xf32>
        %max3A_841 = arith.maximumf %max3A_713, %mul3A_840 : vector<16xf32>
        %get3A_842 = arith.index_cast %add3A_824 : i32 to index
        %get3A_843 = arith.constant 16 : index
        %get3A_844 = tpu.vector_load %arg11[%get3A_842, %get3A_843] {strides = array<i32>} : memref<256x128xf32, #tpu.memory_space<vmem>>, vector<1x16xf32>,
        %get3A_845 = vector.shape_cast %get3A_844 : vector<1x16xf32> to vector<16xf32>
        %get3A_846 = arith.index_cast %add3A_824 : i32 to index
        %get3A_847 = arith.constant 16 : index
        %get3A_848 = tpu.vector_load %arg12[%get3A_846, %get3A_847] {strides = array<i32>} : memref<256x128xf32, #tpu.memory_space<vmem>>, vector<1x16xf32>,
        %get3A_849 = vector.shape_cast %get3A_848 : vector<1x16xf32> to vector<16xf32>
        %add3A_850 = arith.addf %get3A_845, %get3A_849 : vector<16xf32>
        %max3A_851 = arith.constant 0.000000e+00 : f32
        %max3A_852 = vector.broadcast %max3A_851 : f32 to vector<16xf32>
        %max3A_853 = arith.maximumf %add3A_850, %max3A_852 : vector<16xf32>
        %mul3A_854 = vector.broadcast %squeeze3A_826 : f32 to vector<16xf32>
        %mul3A_855 = arith.mulf %max3A_853, %mul3A_854 : vector<16xf32>
        %max3A_856 = arith.maximumf %max3A_728, %mul3A_855 : vector<16xf32>
        %get3A_857 = arith.index_cast %add3A_824 : i32 to index
        %get3A_858 = arith.constant 32 : index
        %get3A_859 = tpu.vector_load %arg11[%get3A_857, %get3A_858] {strides = array<i32>} : memref<256x128xf32, #tpu.memory_space<vmem>>, vector<1x16xf32>,
        %get3A_860 = vector.shape_cast %get3A_859 : vector<1x16xf32> to vector<16xf32>
        %get3A_861 = arith.index_cast %add3A_824 : i32 to index
        %get3A_862 = arith.constant 32 : index
        %get3A_863 = tpu.vector_load %arg12[%get3A_861, %get3A_862] {strides = array<i32>} : memref<256x128xf32, #tpu.memory_space<vmem>>, vector<1x16xf32>,
        %get3A_864 = vector.shape_cast %get3A_863 : vector<1x16xf32> to vector<16xf32>
        %add3A_865 = arith.addf %get3A_860, %get3A_864 : vector<16xf32>
        %max3A_866 = arith.constant 0.000000e+00 : f32
        %max3A_867 = vector.broadcast %max3A_866 : f32 to vector<16xf32>
        %max3A_868 = arith.maximumf %add3A_865, %max3A_867 : vector<16xf32>
        %mul3A_869 = vector.broadcast %squeeze3A_826 : f32 to vector<16xf32>
        %mul3A_870 = arith.mulf %max3A_868, %mul3A_869 : vector<16xf32>
        %max3A_871 = arith.maximumf %max3A_743, %mul3A_870 : vector<16xf32>
        %get3A_872 = arith.index_cast %add3A_824 : i32 to index
        %get3A_873 = arith.constant 48 : index
        %get3A_874 = tpu.vector_load %arg11[%get3A_872, %get3A_873] {strides = array<i32>} : memref<256x128xf32, #tpu.memory_space<vmem>>, vector<1x16xf32>,
        %get3A_875 = vector.shape_cast %get3A_874 : vector<1x16xf32> to vector<16xf32>
        %get3A_876 = arith.index_cast %add3A_824 : i32 to index
        %get3A_877 = arith.constant 48 : index
        %get3A_878 = tpu.vector_load %arg12[%get3A_876, %get3A_877] {strides = array<i32>} : memref<256x128xf32, #tpu.memory_space<vmem>>, vector<1x16xf32>,
        %get3A_879 = vector.shape_cast %get3A_878 : vector<1x16xf32> to vector<16xf32>
        %add3A_880 = arith.addf %get3A_875, %get3A_879 : vector<16xf32>
        %max3A_881 = arith.constant 0.000000e+00 : f32
        %max3A_882 = vector.broadcast %max3A_881 : f32 to vector<16xf32>
        %max3A_883 = arith.maximumf %add3A_880, %max3A_882 : vector<16xf32>
        %mul3A_884 = vector.broadcast %squeeze3A_826 : f32 to vector<16xf32>
        %mul3A_885 = arith.mulf %max3A_883, %mul3A_884 : vector<16xf32>
        %max3A_886 = arith.maximumf %max3A_758, %mul3A_885 : vector<16xf32>
        %get3A_887 = arith.index_cast %add3A_824 : i32 to index
        %get3A_888 = arith.constant 64 : index
        %get3A_889 = tpu.vector_load %arg11[%get3A_887, %get3A_888] {strides = array<i32>} : memref<256x128xf32, #tpu.memory_space<vmem>>, vector<1x16xf32>,
        %get3A_890 = vector.shape_cast %get3A_889 : vector<1x16xf32> to vector<16xf32>
        %get3A_891 = arith.index_cast %add3A_824 : i32 to index
        %get3A_892 = arith.constant 64 : index
        %get3A_893 = tpu.vector_load %arg12[%get3A_891, %get3A_892] {strides = array<i32>} : memref<256x128xf32, #tpu.memory_space<vmem>>, vector<1x16xf32>,
        %get3A_894 = vector.shape_cast %get3A_893 : vector<1x16xf32> to vector<16xf32>
        %add3A_895 = arith.addf %get3A_890, %get3A_894 : vector<16xf32>
        %max3A_896 = arith.constant 0.000000e+00 : f32
        %max3A_897 = vector.broadcast %max3A_896 : f32 to vector<16xf32>
        %max3A_898 = arith.maximumf %add3A_895, %max3A_897 : vector<16xf32>
        %mul3A_899 = vector.broadcast %squeeze3A_826 : f32 to vector<16xf32>
        %mul3A_900 = arith.mulf %max3A_898, %mul3A_899 : vector<16xf32>
        %max3A_901 = arith.maximumf %max3A_773, %mul3A_900 : vector<16xf32>
        %get3A_902 = arith.index_cast %add3A_824 : i32 to index
        %get3A_903 = arith.constant 80 : index
        %get3A_904 = tpu.vector_load %arg11[%get3A_902, %get3A_903] {strides = array<i32>} : memref<256x128xf32, #tpu.memory_space<vmem>>, vector<1x16xf32>,
        %get3A_905 = vector.shape_cast %get3A_904 : vector<1x16xf32> to vector<16xf32>
        %get3A_906 = arith.index_cast %add3A_824 : i32 to index
        %get3A_907 = arith.constant 80 : index
        %get3A_908 = tpu.vector_load %arg12[%get3A_906, %get3A_907] {strides = array<i32>} : memref<256x128xf32, #tpu.memory_space<vmem>>, vector<1x16xf32>,
        %get3A_909 = vector.shape_cast %get3A_908 : vector<1x16xf32> to vector<16xf32>
        %add3A_910 = arith.addf %get3A_905, %get3A_909 : vector<16xf32>
        %max3A_911 = arith.constant 0.000000e+00 : f32
        %max3A_912 = vector.broadcast %max3A_911 : f32 to vector<16xf32>
        %max3A_913 = arith.maximumf %add3A_910, %max3A_912 : vector<16xf32>
        %mul3A_914 = vector.broadcast %squeeze3A_826 : f32 to vector<16xf32>
        %mul3A_915 = arith.mulf %max3A_913, %mul3A_914 : vector<16xf32>
        %max3A_916 = arith.maximumf %max3A_788, %mul3A_915 : vector<16xf32>
        %get3A_917 = arith.index_cast %add3A_824 : i32 to index
        %get3A_918 = arith.constant 96 : index
        %get3A_919 = tpu.vector_load %arg11[%get3A_917, %get3A_918] {strides = array<i32>} : memref<256x128xf32, #tpu.memory_space<vmem>>, vector<1x16xf32>,
        %get3A_920 = vector.shape_cast %get3A_919 : vector<1x16xf32> to vector<16xf32>
        %get3A_921 = arith.index_cast %add3A_824 : i32 to index
        %get3A_922 = arith.constant 96 : index
        %get3A_923 = tpu.vector_load %arg12[%get3A_921, %get3A_922] {strides = array<i32>} : memref<256x128xf32, #tpu.memory_space<vmem>>, vector<1x16xf32>,
        %get3A_924 = vector.shape_cast %get3A_923 : vector<1x16xf32> to vector<16xf32>
        %add3A_925 = arith.addf %get3A_920, %get3A_924 : vector<16xf32>
        %max3A_926 = arith.constant 0.000000e+00 : f32
        %max3A_927 = vector.broadcast %max3A_926 : f32 to vector<16xf32>
        %max3A_928 = arith.maximumf %add3A_925, %max3A_927 : vector<16xf32>
        %mul3A_929 = vector.broadcast %squeeze3A_826 : f32 to vector<16xf32>
        %mul3A_930 = arith.mulf %max3A_928, %mul3A_929 : vector<16xf32>
        %max3A_931 = arith.maximumf %max3A_803, %mul3A_930 : vector<16xf32>
        %get3A_932 = arith.index_cast %add3A_824 : i32 to index
        %get3A_933 = arith.constant 112 : index
        %get3A_934 = tpu.vector_load %arg11[%get3A_932, %get3A_933] {strides = array<i32>} : memref<256x128xf32, #tpu.memory_space<vmem>>, vector<1x16xf32>,
        %get3A_935 = vector.shape_cast %get3A_934 : vector<1x16xf32> to vector<16xf32>
        %get3A_936 = arith.index_cast %add3A_824 : i32 to index
        %get3A_937 = arith.constant 112 : index
        %get3A_938 = tpu.vector_load %arg12[%get3A_936, %get3A_937] {strides = array<i32>} : memref<256x128xf32, #tpu.memory_space<vmem>>, vector<1x16xf32>,
        %get3A_939 = vector.shape_cast %get3A_938 : vector<1x16xf32> to vector<16xf32>
        %add3A_940 = arith.addf %get3A_935, %get3A_939 : vector<16xf32>
        %max3A_941 = arith.constant 0.000000e+00 : f32
        %max3A_942 = vector.broadcast %max3A_941 : f32 to vector<16xf32>
        %max3A_943 = arith.maximumf %add3A_940, %max3A_942 : vector<16xf32>
        %mul3A_944 = vector.broadcast %squeeze3A_826 : f32 to vector<16xf32>
        %mul3A_945 = arith.mulf %max3A_943, %mul3A_944 : vector<16xf32>
        %max3A_946 = arith.maximumf %max3A_818, %mul3A_945 : vector<16xf32>
        %mul3A_947 = arith.constant 16 : i32
        %mul3A_948 = arith.muli %scan3A_159, %mul3A_947 : i32
        %add3A_949 = arith.constant 0 : i32
        %add3A_950 = arith.addi %add3A_949, %mul3A_948 : i32
        %add3A_951 = arith.constant 6 : i32
        %add3A_952 = arith.addi %add3A_950, %add3A_951 : i32
        %slice3A_953 = vector.extract_strided_slice %get3A_181 {offsets = [6], sizes = [1], strides = [1]} : vector<16xf32> to vector<1xf32>
        %squeeze3A_954 = vector.extract %slice3A_953[0] : f32 from vector<1xf32>
        %get3A_955 = arith.index_cast %add3A_952 : i32 to index
        %get3A_956 = arith.constant 0 : index
        %get3A_957 = tpu.vector_load %arg11[%get3A_955, %get3A_956] {strides = array<i32>} : memref<256x128xf32, #tpu.memory_space<vmem>>, vector<1x16xf32>,
        %get3A_958 = vector.shape_cast %get3A_957 : vector<1x16xf32> to vector<16xf32>
        %get3A_959 = arith.index_cast %add3A_952 : i32 to index
        %get3A_960 = arith.constant 0 : index
        %get3A_961 = tpu.vector_load %arg12[%get3A_959, %get3A_960] {strides = array<i32>} : memref<256x128xf32, #tpu.memory_space<vmem>>, vector<1x16xf32>,
        %get3A_962 = vector.shape_cast %get3A_961 : vector<1x16xf32> to vector<16xf32>
        %add3A_963 = arith.addf %get3A_958, %get3A_962 : vector<16xf32>
        %max3A_964 = arith.constant 0.000000e+00 : f32
        %max3A_965 = vector.broadcast %max3A_964 : f32 to vector<16xf32>
        %max3A_966 = arith.maximumf %add3A_963, %max3A_965 : vector<16xf32>
        %mul3A_967 = vector.broadcast %squeeze3A_954 : f32 to vector<16xf32>
        %mul3A_968 = arith.mulf %max3A_966, %mul3A_967 : vector<16xf32>
        %max3A_969 = arith.maximumf %max3A_841, %mul3A_968 : vector<16xf32>
        %get3A_970 = arith.index_cast %add3A_952 : i32 to index
        %get3A_971 = arith.constant 16 : index
        %get3A_972 = tpu.vector_load %arg11[%get3A_970, %get3A_971] {strides = array<i32>} : memref<256x128xf32, #tpu.memory_space<vmem>>, vector<1x16xf32>,
        %get3A_973 = vector.shape_cast %get3A_972 : vector<1x16xf32> to vector<16xf32>
        %get3A_974 = arith.index_cast %add3A_952 : i32 to index
        %get3A_975 = arith.constant 16 : index
        %get3A_976 = tpu.vector_load %arg12[%get3A_974, %get3A_975] {strides = array<i32>} : memref<256x128xf32, #tpu.memory_space<vmem>>, vector<1x16xf32>,
        %get3A_977 = vector.shape_cast %get3A_976 : vector<1x16xf32> to vector<16xf32>
        %add3A_978 = arith.addf %get3A_973, %get3A_977 : vector<16xf32>
        %max3A_979 = arith.constant 0.000000e+00 : f32
        %max3A_980 = vector.broadcast %max3A_979 : f32 to vector<16xf32>
        %max3A_981 = arith.maximumf %add3A_978, %max3A_980 : vector<16xf32>
        %mul3A_982 = vector.broadcast %squeeze3A_954 : f32 to vector<16xf32>
        %mul3A_983 = arith.mulf %max3A_981, %mul3A_982 : vector<16xf32>
        %max3A_984 = arith.maximumf %max3A_856, %mul3A_983 : vector<16xf32>
        %get3A_985 = arith.index_cast %add3A_952 : i32 to index
        %get3A_986 = arith.constant 32 : index
        %get3A_987 = tpu.vector_load %arg11[%get3A_985, %get3A_986] {strides = array<i32>} : memref<256x128xf32, #tpu.memory_space<vmem>>, vector<1x16xf32>,
        %get3A_988 = vector.shape_cast %get3A_987 : vector<1x16xf32> to vector<16xf32>
        %get3A_989 = arith.index_cast %add3A_952 : i32 to index
        %get3A_990 = arith.constant 32 : index
        %get3A_991 = tpu.vector_load %arg12[%get3A_989, %get3A_990] {strides = array<i32>} : memref<256x128xf32, #tpu.memory_space<vmem>>, vector<1x16xf32>,
        %get3A_992 = vector.shape_cast %get3A_991 : vector<1x16xf32> to vector<16xf32>
        %add3A_993 = arith.addf %get3A_988, %get3A_992 : vector<16xf32>
        %max3A_994 = arith.constant 0.000000e+00 : f32
        %max3A_995 = vector.broadcast %max3A_994 : f32 to vector<16xf32>
        %max3A_996 = arith.maximumf %add3A_993, %max3A_995 : vector<16xf32>
        %mul3A_997 = vector.broadcast %squeeze3A_954 : f32 to vector<16xf32>
        %mul3A_998 = arith.mulf %max3A_996, %mul3A_997 : vector<16xf32>
        %max3A_999 = arith.maximumf %max3A_871, %mul3A_998 : vector<16xf32>
        %get3A_1000 = arith.index_cast %add3A_952 : i32 to index
        %get3A_1001 = arith.constant 48 : index
        %get3A_1002 = tpu.vector_load %arg11[%get3A_1000, %get3A_1001] {strides = array<i32>} : memref<256x128xf32, #tpu.memory_space<vmem>>, vector<1x16xf32>,
        %get3A_1003 = vector.shape_cast %get3A_1002 : vector<1x16xf32> to vector<16xf32>
        %get3A_1004 = arith.index_cast %add3A_952 : i32 to index
        %get3A_1005 = arith.constant 48 : index
        %get3A_1006 = tpu.vector_load %arg12[%get3A_1004, %get3A_1005] {strides = array<i32>} : memref<256x128xf32, #tpu.memory_space<vmem>>, vector<1x16xf32>,
        %get3A_1007 = vector.shape_cast %get3A_1006 : vector<1x16xf32> to vector<16xf32>
        %add3A_1008 = arith.addf %get3A_1003, %get3A_1007 : vector<16xf32>
        %max3A_1009 = arith.constant 0.000000e+00 : f32
        %max3A_1010 = vector.broadcast %max3A_1009 : f32 to vector<16xf32>
        %max3A_1011 = arith.maximumf %add3A_1008, %max3A_1010 : vector<16xf32>
        %mul3A_1012 = vector.broadcast %squeeze3A_954 : f32 to vector<16xf32>
        %mul3A_1013 = arith.mulf %max3A_1011, %mul3A_1012 : vector<16xf32>
        %max3A_1014 = arith.maximumf %max3A_886, %mul3A_1013 : vector<16xf32>
        %get3A_1015 = arith.index_cast %add3A_952 : i32 to index
        %get3A_1016 = arith.constant 64 : index
        %get3A_1017 = tpu.vector_load %arg11[%get3A_1015, %get3A_1016] {strides = array<i32>} : memref<256x128xf32, #tpu.memory_space<vmem>>, vector<1x16xf32>,
        %get3A_1018 = vector.shape_cast %get3A_1017 : vector<1x16xf32> to vector<16xf32>
        %get3A_1019 = arith.index_cast %add3A_952 : i32 to index
        %get3A_1020 = arith.constant 64 : index
        %get3A_1021 = tpu.vector_load %arg12[%get3A_1019, %get3A_1020] {strides = array<i32>} : memref<256x128xf32, #tpu.memory_space<vmem>>, vector<1x16xf32>,
        %get3A_1022 = vector.shape_cast %get3A_1021 : vector<1x16xf32> to vector<16xf32>
        %add3A_1023 = arith.addf %get3A_1018, %get3A_1022 : vector<16xf32>
        %max3A_1024 = arith.constant 0.000000e+00 : f32
        %max3A_1025 = vector.broadcast %max3A_1024 : f32 to vector<16xf32>
        %max3A_1026 = arith.maximumf %add3A_1023, %max3A_1025 : vector<16xf32>
        %mul3A_1027 = vector.broadcast %squeeze3A_954 : f32 to vector<16xf32>
        %mul3A_1028 = arith.mulf %max3A_1026, %mul3A_1027 : vector<16xf32>
        %max3A_1029 = arith.maximumf %max3A_901, %mul3A_1028 : vector<16xf32>
        %get3A_1030 = arith.index_cast %add3A_952 : i32 to index
        %get3A_1031 = arith.constant 80 : index
        %get3A_1032 = tpu.vector_load %arg11[%get3A_1030, %get3A_1031] {strides = array<i32>} : memref<256x128xf32, #tpu.memory_space<vmem>>, vector<1x16xf32>,
        %get3A_1033 = vector.shape_cast %get3A_1032 : vector<1x16xf32> to vector<16xf32>
        %get3A_1034 = arith.index_cast %add3A_952 : i32 to index
        %get3A_1035 = arith.constant 80 : index
        %get3A_1036 = tpu.vector_load %arg12[%get3A_1034, %get3A_1035] {strides = array<i32>} : memref<256x128xf32, #tpu.memory_space<vmem>>, vector<1x16xf32>,
        %get3A_1037 = vector.shape_cast %get3A_1036 : vector<1x16xf32> to vector<16xf32>
        %add3A_1038 = arith.addf %get3A_1033, %get3A_1037 : vector<16xf32>
        %max3A_1039 = arith.constant 0.000000e+00 : f32
        %max3A_1040 = vector.broadcast %max3A_1039 : f32 to vector<16xf32>
        %max3A_1041 = arith.maximumf %add3A_1038, %max3A_1040 : vector<16xf32>
        %mul3A_1042 = vector.broadcast %squeeze3A_954 : f32 to vector<16xf32>
        %mul3A_1043 = arith.mulf %max3A_1041, %mul3A_1042 : vector<16xf32>
        %max3A_1044 = arith.maximumf %max3A_916, %mul3A_1043 : vector<16xf32>
        %get3A_1045 = arith.index_cast %add3A_952 : i32 to index
        %get3A_1046 = arith.constant 96 : index
        %get3A_1047 = tpu.vector_load %arg11[%get3A_1045, %get3A_1046] {strides = array<i32>} : memref<256x128xf32, #tpu.memory_space<vmem>>, vector<1x16xf32>,
        %get3A_1048 = vector.shape_cast %get3A_1047 : vector<1x16xf32> to vector<16xf32>
        %get3A_1049 = arith.index_cast %add3A_952 : i32 to index
        %get3A_1050 = arith.constant 96 : index
        %get3A_1051 = tpu.vector_load %arg12[%get3A_1049, %get3A_1050] {strides = array<i32>} : memref<256x128xf32, #tpu.memory_space<vmem>>, vector<1x16xf32>,
        %get3A_1052 = vector.shape_cast %get3A_1051 : vector<1x16xf32> to vector<16xf32>
        %add3A_1053 = arith.addf %get3A_1048, %get3A_1052 : vector<16xf32>
        %max3A_1054 = arith.constant 0.000000e+00 : f32
        %max3A_1055 = vector.broadcast %max3A_1054 : f32 to vector<16xf32>
        %max3A_1056 = arith.maximumf %add3A_1053, %max3A_1055 : vector<16xf32>
        %mul3A_1057 = vector.broadcast %squeeze3A_954 : f32 to vector<16xf32>
        %mul3A_1058 = arith.mulf %max3A_1056, %mul3A_1057 : vector<16xf32>
        %max3A_1059 = arith.maximumf %max3A_931, %mul3A_1058 : vector<16xf32>
        %get3A_1060 = arith.index_cast %add3A_952 : i32 to index
        %get3A_1061 = arith.constant 112 : index
        %get3A_1062 = tpu.vector_load %arg11[%get3A_1060, %get3A_1061] {strides = array<i32>} : memref<256x128xf32, #tpu.memory_space<vmem>>, vector<1x16xf32>,
        %get3A_1063 = vector.shape_cast %get3A_1062 : vector<1x16xf32> to vector<16xf32>
        %get3A_1064 = arith.index_cast %add3A_952 : i32 to index
        %get3A_1065 = arith.constant 112 : index
        %get3A_1066 = tpu.vector_load %arg12[%get3A_1064, %get3A_1065] {strides = array<i32>} : memref<256x128xf32, #tpu.memory_space<vmem>>, vector<1x16xf32>,
        %get3A_1067 = vector.shape_cast %get3A_1066 : vector<1x16xf32> to vector<16xf32>
        %add3A_1068 = arith.addf %get3A_1063, %get3A_1067 : vector<16xf32>
        %max3A_1069 = arith.constant 0.000000e+00 : f32
        %max3A_1070 = vector.broadcast %max3A_1069 : f32 to vector<16xf32>
        %max3A_1071 = arith.maximumf %add3A_1068, %max3A_1070 : vector<16xf32>
        %mul3A_1072 = vector.broadcast %squeeze3A_954 : f32 to vector<16xf32>
        %mul3A_1073 = arith.mulf %max3A_1071, %mul3A_1072 : vector<16xf32>
        %max3A_1074 = arith.maximumf %max3A_946, %mul3A_1073 : vector<16xf32>
        %mul3A_1075 = arith.constant 16 : i32
        %mul3A_1076 = arith.muli %scan3A_159, %mul3A_1075 : i32
        %add3A_1077 = arith.constant 0 : i32
        %add3A_1078 = arith.addi %add3A_1077, %mul3A_1076 : i32
        %add3A_1079 = arith.constant 7 : i32
        %add3A_1080 = arith.addi %add3A_1078, %add3A_1079 : i32
        %slice3A_1081 = vector.extract_strided_slice %get3A_181 {offsets = [7], sizes = [1], strides = [1]} : vector<16xf32> to vector<1xf32>
        %squeeze3A_1082 = vector.extract %slice3A_1081[0] : f32 from vector<1xf32>
        %get3A_1083 = arith.index_cast %add3A_1080 : i32 to index
        %get3A_1084 = arith.constant 0 : index
        %get3A_1085 = tpu.vector_load %arg11[%get3A_1083, %get3A_1084] {strides = array<i32>} : memref<256x128xf32, #tpu.memory_space<vmem>>, vector<1x16xf32>,
        %get3A_1086 = vector.shape_cast %get3A_1085 : vector<1x16xf32> to vector<16xf32>
        %get3A_1087 = arith.index_cast %add3A_1080 : i32 to index
        %get3A_1088 = arith.constant 0 : index
        %get3A_1089 = tpu.vector_load %arg12[%get3A_1087, %get3A_1088] {strides = array<i32>} : memref<256x128xf32, #tpu.memory_space<vmem>>, vector<1x16xf32>,
        %get3A_1090 = vector.shape_cast %get3A_1089 : vector<1x16xf32> to vector<16xf32>
        %add3A_1091 = arith.addf %get3A_1086, %get3A_1090 : vector<16xf32>
        %max3A_1092 = arith.constant 0.000000e+00 : f32
        %max3A_1093 = vector.broadcast %max3A_1092 : f32 to vector<16xf32>
        %max3A_1094 = arith.maximumf %add3A_1091, %max3A_1093 : vector<16xf32>
        %mul3A_1095 = vector.broadcast %squeeze3A_1082 : f32 to vector<16xf32>
        %mul3A_1096 = arith.mulf %max3A_1094, %mul3A_1095 : vector<16xf32>
        %max3A_1097 = arith.maximumf %max3A_969, %mul3A_1096 : vector<16xf32>
        %get3A_1098 = arith.index_cast %add3A_1080 : i32 to index
        %get3A_1099 = arith.constant 16 : index
        %get3A_1100 = tpu.vector_load %arg11[%get3A_1098, %get3A_1099] {strides = array<i32>} : memref<256x128xf32, #tpu.memory_space<vmem>>, vector<1x16xf32>,
        %get3A_1101 = vector.shape_cast %get3A_1100 : vector<1x16xf32> to vector<16xf32>
        %get3A_1102 = arith.index_cast %add3A_1080 : i32 to index
        %get3A_1103 = arith.constant 16 : index
        %get3A_1104 = tpu.vector_load %arg12[%get3A_1102, %get3A_1103] {strides = array<i32>} : memref<256x128xf32, #tpu.memory_space<vmem>>, vector<1x16xf32>,
        %get3A_1105 = vector.shape_cast %get3A_1104 : vector<1x16xf32> to vector<16xf32>
        %add3A_1106 = arith.addf %get3A_1101, %get3A_1105 : vector<16xf32>
        %max3A_1107 = arith.constant 0.000000e+00 : f32
        %max3A_1108 = vector.broadcast %max3A_1107 : f32 to vector<16xf32>
        %max3A_1109 = arith.maximumf %add3A_1106, %max3A_1108 : vector<16xf32>
        %mul3A_1110 = vector.broadcast %squeeze3A_1082 : f32 to vector<16xf32>
        %mul3A_1111 = arith.mulf %max3A_1109, %mul3A_1110 : vector<16xf32>
        %max3A_1112 = arith.maximumf %max3A_984, %mul3A_1111 : vector<16xf32>
        %get3A_1113 = arith.index_cast %add3A_1080 : i32 to index
        %get3A_1114 = arith.constant 32 : index
        %get3A_1115 = tpu.vector_load %arg11[%get3A_1113, %get3A_1114] {strides = array<i32>} : memref<256x128xf32, #tpu.memory_space<vmem>>, vector<1x16xf32>,
        %get3A_1116 = vector.shape_cast %get3A_1115 : vector<1x16xf32> to vector<16xf32>
        %get3A_1117 = arith.index_cast %add3A_1080 : i32 to index
        %get3A_1118 = arith.constant 32 : index
        %get3A_1119 = tpu.vector_load %arg12[%get3A_1117, %get3A_1118] {strides = array<i32>} : memref<256x128xf32, #tpu.memory_space<vmem>>, vector<1x16xf32>,
        %get3A_1120 = vector.shape_cast %get3A_1119 : vector<1x16xf32> to vector<16xf32>
        %add3A_1121 = arith.addf %get3A_1116, %get3A_1120 : vector<16xf32>
        %max3A_1122 = arith.constant 0.000000e+00 : f32
        %max3A_1123 = vector.broadcast %max3A_1122 : f32 to vector<16xf32>
        %max3A_1124 = arith.maximumf %add3A_1121, %max3A_1123 : vector<16xf32>
        %mul3A_1125 = vector.broadcast %squeeze3A_1082 : f32 to vector<16xf32>
        %mul3A_1126 = arith.mulf %max3A_1124, %mul3A_1125 : vector<16xf32>
        %max3A_1127 = arith.maximumf %max3A_999, %mul3A_1126 : vector<16xf32>
        %get3A_1128 = arith.index_cast %add3A_1080 : i32 to index
        %get3A_1129 = arith.constant 48 : index
        %get3A_1130 = tpu.vector_load %arg11[%get3A_1128, %get3A_1129] {strides = array<i32>} : memref<256x128xf32, #tpu.memory_space<vmem>>, vector<1x16xf32>,
        %get3A_1131 = vector.shape_cast %get3A_1130 : vector<1x16xf32> to vector<16xf32>
        %get3A_1132 = arith.index_cast %add3A_1080 : i32 to index
        %get3A_1133 = arith.constant 48 : index
        %get3A_1134 = tpu.vector_load %arg12[%get3A_1132, %get3A_1133] {strides = array<i32>} : memref<256x128xf32, #tpu.memory_space<vmem>>, vector<1x16xf32>,
        %get3A_1135 = vector.shape_cast %get3A_1134 : vector<1x16xf32> to vector<16xf32>
        %add3A_1136 = arith.addf %get3A_1131, %get3A_1135 : vector<16xf32>
        %max3A_1137 = arith.constant 0.000000e+00 : f32
        %max3A_1138 = vector.broadcast %max3A_1137 : f32 to vector<16xf32>
        %max3A_1139 = arith.maximumf %add3A_1136, %max3A_1138 : vector<16xf32>
        %mul3A_1140 = vector.broadcast %squeeze3A_1082 : f32 to vector<16xf32>
        %mul3A_1141 = arith.mulf %max3A_1139, %mul3A_1140 : vector<16xf32>
        %max3A_1142 = arith.maximumf %max3A_1014, %mul3A_1141 : vector<16xf32>
        %get3A_1143 = arith.index_cast %add3A_1080 : i32 to index
        %get3A_1144 = arith.constant 64 : index
        %get3A_1145 = tpu.vector_load %arg11[%get3A_1143, %get3A_1144] {strides = array<i32>} : memref<256x128xf32, #tpu.memory_space<vmem>>, vector<1x16xf32>,
        %get3A_1146 = vector.shape_cast %get3A_1145 : vector<1x16xf32> to vector<16xf32>
        %get3A_1147 = arith.index_cast %add3A_1080 : i32 to index
        %get3A_1148 = arith.constant 64 : index
        %get3A_1149 = tpu.vector_load %arg12[%get3A_1147, %get3A_1148] {strides = array<i32>} : memref<256x128xf32, #tpu.memory_space<vmem>>, vector<1x16xf32>,
        %get3A_1150 = vector.shape_cast %get3A_1149 : vector<1x16xf32> to vector<16xf32>
        %add3A_1151 = arith.addf %get3A_1146, %get3A_1150 : vector<16xf32>
        %max3A_1152 = arith.constant 0.000000e+00 : f32
        %max3A_1153 = vector.broadcast %max3A_1152 : f32 to vector<16xf32>
        %max3A_1154 = arith.maximumf %add3A_1151, %max3A_1153 : vector<16xf32>
        %mul3A_1155 = vector.broadcast %squeeze3A_1082 : f32 to vector<16xf32>
        %mul3A_1156 = arith.mulf %max3A_1154, %mul3A_1155 : vector<16xf32>
        %max3A_1157 = arith.maximumf %max3A_1029, %mul3A_1156 : vector<16xf32>
        %get3A_1158 = arith.index_cast %add3A_1080 : i32 to index
        %get3A_1159 = arith.constant 80 : index
        %get3A_1160 = tpu.vector_load %arg11[%get3A_1158, %get3A_1159] {strides = array<i32>} : memref<256x128xf32, #tpu.memory_space<vmem>>, vector<1x16xf32>,
        %get3A_1161 = vector.shape_cast %get3A_1160 : vector<1x16xf32> to vector<16xf32>
        %get3A_1162 = arith.index_cast %add3A_1080 : i32 to index
        %get3A_1163 = arith.constant 80 : index
        %get3A_1164 = tpu.vector_load %arg12[%get3A_1162, %get3A_1163] {strides = array<i32>} : memref<256x128xf32, #tpu.memory_space<vmem>>, vector<1x16xf32>,
        %get3A_1165 = vector.shape_cast %get3A_1164 : vector<1x16xf32> to vector<16xf32>
        %add3A_1166 = arith.addf %get3A_1161, %get3A_1165 : vector<16xf32>
        %max3A_1167 = arith.constant 0.000000e+00 : f32
        %max3A_1168 = vector.broadcast %max3A_1167 : f32 to vector<16xf32>
        %max3A_1169 = arith.maximumf %add3A_1166, %max3A_1168 : vector<16xf32>
        %mul3A_1170 = vector.broadcast %squeeze3A_1082 : f32 to vector<16xf32>
        %mul3A_1171 = arith.mulf %max3A_1169, %mul3A_1170 : vector<16xf32>
        %max3A_1172 = arith.maximumf %max3A_1044, %mul3A_1171 : vector<16xf32>
        %get3A_1173 = arith.index_cast %add3A_1080 : i32 to index
        %get3A_1174 = arith.constant 96 : index
        %get3A_1175 = tpu.vector_load %arg11[%get3A_1173, %get3A_1174] {strides = array<i32>} : memref<256x128xf32, #tpu.memory_space<vmem>>, vector<1x16xf32>,
        %get3A_1176 = vector.shape_cast %get3A_1175 : vector<1x16xf32> to vector<16xf32>
        %get3A_1177 = arith.index_cast %add3A_1080 : i32 to index
        %get3A_1178 = arith.constant 96 : index
        %get3A_1179 = tpu.vector_load %arg12[%get3A_1177, %get3A_1178] {strides = array<i32>} : memref<256x128xf32, #tpu.memory_space<vmem>>, vector<1x16xf32>,
        %get3A_1180 = vector.shape_cast %get3A_1179 : vector<1x16xf32> to vector<16xf32>
        %add3A_1181 = arith.addf %get3A_1176, %get3A_1180 : vector<16xf32>
        %max3A_1182 = arith.constant 0.000000e+00 : f32
        %max3A_1183 = vector.broadcast %max3A_1182 : f32 to vector<16xf32>
        %max3A_1184 = arith.maximumf %add3A_1181, %max3A_1183 : vector<16xf32>
        %mul3A_1185 = vector.broadcast %squeeze3A_1082 : f32 to vector<16xf32>
        %mul3A_1186 = arith.mulf %max3A_1184, %mul3A_1185 : vector<16xf32>
        %max3A_1187 = arith.maximumf %max3A_1059, %mul3A_1186 : vector<16xf32>
        %get3A_1188 = arith.index_cast %add3A_1080 : i32 to index
        %get3A_1189 = arith.constant 112 : index
        %get3A_1190 = tpu.vector_load %arg11[%get3A_1188, %get3A_1189] {strides = array<i32>} : memref<256x128xf32, #tpu.memory_space<vmem>>, vector<1x16xf32>,
        %get3A_1191 = vector.shape_cast %get3A_1190 : vector<1x16xf32> to vector<16xf32>
        %get3A_1192 = arith.index_cast %add3A_1080 : i32 to index
        %get3A_1193 = arith.constant 112 : index
        %get3A_1194 = tpu.vector_load %arg12[%get3A_1192, %get3A_1193] {strides = array<i32>} : memref<256x128xf32, #tpu.memory_space<vmem>>, vector<1x16xf32>,
        %get3A_1195 = vector.shape_cast %get3A_1194 : vector<1x16xf32> to vector<16xf32>
        %add3A_1196 = arith.addf %get3A_1191, %get3A_1195 : vector<16xf32>
        %max3A_1197 = arith.constant 0.000000e+00 : f32
        %max3A_1198 = vector.broadcast %max3A_1197 : f32 to vector<16xf32>
        %max3A_1199 = arith.maximumf %add3A_1196, %max3A_1198 : vector<16xf32>
        %mul3A_1200 = vector.broadcast %squeeze3A_1082 : f32 to vector<16xf32>
        %mul3A_1201 = arith.mulf %max3A_1199, %mul3A_1200 : vector<16xf32>
        %max3A_1202 = arith.maximumf %max3A_1074, %mul3A_1201 : vector<16xf32>
        %mul3A_1203 = arith.constant 16 : i32
        %mul3A_1204 = arith.muli %scan3A_159, %mul3A_1203 : i32
        %add3A_1205 = arith.constant 0 : i32
        %add3A_1206 = arith.addi %add3A_1205, %mul3A_1204 : i32
        %add3A_1207 = arith.constant 8 : i32
        %add3A_1208 = arith.addi %add3A_1206, %add3A_1207 : i32
        %slice3A_1209 = vector.extract_strided_slice %get3A_181 {offsets = [8], sizes = [1], strides = [1]} : vector<16xf32> to vector<1xf32>
        %squeeze3A_1210 = vector.extract %slice3A_1209[0] : f32 from vector<1xf32>
        %get3A_1211 = arith.index_cast %add3A_1208 : i32 to index
        %get3A_1212 = arith.constant 0 : index
        %get3A_1213 = tpu.vector_load %arg11[%get3A_1211, %get3A_1212] {strides = array<i32>} : memref<256x128xf32, #tpu.memory_space<vmem>>, vector<1x16xf32>,
        %get3A_1214 = vector.shape_cast %get3A_1213 : vector<1x16xf32> to vector<16xf32>
        %get3A_1215 = arith.index_cast %add3A_1208 : i32 to index
        %get3A_1216 = arith.constant 0 : index
        %get3A_1217 = tpu.vector_load %arg12[%get3A_1215, %get3A_1216] {strides = array<i32>} : memref<256x128xf32, #tpu.memory_space<vmem>>, vector<1x16xf32>,
        %get3A_1218 = vector.shape_cast %get3A_1217 : vector<1x16xf32> to vector<16xf32>
        %add3A_1219 = arith.addf %get3A_1214, %get3A_1218 : vector<16xf32>
        %max3A_1220 = arith.constant 0.000000e+00 : f32
        %max3A_1221 = vector.broadcast %max3A_1220 : f32 to vector<16xf32>
        %max3A_1222 = arith.maximumf %add3A_1219, %max3A_1221 : vector<16xf32>
        %mul3A_1223 = vector.broadcast %squeeze3A_1210 : f32 to vector<16xf32>
        %mul3A_1224 = arith.mulf %max3A_1222, %mul3A_1223 : vector<16xf32>
        %max3A_1225 = arith.maximumf %max3A_1097, %mul3A_1224 : vector<16xf32>
        %get3A_1226 = arith.index_cast %add3A_1208 : i32 to index
        %get3A_1227 = arith.constant 16 : index
        %get3A_1228 = tpu.vector_load %arg11[%get3A_1226, %get3A_1227] {strides = array<i32>} : memref<256x128xf32, #tpu.memory_space<vmem>>, vector<1x16xf32>,
        %get3A_1229 = vector.shape_cast %get3A_1228 : vector<1x16xf32> to vector<16xf32>
        %get3A_1230 = arith.index_cast %add3A_1208 : i32 to index
        %get3A_1231 = arith.constant 16 : index
        %get3A_1232 = tpu.vector_load %arg12[%get3A_1230, %get3A_1231] {strides = array<i32>} : memref<256x128xf32, #tpu.memory_space<vmem>>, vector<1x16xf32>,
        %get3A_1233 = vector.shape_cast %get3A_1232 : vector<1x16xf32> to vector<16xf32>
        %add3A_1234 = arith.addf %get3A_1229, %get3A_1233 : vector<16xf32>
        %max3A_1235 = arith.constant 0.000000e+00 : f32
        %max3A_1236 = vector.broadcast %max3A_1235 : f32 to vector<16xf32>
        %max3A_1237 = arith.maximumf %add3A_1234, %max3A_1236 : vector<16xf32>
        %mul3A_1238 = vector.broadcast %squeeze3A_1210 : f32 to vector<16xf32>
        %mul3A_1239 = arith.mulf %max3A_1237, %mul3A_1238 : vector<16xf32>
        %max3A_1240 = arith.maximumf %max3A_1112, %mul3A_1239 : vector<16xf32>
        %get3A_1241 = arith.index_cast %add3A_1208 : i32 to index
        %get3A_1242 = arith.constant 32 : index
        %get3A_1243 = tpu.vector_load %arg11[%get3A_1241, %get3A_1242] {strides = array<i32>} : memref<256x128xf32, #tpu.memory_space<vmem>>, vector<1x16xf32>,
        %get3A_1244 = vector.shape_cast %get3A_1243 : vector<1x16xf32> to vector<16xf32>
        %get3A_1245 = arith.index_cast %add3A_1208 : i32 to index
        %get3A_1246 = arith.constant 32 : index
        %get3A_1247 = tpu.vector_load %arg12[%get3A_1245, %get3A_1246] {strides = array<i32>} : memref<256x128xf32, #tpu.memory_space<vmem>>, vector<1x16xf32>,
        %get3A_1248 = vector.shape_cast %get3A_1247 : vector<1x16xf32> to vector<16xf32>
        %add3A_1249 = arith.addf %get3A_1244, %get3A_1248 : vector<16xf32>
        %max3A_1250 = arith.constant 0.000000e+00 : f32
        %max3A_1251 = vector.broadcast %max3A_1250 : f32 to vector<16xf32>
        %max3A_1252 = arith.maximumf %add3A_1249, %max3A_1251 : vector<16xf32>
        %mul3A_1253 = vector.broadcast %squeeze3A_1210 : f32 to vector<16xf32>
        %mul3A_1254 = arith.mulf %max3A_1252, %mul3A_1253 : vector<16xf32>
        %max3A_1255 = arith.maximumf %max3A_1127, %mul3A_1254 : vector<16xf32>
        %get3A_1256 = arith.index_cast %add3A_1208 : i32 to index
        %get3A_1257 = arith.constant 48 : index
        %get3A_1258 = tpu.vector_load %arg11[%get3A_1256, %get3A_1257] {strides = array<i32>} : memref<256x128xf32, #tpu.memory_space<vmem>>, vector<1x16xf32>,
        %get3A_1259 = vector.shape_cast %get3A_1258 : vector<1x16xf32> to vector<16xf32>
        %get3A_1260 = arith.index_cast %add3A_1208 : i32 to index
        %get3A_1261 = arith.constant 48 : index
        %get3A_1262 = tpu.vector_load %arg12[%get3A_1260, %get3A_1261] {strides = array<i32>} : memref<256x128xf32, #tpu.memory_space<vmem>>, vector<1x16xf32>,
        %get3A_1263 = vector.shape_cast %get3A_1262 : vector<1x16xf32> to vector<16xf32>
        %add3A_1264 = arith.addf %get3A_1259, %get3A_1263 : vector<16xf32>
        %max3A_1265 = arith.constant 0.000000e+00 : f32
        %max3A_1266 = vector.broadcast %max3A_1265 : f32 to vector<16xf32>
        %max3A_1267 = arith.maximumf %add3A_1264, %max3A_1266 : vector<16xf32>
        %mul3A_1268 = vector.broadcast %squeeze3A_1210 : f32 to vector<16xf32>
        %mul3A_1269 = arith.mulf %max3A_1267, %mul3A_1268 : vector<16xf32>
        %max3A_1270 = arith.maximumf %max3A_1142, %mul3A_1269 : vector<16xf32>
        %get3A_1271 = arith.index_cast %add3A_1208 : i32 to index
        %get3A_1272 = arith.constant 64 : index
        %get3A_1273 = tpu.vector_load %arg11[%get3A_1271, %get3A_1272] {strides = array<i32>} : memref<256x128xf32, #tpu.memory_space<vmem>>, vector<1x16xf32>,
        %get3A_1274 = vector.shape_cast %get3A_1273 : vector<1x16xf32> to vector<16xf32>
        %get3A_1275 = arith.index_cast %add3A_1208 : i32 to index
        %get3A_1276 = arith.constant 64 : index
        %get3A_1277 = tpu.vector_load %arg12[%get3A_1275, %get3A_1276] {strides = array<i32>} : memref<256x128xf32, #tpu.memory_space<vmem>>, vector<1x16xf32>,
        %get3A_1278 = vector.shape_cast %get3A_1277 : vector<1x16xf32> to vector<16xf32>
        %add3A_1279 = arith.addf %get3A_1274, %get3A_1278 : vector<16xf32>
        %max3A_1280 = arith.constant 0.000000e+00 : f32
        %max3A_1281 = vector.broadcast %max3A_1280 : f32 to vector<16xf32>
        %max3A_1282 = arith.maximumf %add3A_1279, %max3A_1281 : vector<16xf32>
        %mul3A_1283 = vector.broadcast %squeeze3A_1210 : f32 to vector<16xf32>
        %mul3A_1284 = arith.mulf %max3A_1282, %mul3A_1283 : vector<16xf32>
        %max3A_1285 = arith.maximumf %max3A_1157, %mul3A_1284 : vector<16xf32>
        %get3A_1286 = arith.index_cast %add3A_1208 : i32 to index
        %get3A_1287 = arith.constant 80 : index
        %get3A_1288 = tpu.vector_load %arg11[%get3A_1286, %get3A_1287] {strides = array<i32>} : memref<256x128xf32, #tpu.memory_space<vmem>>, vector<1x16xf32>,
        %get3A_1289 = vector.shape_cast %get3A_1288 : vector<1x16xf32> to vector<16xf32>
        %get3A_1290 = arith.index_cast %add3A_1208 : i32 to index
        %get3A_1291 = arith.constant 80 : index
        %get3A_1292 = tpu.vector_load %arg12[%get3A_1290, %get3A_1291] {strides = array<i32>} : memref<256x128xf32, #tpu.memory_space<vmem>>, vector<1x16xf32>,
        %get3A_1293 = vector.shape_cast %get3A_1292 : vector<1x16xf32> to vector<16xf32>
        %add3A_1294 = arith.addf %get3A_1289, %get3A_1293 : vector<16xf32>
        %max3A_1295 = arith.constant 0.000000e+00 : f32
        %max3A_1296 = vector.broadcast %max3A_1295 : f32 to vector<16xf32>
        %max3A_1297 = arith.maximumf %add3A_1294, %max3A_1296 : vector<16xf32>
        %mul3A_1298 = vector.broadcast %squeeze3A_1210 : f32 to vector<16xf32>
        %mul3A_1299 = arith.mulf %max3A_1297, %mul3A_1298 : vector<16xf32>
        %max3A_1300 = arith.maximumf %max3A_1172, %mul3A_1299 : vector<16xf32>
        %get3A_1301 = arith.index_cast %add3A_1208 : i32 to index
        %get3A_1302 = arith.constant 96 : index
        %get3A_1303 = tpu.vector_load %arg11[%get3A_1301, %get3A_1302] {strides = array<i32>} : memref<256x128xf32, #tpu.memory_space<vmem>>, vector<1x16xf32>,
        %get3A_1304 = vector.shape_cast %get3A_1303 : vector<1x16xf32> to vector<16xf32>
        %get3A_1305 = arith.index_cast %add3A_1208 : i32 to index
        %get3A_1306 = arith.constant 96 : index
        %get3A_1307 = tpu.vector_load %arg12[%get3A_1305, %get3A_1306] {strides = array<i32>} : memref<256x128xf32, #tpu.memory_space<vmem>>, vector<1x16xf32>,
        %get3A_1308 = vector.shape_cast %get3A_1307 : vector<1x16xf32> to vector<16xf32>
        %add3A_1309 = arith.addf %get3A_1304, %get3A_1308 : vector<16xf32>
        %max3A_1310 = arith.constant 0.000000e+00 : f32
        %max3A_1311 = vector.broadcast %max3A_1310 : f32 to vector<16xf32>
        %max3A_1312 = arith.maximumf %add3A_1309, %max3A_1311 : vector<16xf32>
        %mul3A_1313 = vector.broadcast %squeeze3A_1210 : f32 to vector<16xf32>
        %mul3A_1314 = arith.mulf %max3A_1312, %mul3A_1313 : vector<16xf32>
        %max3A_1315 = arith.maximumf %max3A_1187, %mul3A_1314 : vector<16xf32>
        %get3A_1316 = arith.index_cast %add3A_1208 : i32 to index
        %get3A_1317 = arith.constant 112 : index
        %get3A_1318 = tpu.vector_load %arg11[%get3A_1316, %get3A_1317] {strides = array<i32>} : memref<256x128xf32, #tpu.memory_space<vmem>>, vector<1x16xf32>,
        %get3A_1319 = vector.shape_cast %get3A_1318 : vector<1x16xf32> to vector<16xf32>
        %get3A_1320 = arith.index_cast %add3A_1208 : i32 to index
        %get3A_1321 = arith.constant 112 : index
        %get3A_1322 = tpu.vector_load %arg12[%get3A_1320, %get3A_1321] {strides = array<i32>} : memref<256x128xf32, #tpu.memory_space<vmem>>, vector<1x16xf32>,
        %get3A_1323 = vector.shape_cast %get3A_1322 : vector<1x16xf32> to vector<16xf32>
        %add3A_1324 = arith.addf %get3A_1319, %get3A_1323 : vector<16xf32>
        %max3A_1325 = arith.constant 0.000000e+00 : f32
        %max3A_1326 = vector.broadcast %max3A_1325 : f32 to vector<16xf32>
        %max3A_1327 = arith.maximumf %add3A_1324, %max3A_1326 : vector<16xf32>
        %mul3A_1328 = vector.broadcast %squeeze3A_1210 : f32 to vector<16xf32>
        %mul3A_1329 = arith.mulf %max3A_1327, %mul3A_1328 : vector<16xf32>
        %max3A_1330 = arith.maximumf %max3A_1202, %mul3A_1329 : vector<16xf32>
        %mul3A_1331 = arith.constant 16 : i32
        %mul3A_1332 = arith.muli %scan3A_159, %mul3A_1331 : i32
        %add3A_1333 = arith.constant 0 : i32
        %add3A_1334 = arith.addi %add3A_1333, %mul3A_1332 : i32
        %add3A_1335 = arith.constant 9 : i32
        %add3A_1336 = arith.addi %add3A_1334, %add3A_1335 : i32
        %slice3A_1337 = vector.extract_strided_slice %get3A_181 {offsets = [9], sizes = [1], strides = [1]} : vector<16xf32> to vector<1xf32>
        %squeeze3A_1338 = vector.extract %slice3A_1337[0] : f32 from vector<1xf32>
        %get3A_1339 = arith.index_cast %add3A_1336 : i32 to index
        %get3A_1340 = arith.constant 0 : index
        %get3A_1341 = tpu.vector_load %arg11[%get3A_1339, %get3A_1340] {strides = array<i32>} : memref<256x128xf32, #tpu.memory_space<vmem>>, vector<1x16xf32>,
        %get3A_1342 = vector.shape_cast %get3A_1341 : vector<1x16xf32> to vector<16xf32>
        %get3A_1343 = arith.index_cast %add3A_1336 : i32 to index
        %get3A_1344 = arith.constant 0 : index
        %get3A_1345 = tpu.vector_load %arg12[%get3A_1343, %get3A_1344] {strides = array<i32>} : memref<256x128xf32, #tpu.memory_space<vmem>>, vector<1x16xf32>,
        %get3A_1346 = vector.shape_cast %get3A_1345 : vector<1x16xf32> to vector<16xf32>
        %add3A_1347 = arith.addf %get3A_1342, %get3A_1346 : vector<16xf32>
        %max3A_1348 = arith.constant 0.000000e+00 : f32
        %max3A_1349 = vector.broadcast %max3A_1348 : f32 to vector<16xf32>
        %max3A_1350 = arith.maximumf %add3A_1347, %max3A_1349 : vector<16xf32>
        %mul3A_1351 = vector.broadcast %squeeze3A_1338 : f32 to vector<16xf32>
        %mul3A_1352 = arith.mulf %max3A_1350, %mul3A_1351 : vector<16xf32>
        %max3A_1353 = arith.maximumf %max3A_1225, %mul3A_1352 : vector<16xf32>
        %get3A_1354 = arith.index_cast %add3A_1336 : i32 to index
        %get3A_1355 = arith.constant 16 : index
        %get3A_1356 = tpu.vector_load %arg11[%get3A_1354, %get3A_1355] {strides = array<i32>} : memref<256x128xf32, #tpu.memory_space<vmem>>, vector<1x16xf32>,
        %get3A_1357 = vector.shape_cast %get3A_1356 : vector<1x16xf32> to vector<16xf32>
        %get3A_1358 = arith.index_cast %add3A_1336 : i32 to index
        %get3A_1359 = arith.constant 16 : index
        %get3A_1360 = tpu.vector_load %arg12[%get3A_1358, %get3A_1359] {strides = array<i32>} : memref<256x128xf32, #tpu.memory_space<vmem>>, vector<1x16xf32>,
        %get3A_1361 = vector.shape_cast %get3A_1360 : vector<1x16xf32> to vector<16xf32>
        %add3A_1362 = arith.addf %get3A_1357, %get3A_1361 : vector<16xf32>
        %max3A_1363 = arith.constant 0.000000e+00 : f32
        %max3A_1364 = vector.broadcast %max3A_1363 : f32 to vector<16xf32>
        %max3A_1365 = arith.maximumf %add3A_1362, %max3A_1364 : vector<16xf32>
        %mul3A_1366 = vector.broadcast %squeeze3A_1338 : f32 to vector<16xf32>
        %mul3A_1367 = arith.mulf %max3A_1365, %mul3A_1366 : vector<16xf32>
        %max3A_1368 = arith.maximumf %max3A_1240, %mul3A_1367 : vector<16xf32>
        %get3A_1369 = arith.index_cast %add3A_1336 : i32 to index
        %get3A_1370 = arith.constant 32 : index
        %get3A_1371 = tpu.vector_load %arg11[%get3A_1369, %get3A_1370] {strides = array<i32>} : memref<256x128xf32, #tpu.memory_space<vmem>>, vector<1x16xf32>,
        %get3A_1372 = vector.shape_cast %get3A_1371 : vector<1x16xf32> to vector<16xf32>
        %get3A_1373 = arith.index_cast %add3A_1336 : i32 to index
        %get3A_1374 = arith.constant 32 : index
        %get3A_1375 = tpu.vector_load %arg12[%get3A_1373, %get3A_1374] {strides = array<i32>} : memref<256x128xf32, #tpu.memory_space<vmem>>, vector<1x16xf32>,
        %get3A_1376 = vector.shape_cast %get3A_1375 : vector<1x16xf32> to vector<16xf32>
        %add3A_1377 = arith.addf %get3A_1372, %get3A_1376 : vector<16xf32>
        %max3A_1378 = arith.constant 0.000000e+00 : f32
        %max3A_1379 = vector.broadcast %max3A_1378 : f32 to vector<16xf32>
        %max3A_1380 = arith.maximumf %add3A_1377, %max3A_1379 : vector<16xf32>
        %mul3A_1381 = vector.broadcast %squeeze3A_1338 : f32 to vector<16xf32>
        %mul3A_1382 = arith.mulf %max3A_1380, %mul3A_1381 : vector<16xf32>
        %max3A_1383 = arith.maximumf %max3A_1255, %mul3A_1382 : vector<16xf32>
        %get3A_1384 = arith.index_cast %add3A_1336 : i32 to index
        %get3A_1385 = arith.constant 48 : index
        %get3A_1386 = tpu.vector_load %arg11[%get3A_1384, %get3A_1385] {strides = array<i32>} : memref<256x128xf32, #tpu.memory_space<vmem>>, vector<1x16xf32>,
        %get3A_1387 = vector.shape_cast %get3A_1386 : vector<1x16xf32> to vector<16xf32>
        %get3A_1388 = arith.index_cast %add3A_1336 : i32 to index
        %get3A_1389 = arith.constant 48 : index
        %get3A_1390 = tpu.vector_load %arg12[%get3A_1388, %get3A_1389] {strides = array<i32>} : memref<256x128xf32, #tpu.memory_space<vmem>>, vector<1x16xf32>,
        %get3A_1391 = vector.shape_cast %get3A_1390 : vector<1x16xf32> to vector<16xf32>
        %add3A_1392 = arith.addf %get3A_1387, %get3A_1391 : vector<16xf32>
        %max3A_1393 = arith.constant 0.000000e+00 : f32
        %max3A_1394 = vector.broadcast %max3A_1393 : f32 to vector<16xf32>
        %max3A_1395 = arith.maximumf %add3A_1392, %max3A_1394 : vector<16xf32>
        %mul3A_1396 = vector.broadcast %squeeze3A_1338 : f32 to vector<16xf32>
        %mul3A_1397 = arith.mulf %max3A_1395, %mul3A_1396 : vector<16xf32>
        %max3A_1398 = arith.maximumf %max3A_1270, %mul3A_1397 : vector<16xf32>
        %get3A_1399 = arith.index_cast %add3A_1336 : i32 to index
        %get3A_1400 = arith.constant 64 : index
        %get3A_1401 = tpu.vector_load %arg11[%get3A_1399, %get3A_1400] {strides = array<i32>} : memref<256x128xf32, #tpu.memory_space<vmem>>, vector<1x16xf32>,
        %get3A_1402 = vector.shape_cast %get3A_1401 : vector<1x16xf32> to vector<16xf32>
        %get3A_1403 = arith.index_cast %add3A_1336 : i32 to index
        %get3A_1404 = arith.constant 64 : index
        %get3A_1405 = tpu.vector_load %arg12[%get3A_1403, %get3A_1404] {strides = array<i32>} : memref<256x128xf32, #tpu.memory_space<vmem>>, vector<1x16xf32>,
        %get3A_1406 = vector.shape_cast %get3A_1405 : vector<1x16xf32> to vector<16xf32>
        %add3A_1407 = arith.addf %get3A_1402, %get3A_1406 : vector<16xf32>
        %max3A_1408 = arith.constant 0.000000e+00 : f32
        %max3A_1409 = vector.broadcast %max3A_1408 : f32 to vector<16xf32>
        %max3A_1410 = arith.maximumf %add3A_1407, %max3A_1409 : vector<16xf32>
        %mul3A_1411 = vector.broadcast %squeeze3A_1338 : f32 to vector<16xf32>
        %mul3A_1412 = arith.mulf %max3A_1410, %mul3A_1411 : vector<16xf32>
        %max3A_1413 = arith.maximumf %max3A_1285, %mul3A_1412 : vector<16xf32>
        %get3A_1414 = arith.index_cast %add3A_1336 : i32 to index
        %get3A_1415 = arith.constant 80 : index
        %get3A_1416 = tpu.vector_load %arg11[%get3A_1414, %get3A_1415] {strides = array<i32>} : memref<256x128xf32, #tpu.memory_space<vmem>>, vector<1x16xf32>,
        %get3A_1417 = vector.shape_cast %get3A_1416 : vector<1x16xf32> to vector<16xf32>
        %get3A_1418 = arith.index_cast %add3A_1336 : i32 to index
        %get3A_1419 = arith.constant 80 : index
        %get3A_1420 = tpu.vector_load %arg12[%get3A_1418, %get3A_1419] {strides = array<i32>} : memref<256x128xf32, #tpu.memory_space<vmem>>, vector<1x16xf32>,
        %get3A_1421 = vector.shape_cast %get3A_1420 : vector<1x16xf32> to vector<16xf32>
        %add3A_1422 = arith.addf %get3A_1417, %get3A_1421 : vector<16xf32>
        %max3A_1423 = arith.constant 0.000000e+00 : f32
        %max3A_1424 = vector.broadcast %max3A_1423 : f32 to vector<16xf32>
        %max3A_1425 = arith.maximumf %add3A_1422, %max3A_1424 : vector<16xf32>
        %mul3A_1426 = vector.broadcast %squeeze3A_1338 : f32 to vector<16xf32>
        %mul3A_1427 = arith.mulf %max3A_1425, %mul3A_1426 : vector<16xf32>
        %max3A_1428 = arith.maximumf %max3A_1300, %mul3A_1427 : vector<16xf32>
        %get3A_1429 = arith.index_cast %add3A_1336 : i32 to index
        %get3A_1430 = arith.constant 96 : index
        %get3A_1431 = tpu.vector_load %arg11[%get3A_1429, %get3A_1430] {strides = array<i32>} : memref<256x128xf32, #tpu.memory_space<vmem>>, vector<1x16xf32>,
        %get3A_1432 = vector.shape_cast %get3A_1431 : vector<1x16xf32> to vector<16xf32>
        %get3A_1433 = arith.index_cast %add3A_1336 : i32 to index
        %get3A_1434 = arith.constant 96 : index
        %get3A_1435 = tpu.vector_load %arg12[%get3A_1433, %get3A_1434] {strides = array<i32>} : memref<256x128xf32, #tpu.memory_space<vmem>>, vector<1x16xf32>,
        %get3A_1436 = vector.shape_cast %get3A_1435 : vector<1x16xf32> to vector<16xf32>
        %add3A_1437 = arith.addf %get3A_1432, %get3A_1436 : vector<16xf32>
        %max3A_1438 = arith.constant 0.000000e+00 : f32
        %max3A_1439 = vector.broadcast %max3A_1438 : f32 to vector<16xf32>
        %max3A_1440 = arith.maximumf %add3A_1437, %max3A_1439 : vector<16xf32>
        %mul3A_1441 = vector.broadcast %squeeze3A_1338 : f32 to vector<16xf32>
        %mul3A_1442 = arith.mulf %max3A_1440, %mul3A_1441 : vector<16xf32>
        %max3A_1443 = arith.maximumf %max3A_1315, %mul3A_1442 : vector<16xf32>
        %get3A_1444 = arith.index_cast %add3A_1336 : i32 to index
        %get3A_1445 = arith.constant 112 : index
        %get3A_1446 = tpu.vector_load %arg11[%get3A_1444, %get3A_1445] {strides = array<i32>} : memref<256x128xf32, #tpu.memory_space<vmem>>, vector<1x16xf32>,
        %get3A_1447 = vector.shape_cast %get3A_1446 : vector<1x16xf32> to vector<16xf32>
        %get3A_1448 = arith.index_cast %add3A_1336 : i32 to index
        %get3A_1449 = arith.constant 112 : index
        %get3A_1450 = tpu.vector_load %arg12[%get3A_1448, %get3A_1449] {strides = array<i32>} : memref<256x128xf32, #tpu.memory_space<vmem>>, vector<1x16xf32>,
        %get3A_1451 = vector.shape_cast %get3A_1450 : vector<1x16xf32> to vector<16xf32>
        %add3A_1452 = arith.addf %get3A_1447, %get3A_1451 : vector<16xf32>
        %max3A_1453 = arith.constant 0.000000e+00 : f32
        %max3A_1454 = vector.broadcast %max3A_1453 : f32 to vector<16xf32>
        %max3A_1455 = arith.maximumf %add3A_1452, %max3A_1454 : vector<16xf32>
        %mul3A_1456 = vector.broadcast %squeeze3A_1338 : f32 to vector<16xf32>
        %mul3A_1457 = arith.mulf %max3A_1455, %mul3A_1456 : vector<16xf32>
        %max3A_1458 = arith.maximumf %max3A_1330, %mul3A_1457 : vector<16xf32>
        %mul3A_1459 = arith.constant 16 : i32
        %mul3A_1460 = arith.muli %scan3A_159, %mul3A_1459 : i32
        %add3A_1461 = arith.constant 0 : i32
        %add3A_1462 = arith.addi %add3A_1461, %mul3A_1460 : i32
        %add3A_1463 = arith.constant 10 : i32
        %add3A_1464 = arith.addi %add3A_1462, %add3A_1463 : i32
        %slice3A_1465 = vector.extract_strided_slice %get3A_181 {offsets = [10], sizes = [1], strides = [1]} : vector<16xf32> to vector<1xf32>
        %squeeze3A_1466 = vector.extract %slice3A_1465[0] : f32 from vector<1xf32>
        %get3A_1467 = arith.index_cast %add3A_1464 : i32 to index
        %get3A_1468 = arith.constant 0 : index
        %get3A_1469 = tpu.vector_load %arg11[%get3A_1467, %get3A_1468] {strides = array<i32>} : memref<256x128xf32, #tpu.memory_space<vmem>>, vector<1x16xf32>,
        %get3A_1470 = vector.shape_cast %get3A_1469 : vector<1x16xf32> to vector<16xf32>
        %get3A_1471 = arith.index_cast %add3A_1464 : i32 to index
        %get3A_1472 = arith.constant 0 : index
        %get3A_1473 = tpu.vector_load %arg12[%get3A_1471, %get3A_1472] {strides = array<i32>} : memref<256x128xf32, #tpu.memory_space<vmem>>, vector<1x16xf32>,
        %get3A_1474 = vector.shape_cast %get3A_1473 : vector<1x16xf32> to vector<16xf32>
        %add3A_1475 = arith.addf %get3A_1470, %get3A_1474 : vector<16xf32>
        %max3A_1476 = arith.constant 0.000000e+00 : f32
        %max3A_1477 = vector.broadcast %max3A_1476 : f32 to vector<16xf32>
        %max3A_1478 = arith.maximumf %add3A_1475, %max3A_1477 : vector<16xf32>
        %mul3A_1479 = vector.broadcast %squeeze3A_1466 : f32 to vector<16xf32>
        %mul3A_1480 = arith.mulf %max3A_1478, %mul3A_1479 : vector<16xf32>
        %max3A_1481 = arith.maximumf %max3A_1353, %mul3A_1480 : vector<16xf32>
        %get3A_1482 = arith.index_cast %add3A_1464 : i32 to index
        %get3A_1483 = arith.constant 16 : index
        %get3A_1484 = tpu.vector_load %arg11[%get3A_1482, %get3A_1483] {strides = array<i32>} : memref<256x128xf32, #tpu.memory_space<vmem>>, vector<1x16xf32>,
        %get3A_1485 = vector.shape_cast %get3A_1484 : vector<1x16xf32> to vector<16xf32>
        %get3A_1486 = arith.index_cast %add3A_1464 : i32 to index
        %get3A_1487 = arith.constant 16 : index
        %get3A_1488 = tpu.vector_load %arg12[%get3A_1486, %get3A_1487] {strides = array<i32>} : memref<256x128xf32, #tpu.memory_space<vmem>>, vector<1x16xf32>,
        %get3A_1489 = vector.shape_cast %get3A_1488 : vector<1x16xf32> to vector<16xf32>
        %add3A_1490 = arith.addf %get3A_1485, %get3A_1489 : vector<16xf32>
        %max3A_1491 = arith.constant 0.000000e+00 : f32
        %max3A_1492 = vector.broadcast %max3A_1491 : f32 to vector<16xf32>
        %max3A_1493 = arith.maximumf %add3A_1490, %max3A_1492 : vector<16xf32>
        %mul3A_1494 = vector.broadcast %squeeze3A_1466 : f32 to vector<16xf32>
        %mul3A_1495 = arith.mulf %max3A_1493, %mul3A_1494 : vector<16xf32>
        %max3A_1496 = arith.maximumf %max3A_1368, %mul3A_1495 : vector<16xf32>
        %get3A_1497 = arith.index_cast %add3A_1464 : i32 to index
        %get3A_1498 = arith.constant 32 : index
        %get3A_1499 = tpu.vector_load %arg11[%get3A_1497, %get3A_1498] {strides = array<i32>} : memref<256x128xf32, #tpu.memory_space<vmem>>, vector<1x16xf32>,
        %get3A_1500 = vector.shape_cast %get3A_1499 : vector<1x16xf32> to vector<16xf32>
        %get3A_1501 = arith.index_cast %add3A_1464 : i32 to index
        %get3A_1502 = arith.constant 32 : index
        %get3A_1503 = tpu.vector_load %arg12[%get3A_1501, %get3A_1502] {strides = array<i32>} : memref<256x128xf32, #tpu.memory_space<vmem>>, vector<1x16xf32>,
        %get3A_1504 = vector.shape_cast %get3A_1503 : vector<1x16xf32> to vector<16xf32>
        %add3A_1505 = arith.addf %get3A_1500, %get3A_1504 : vector<16xf32>
        %max3A_1506 = arith.constant 0.000000e+00 : f32
        %max3A_1507 = vector.broadcast %max3A_1506 : f32 to vector<16xf32>
        %max3A_1508 = arith.maximumf %add3A_1505, %max3A_1507 : vector<16xf32>
        %mul3A_1509 = vector.broadcast %squeeze3A_1466 : f32 to vector<16xf32>
        %mul3A_1510 = arith.mulf %max3A_1508, %mul3A_1509 : vector<16xf32>
        %max3A_1511 = arith.maximumf %max3A_1383, %mul3A_1510 : vector<16xf32>
        %get3A_1512 = arith.index_cast %add3A_1464 : i32 to index
        %get3A_1513 = arith.constant 48 : index
        %get3A_1514 = tpu.vector_load %arg11[%get3A_1512, %get3A_1513] {strides = array<i32>} : memref<256x128xf32, #tpu.memory_space<vmem>>, vector<1x16xf32>,
        %get3A_1515 = vector.shape_cast %get3A_1514 : vector<1x16xf32> to vector<16xf32>
        %get3A_1516 = arith.index_cast %add3A_1464 : i32 to index
        %get3A_1517 = arith.constant 48 : index
        %get3A_1518 = tpu.vector_load %arg12[%get3A_1516, %get3A_1517] {strides = array<i32>} : memref<256x128xf32, #tpu.memory_space<vmem>>, vector<1x16xf32>,
        %get3A_1519 = vector.shape_cast %get3A_1518 : vector<1x16xf32> to vector<16xf32>
        %add3A_1520 = arith.addf %get3A_1515, %get3A_1519 : vector<16xf32>
        %max3A_1521 = arith.constant 0.000000e+00 : f32
        %max3A_1522 = vector.broadcast %max3A_1521 : f32 to vector<16xf32>
        %max3A_1523 = arith.maximumf %add3A_1520, %max3A_1522 : vector<16xf32>
        %mul3A_1524 = vector.broadcast %squeeze3A_1466 : f32 to vector<16xf32>
        %mul3A_1525 = arith.mulf %max3A_1523, %mul3A_1524 : vector<16xf32>
        %max3A_1526 = arith.maximumf %max3A_1398, %mul3A_1525 : vector<16xf32>
        %get3A_1527 = arith.index_cast %add3A_1464 : i32 to index
        %get3A_1528 = arith.constant 64 : index
        %get3A_1529 = tpu.vector_load %arg11[%get3A_1527, %get3A_1528] {strides = array<i32>} : memref<256x128xf32, #tpu.memory_space<vmem>>, vector<1x16xf32>,
        %get3A_1530 = vector.shape_cast %get3A_1529 : vector<1x16xf32> to vector<16xf32>
        %get3A_1531 = arith.index_cast %add3A_1464 : i32 to index
        %get3A_1532 = arith.constant 64 : index
        %get3A_1533 = tpu.vector_load %arg12[%get3A_1531, %get3A_1532] {strides = array<i32>} : memref<256x128xf32, #tpu.memory_space<vmem>>, vector<1x16xf32>,
        %get3A_1534 = vector.shape_cast %get3A_1533 : vector<1x16xf32> to vector<16xf32>
        %add3A_1535 = arith.addf %get3A_1530, %get3A_1534 : vector<16xf32>
        %max3A_1536 = arith.constant 0.000000e+00 : f32
        %max3A_1537 = vector.broadcast %max3A_1536 : f32 to vector<16xf32>
        %max3A_1538 = arith.maximumf %add3A_1535, %max3A_1537 : vector<16xf32>
        %mul3A_1539 = vector.broadcast %squeeze3A_1466 : f32 to vector<16xf32>
        %mul3A_1540 = arith.mulf %max3A_1538, %mul3A_1539 : vector<16xf32>
        %max3A_1541 = arith.maximumf %max3A_1413, %mul3A_1540 : vector<16xf32>
        %get3A_1542 = arith.index_cast %add3A_1464 : i32 to index
        %get3A_1543 = arith.constant 80 : index
        %get3A_1544 = tpu.vector_load %arg11[%get3A_1542, %get3A_1543] {strides = array<i32>} : memref<256x128xf32, #tpu.memory_space<vmem>>, vector<1x16xf32>,
        %get3A_1545 = vector.shape_cast %get3A_1544 : vector<1x16xf32> to vector<16xf32>
        %get3A_1546 = arith.index_cast %add3A_1464 : i32 to index
        %get3A_1547 = arith.constant 80 : index
        %get3A_1548 = tpu.vector_load %arg12[%get3A_1546, %get3A_1547] {strides = array<i32>} : memref<256x128xf32, #tpu.memory_space<vmem>>, vector<1x16xf32>,
        %get3A_1549 = vector.shape_cast %get3A_1548 : vector<1x16xf32> to vector<16xf32>
        %add3A_1550 = arith.addf %get3A_1545, %get3A_1549 : vector<16xf32>
        %max3A_1551 = arith.constant 0.000000e+00 : f32
        %max3A_1552 = vector.broadcast %max3A_1551 : f32 to vector<16xf32>
        %max3A_1553 = arith.maximumf %add3A_1550, %max3A_1552 : vector<16xf32>
        %mul3A_1554 = vector.broadcast %squeeze3A_1466 : f32 to vector<16xf32>
        %mul3A_1555 = arith.mulf %max3A_1553, %mul3A_1554 : vector<16xf32>
        %max3A_1556 = arith.maximumf %max3A_1428, %mul3A_1555 : vector<16xf32>
        %get3A_1557 = arith.index_cast %add3A_1464 : i32 to index
        %get3A_1558 = arith.constant 96 : index
        %get3A_1559 = tpu.vector_load %arg11[%get3A_1557, %get3A_1558] {strides = array<i32>} : memref<256x128xf32, #tpu.memory_space<vmem>>, vector<1x16xf32>,
        %get3A_1560 = vector.shape_cast %get3A_1559 : vector<1x16xf32> to vector<16xf32>
        %get3A_1561 = arith.index_cast %add3A_1464 : i32 to index
        %get3A_1562 = arith.constant 96 : index
        %get3A_1563 = tpu.vector_load %arg12[%get3A_1561, %get3A_1562] {strides = array<i32>} : memref<256x128xf32, #tpu.memory_space<vmem>>, vector<1x16xf32>,
        %get3A_1564 = vector.shape_cast %get3A_1563 : vector<1x16xf32> to vector<16xf32>
        %add3A_1565 = arith.addf %get3A_1560, %get3A_1564 : vector<16xf32>
        %max3A_1566 = arith.constant 0.000000e+00 : f32
        %max3A_1567 = vector.broadcast %max3A_1566 : f32 to vector<16xf32>
        %max3A_1568 = arith.maximumf %add3A_1565, %max3A_1567 : vector<16xf32>
        %mul3A_1569 = vector.broadcast %squeeze3A_1466 : f32 to vector<16xf32>
        %mul3A_1570 = arith.mulf %max3A_1568, %mul3A_1569 : vector<16xf32>
        %max3A_1571 = arith.maximumf %max3A_1443, %mul3A_1570 : vector<16xf32>
        %get3A_1572 = arith.index_cast %add3A_1464 : i32 to index
        %get3A_1573 = arith.constant 112 : index
        %get3A_1574 = tpu.vector_load %arg11[%get3A_1572, %get3A_1573] {strides = array<i32>} : memref<256x128xf32, #tpu.memory_space<vmem>>, vector<1x16xf32>,
        %get3A_1575 = vector.shape_cast %get3A_1574 : vector<1x16xf32> to vector<16xf32>
        %get3A_1576 = arith.index_cast %add3A_1464 : i32 to index
        %get3A_1577 = arith.constant 112 : index
        %get3A_1578 = tpu.vector_load %arg12[%get3A_1576, %get3A_1577] {strides = array<i32>} : memref<256x128xf32, #tpu.memory_space<vmem>>, vector<1x16xf32>,
        %get3A_1579 = vector.shape_cast %get3A_1578 : vector<1x16xf32> to vector<16xf32>
        %add3A_1580 = arith.addf %get3A_1575, %get3A_1579 : vector<16xf32>
        %max3A_1581 = arith.constant 0.000000e+00 : f32
        %max3A_1582 = vector.broadcast %max3A_1581 : f32 to vector<16xf32>
        %max3A_1583 = arith.maximumf %add3A_1580, %max3A_1582 : vector<16xf32>
        %mul3A_1584 = vector.broadcast %squeeze3A_1466 : f32 to vector<16xf32>
        %mul3A_1585 = arith.mulf %max3A_1583, %mul3A_1584 : vector<16xf32>
        %max3A_1586 = arith.maximumf %max3A_1458, %mul3A_1585 : vector<16xf32>
        %mul3A_1587 = arith.constant 16 : i32
        %mul3A_1588 = arith.muli %scan3A_159, %mul3A_1587 : i32
        %add3A_1589 = arith.constant 0 : i32
        %add3A_1590 = arith.addi %add3A_1589, %mul3A_1588 : i32
        %add3A_1591 = arith.constant 11 : i32
        %add3A_1592 = arith.addi %add3A_1590, %add3A_1591 : i32
        %slice3A_1593 = vector.extract_strided_slice %get3A_181 {offsets = [11], sizes = [1], strides = [1]} : vector<16xf32> to vector<1xf32>
        %squeeze3A_1594 = vector.extract %slice3A_1593[0] : f32 from vector<1xf32>
        %get3A_1595 = arith.index_cast %add3A_1592 : i32 to index
        %get3A_1596 = arith.constant 0 : index
        %get3A_1597 = tpu.vector_load %arg11[%get3A_1595, %get3A_1596] {strides = array<i32>} : memref<256x128xf32, #tpu.memory_space<vmem>>, vector<1x16xf32>,
        %get3A_1598 = vector.shape_cast %get3A_1597 : vector<1x16xf32> to vector<16xf32>
        %get3A_1599 = arith.index_cast %add3A_1592 : i32 to index
        %get3A_1600 = arith.constant 0 : index
        %get3A_1601 = tpu.vector_load %arg12[%get3A_1599, %get3A_1600] {strides = array<i32>} : memref<256x128xf32, #tpu.memory_space<vmem>>, vector<1x16xf32>,
        %get3A_1602 = vector.shape_cast %get3A_1601 : vector<1x16xf32> to vector<16xf32>
        %add3A_1603 = arith.addf %get3A_1598, %get3A_1602 : vector<16xf32>
        %max3A_1604 = arith.constant 0.000000e+00 : f32
        %max3A_1605 = vector.broadcast %max3A_1604 : f32 to vector<16xf32>
        %max3A_1606 = arith.maximumf %add3A_1603, %max3A_1605 : vector<16xf32>
        %mul3A_1607 = vector.broadcast %squeeze3A_1594 : f32 to vector<16xf32>
        %mul3A_1608 = arith.mulf %max3A_1606, %mul3A_1607 : vector<16xf32>
        %max3A_1609 = arith.maximumf %max3A_1481, %mul3A_1608 : vector<16xf32>
        %get3A_1610 = arith.index_cast %add3A_1592 : i32 to index
        %get3A_1611 = arith.constant 16 : index
        %get3A_1612 = tpu.vector_load %arg11[%get3A_1610, %get3A_1611] {strides = array<i32>} : memref<256x128xf32, #tpu.memory_space<vmem>>, vector<1x16xf32>,
        %get3A_1613 = vector.shape_cast %get3A_1612 : vector<1x16xf32> to vector<16xf32>
        %get3A_1614 = arith.index_cast %add3A_1592 : i32 to index
        %get3A_1615 = arith.constant 16 : index
        %get3A_1616 = tpu.vector_load %arg12[%get3A_1614, %get3A_1615] {strides = array<i32>} : memref<256x128xf32, #tpu.memory_space<vmem>>, vector<1x16xf32>,
        %get3A_1617 = vector.shape_cast %get3A_1616 : vector<1x16xf32> to vector<16xf32>
        %add3A_1618 = arith.addf %get3A_1613, %get3A_1617 : vector<16xf32>
        %max3A_1619 = arith.constant 0.000000e+00 : f32
        %max3A_1620 = vector.broadcast %max3A_1619 : f32 to vector<16xf32>
        %max3A_1621 = arith.maximumf %add3A_1618, %max3A_1620 : vector<16xf32>
        %mul3A_1622 = vector.broadcast %squeeze3A_1594 : f32 to vector<16xf32>
        %mul3A_1623 = arith.mulf %max3A_1621, %mul3A_1622 : vector<16xf32>
        %max3A_1624 = arith.maximumf %max3A_1496, %mul3A_1623 : vector<16xf32>
        %get3A_1625 = arith.index_cast %add3A_1592 : i32 to index
        %get3A_1626 = arith.constant 32 : index
        %get3A_1627 = tpu.vector_load %arg11[%get3A_1625, %get3A_1626] {strides = array<i32>} : memref<256x128xf32, #tpu.memory_space<vmem>>, vector<1x16xf32>,
        %get3A_1628 = vector.shape_cast %get3A_1627 : vector<1x16xf32> to vector<16xf32>
        %get3A_1629 = arith.index_cast %add3A_1592 : i32 to index
        %get3A_1630 = arith.constant 32 : index
        %get3A_1631 = tpu.vector_load %arg12[%get3A_1629, %get3A_1630] {strides = array<i32>} : memref<256x128xf32, #tpu.memory_space<vmem>>, vector<1x16xf32>,
        %get3A_1632 = vector.shape_cast %get3A_1631 : vector<1x16xf32> to vector<16xf32>
        %add3A_1633 = arith.addf %get3A_1628, %get3A_1632 : vector<16xf32>
        %max3A_1634 = arith.constant 0.000000e+00 : f32
        %max3A_1635 = vector.broadcast %max3A_1634 : f32 to vector<16xf32>
        %max3A_1636 = arith.maximumf %add3A_1633, %max3A_1635 : vector<16xf32>
        %mul3A_1637 = vector.broadcast %squeeze3A_1594 : f32 to vector<16xf32>
        %mul3A_1638 = arith.mulf %max3A_1636, %mul3A_1637 : vector<16xf32>
        %max3A_1639 = arith.maximumf %max3A_1511, %mul3A_1638 : vector<16xf32>
        %get3A_1640 = arith.index_cast %add3A_1592 : i32 to index
        %get3A_1641 = arith.constant 48 : index
        %get3A_1642 = tpu.vector_load %arg11[%get3A_1640, %get3A_1641] {strides = array<i32>} : memref<256x128xf32, #tpu.memory_space<vmem>>, vector<1x16xf32>,
        %get3A_1643 = vector.shape_cast %get3A_1642 : vector<1x16xf32> to vector<16xf32>
        %get3A_1644 = arith.index_cast %add3A_1592 : i32 to index
        %get3A_1645 = arith.constant 48 : index
        %get3A_1646 = tpu.vector_load %arg12[%get3A_1644, %get3A_1645] {strides = array<i32>} : memref<256x128xf32, #tpu.memory_space<vmem>>, vector<1x16xf32>,
        %get3A_1647 = vector.shape_cast %get3A_1646 : vector<1x16xf32> to vector<16xf32>
        %add3A_1648 = arith.addf %get3A_1643, %get3A_1647 : vector<16xf32>
        %max3A_1649 = arith.constant 0.000000e+00 : f32
        %max3A_1650 = vector.broadcast %max3A_1649 : f32 to vector<16xf32>
        %max3A_1651 = arith.maximumf %add3A_1648, %max3A_1650 : vector<16xf32>
        %mul3A_1652 = vector.broadcast %squeeze3A_1594 : f32 to vector<16xf32>
        %mul3A_1653 = arith.mulf %max3A_1651, %mul3A_1652 : vector<16xf32>
        %max3A_1654 = arith.maximumf %max3A_1526, %mul3A_1653 : vector<16xf32>
        %get3A_1655 = arith.index_cast %add3A_1592 : i32 to index
        %get3A_1656 = arith.constant 64 : index
        %get3A_1657 = tpu.vector_load %arg11[%get3A_1655, %get3A_1656] {strides = array<i32>} : memref<256x128xf32, #tpu.memory_space<vmem>>, vector<1x16xf32>,
        %get3A_1658 = vector.shape_cast %get3A_1657 : vector<1x16xf32> to vector<16xf32>
        %get3A_1659 = arith.index_cast %add3A_1592 : i32 to index
        %get3A_1660 = arith.constant 64 : index
        %get3A_1661 = tpu.vector_load %arg12[%get3A_1659, %get3A_1660] {strides = array<i32>} : memref<256x128xf32, #tpu.memory_space<vmem>>, vector<1x16xf32>,
        %get3A_1662 = vector.shape_cast %get3A_1661 : vector<1x16xf32> to vector<16xf32>
        %add3A_1663 = arith.addf %get3A_1658, %get3A_1662 : vector<16xf32>
        %max3A_1664 = arith.constant 0.000000e+00 : f32
        %max3A_1665 = vector.broadcast %max3A_1664 : f32 to vector<16xf32>
        %max3A_1666 = arith.maximumf %add3A_1663, %max3A_1665 : vector<16xf32>
        %mul3A_1667 = vector.broadcast %squeeze3A_1594 : f32 to vector<16xf32>
        %mul3A_1668 = arith.mulf %max3A_1666, %mul3A_1667 : vector<16xf32>
        %max3A_1669 = arith.maximumf %max3A_1541, %mul3A_1668 : vector<16xf32>
        %get3A_1670 = arith.index_cast %add3A_1592 : i32 to index
        %get3A_1671 = arith.constant 80 : index
        %get3A_1672 = tpu.vector_load %arg11[%get3A_1670, %get3A_1671] {strides = array<i32>} : memref<256x128xf32, #tpu.memory_space<vmem>>, vector<1x16xf32>,
        %get3A_1673 = vector.shape_cast %get3A_1672 : vector<1x16xf32> to vector<16xf32>
        %get3A_1674 = arith.index_cast %add3A_1592 : i32 to index
        %get3A_1675 = arith.constant 80 : index
        %get3A_1676 = tpu.vector_load %arg12[%get3A_1674, %get3A_1675] {strides = array<i32>} : memref<256x128xf32, #tpu.memory_space<vmem>>, vector<1x16xf32>,
        %get3A_1677 = vector.shape_cast %get3A_1676 : vector<1x16xf32> to vector<16xf32>
        %add3A_1678 = arith.addf %get3A_1673, %get3A_1677 : vector<16xf32>
        %max3A_1679 = arith.constant 0.000000e+00 : f32
        %max3A_1680 = vector.broadcast %max3A_1679 : f32 to vector<16xf32>
        %max3A_1681 = arith.maximumf %add3A_1678, %max3A_1680 : vector<16xf32>
        %mul3A_1682 = vector.broadcast %squeeze3A_1594 : f32 to vector<16xf32>
        %mul3A_1683 = arith.mulf %max3A_1681, %mul3A_1682 : vector<16xf32>
        %max3A_1684 = arith.maximumf %max3A_1556, %mul3A_1683 : vector<16xf32>
        %get3A_1685 = arith.index_cast %add3A_1592 : i32 to index
        %get3A_1686 = arith.constant 96 : index
        %get3A_1687 = tpu.vector_load %arg11[%get3A_1685, %get3A_1686] {strides = array<i32>} : memref<256x128xf32, #tpu.memory_space<vmem>>, vector<1x16xf32>,
        %get3A_1688 = vector.shape_cast %get3A_1687 : vector<1x16xf32> to vector<16xf32>
        %get3A_1689 = arith.index_cast %add3A_1592 : i32 to index
        %get3A_1690 = arith.constant 96 : index
        %get3A_1691 = tpu.vector_load %arg12[%get3A_1689, %get3A_1690] {strides = array<i32>} : memref<256x128xf32, #tpu.memory_space<vmem>>, vector<1x16xf32>,
        %get3A_1692 = vector.shape_cast %get3A_1691 : vector<1x16xf32> to vector<16xf32>
        %add3A_1693 = arith.addf %get3A_1688, %get3A_1692 : vector<16xf32>
        %max3A_1694 = arith.constant 0.000000e+00 : f32
        %max3A_1695 = vector.broadcast %max3A_1694 : f32 to vector<16xf32>
        %max3A_1696 = arith.maximumf %add3A_1693, %max3A_1695 : vector<16xf32>
        %mul3A_1697 = vector.broadcast %squeeze3A_1594 : f32 to vector<16xf32>
        %mul3A_1698 = arith.mulf %max3A_1696, %mul3A_1697 : vector<16xf32>
        %max3A_1699 = arith.maximumf %max3A_1571, %mul3A_1698 : vector<16xf32>
        %get3A_1700 = arith.index_cast %add3A_1592 : i32 to index
        %get3A_1701 = arith.constant 112 : index
        %get3A_1702 = tpu.vector_load %arg11[%get3A_1700, %get3A_1701] {strides = array<i32>} : memref<256x128xf32, #tpu.memory_space<vmem>>, vector<1x16xf32>,
        %get3A_1703 = vector.shape_cast %get3A_1702 : vector<1x16xf32> to vector<16xf32>
        %get3A_1704 = arith.index_cast %add3A_1592 : i32 to index
        %get3A_1705 = arith.constant 112 : index
        %get3A_1706 = tpu.vector_load %arg12[%get3A_1704, %get3A_1705] {strides = array<i32>} : memref<256x128xf32, #tpu.memory_space<vmem>>, vector<1x16xf32>,
        %get3A_1707 = vector.shape_cast %get3A_1706 : vector<1x16xf32> to vector<16xf32>
        %add3A_1708 = arith.addf %get3A_1703, %get3A_1707 : vector<16xf32>
        %max3A_1709 = arith.constant 0.000000e+00 : f32
        %max3A_1710 = vector.broadcast %max3A_1709 : f32 to vector<16xf32>
        %max3A_1711 = arith.maximumf %add3A_1708, %max3A_1710 : vector<16xf32>
        %mul3A_1712 = vector.broadcast %squeeze3A_1594 : f32 to vector<16xf32>
        %mul3A_1713 = arith.mulf %max3A_1711, %mul3A_1712 : vector<16xf32>
        %max3A_1714 = arith.maximumf %max3A_1586, %mul3A_1713 : vector<16xf32>
        %mul3A_1715 = arith.constant 16 : i32
        %mul3A_1716 = arith.muli %scan3A_159, %mul3A_1715 : i32
        %add3A_1717 = arith.constant 0 : i32
        %add3A_1718 = arith.addi %add3A_1717, %mul3A_1716 : i32
        %add3A_1719 = arith.constant 12 : i32
        %add3A_1720 = arith.addi %add3A_1718, %add3A_1719 : i32
        %slice3A_1721 = vector.extract_strided_slice %get3A_181 {offsets = [12], sizes = [1], strides = [1]} : vector<16xf32> to vector<1xf32>
        %squeeze3A_1722 = vector.extract %slice3A_1721[0] : f32 from vector<1xf32>
        %get3A_1723 = arith.index_cast %add3A_1720 : i32 to index
        %get3A_1724 = arith.constant 0 : index
        %get3A_1725 = tpu.vector_load %arg11[%get3A_1723, %get3A_1724] {strides = array<i32>} : memref<256x128xf32, #tpu.memory_space<vmem>>, vector<1x16xf32>,
        %get3A_1726 = vector.shape_cast %get3A_1725 : vector<1x16xf32> to vector<16xf32>
        %get3A_1727 = arith.index_cast %add3A_1720 : i32 to index
        %get3A_1728 = arith.constant 0 : index
        %get3A_1729 = tpu.vector_load %arg12[%get3A_1727, %get3A_1728] {strides = array<i32>} : memref<256x128xf32, #tpu.memory_space<vmem>>, vector<1x16xf32>,
        %get3A_1730 = vector.shape_cast %get3A_1729 : vector<1x16xf32> to vector<16xf32>
        %add3A_1731 = arith.addf %get3A_1726, %get3A_1730 : vector<16xf32>
        %max3A_1732 = arith.constant 0.000000e+00 : f32
        %max3A_1733 = vector.broadcast %max3A_1732 : f32 to vector<16xf32>
        %max3A_1734 = arith.maximumf %add3A_1731, %max3A_1733 : vector<16xf32>
        %mul3A_1735 = vector.broadcast %squeeze3A_1722 : f32 to vector<16xf32>
        %mul3A_1736 = arith.mulf %max3A_1734, %mul3A_1735 : vector<16xf32>
        %max3A_1737 = arith.maximumf %max3A_1609, %mul3A_1736 : vector<16xf32>
        %get3A_1738 = arith.index_cast %add3A_1720 : i32 to index
        %get3A_1739 = arith.constant 16 : index
        %get3A_1740 = tpu.vector_load %arg11[%get3A_1738, %get3A_1739] {strides = array<i32>} : memref<256x128xf32, #tpu.memory_space<vmem>>, vector<1x16xf32>,
        %get3A_1741 = vector.shape_cast %get3A_1740 : vector<1x16xf32> to vector<16xf32>
        %get3A_1742 = arith.index_cast %add3A_1720 : i32 to index
        %get3A_1743 = arith.constant 16 : index
        %get3A_1744 = tpu.vector_load %arg12[%get3A_1742, %get3A_1743] {strides = array<i32>} : memref<256x128xf32, #tpu.memory_space<vmem>>, vector<1x16xf32>,
        %get3A_1745 = vector.shape_cast %get3A_1744 : vector<1x16xf32> to vector<16xf32>
        %add3A_1746 = arith.addf %get3A_1741, %get3A_1745 : vector<16xf32>
        %max3A_1747 = arith.constant 0.000000e+00 : f32
        %max3A_1748 = vector.broadcast %max3A_1747 : f32 to vector<16xf32>
        %max3A_1749 = arith.maximumf %add3A_1746, %max3A_1748 : vector<16xf32>
        %mul3A_1750 = vector.broadcast %squeeze3A_1722 : f32 to vector<16xf32>
        %mul3A_1751 = arith.mulf %max3A_1749, %mul3A_1750 : vector<16xf32>
        %max3A_1752 = arith.maximumf %max3A_1624, %mul3A_1751 : vector<16xf32>
        %get3A_1753 = arith.index_cast %add3A_1720 : i32 to index
        %get3A_1754 = arith.constant 32 : index
        %get3A_1755 = tpu.vector_load %arg11[%get3A_1753, %get3A_1754] {strides = array<i32>} : memref<256x128xf32, #tpu.memory_space<vmem>>, vector<1x16xf32>,
        %get3A_1756 = vector.shape_cast %get3A_1755 : vector<1x16xf32> to vector<16xf32>
        %get3A_1757 = arith.index_cast %add3A_1720 : i32 to index
        %get3A_1758 = arith.constant 32 : index
        %get3A_1759 = tpu.vector_load %arg12[%get3A_1757, %get3A_1758] {strides = array<i32>} : memref<256x128xf32, #tpu.memory_space<vmem>>, vector<1x16xf32>,
        %get3A_1760 = vector.shape_cast %get3A_1759 : vector<1x16xf32> to vector<16xf32>
        %add3A_1761 = arith.addf %get3A_1756, %get3A_1760 : vector<16xf32>
        %max3A_1762 = arith.constant 0.000000e+00 : f32
        %max3A_1763 = vector.broadcast %max3A_1762 : f32 to vector<16xf32>
        %max3A_1764 = arith.maximumf %add3A_1761, %max3A_1763 : vector<16xf32>
        %mul3A_1765 = vector.broadcast %squeeze3A_1722 : f32 to vector<16xf32>
        %mul3A_1766 = arith.mulf %max3A_1764, %mul3A_1765 : vector<16xf32>
        %max3A_1767 = arith.maximumf %max3A_1639, %mul3A_1766 : vector<16xf32>
        %get3A_1768 = arith.index_cast %add3A_1720 : i32 to index
        %get3A_1769 = arith.constant 48 : index
        %get3A_1770 = tpu.vector_load %arg11[%get3A_1768, %get3A_1769] {strides = array<i32>} : memref<256x128xf32, #tpu.memory_space<vmem>>, vector<1x16xf32>,
        %get3A_1771 = vector.shape_cast %get3A_1770 : vector<1x16xf32> to vector<16xf32>
        %get3A_1772 = arith.index_cast %add3A_1720 : i32 to index
        %get3A_1773 = arith.constant 48 : index
        %get3A_1774 = tpu.vector_load %arg12[%get3A_1772, %get3A_1773] {strides = array<i32>} : memref<256x128xf32, #tpu.memory_space<vmem>>, vector<1x16xf32>,
        %get3A_1775 = vector.shape_cast %get3A_1774 : vector<1x16xf32> to vector<16xf32>
        %add3A_1776 = arith.addf %get3A_1771, %get3A_1775 : vector<16xf32>
        %max3A_1777 = arith.constant 0.000000e+00 : f32
        %max3A_1778 = vector.broadcast %max3A_1777 : f32 to vector<16xf32>
        %max3A_1779 = arith.maximumf %add3A_1776, %max3A_1778 : vector<16xf32>
        %mul3A_1780 = vector.broadcast %squeeze3A_1722 : f32 to vector<16xf32>
        %mul3A_1781 = arith.mulf %max3A_1779, %mul3A_1780 : vector<16xf32>
        %max3A_1782 = arith.maximumf %max3A_1654, %mul3A_1781 : vector<16xf32>
        %get3A_1783 = arith.index_cast %add3A_1720 : i32 to index
        %get3A_1784 = arith.constant 64 : index
        %get3A_1785 = tpu.vector_load %arg11[%get3A_1783, %get3A_1784] {strides = array<i32>} : memref<256x128xf32, #tpu.memory_space<vmem>>, vector<1x16xf32>,
        %get3A_1786 = vector.shape_cast %get3A_1785 : vector<1x16xf32> to vector<16xf32>
        %get3A_1787 = arith.index_cast %add3A_1720 : i32 to index
        %get3A_1788 = arith.constant 64 : index
        %get3A_1789 = tpu.vector_load %arg12[%get3A_1787, %get3A_1788] {strides = array<i32>} : memref<256x128xf32, #tpu.memory_space<vmem>>, vector<1x16xf32>,
        %get3A_1790 = vector.shape_cast %get3A_1789 : vector<1x16xf32> to vector<16xf32>
        %add3A_1791 = arith.addf %get3A_1786, %get3A_1790 : vector<16xf32>
        %max3A_1792 = arith.constant 0.000000e+00 : f32
        %max3A_1793 = vector.broadcast %max3A_1792 : f32 to vector<16xf32>
        %max3A_1794 = arith.maximumf %add3A_1791, %max3A_1793 : vector<16xf32>
        %mul3A_1795 = vector.broadcast %squeeze3A_1722 : f32 to vector<16xf32>
        %mul3A_1796 = arith.mulf %max3A_1794, %mul3A_1795 : vector<16xf32>
        %max3A_1797 = arith.maximumf %max3A_1669, %mul3A_1796 : vector<16xf32>
        %get3A_1798 = arith.index_cast %add3A_1720 : i32 to index
        %get3A_1799 = arith.constant 80 : index
        %get3A_1800 = tpu.vector_load %arg11[%get3A_1798, %get3A_1799] {strides = array<i32>} : memref<256x128xf32, #tpu.memory_space<vmem>>, vector<1x16xf32>,
        %get3A_1801 = vector.shape_cast %get3A_1800 : vector<1x16xf32> to vector<16xf32>
        %get3A_1802 = arith.index_cast %add3A_1720 : i32 to index
        %get3A_1803 = arith.constant 80 : index
        %get3A_1804 = tpu.vector_load %arg12[%get3A_1802, %get3A_1803] {strides = array<i32>} : memref<256x128xf32, #tpu.memory_space<vmem>>, vector<1x16xf32>,
        %get3A_1805 = vector.shape_cast %get3A_1804 : vector<1x16xf32> to vector<16xf32>
        %add3A_1806 = arith.addf %get3A_1801, %get3A_1805 : vector<16xf32>
        %max3A_1807 = arith.constant 0.000000e+00 : f32
        %max3A_1808 = vector.broadcast %max3A_1807 : f32 to vector<16xf32>
        %max3A_1809 = arith.maximumf %add3A_1806, %max3A_1808 : vector<16xf32>
        %mul3A_1810 = vector.broadcast %squeeze3A_1722 : f32 to vector<16xf32>
        %mul3A_1811 = arith.mulf %max3A_1809, %mul3A_1810 : vector<16xf32>
        %max3A_1812 = arith.maximumf %max3A_1684, %mul3A_1811 : vector<16xf32>
        %get3A_1813 = arith.index_cast %add3A_1720 : i32 to index
        %get3A_1814 = arith.constant 96 : index
        %get3A_1815 = tpu.vector_load %arg11[%get3A_1813, %get3A_1814] {strides = array<i32>} : memref<256x128xf32, #tpu.memory_space<vmem>>, vector<1x16xf32>,
        %get3A_1816 = vector.shape_cast %get3A_1815 : vector<1x16xf32> to vector<16xf32>
        %get3A_1817 = arith.index_cast %add3A_1720 : i32 to index
        %get3A_1818 = arith.constant 96 : index
        %get3A_1819 = tpu.vector_load %arg12[%get3A_1817, %get3A_1818] {strides = array<i32>} : memref<256x128xf32, #tpu.memory_space<vmem>>, vector<1x16xf32>,
        %get3A_1820 = vector.shape_cast %get3A_1819 : vector<1x16xf32> to vector<16xf32>
        %add3A_1821 = arith.addf %get3A_1816, %get3A_1820 : vector<16xf32>
        %max3A_1822 = arith.constant 0.000000e+00 : f32
        %max3A_1823 = vector.broadcast %max3A_1822 : f32 to vector<16xf32>
        %max3A_1824 = arith.maximumf %add3A_1821, %max3A_1823 : vector<16xf32>
        %mul3A_1825 = vector.broadcast %squeeze3A_1722 : f32 to vector<16xf32>
        %mul3A_1826 = arith.mulf %max3A_1824, %mul3A_1825 : vector<16xf32>
        %max3A_1827 = arith.maximumf %max3A_1699, %mul3A_1826 : vector<16xf32>
        %get3A_1828 = arith.index_cast %add3A_1720 : i32 to index
        %get3A_1829 = arith.constant 112 : index
        %get3A_1830 = tpu.vector_load %arg11[%get3A_1828, %get3A_1829] {strides = array<i32>} : memref<256x128xf32, #tpu.memory_space<vmem>>, vector<1x16xf32>,
        %get3A_1831 = vector.shape_cast %get3A_1830 : vector<1x16xf32> to vector<16xf32>
        %get3A_1832 = arith.index_cast %add3A_1720 : i32 to index
        %get3A_1833 = arith.constant 112 : index
        %get3A_1834 = tpu.vector_load %arg12[%get3A_1832, %get3A_1833] {strides = array<i32>} : memref<256x128xf32, #tpu.memory_space<vmem>>, vector<1x16xf32>,
        %get3A_1835 = vector.shape_cast %get3A_1834 : vector<1x16xf32> to vector<16xf32>
        %add3A_1836 = arith.addf %get3A_1831, %get3A_1835 : vector<16xf32>
        %max3A_1837 = arith.constant 0.000000e+00 : f32
        %max3A_1838 = vector.broadcast %max3A_1837 : f32 to vector<16xf32>
        %max3A_1839 = arith.maximumf %add3A_1836, %max3A_1838 : vector<16xf32>
        %mul3A_1840 = vector.broadcast %squeeze3A_1722 : f32 to vector<16xf32>
        %mul3A_1841 = arith.mulf %max3A_1839, %mul3A_1840 : vector<16xf32>
        %max3A_1842 = arith.maximumf %max3A_1714, %mul3A_1841 : vector<16xf32>
        %mul3A_1843 = arith.constant 16 : i32
        %mul3A_1844 = arith.muli %scan3A_159, %mul3A_1843 : i32
        %add3A_1845 = arith.constant 0 : i32
        %add3A_1846 = arith.addi %add3A_1845, %mul3A_1844 : i32
        %add3A_1847 = arith.constant 13 : i32
        %add3A_1848 = arith.addi %add3A_1846, %add3A_1847 : i32
        %slice3A_1849 = vector.extract_strided_slice %get3A_181 {offsets = [13], sizes = [1], strides = [1]} : vector<16xf32> to vector<1xf32>
        %squeeze3A_1850 = vector.extract %slice3A_1849[0] : f32 from vector<1xf32>
        %get3A_1851 = arith.index_cast %add3A_1848 : i32 to index
        %get3A_1852 = arith.constant 0 : index
        %get3A_1853 = tpu.vector_load %arg11[%get3A_1851, %get3A_1852] {strides = array<i32>} : memref<256x128xf32, #tpu.memory_space<vmem>>, vector<1x16xf32>,
        %get3A_1854 = vector.shape_cast %get3A_1853 : vector<1x16xf32> to vector<16xf32>
        %get3A_1855 = arith.index_cast %add3A_1848 : i32 to index
        %get3A_1856 = arith.constant 0 : index
        %get3A_1857 = tpu.vector_load %arg12[%get3A_1855, %get3A_1856] {strides = array<i32>} : memref<256x128xf32, #tpu.memory_space<vmem>>, vector<1x16xf32>,
        %get3A_1858 = vector.shape_cast %get3A_1857 : vector<1x16xf32> to vector<16xf32>
        %add3A_1859 = arith.addf %get3A_1854, %get3A_1858 : vector<16xf32>
        %max3A_1860 = arith.constant 0.000000e+00 : f32
        %max3A_1861 = vector.broadcast %max3A_1860 : f32 to vector<16xf32>
        %max3A_1862 = arith.maximumf %add3A_1859, %max3A_1861 : vector<16xf32>
        %mul3A_1863 = vector.broadcast %squeeze3A_1850 : f32 to vector<16xf32>
        %mul3A_1864 = arith.mulf %max3A_1862, %mul3A_1863 : vector<16xf32>
        %max3A_1865 = arith.maximumf %max3A_1737, %mul3A_1864 : vector<16xf32>
        %get3A_1866 = arith.index_cast %add3A_1848 : i32 to index
        %get3A_1867 = arith.constant 16 : index
        %get3A_1868 = tpu.vector_load %arg11[%get3A_1866, %get3A_1867] {strides = array<i32>} : memref<256x128xf32, #tpu.memory_space<vmem>>, vector<1x16xf32>,
        %get3A_1869 = vector.shape_cast %get3A_1868 : vector<1x16xf32> to vector<16xf32>
        %get3A_1870 = arith.index_cast %add3A_1848 : i32 to index
        %get3A_1871 = arith.constant 16 : index
        %get3A_1872 = tpu.vector_load %arg12[%get3A_1870, %get3A_1871] {strides = array<i32>} : memref<256x128xf32, #tpu.memory_space<vmem>>, vector<1x16xf32>,
        %get3A_1873 = vector.shape_cast %get3A_1872 : vector<1x16xf32> to vector<16xf32>
        %add3A_1874 = arith.addf %get3A_1869, %get3A_1873 : vector<16xf32>
        %max3A_1875 = arith.constant 0.000000e+00 : f32
        %max3A_1876 = vector.broadcast %max3A_1875 : f32 to vector<16xf32>
        %max3A_1877 = arith.maximumf %add3A_1874, %max3A_1876 : vector<16xf32>
        %mul3A_1878 = vector.broadcast %squeeze3A_1850 : f32 to vector<16xf32>
        %mul3A_1879 = arith.mulf %max3A_1877, %mul3A_1878 : vector<16xf32>
        %max3A_1880 = arith.maximumf %max3A_1752, %mul3A_1879 : vector<16xf32>
        %get3A_1881 = arith.index_cast %add3A_1848 : i32 to index
        %get3A_1882 = arith.constant 32 : index
        %get3A_1883 = tpu.vector_load %arg11[%get3A_1881, %get3A_1882] {strides = array<i32>} : memref<256x128xf32, #tpu.memory_space<vmem>>, vector<1x16xf32>,
        %get3A_1884 = vector.shape_cast %get3A_1883 : vector<1x16xf32> to vector<16xf32>
        %get3A_1885 = arith.index_cast %add3A_1848 : i32 to index
        %get3A_1886 = arith.constant 32 : index
        %get3A_1887 = tpu.vector_load %arg12[%get3A_1885, %get3A_1886] {strides = array<i32>} : memref<256x128xf32, #tpu.memory_space<vmem>>, vector<1x16xf32>,
        %get3A_1888 = vector.shape_cast %get3A_1887 : vector<1x16xf32> to vector<16xf32>
        %add3A_1889 = arith.addf %get3A_1884, %get3A_1888 : vector<16xf32>
        %max3A_1890 = arith.constant 0.000000e+00 : f32
        %max3A_1891 = vector.broadcast %max3A_1890 : f32 to vector<16xf32>
        %max3A_1892 = arith.maximumf %add3A_1889, %max3A_1891 : vector<16xf32>
        %mul3A_1893 = vector.broadcast %squeeze3A_1850 : f32 to vector<16xf32>
        %mul3A_1894 = arith.mulf %max3A_1892, %mul3A_1893 : vector<16xf32>
        %max3A_1895 = arith.maximumf %max3A_1767, %mul3A_1894 : vector<16xf32>
        %get3A_1896 = arith.index_cast %add3A_1848 : i32 to index
        %get3A_1897 = arith.constant 48 : index
        %get3A_1898 = tpu.vector_load %arg11[%get3A_1896, %get3A_1897] {strides = array<i32>} : memref<256x128xf32, #tpu.memory_space<vmem>>, vector<1x16xf32>,
        %get3A_1899 = vector.shape_cast %get3A_1898 : vector<1x16xf32> to vector<16xf32>
        %get3A_1900 = arith.index_cast %add3A_1848 : i32 to index
        %get3A_1901 = arith.constant 48 : index
        %get3A_1902 = tpu.vector_load %arg12[%get3A_1900, %get3A_1901] {strides = array<i32>} : memref<256x128xf32, #tpu.memory_space<vmem>>, vector<1x16xf32>,
        %get3A_1903 = vector.shape_cast %get3A_1902 : vector<1x16xf32> to vector<16xf32>
        %add3A_1904 = arith.addf %get3A_1899, %get3A_1903 : vector<16xf32>
        %max3A_1905 = arith.constant 0.000000e+00 : f32
        %max3A_1906 = vector.broadcast %max3A_1905 : f32 to vector<16xf32>
        %max3A_1907 = arith.maximumf %add3A_1904, %max3A_1906 : vector<16xf32>
        %mul3A_1908 = vector.broadcast %squeeze3A_1850 : f32 to vector<16xf32>
        %mul3A_1909 = arith.mulf %max3A_1907, %mul3A_1908 : vector<16xf32>
        %max3A_1910 = arith.maximumf %max3A_1782, %mul3A_1909 : vector<16xf32>
        %get3A_1911 = arith.index_cast %add3A_1848 : i32 to index
        %get3A_1912 = arith.constant 64 : index
        %get3A_1913 = tpu.vector_load %arg11[%get3A_1911, %get3A_1912] {strides = array<i32>} : memref<256x128xf32, #tpu.memory_space<vmem>>, vector<1x16xf32>,
        %get3A_1914 = vector.shape_cast %get3A_1913 : vector<1x16xf32> to vector<16xf32>
        %get3A_1915 = arith.index_cast %add3A_1848 : i32 to index
        %get3A_1916 = arith.constant 64 : index
        %get3A_1917 = tpu.vector_load %arg12[%get3A_1915, %get3A_1916] {strides = array<i32>} : memref<256x128xf32, #tpu.memory_space<vmem>>, vector<1x16xf32>,
        %get3A_1918 = vector.shape_cast %get3A_1917 : vector<1x16xf32> to vector<16xf32>
        %add3A_1919 = arith.addf %get3A_1914, %get3A_1918 : vector<16xf32>
        %max3A_1920 = arith.constant 0.000000e+00 : f32
        %max3A_1921 = vector.broadcast %max3A_1920 : f32 to vector<16xf32>
        %max3A_1922 = arith.maximumf %add3A_1919, %max3A_1921 : vector<16xf32>
        %mul3A_1923 = vector.broadcast %squeeze3A_1850 : f32 to vector<16xf32>
        %mul3A_1924 = arith.mulf %max3A_1922, %mul3A_1923 : vector<16xf32>
        %max3A_1925 = arith.maximumf %max3A_1797, %mul3A_1924 : vector<16xf32>
        %get3A_1926 = arith.index_cast %add3A_1848 : i32 to index
        %get3A_1927 = arith.constant 80 : index
        %get3A_1928 = tpu.vector_load %arg11[%get3A_1926, %get3A_1927] {strides = array<i32>} : memref<256x128xf32, #tpu.memory_space<vmem>>, vector<1x16xf32>,
        %get3A_1929 = vector.shape_cast %get3A_1928 : vector<1x16xf32> to vector<16xf32>
        %get3A_1930 = arith.index_cast %add3A_1848 : i32 to index
        %get3A_1931 = arith.constant 80 : index
        %get3A_1932 = tpu.vector_load %arg12[%get3A_1930, %get3A_1931] {strides = array<i32>} : memref<256x128xf32, #tpu.memory_space<vmem>>, vector<1x16xf32>,
        %get3A_1933 = vector.shape_cast %get3A_1932 : vector<1x16xf32> to vector<16xf32>
        %add3A_1934 = arith.addf %get3A_1929, %get3A_1933 : vector<16xf32>
        %max3A_1935 = arith.constant 0.000000e+00 : f32
        %max3A_1936 = vector.broadcast %max3A_1935 : f32 to vector<16xf32>
        %max3A_1937 = arith.maximumf %add3A_1934, %max3A_1936 : vector<16xf32>
        %mul3A_1938 = vector.broadcast %squeeze3A_1850 : f32 to vector<16xf32>
        %mul3A_1939 = arith.mulf %max3A_1937, %mul3A_1938 : vector<16xf32>
        %max3A_1940 = arith.maximumf %max3A_1812, %mul3A_1939 : vector<16xf32>
        %get3A_1941 = arith.index_cast %add3A_1848 : i32 to index
        %get3A_1942 = arith.constant 96 : index
        %get3A_1943 = tpu.vector_load %arg11[%get3A_1941, %get3A_1942] {strides = array<i32>} : memref<256x128xf32, #tpu.memory_space<vmem>>, vector<1x16xf32>,
        %get3A_1944 = vector.shape_cast %get3A_1943 : vector<1x16xf32> to vector<16xf32>
        %get3A_1945 = arith.index_cast %add3A_1848 : i32 to index
        %get3A_1946 = arith.constant 96 : index
        %get3A_1947 = tpu.vector_load %arg12[%get3A_1945, %get3A_1946] {strides = array<i32>} : memref<256x128xf32, #tpu.memory_space<vmem>>, vector<1x16xf32>,
        %get3A_1948 = vector.shape_cast %get3A_1947 : vector<1x16xf32> to vector<16xf32>
        %add3A_1949 = arith.addf %get3A_1944, %get3A_1948 : vector<16xf32>
        %max3A_1950 = arith.constant 0.000000e+00 : f32
        %max3A_1951 = vector.broadcast %max3A_1950 : f32 to vector<16xf32>
        %max3A_1952 = arith.maximumf %add3A_1949, %max3A_1951 : vector<16xf32>
        %mul3A_1953 = vector.broadcast %squeeze3A_1850 : f32 to vector<16xf32>
        %mul3A_1954 = arith.mulf %max3A_1952, %mul3A_1953 : vector<16xf32>
        %max3A_1955 = arith.maximumf %max3A_1827, %mul3A_1954 : vector<16xf32>
        %get3A_1956 = arith.index_cast %add3A_1848 : i32 to index
        %get3A_1957 = arith.constant 112 : index
        %get3A_1958 = tpu.vector_load %arg11[%get3A_1956, %get3A_1957] {strides = array<i32>} : memref<256x128xf32, #tpu.memory_space<vmem>>, vector<1x16xf32>,
        %get3A_1959 = vector.shape_cast %get3A_1958 : vector<1x16xf32> to vector<16xf32>
        %get3A_1960 = arith.index_cast %add3A_1848 : i32 to index
        %get3A_1961 = arith.constant 112 : index
        %get3A_1962 = tpu.vector_load %arg12[%get3A_1960, %get3A_1961] {strides = array<i32>} : memref<256x128xf32, #tpu.memory_space<vmem>>, vector<1x16xf32>,
        %get3A_1963 = vector.shape_cast %get3A_1962 : vector<1x16xf32> to vector<16xf32>
        %add3A_1964 = arith.addf %get3A_1959, %get3A_1963 : vector<16xf32>
        %max3A_1965 = arith.constant 0.000000e+00 : f32
        %max3A_1966 = vector.broadcast %max3A_1965 : f32 to vector<16xf32>
        %max3A_1967 = arith.maximumf %add3A_1964, %max3A_1966 : vector<16xf32>
        %mul3A_1968 = vector.broadcast %squeeze3A_1850 : f32 to vector<16xf32>
        %mul3A_1969 = arith.mulf %max3A_1967, %mul3A_1968 : vector<16xf32>
        %max3A_1970 = arith.maximumf %max3A_1842, %mul3A_1969 : vector<16xf32>
        %mul3A_1971 = arith.constant 16 : i32
        %mul3A_1972 = arith.muli %scan3A_159, %mul3A_1971 : i32
        %add3A_1973 = arith.constant 0 : i32
        %add3A_1974 = arith.addi %add3A_1973, %mul3A_1972 : i32
        %add3A_1975 = arith.constant 14 : i32
        %add3A_1976 = arith.addi %add3A_1974, %add3A_1975 : i32
        %slice3A_1977 = vector.extract_strided_slice %get3A_181 {offsets = [14], sizes = [1], strides = [1]} : vector<16xf32> to vector<1xf32>
        %squeeze3A_1978 = vector.extract %slice3A_1977[0] : f32 from vector<1xf32>
        %get3A_1979 = arith.index_cast %add3A_1976 : i32 to index
        %get3A_1980 = arith.constant 0 : index
        %get3A_1981 = tpu.vector_load %arg11[%get3A_1979, %get3A_1980] {strides = array<i32>} : memref<256x128xf32, #tpu.memory_space<vmem>>, vector<1x16xf32>,
        %get3A_1982 = vector.shape_cast %get3A_1981 : vector<1x16xf32> to vector<16xf32>
        %get3A_1983 = arith.index_cast %add3A_1976 : i32 to index
        %get3A_1984 = arith.constant 0 : index
        %get3A_1985 = tpu.vector_load %arg12[%get3A_1983, %get3A_1984] {strides = array<i32>} : memref<256x128xf32, #tpu.memory_space<vmem>>, vector<1x16xf32>,
        %get3A_1986 = vector.shape_cast %get3A_1985 : vector<1x16xf32> to vector<16xf32>
        %add3A_1987 = arith.addf %get3A_1982, %get3A_1986 : vector<16xf32>
        %max3A_1988 = arith.constant 0.000000e+00 : f32
        %max3A_1989 = vector.broadcast %max3A_1988 : f32 to vector<16xf32>
        %max3A_1990 = arith.maximumf %add3A_1987, %max3A_1989 : vector<16xf32>
        %mul3A_1991 = vector.broadcast %squeeze3A_1978 : f32 to vector<16xf32>
        %mul3A_1992 = arith.mulf %max3A_1990, %mul3A_1991 : vector<16xf32>
        %max3A_1993 = arith.maximumf %max3A_1865, %mul3A_1992 : vector<16xf32>
        %get3A_1994 = arith.index_cast %add3A_1976 : i32 to index
        %get3A_1995 = arith.constant 16 : index
        %get3A_1996 = tpu.vector_load %arg11[%get3A_1994, %get3A_1995] {strides = array<i32>} : memref<256x128xf32, #tpu.memory_space<vmem>>, vector<1x16xf32>,
        %get3A_1997 = vector.shape_cast %get3A_1996 : vector<1x16xf32> to vector<16xf32>
        %get3A_1998 = arith.index_cast %add3A_1976 : i32 to index
        %get3A_1999 = arith.constant 16 : index
        %get3A_2000 = tpu.vector_load %arg12[%get3A_1998, %get3A_1999] {strides = array<i32>} : memref<256x128xf32, #tpu.memory_space<vmem>>, vector<1x16xf32>,
        %get3A_2001 = vector.shape_cast %get3A_2000 : vector<1x16xf32> to vector<16xf32>
        %add3A_2002 = arith.addf %get3A_1997, %get3A_2001 : vector<16xf32>
        %max3A_2003 = arith.constant 0.000000e+00 : f32
        %max3A_2004 = vector.broadcast %max3A_2003 : f32 to vector<16xf32>
        %max3A_2005 = arith.maximumf %add3A_2002, %max3A_2004 : vector<16xf32>
        %mul3A_2006 = vector.broadcast %squeeze3A_1978 : f32 to vector<16xf32>
        %mul3A_2007 = arith.mulf %max3A_2005, %mul3A_2006 : vector<16xf32>
        %max3A_2008 = arith.maximumf %max3A_1880, %mul3A_2007 : vector<16xf32>
        %get3A_2009 = arith.index_cast %add3A_1976 : i32 to index
        %get3A_2010 = arith.constant 32 : index
        %get3A_2011 = tpu.vector_load %arg11[%get3A_2009, %get3A_2010] {strides = array<i32>} : memref<256x128xf32, #tpu.memory_space<vmem>>, vector<1x16xf32>,
        %get3A_2012 = vector.shape_cast %get3A_2011 : vector<1x16xf32> to vector<16xf32>
        %get3A_2013 = arith.index_cast %add3A_1976 : i32 to index
        %get3A_2014 = arith.constant 32 : index
        %get3A_2015 = tpu.vector_load %arg12[%get3A_2013, %get3A_2014] {strides = array<i32>} : memref<256x128xf32, #tpu.memory_space<vmem>>, vector<1x16xf32>,
        %get3A_2016 = vector.shape_cast %get3A_2015 : vector<1x16xf32> to vector<16xf32>
        %add3A_2017 = arith.addf %get3A_2012, %get3A_2016 : vector<16xf32>
        %max3A_2018 = arith.constant 0.000000e+00 : f32
        %max3A_2019 = vector.broadcast %max3A_2018 : f32 to vector<16xf32>
        %max3A_2020 = arith.maximumf %add3A_2017, %max3A_2019 : vector<16xf32>
        %mul3A_2021 = vector.broadcast %squeeze3A_1978 : f32 to vector<16xf32>
        %mul3A_2022 = arith.mulf %max3A_2020, %mul3A_2021 : vector<16xf32>
        %max3A_2023 = arith.maximumf %max3A_1895, %mul3A_2022 : vector<16xf32>
        %get3A_2024 = arith.index_cast %add3A_1976 : i32 to index
        %get3A_2025 = arith.constant 48 : index
        %get3A_2026 = tpu.vector_load %arg11[%get3A_2024, %get3A_2025] {strides = array<i32>} : memref<256x128xf32, #tpu.memory_space<vmem>>, vector<1x16xf32>,
        %get3A_2027 = vector.shape_cast %get3A_2026 : vector<1x16xf32> to vector<16xf32>
        %get3A_2028 = arith.index_cast %add3A_1976 : i32 to index
        %get3A_2029 = arith.constant 48 : index
        %get3A_2030 = tpu.vector_load %arg12[%get3A_2028, %get3A_2029] {strides = array<i32>} : memref<256x128xf32, #tpu.memory_space<vmem>>, vector<1x16xf32>,
        %get3A_2031 = vector.shape_cast %get3A_2030 : vector<1x16xf32> to vector<16xf32>
        %add3A_2032 = arith.addf %get3A_2027, %get3A_2031 : vector<16xf32>
        %max3A_2033 = arith.constant 0.000000e+00 : f32
        %max3A_2034 = vector.broadcast %max3A_2033 : f32 to vector<16xf32>
        %max3A_2035 = arith.maximumf %add3A_2032, %max3A_2034 : vector<16xf32>
        %mul3A_2036 = vector.broadcast %squeeze3A_1978 : f32 to vector<16xf32>
        %mul3A_2037 = arith.mulf %max3A_2035, %mul3A_2036 : vector<16xf32>
        %max3A_2038 = arith.maximumf %max3A_1910, %mul3A_2037 : vector<16xf32>
        %get3A_2039 = arith.index_cast %add3A_1976 : i32 to index
        %get3A_2040 = arith.constant 64 : index
        %get3A_2041 = tpu.vector_load %arg11[%get3A_2039, %get3A_2040] {strides = array<i32>} : memref<256x128xf32, #tpu.memory_space<vmem>>, vector<1x16xf32>,
        %get3A_2042 = vector.shape_cast %get3A_2041 : vector<1x16xf32> to vector<16xf32>
        %get3A_2043 = arith.index_cast %add3A_1976 : i32 to index
        %get3A_2044 = arith.constant 64 : index
        %get3A_2045 = tpu.vector_load %arg12[%get3A_2043, %get3A_2044] {strides = array<i32>} : memref<256x128xf32, #tpu.memory_space<vmem>>, vector<1x16xf32>,
        %get3A_2046 = vector.shape_cast %get3A_2045 : vector<1x16xf32> to vector<16xf32>
        %add3A_2047 = arith.addf %get3A_2042, %get3A_2046 : vector<16xf32>
        %max3A_2048 = arith.constant 0.000000e+00 : f32
        %max3A_2049 = vector.broadcast %max3A_2048 : f32 to vector<16xf32>
        %max3A_2050 = arith.maximumf %add3A_2047, %max3A_2049 : vector<16xf32>
        %mul3A_2051 = vector.broadcast %squeeze3A_1978 : f32 to vector<16xf32>
        %mul3A_2052 = arith.mulf %max3A_2050, %mul3A_2051 : vector<16xf32>
        %max3A_2053 = arith.maximumf %max3A_1925, %mul3A_2052 : vector<16xf32>
        %get3A_2054 = arith.index_cast %add3A_1976 : i32 to index
        %get3A_2055 = arith.constant 80 : index
        %get3A_2056 = tpu.vector_load %arg11[%get3A_2054, %get3A_2055] {strides = array<i32>} : memref<256x128xf32, #tpu.memory_space<vmem>>, vector<1x16xf32>,
        %get3A_2057 = vector.shape_cast %get3A_2056 : vector<1x16xf32> to vector<16xf32>
        %get3A_2058 = arith.index_cast %add3A_1976 : i32 to index
        %get3A_2059 = arith.constant 80 : index
        %get3A_2060 = tpu.vector_load %arg12[%get3A_2058, %get3A_2059] {strides = array<i32>} : memref<256x128xf32, #tpu.memory_space<vmem>>, vector<1x16xf32>,
        %get3A_2061 = vector.shape_cast %get3A_2060 : vector<1x16xf32> to vector<16xf32>
        %add3A_2062 = arith.addf %get3A_2057, %get3A_2061 : vector<16xf32>
        %max3A_2063 = arith.constant 0.000000e+00 : f32
        %max3A_2064 = vector.broadcast %max3A_2063 : f32 to vector<16xf32>
        %max3A_2065 = arith.maximumf %add3A_2062, %max3A_2064 : vector<16xf32>
        %mul3A_2066 = vector.broadcast %squeeze3A_1978 : f32 to vector<16xf32>
        %mul3A_2067 = arith.mulf %max3A_2065, %mul3A_2066 : vector<16xf32>
        %max3A_2068 = arith.maximumf %max3A_1940, %mul3A_2067 : vector<16xf32>
        %get3A_2069 = arith.index_cast %add3A_1976 : i32 to index
        %get3A_2070 = arith.constant 96 : index
        %get3A_2071 = tpu.vector_load %arg11[%get3A_2069, %get3A_2070] {strides = array<i32>} : memref<256x128xf32, #tpu.memory_space<vmem>>, vector<1x16xf32>,
        %get3A_2072 = vector.shape_cast %get3A_2071 : vector<1x16xf32> to vector<16xf32>
        %get3A_2073 = arith.index_cast %add3A_1976 : i32 to index
        %get3A_2074 = arith.constant 96 : index
        %get3A_2075 = tpu.vector_load %arg12[%get3A_2073, %get3A_2074] {strides = array<i32>} : memref<256x128xf32, #tpu.memory_space<vmem>>, vector<1x16xf32>,
        %get3A_2076 = vector.shape_cast %get3A_2075 : vector<1x16xf32> to vector<16xf32>
        %add3A_2077 = arith.addf %get3A_2072, %get3A_2076 : vector<16xf32>
        %max3A_2078 = arith.constant 0.000000e+00 : f32
        %max3A_2079 = vector.broadcast %max3A_2078 : f32 to vector<16xf32>
        %max3A_2080 = arith.maximumf %add3A_2077, %max3A_2079 : vector<16xf32>
        %mul3A_2081 = vector.broadcast %squeeze3A_1978 : f32 to vector<16xf32>
        %mul3A_2082 = arith.mulf %max3A_2080, %mul3A_2081 : vector<16xf32>
        %max3A_2083 = arith.maximumf %max3A_1955, %mul3A_2082 : vector<16xf32>
        %get3A_2084 = arith.index_cast %add3A_1976 : i32 to index
        %get3A_2085 = arith.constant 112 : index
        %get3A_2086 = tpu.vector_load %arg11[%get3A_2084, %get3A_2085] {strides = array<i32>} : memref<256x128xf32, #tpu.memory_space<vmem>>, vector<1x16xf32>,
        %get3A_2087 = vector.shape_cast %get3A_2086 : vector<1x16xf32> to vector<16xf32>
        %get3A_2088 = arith.index_cast %add3A_1976 : i32 to index
        %get3A_2089 = arith.constant 112 : index
        %get3A_2090 = tpu.vector_load %arg12[%get3A_2088, %get3A_2089] {strides = array<i32>} : memref<256x128xf32, #tpu.memory_space<vmem>>, vector<1x16xf32>,
        %get3A_2091 = vector.shape_cast %get3A_2090 : vector<1x16xf32> to vector<16xf32>
        %add3A_2092 = arith.addf %get3A_2087, %get3A_2091 : vector<16xf32>
        %max3A_2093 = arith.constant 0.000000e+00 : f32
        %max3A_2094 = vector.broadcast %max3A_2093 : f32 to vector<16xf32>
        %max3A_2095 = arith.maximumf %add3A_2092, %max3A_2094 : vector<16xf32>
        %mul3A_2096 = vector.broadcast %squeeze3A_1978 : f32 to vector<16xf32>
        %mul3A_2097 = arith.mulf %max3A_2095, %mul3A_2096 : vector<16xf32>
        %max3A_2098 = arith.maximumf %max3A_1970, %mul3A_2097 : vector<16xf32>
        %mul3A_2099 = arith.constant 16 : i32
        %mul3A_2100 = arith.muli %scan3A_159, %mul3A_2099 : i32
        %add3A_2101 = arith.constant 0 : i32
        %add3A_2102 = arith.addi %add3A_2101, %mul3A_2100 : i32
        %add3A_2103 = arith.constant 15 : i32
        %add3A_2104 = arith.addi %add3A_2102, %add3A_2103 : i32
        %slice3A_2105 = vector.extract_strided_slice %get3A_181 {offsets = [15], sizes = [1], strides = [1]} : vector<16xf32> to vector<1xf32>
        %squeeze3A_2106 = vector.extract %slice3A_2105[0] : f32 from vector<1xf32>
        %get3A_2107 = arith.index_cast %add3A_2104 : i32 to index
        %get3A_2108 = arith.constant 0 : index
        %get3A_2109 = tpu.vector_load %arg11[%get3A_2107, %get3A_2108] {strides = array<i32>} : memref<256x128xf32, #tpu.memory_space<vmem>>, vector<1x16xf32>,
        %get3A_2110 = vector.shape_cast %get3A_2109 : vector<1x16xf32> to vector<16xf32>
        %get3A_2111 = arith.index_cast %add3A_2104 : i32 to index
        %get3A_2112 = arith.constant 0 : index
        %get3A_2113 = tpu.vector_load %arg12[%get3A_2111, %get3A_2112] {strides = array<i32>} : memref<256x128xf32, #tpu.memory_space<vmem>>, vector<1x16xf32>,
        %get3A_2114 = vector.shape_cast %get3A_2113 : vector<1x16xf32> to vector<16xf32>
        %add3A_2115 = arith.addf %get3A_2110, %get3A_2114 : vector<16xf32>
        %max3A_2116 = arith.constant 0.000000e+00 : f32
        %max3A_2117 = vector.broadcast %max3A_2116 : f32 to vector<16xf32>
        %max3A_2118 = arith.maximumf %add3A_2115, %max3A_2117 : vector<16xf32>
        %mul3A_2119 = vector.broadcast %squeeze3A_2106 : f32 to vector<16xf32>
        %mul3A_2120 = arith.mulf %max3A_2118, %mul3A_2119 : vector<16xf32>
        %max3A_2121 = arith.maximumf %max3A_1993, %mul3A_2120 : vector<16xf32>
        %get3A_2122 = arith.index_cast %add3A_2104 : i32 to index
        %get3A_2123 = arith.constant 16 : index
        %get3A_2124 = tpu.vector_load %arg11[%get3A_2122, %get3A_2123] {strides = array<i32>} : memref<256x128xf32, #tpu.memory_space<vmem>>, vector<1x16xf32>,
        %get3A_2125 = vector.shape_cast %get3A_2124 : vector<1x16xf32> to vector<16xf32>
        %get3A_2126 = arith.index_cast %add3A_2104 : i32 to index
        %get3A_2127 = arith.constant 16 : index
        %get3A_2128 = tpu.vector_load %arg12[%get3A_2126, %get3A_2127] {strides = array<i32>} : memref<256x128xf32, #tpu.memory_space<vmem>>, vector<1x16xf32>,
        %get3A_2129 = vector.shape_cast %get3A_2128 : vector<1x16xf32> to vector<16xf32>
        %add3A_2130 = arith.addf %get3A_2125, %get3A_2129 : vector<16xf32>
        %max3A_2131 = arith.constant 0.000000e+00 : f32
        %max3A_2132 = vector.broadcast %max3A_2131 : f32 to vector<16xf32>
        %max3A_2133 = arith.maximumf %add3A_2130, %max3A_2132 : vector<16xf32>
        %mul3A_2134 = vector.broadcast %squeeze3A_2106 : f32 to vector<16xf32>
        %mul3A_2135 = arith.mulf %max3A_2133, %mul3A_2134 : vector<16xf32>
        %max3A_2136 = arith.maximumf %max3A_2008, %mul3A_2135 : vector<16xf32>
        %get3A_2137 = arith.index_cast %add3A_2104 : i32 to index
        %get3A_2138 = arith.constant 32 : index
        %get3A_2139 = tpu.vector_load %arg11[%get3A_2137, %get3A_2138] {strides = array<i32>} : memref<256x128xf32, #tpu.memory_space<vmem>>, vector<1x16xf32>,
        %get3A_2140 = vector.shape_cast %get3A_2139 : vector<1x16xf32> to vector<16xf32>
        %get3A_2141 = arith.index_cast %add3A_2104 : i32 to index
        %get3A_2142 = arith.constant 32 : index
        %get3A_2143 = tpu.vector_load %arg12[%get3A_2141, %get3A_2142] {strides = array<i32>} : memref<256x128xf32, #tpu.memory_space<vmem>>, vector<1x16xf32>,
        %get3A_2144 = vector.shape_cast %get3A_2143 : vector<1x16xf32> to vector<16xf32>
        %add3A_2145 = arith.addf %get3A_2140, %get3A_2144 : vector<16xf32>
        %max3A_2146 = arith.constant 0.000000e+00 : f32
        %max3A_2147 = vector.broadcast %max3A_2146 : f32 to vector<16xf32>
        %max3A_2148 = arith.maximumf %add3A_2145, %max3A_2147 : vector<16xf32>
        %mul3A_2149 = vector.broadcast %squeeze3A_2106 : f32 to vector<16xf32>
        %mul3A_2150 = arith.mulf %max3A_2148, %mul3A_2149 : vector<16xf32>
        %max3A_2151 = arith.maximumf %max3A_2023, %mul3A_2150 : vector<16xf32>
        %get3A_2152 = arith.index_cast %add3A_2104 : i32 to index
        %get3A_2153 = arith.constant 48 : index
        %get3A_2154 = tpu.vector_load %arg11[%get3A_2152, %get3A_2153] {strides = array<i32>} : memref<256x128xf32, #tpu.memory_space<vmem>>, vector<1x16xf32>,
        %get3A_2155 = vector.shape_cast %get3A_2154 : vector<1x16xf32> to vector<16xf32>
        %get3A_2156 = arith.index_cast %add3A_2104 : i32 to index
        %get3A_2157 = arith.constant 48 : index
        %get3A_2158 = tpu.vector_load %arg12[%get3A_2156, %get3A_2157] {strides = array<i32>} : memref<256x128xf32, #tpu.memory_space<vmem>>, vector<1x16xf32>,
        %get3A_2159 = vector.shape_cast %get3A_2158 : vector<1x16xf32> to vector<16xf32>
        %add3A_2160 = arith.addf %get3A_2155, %get3A_2159 : vector<16xf32>
        %max3A_2161 = arith.constant 0.000000e+00 : f32
        %max3A_2162 = vector.broadcast %max3A_2161 : f32 to vector<16xf32>
        %max3A_2163 = arith.maximumf %add3A_2160, %max3A_2162 : vector<16xf32>
        %mul3A_2164 = vector.broadcast %squeeze3A_2106 : f32 to vector<16xf32>
        %mul3A_2165 = arith.mulf %max3A_2163, %mul3A_2164 : vector<16xf32>
        %max3A_2166 = arith.maximumf %max3A_2038, %mul3A_2165 : vector<16xf32>
        %get3A_2167 = arith.index_cast %add3A_2104 : i32 to index
        %get3A_2168 = arith.constant 64 : index
        %get3A_2169 = tpu.vector_load %arg11[%get3A_2167, %get3A_2168] {strides = array<i32>} : memref<256x128xf32, #tpu.memory_space<vmem>>, vector<1x16xf32>,
        %get3A_2170 = vector.shape_cast %get3A_2169 : vector<1x16xf32> to vector<16xf32>
        %get3A_2171 = arith.index_cast %add3A_2104 : i32 to index
        %get3A_2172 = arith.constant 64 : index
        %get3A_2173 = tpu.vector_load %arg12[%get3A_2171, %get3A_2172] {strides = array<i32>} : memref<256x128xf32, #tpu.memory_space<vmem>>, vector<1x16xf32>,
        %get3A_2174 = vector.shape_cast %get3A_2173 : vector<1x16xf32> to vector<16xf32>
        %add3A_2175 = arith.addf %get3A_2170, %get3A_2174 : vector<16xf32>
        %max3A_2176 = arith.constant 0.000000e+00 : f32
        %max3A_2177 = vector.broadcast %max3A_2176 : f32 to vector<16xf32>
        %max3A_2178 = arith.maximumf %add3A_2175, %max3A_2177 : vector<16xf32>
        %mul3A_2179 = vector.broadcast %squeeze3A_2106 : f32 to vector<16xf32>
        %mul3A_2180 = arith.mulf %max3A_2178, %mul3A_2179 : vector<16xf32>
        %max3A_2181 = arith.maximumf %max3A_2053, %mul3A_2180 : vector<16xf32>
        %get3A_2182 = arith.index_cast %add3A_2104 : i32 to index
        %get3A_2183 = arith.constant 80 : index
        %get3A_2184 = tpu.vector_load %arg11[%get3A_2182, %get3A_2183] {strides = array<i32>} : memref<256x128xf32, #tpu.memory_space<vmem>>, vector<1x16xf32>,
        %get3A_2185 = vector.shape_cast %get3A_2184 : vector<1x16xf32> to vector<16xf32>
        %get3A_2186 = arith.index_cast %add3A_2104 : i32 to index
        %get3A_2187 = arith.constant 80 : index
        %get3A_2188 = tpu.vector_load %arg12[%get3A_2186, %get3A_2187] {strides = array<i32>} : memref<256x128xf32, #tpu.memory_space<vmem>>, vector<1x16xf32>,
        %get3A_2189 = vector.shape_cast %get3A_2188 : vector<1x16xf32> to vector<16xf32>
        %add3A_2190 = arith.addf %get3A_2185, %get3A_2189 : vector<16xf32>
        %max3A_2191 = arith.constant 0.000000e+00 : f32
        %max3A_2192 = vector.broadcast %max3A_2191 : f32 to vector<16xf32>
        %max3A_2193 = arith.maximumf %add3A_2190, %max3A_2192 : vector<16xf32>
        %mul3A_2194 = vector.broadcast %squeeze3A_2106 : f32 to vector<16xf32>
        %mul3A_2195 = arith.mulf %max3A_2193, %mul3A_2194 : vector<16xf32>
        %max3A_2196 = arith.maximumf %max3A_2068, %mul3A_2195 : vector<16xf32>
        %get3A_2197 = arith.index_cast %add3A_2104 : i32 to index
        %get3A_2198 = arith.constant 96 : index
        %get3A_2199 = tpu.vector_load %arg11[%get3A_2197, %get3A_2198] {strides = array<i32>} : memref<256x128xf32, #tpu.memory_space<vmem>>, vector<1x16xf32>,
        %get3A_2200 = vector.shape_cast %get3A_2199 : vector<1x16xf32> to vector<16xf32>
        %get3A_2201 = arith.index_cast %add3A_2104 : i32 to index
        %get3A_2202 = arith.constant 96 : index
        %get3A_2203 = tpu.vector_load %arg12[%get3A_2201, %get3A_2202] {strides = array<i32>} : memref<256x128xf32, #tpu.memory_space<vmem>>, vector<1x16xf32>,
        %get3A_2204 = vector.shape_cast %get3A_2203 : vector<1x16xf32> to vector<16xf32>
        %add3A_2205 = arith.addf %get3A_2200, %get3A_2204 : vector<16xf32>
        %max3A_2206 = arith.constant 0.000000e+00 : f32
        %max3A_2207 = vector.broadcast %max3A_2206 : f32 to vector<16xf32>
        %max3A_2208 = arith.maximumf %add3A_2205, %max3A_2207 : vector<16xf32>
        %mul3A_2209 = vector.broadcast %squeeze3A_2106 : f32 to vector<16xf32>
        %mul3A_2210 = arith.mulf %max3A_2208, %mul3A_2209 : vector<16xf32>
        %max3A_2211 = arith.maximumf %max3A_2083, %mul3A_2210 : vector<16xf32>
        %get3A_2212 = arith.index_cast %add3A_2104 : i32 to index
        %get3A_2213 = arith.constant 112 : index
        %get3A_2214 = tpu.vector_load %arg11[%get3A_2212, %get3A_2213] {strides = array<i32>} : memref<256x128xf32, #tpu.memory_space<vmem>>, vector<1x16xf32>,
        %get3A_2215 = vector.shape_cast %get3A_2214 : vector<1x16xf32> to vector<16xf32>
        %get3A_2216 = arith.index_cast %add3A_2104 : i32 to index
        %get3A_2217 = arith.constant 112 : index
        %get3A_2218 = tpu.vector_load %arg12[%get3A_2216, %get3A_2217] {strides = array<i32>} : memref<256x128xf32, #tpu.memory_space<vmem>>, vector<1x16xf32>,
        %get3A_2219 = vector.shape_cast %get3A_2218 : vector<1x16xf32> to vector<16xf32>
        %add3A_2220 = arith.addf %get3A_2215, %get3A_2219 : vector<16xf32>
        %max3A_2221 = arith.constant 0.000000e+00 : f32
        %max3A_2222 = vector.broadcast %max3A_2221 : f32 to vector<16xf32>
        %max3A_2223 = arith.maximumf %add3A_2220, %max3A_2222 : vector<16xf32>
        %mul3A_2224 = vector.broadcast %squeeze3A_2106 : f32 to vector<16xf32>
        %mul3A_2225 = arith.mulf %max3A_2223, %mul3A_2224 : vector<16xf32>
        %max3A_2226 = arith.maximumf %max3A_2098, %mul3A_2225 : vector<16xf32>
        %mul3A_2227 = arith.constant 8 : i32
        %mul3A_2228 = arith.muli %add3A_46, %mul3A_2227 : i32
        %add3A_2229 = arith.addi %mul3A_2228, %scan3A_159 : i32
        %swap3A = arith.index_cast %add3A_2229 : i32 to index
        %swap3A_2230 = arith.constant 0 : index
        %swap3A_2231 = tpu.vector_load %arg13[%swap3A, %swap3A_2230] {strides = array<i32>} : memref<320x128xf32, #tpu.memory_space<vmem>>, vector<1x16xf32>,
        %swap3A_2232 = vector.shape_cast %swap3A_2231 : vector<1x16xf32> to vector<16xf32>
        %swap3A_2233 = vector.shape_cast %max3A_2121 : vector<16xf32> to vector<1x16xf32>
        tpu.vector_store %arg13[%swap3A, %swap3A_2230], %swap3A_2233 {strides = array<i32>} : memref<320x128xf32, #tpu.memory_space<vmem>>, vector<1x16xf32>,
        %mul3A_2234 = arith.constant 8 : i32
        %mul3A_2235 = arith.muli %add3A_46, %mul3A_2234 : i32
        %add3A_2236 = arith.addi %mul3A_2235, %scan3A_159 : i32
        %swap3A_2237 = arith.index_cast %add3A_2236 : i32 to index
        %swap3A_2238 = arith.constant 16 : index
        %swap3A_2239 = tpu.vector_load %arg13[%swap3A_2237, %swap3A_2238] {strides = array<i32>} : memref<320x128xf32, #tpu.memory_space<vmem>>, vector<1x16xf32>,
        %swap3A_2240 = vector.shape_cast %swap3A_2239 : vector<1x16xf32> to vector<16xf32>
        %swap3A_2241 = vector.shape_cast %max3A_2136 : vector<16xf32> to vector<1x16xf32>
        tpu.vector_store %arg13[%swap3A_2237, %swap3A_2238], %swap3A_2241 {strides = array<i32>} : memref<320x128xf32, #tpu.memory_space<vmem>>, vector<1x16xf32>,
        %mul3A_2242 = arith.constant 8 : i32
        %mul3A_2243 = arith.muli %add3A_46, %mul3A_2242 : i32
        %add3A_2244 = arith.addi %mul3A_2243, %scan3A_159 : i32
        %swap3A_2245 = arith.index_cast %add3A_2244 : i32 to index
        %swap3A_2246 = arith.constant 32 : index
        %swap3A_2247 = tpu.vector_load %arg13[%swap3A_2245, %swap3A_2246] {strides = array<i32>} : memref<320x128xf32, #tpu.memory_space<vmem>>, vector<1x16xf32>,
        %swap3A_2248 = vector.shape_cast %swap3A_2247 : vector<1x16xf32> to vector<16xf32>
        %swap3A_2249 = vector.shape_cast %max3A_2151 : vector<16xf32> to vector<1x16xf32>
        tpu.vector_store %arg13[%swap3A_2245, %swap3A_2246], %swap3A_2249 {strides = array<i32>} : memref<320x128xf32, #tpu.memory_space<vmem>>, vector<1x16xf32>,
        %mul3A_2250 = arith.constant 8 : i32
        %mul3A_2251 = arith.muli %add3A_46, %mul3A_2250 : i32
        %add3A_2252 = arith.addi %mul3A_2251, %scan3A_159 : i32
        %swap3A_2253 = arith.index_cast %add3A_2252 : i32 to index
        %swap3A_2254 = arith.constant 48 : index
        %swap3A_2255 = tpu.vector_load %arg13[%swap3A_2253, %swap3A_2254] {strides = array<i32>} : memref<320x128xf32, #tpu.memory_space<vmem>>, vector<1x16xf32>,
        %swap3A_2256 = vector.shape_cast %swap3A_2255 : vector<1x16xf32> to vector<16xf32>
        %swap3A_2257 = vector.shape_cast %max3A_2166 : vector<16xf32> to vector<1x16xf32>
        tpu.vector_store %arg13[%swap3A_2253, %swap3A_2254], %swap3A_2257 {strides = array<i32>} : memref<320x128xf32, #tpu.memory_space<vmem>>, vector<1x16xf32>,
        %mul3A_2258 = arith.constant 8 : i32
        %mul3A_2259 = arith.muli %add3A_46, %mul3A_2258 : i32
        %add3A_2260 = arith.addi %mul3A_2259, %scan3A_159 : i32
        %swap3A_2261 = arith.index_cast %add3A_2260 : i32 to index
        %swap3A_2262 = arith.constant 64 : index
        %swap3A_2263 = tpu.vector_load %arg13[%swap3A_2261, %swap3A_2262] {strides = array<i32>} : memref<320x128xf32, #tpu.memory_space<vmem>>, vector<1x16xf32>,
        %swap3A_2264 = vector.shape_cast %swap3A_2263 : vector<1x16xf32> to vector<16xf32>
        %swap3A_2265 = vector.shape_cast %max3A_2181 : vector<16xf32> to vector<1x16xf32>
        tpu.vector_store %arg13[%swap3A_2261, %swap3A_2262], %swap3A_2265 {strides = array<i32>} : memref<320x128xf32, #tpu.memory_space<vmem>>, vector<1x16xf32>,
        %mul3A_2266 = arith.constant 8 : i32
        %mul3A_2267 = arith.muli %add3A_46, %mul3A_2266 : i32
        %add3A_2268 = arith.addi %mul3A_2267, %scan3A_159 : i32
        %swap3A_2269 = arith.index_cast %add3A_2268 : i32 to index
        %swap3A_2270 = arith.constant 80 : index
        %swap3A_2271 = tpu.vector_load %arg13[%swap3A_2269, %swap3A_2270] {strides = array<i32>} : memref<320x128xf32, #tpu.memory_space<vmem>>, vector<1x16xf32>,
        %swap3A_2272 = vector.shape_cast %swap3A_2271 : vector<1x16xf32> to vector<16xf32>
        %swap3A_2273 = vector.shape_cast %max3A_2196 : vector<16xf32> to vector<1x16xf32>
        tpu.vector_store %arg13[%swap3A_2269, %swap3A_2270], %swap3A_2273 {strides = array<i32>} : memref<320x128xf32, #tpu.memory_space<vmem>>, vector<1x16xf32>,
        %mul3A_2274 = arith.constant 8 : i32
        %mul3A_2275 = arith.muli %add3A_46, %mul3A_2274 : i32
        %add3A_2276 = arith.addi %mul3A_2275, %scan3A_159 : i32
        %swap3A_2277 = arith.index_cast %add3A_2276 : i32 to index
        %swap3A_2278 = arith.constant 96 : index
        %swap3A_2279 = tpu.vector_load %arg13[%swap3A_2277, %swap3A_2278] {strides = array<i32>} : memref<320x128xf32, #tpu.memory_space<vmem>>, vector<1x16xf32>,
        %swap3A_2280 = vector.shape_cast %swap3A_2279 : vector<1x16xf32> to vector<16xf32>
        %swap3A_2281 = vector.shape_cast %max3A_2211 : vector<16xf32> to vector<1x16xf32>
        tpu.vector_store %arg13[%swap3A_2277, %swap3A_2278], %swap3A_2281 {strides = array<i32>} : memref<320x128xf32, #tpu.memory_space<vmem>>, vector<1x16xf32>,
        %mul3A_2282 = arith.constant 8 : i32
        %mul3A_2283 = arith.muli %add3A_46, %mul3A_2282 : i32
        %add3A_2284 = arith.addi %mul3A_2283, %scan3A_159 : i32
        %swap3A_2285 = arith.index_cast %add3A_2284 : i32 to index
        %swap3A_2286 = arith.constant 112 : index
        %swap3A_2287 = tpu.vector_load %arg13[%swap3A_2285, %swap3A_2286] {strides = array<i32>} : memref<320x128xf32, #tpu.memory_space<vmem>>, vector<1x16xf32>,
        %swap3A_2288 = vector.shape_cast %swap3A_2287 : vector<1x16xf32> to vector<16xf32>
        %swap3A_2289 = vector.shape_cast %max3A_2226 : vector<16xf32> to vector<1x16xf32>
        tpu.vector_store %arg13[%swap3A_2285, %swap3A_2286], %swap3A_2289 {strides = array<i32>} : memref<320x128xf32, #tpu.memory_space<vmem>>, vector<1x16xf32>,
      }
      %scan3A_99 = arith.constant 8 : i32
      %add3A_100 = arith.constant 1 : i32
      %add3A_101 = arith.addi %add3A_44, %add3A_100 : i32
      %add3A_102 = arith.constant 1 : i32
      %add3A_103 = arith.addi %add3A_101, %add3A_102 : i32
      %lt3A_104 = arith.constant 40 : i32
      %lt3A_105 = arith.cmpi slt, %add3A_103, %lt3A_104 : i32
      %convert_element_type3A_106 = arith.extui %lt3A_105 : i1 to i32
      %cond3A_107 = arith.constant 0 : i32
      %cond3A_108 = arith.cmpi ne, %convert_element_type3A_106, %cond3A_107 : i32
      scf.if %cond3A_108 {
        %add3A_159 = arith.constant 1 : i32
        %add3A_160 = arith.addi %add3A_101, %add3A_159 : i32
        %mul3A_161 = arith.constant 128 : i32
        %mul3A_162 = arith.muli %add3A_160, %mul3A_161 : i32
        %add3A_163 = arith.constant 0 : i32
        %add3A_164 = arith.addi %mul3A_162, %add3A_163 : i32
        %mul3A_165 = arith.constant 128 : i32
        %mul3A_166 = arith.muli %add3A_160, %mul3A_165 : i32
        %add3A_167 = arith.constant 0 : i32
        %add3A_168 = arith.addi %mul3A_166, %add3A_167 : i32
        %mul3A_169 = arith.constant 128 : i32
        %mul3A_170 = arith.muli %add3A_160, %mul3A_169 : i32
        %add3A_171 = arith.constant 64 : i32
        %add3A_172 = arith.addi %mul3A_170, %add3A_171 : i32
        %mul3A_173 = arith.constant 128 : i32
        %mul3A_174 = arith.muli %add3A_160, %mul3A_173 : i32
        %add3A_175 = arith.constant 64 : i32
        %add3A_176 = arith.addi %mul3A_174, %add3A_175 : i32
        %dma_start3A_177 = arith.constant 0 : i32
        %dma_start3A_178 = arith.constant 0 : i32
        %dma_start3A_179 = tpu.memref_slice %arg11[%dma_start3A_177, %dma_start3A_178] : memref<256x128xf32, #tpu.memory_space<vmem>> -> memref<64x128xf32, #tpu.memory_space<vmem>>
        %dma_start3A_180 = tpu.memref_slice %arg8[%add3A_164] : memref<5120xi32, #tpu.memory_space<vmem>> -> memref<64xi32, #tpu.memory_space<vmem>>
        %dma_start3A_181 = arith.constant 0 : i32
        %dma_start3A_182 = arith.constant 0 : i32
        %dma_start3A_183 = tpu.memref_slice %arg2[%dma_start3A_181, %dma_start3A_182] : memref<10240x128xf32, #tpu.memory_space<hbm>> -> memref<10240x128xf32, #tpu.memory_space<hbm>>
        tpu.enqueue_indirect_dma source(%dma_start3A_183 : memref<10240x128xf32, #tpu.memory_space<hbm>>) target(%dma_start3A_179 : memref<64x128xf32, #tpu.memory_space<vmem>>) offsets(%dma_start3A_180 : memref<64xi32, #tpu.memory_space<vmem>>) semaphore(%arg14 : memref<!tpu.dma_semaphore, #tpu.memory_space<semaphore_mem>>)
        %dma_start3A_184 = arith.constant 0 : i32
        %dma_start3A_185 = arith.constant 0 : i32
        %dma_start3A_186 = tpu.memref_slice %arg12[%dma_start3A_184, %dma_start3A_185] : memref<256x128xf32, #tpu.memory_space<vmem>> -> memref<64x128xf32, #tpu.memory_space<vmem>>
        %dma_start3A_187 = tpu.memref_slice %arg9[%add3A_168] : memref<5120xi32, #tpu.memory_space<vmem>> -> memref<64xi32, #tpu.memory_space<vmem>>
        %dma_start3A_188 = arith.constant 0 : i32
        %dma_start3A_189 = arith.constant 0 : i32
        %dma_start3A_190 = tpu.memref_slice %arg3[%dma_start3A_188, %dma_start3A_189] : memref<10240x128xf32, #tpu.memory_space<hbm>> -> memref<10240x128xf32, #tpu.memory_space<hbm>>
        tpu.enqueue_indirect_dma source(%dma_start3A_190 : memref<10240x128xf32, #tpu.memory_space<hbm>>) target(%dma_start3A_186 : memref<64x128xf32, #tpu.memory_space<vmem>>) offsets(%dma_start3A_187 : memref<64xi32, #tpu.memory_space<vmem>>) semaphore(%arg16 : memref<!tpu.dma_semaphore, #tpu.memory_space<semaphore_mem>>)
        %dma_start3A_191 = arith.constant 64 : i32
        %dma_start3A_192 = arith.constant 0 : i32
        %dma_start3A_193 = tpu.memref_slice %arg11[%dma_start3A_191, %dma_start3A_192] : memref<256x128xf32, #tpu.memory_space<vmem>> -> memref<64x128xf32, #tpu.memory_space<vmem>>
        %dma_start3A_194 = tpu.memref_slice %arg8[%add3A_172] : memref<5120xi32, #tpu.memory_space<vmem>> -> memref<64xi32, #tpu.memory_space<vmem>>
        %dma_start3A_195 = arith.constant 0 : i32
        %dma_start3A_196 = arith.constant 0 : i32
        %dma_start3A_197 = tpu.memref_slice %arg2[%dma_start3A_195, %dma_start3A_196] : memref<10240x128xf32, #tpu.memory_space<hbm>> -> memref<10240x128xf32, #tpu.memory_space<hbm>>
        tpu.enqueue_indirect_dma source(%dma_start3A_197 : memref<10240x128xf32, #tpu.memory_space<hbm>>) target(%dma_start3A_193 : memref<64x128xf32, #tpu.memory_space<vmem>>) offsets(%dma_start3A_194 : memref<64xi32, #tpu.memory_space<vmem>>) semaphore(%arg15 : memref<!tpu.dma_semaphore, #tpu.memory_space<semaphore_mem>>)
        %dma_start3A_198 = arith.constant 64 : i32
        %dma_start3A_199 = arith.constant 0 : i32
        %dma_start3A_200 = tpu.memref_slice %arg12[%dma_start3A_198, %dma_start3A_199] : memref<256x128xf32, #tpu.memory_space<vmem>> -> memref<64x128xf32, #tpu.memory_space<vmem>>
        %dma_start3A_201 = tpu.memref_slice %arg9[%add3A_176] : memref<5120xi32, #tpu.memory_space<vmem>> -> memref<64xi32, #tpu.memory_space<vmem>>
        %dma_start3A_202 = arith.constant 0 : i32
        %dma_start3A_203 = arith.constant 0 : i32
        %dma_start3A_204 = tpu.memref_slice %arg3[%dma_start3A_202, %dma_start3A_203] : memref<10240x128xf32, #tpu.memory_space<hbm>> -> memref<10240x128xf32, #tpu.memory_space<hbm>>
        tpu.enqueue_indirect_dma source(%dma_start3A_204 : memref<10240x128xf32, #tpu.memory_space<hbm>>) target(%dma_start3A_200 : memref<64x128xf32, #tpu.memory_space<vmem>>) offsets(%dma_start3A_201 : memref<64xi32, #tpu.memory_space<vmem>>) semaphore(%arg17 : memref<!tpu.dma_semaphore, #tpu.memory_space<semaphore_mem>>)
      } else {
      }
      %mul3A_109 = arith.constant 128 : i32
      %mul3A_110 = arith.muli %add3A_101, %mul3A_109 : i32
      %add3A_111 = arith.constant 0 : i32
      %add3A_112 = arith.addi %mul3A_110, %add3A_111 : i32
      %mul3A_113 = arith.constant 128 : i32
      %mul3A_114 = arith.muli %add3A_101, %mul3A_113 : i32
      %add3A_115 = arith.constant 0 : i32
      %add3A_116 = arith.addi %mul3A_114, %add3A_115 : i32
      %mul3A_117 = arith.constant 128 : i32
      %mul3A_118 = arith.muli %add3A_101, %mul3A_117 : i32
      %add3A_119 = arith.constant 64 : i32
      %add3A_120 = arith.addi %mul3A_118, %add3A_119 : i32
      %mul3A_121 = arith.constant 128 : i32
      %mul3A_122 = arith.muli %add3A_101, %mul3A_121 : i32
      %add3A_123 = arith.constant 64 : i32
      %add3A_124 = arith.addi %mul3A_122, %add3A_123 : i32
      %dma_wait3A_125 = arith.constant 128 : i32
      %dma_wait3A_126 = arith.constant 0 : i32
      %dma_wait3A_127 = tpu.memref_slice %arg11[%dma_wait3A_125, %dma_wait3A_126] : memref<256x128xf32, #tpu.memory_space<vmem>> -> memref<64x128xf32, #tpu.memory_space<vmem>>
      %dma_wait3A_128 = tpu.memref_slice %arg8[%add3A_112] : memref<5120xi32, #tpu.memory_space<vmem>> -> memref<64xi32, #tpu.memory_space<vmem>>
      %dma_wait3A_129 = arith.constant 0 : i32
      %dma_wait3A_130 = arith.constant 0 : i32
      %dma_wait3A_131 = tpu.memref_slice %arg2[%dma_wait3A_129, %dma_wait3A_130] : memref<10240x128xf32, #tpu.memory_space<hbm>> -> memref<10240x128xf32, #tpu.memory_space<hbm>>
      tpu.wait_indirect_dma semaphore(%arg18 : memref<!tpu.dma_semaphore, #tpu.memory_space<semaphore_mem>>) src(%dma_wait3A_131 : memref<10240x128xf32, #tpu.memory_space<hbm>>) dst(%dma_wait3A_127 : memref<64x128xf32, #tpu.memory_space<vmem>>)
      %dma_wait3A_132 = arith.constant 128 : i32
      %dma_wait3A_133 = arith.constant 0 : i32
      %dma_wait3A_134 = tpu.memref_slice %arg12[%dma_wait3A_132, %dma_wait3A_133] : memref<256x128xf32, #tpu.memory_space<vmem>> -> memref<64x128xf32, #tpu.memory_space<vmem>>
      %dma_wait3A_135 = tpu.memref_slice %arg9[%add3A_116] : memref<5120xi32, #tpu.memory_space<vmem>> -> memref<64xi32, #tpu.memory_space<vmem>>
      %dma_wait3A_136 = arith.constant 0 : i32
      %dma_wait3A_137 = arith.constant 0 : i32
      %dma_wait3A_138 = tpu.memref_slice %arg3[%dma_wait3A_136, %dma_wait3A_137] : memref<10240x128xf32, #tpu.memory_space<hbm>> -> memref<10240x128xf32, #tpu.memory_space<hbm>>
      tpu.wait_indirect_dma semaphore(%arg20 : memref<!tpu.dma_semaphore, #tpu.memory_space<semaphore_mem>>) src(%dma_wait3A_138 : memref<10240x128xf32, #tpu.memory_space<hbm>>) dst(%dma_wait3A_134 : memref<64x128xf32, #tpu.memory_space<vmem>>)
      %dma_wait3A_139 = arith.constant 192 : i32
      %dma_wait3A_140 = arith.constant 0 : i32
      %dma_wait3A_141 = tpu.memref_slice %arg11[%dma_wait3A_139, %dma_wait3A_140] : memref<256x128xf32, #tpu.memory_space<vmem>> -> memref<64x128xf32, #tpu.memory_space<vmem>>
      %dma_wait3A_142 = tpu.memref_slice %arg8[%add3A_120] : memref<5120xi32, #tpu.memory_space<vmem>> -> memref<64xi32, #tpu.memory_space<vmem>>
      %dma_wait3A_143 = arith.constant 0 : i32
      %dma_wait3A_144 = arith.constant 0 : i32
      %dma_wait3A_145 = tpu.memref_slice %arg2[%dma_wait3A_143, %dma_wait3A_144] : memref<10240x128xf32, #tpu.memory_space<hbm>> -> memref<10240x128xf32, #tpu.memory_space<hbm>>
      tpu.wait_indirect_dma semaphore(%arg19 : memref<!tpu.dma_semaphore, #tpu.memory_space<semaphore_mem>>) src(%dma_wait3A_145 : memref<10240x128xf32, #tpu.memory_space<hbm>>) dst(%dma_wait3A_141 : memref<64x128xf32, #tpu.memory_space<vmem>>)
      %dma_wait3A_146 = arith.constant 192 : i32
      %dma_wait3A_147 = arith.constant 0 : i32
      %dma_wait3A_148 = tpu.memref_slice %arg12[%dma_wait3A_146, %dma_wait3A_147] : memref<256x128xf32, #tpu.memory_space<vmem>> -> memref<64x128xf32, #tpu.memory_space<vmem>>
      %dma_wait3A_149 = tpu.memref_slice %arg9[%add3A_124] : memref<5120xi32, #tpu.memory_space<vmem>> -> memref<64xi32, #tpu.memory_space<vmem>>
      %dma_wait3A_150 = arith.constant 0 : i32
      %dma_wait3A_151 = arith.constant 0 : i32
      %dma_wait3A_152 = tpu.memref_slice %arg3[%dma_wait3A_150, %dma_wait3A_151] : memref<10240x128xf32, #tpu.memory_space<hbm>> -> memref<10240x128xf32, #tpu.memory_space<hbm>>
      tpu.wait_indirect_dma semaphore(%arg21 : memref<!tpu.dma_semaphore, #tpu.memory_space<semaphore_mem>>) src(%dma_wait3A_152 : memref<10240x128xf32, #tpu.memory_space<hbm>>) dst(%dma_wait3A_148 : memref<64x128xf32, #tpu.memory_space<vmem>>)
      %scan3A_153 = arith.constant 0 : i32
      %scan3A_154 = arith.constant 0 : i32
      %scan3A_155 = arith.constant 8 : i32
      %scan3A_156 = arith.addi %scan3A_154, %scan3A_155 : i32
      %scan3A_157 = arith.constant 1 : i32
      scf.for %scan3A_159 = %scan3A_154 to %scan3A_156 step %scan3A_157  : i32 {
        %broadcast_in_dim3A = arith.constant 0.000000e+00 : f32
        %broadcast_in_dim3A_160 = vector.broadcast %broadcast_in_dim3A : f32 to vector<16xf32>
        %broadcast_in_dim3A_161 = arith.constant 0.000000e+00 : f32
        %broadcast_in_dim3A_162 = vector.broadcast %broadcast_in_dim3A_161 : f32 to vector<16xf32>
        %broadcast_in_dim3A_163 = arith.constant 0.000000e+00 : f32
        %broadcast_in_dim3A_164 = vector.broadcast %broadcast_in_dim3A_163 : f32 to vector<16xf32>
        %broadcast_in_dim3A_165 = arith.constant 0.000000e+00 : f32
        %broadcast_in_dim3A_166 = vector.broadcast %broadcast_in_dim3A_165 : f32 to vector<16xf32>
        %broadcast_in_dim3A_167 = arith.constant 0.000000e+00 : f32
        %broadcast_in_dim3A_168 = vector.broadcast %broadcast_in_dim3A_167 : f32 to vector<16xf32>
        %broadcast_in_dim3A_169 = arith.constant 0.000000e+00 : f32
        %broadcast_in_dim3A_170 = vector.broadcast %broadcast_in_dim3A_169 : f32 to vector<16xf32>
        %broadcast_in_dim3A_171 = arith.constant 0.000000e+00 : f32
        %broadcast_in_dim3A_172 = vector.broadcast %broadcast_in_dim3A_171 : f32 to vector<16xf32>
        %broadcast_in_dim3A_173 = arith.constant 0.000000e+00 : f32
        %broadcast_in_dim3A_174 = vector.broadcast %broadcast_in_dim3A_173 : f32 to vector<16xf32>
        %mul3A_175 = arith.constant 128 : i32
        %mul3A_176 = arith.muli %add3A_101, %mul3A_175 : i32
        %mul3A_177 = arith.constant 16 : i32
        %mul3A_178 = arith.muli %scan3A_159, %mul3A_177 : i32
        %add3A_179 = arith.addi %mul3A_176, %mul3A_178 : i32
        %get3A = arith.index_cast %add3A_179 : i32 to index
        %get3A_180 = tpu.vector_load %arg10[%get3A] {strides = array<i32>} : memref<5120xf32, #tpu.memory_space<vmem>>, vector<16xf32>,
        %get3A_181 = vector.shape_cast %get3A_180 : vector<16xf32> to vector<16xf32>
        %mul3A_182 = arith.constant 16 : i32
        %mul3A_183 = arith.muli %scan3A_159, %mul3A_182 : i32
        %add3A_184 = arith.constant 128 : i32
        %add3A_185 = arith.addi %add3A_184, %mul3A_183 : i32
        %add3A_186 = arith.constant 0 : i32
        %add3A_187 = arith.addi %add3A_185, %add3A_186 : i32
        %slice3A = vector.extract_strided_slice %get3A_181 {offsets = [0], sizes = [1], strides = [1]} : vector<16xf32> to vector<1xf32>
        %squeeze3A = vector.extract %slice3A[0] : f32 from vector<1xf32>
        %get3A_188 = arith.index_cast %add3A_187 : i32 to index
        %get3A_189 = arith.constant 0 : index
        %get3A_190 = tpu.vector_load %arg11[%get3A_188, %get3A_189] {strides = array<i32>} : memref<256x128xf32, #tpu.memory_space<vmem>>, vector<1x16xf32>,
        %get3A_191 = vector.shape_cast %get3A_190 : vector<1x16xf32> to vector<16xf32>
        %get3A_192 = arith.index_cast %add3A_187 : i32 to index
        %get3A_193 = arith.constant 0 : index
        %get3A_194 = tpu.vector_load %arg12[%get3A_192, %get3A_193] {strides = array<i32>} : memref<256x128xf32, #tpu.memory_space<vmem>>, vector<1x16xf32>,
        %get3A_195 = vector.shape_cast %get3A_194 : vector<1x16xf32> to vector<16xf32>
        %add3A_196 = arith.addf %get3A_191, %get3A_195 : vector<16xf32>
        %max3A = arith.constant 0.000000e+00 : f32
        %max3A_197 = vector.broadcast %max3A : f32 to vector<16xf32>
        %max3A_198 = arith.maximumf %add3A_196, %max3A_197 : vector<16xf32>
        %mul3A_199 = vector.broadcast %squeeze3A : f32 to vector<16xf32>
        %mul3A_200 = arith.mulf %max3A_198, %mul3A_199 : vector<16xf32>
        %max3A_201 = arith.maximumf %broadcast_in_dim3A_160, %mul3A_200 : vector<16xf32>
        %get3A_202 = arith.index_cast %add3A_187 : i32 to index
        %get3A_203 = arith.constant 16 : index
        %get3A_204 = tpu.vector_load %arg11[%get3A_202, %get3A_203] {strides = array<i32>} : memref<256x128xf32, #tpu.memory_space<vmem>>, vector<1x16xf32>,
        %get3A_205 = vector.shape_cast %get3A_204 : vector<1x16xf32> to vector<16xf32>
        %get3A_206 = arith.index_cast %add3A_187 : i32 to index
        %get3A_207 = arith.constant 16 : index
        %get3A_208 = tpu.vector_load %arg12[%get3A_206, %get3A_207] {strides = array<i32>} : memref<256x128xf32, #tpu.memory_space<vmem>>, vector<1x16xf32>,
        %get3A_209 = vector.shape_cast %get3A_208 : vector<1x16xf32> to vector<16xf32>
        %add3A_210 = arith.addf %get3A_205, %get3A_209 : vector<16xf32>
        %max3A_211 = arith.constant 0.000000e+00 : f32
        %max3A_212 = vector.broadcast %max3A_211 : f32 to vector<16xf32>
        %max3A_213 = arith.maximumf %add3A_210, %max3A_212 : vector<16xf32>
        %mul3A_214 = vector.broadcast %squeeze3A : f32 to vector<16xf32>
        %mul3A_215 = arith.mulf %max3A_213, %mul3A_214 : vector<16xf32>
        %max3A_216 = arith.maximumf %broadcast_in_dim3A_162, %mul3A_215 : vector<16xf32>
        %get3A_217 = arith.index_cast %add3A_187 : i32 to index
        %get3A_218 = arith.constant 32 : index
        %get3A_219 = tpu.vector_load %arg11[%get3A_217, %get3A_218] {strides = array<i32>} : memref<256x128xf32, #tpu.memory_space<vmem>>, vector<1x16xf32>,
        %get3A_220 = vector.shape_cast %get3A_219 : vector<1x16xf32> to vector<16xf32>
        %get3A_221 = arith.index_cast %add3A_187 : i32 to index
        %get3A_222 = arith.constant 32 : index
        %get3A_223 = tpu.vector_load %arg12[%get3A_221, %get3A_222] {strides = array<i32>} : memref<256x128xf32, #tpu.memory_space<vmem>>, vector<1x16xf32>,
        %get3A_224 = vector.shape_cast %get3A_223 : vector<1x16xf32> to vector<16xf32>
        %add3A_225 = arith.addf %get3A_220, %get3A_224 : vector<16xf32>
        %max3A_226 = arith.constant 0.000000e+00 : f32
        %max3A_227 = vector.broadcast %max3A_226 : f32 to vector<16xf32>
        %max3A_228 = arith.maximumf %add3A_225, %max3A_227 : vector<16xf32>
        %mul3A_229 = vector.broadcast %squeeze3A : f32 to vector<16xf32>
        %mul3A_230 = arith.mulf %max3A_228, %mul3A_229 : vector<16xf32>
        %max3A_231 = arith.maximumf %broadcast_in_dim3A_164, %mul3A_230 : vector<16xf32>
        %get3A_232 = arith.index_cast %add3A_187 : i32 to index
        %get3A_233 = arith.constant 48 : index
        %get3A_234 = tpu.vector_load %arg11[%get3A_232, %get3A_233] {strides = array<i32>} : memref<256x128xf32, #tpu.memory_space<vmem>>, vector<1x16xf32>,
        %get3A_235 = vector.shape_cast %get3A_234 : vector<1x16xf32> to vector<16xf32>
        %get3A_236 = arith.index_cast %add3A_187 : i32 to index
        %get3A_237 = arith.constant 48 : index
        %get3A_238 = tpu.vector_load %arg12[%get3A_236, %get3A_237] {strides = array<i32>} : memref<256x128xf32, #tpu.memory_space<vmem>>, vector<1x16xf32>,
        %get3A_239 = vector.shape_cast %get3A_238 : vector<1x16xf32> to vector<16xf32>
        %add3A_240 = arith.addf %get3A_235, %get3A_239 : vector<16xf32>
        %max3A_241 = arith.constant 0.000000e+00 : f32
        %max3A_242 = vector.broadcast %max3A_241 : f32 to vector<16xf32>
        %max3A_243 = arith.maximumf %add3A_240, %max3A_242 : vector<16xf32>
        %mul3A_244 = vector.broadcast %squeeze3A : f32 to vector<16xf32>
        %mul3A_245 = arith.mulf %max3A_243, %mul3A_244 : vector<16xf32>
        %max3A_246 = arith.maximumf %broadcast_in_dim3A_166, %mul3A_245 : vector<16xf32>
        %get3A_247 = arith.index_cast %add3A_187 : i32 to index
        %get3A_248 = arith.constant 64 : index
        %get3A_249 = tpu.vector_load %arg11[%get3A_247, %get3A_248] {strides = array<i32>} : memref<256x128xf32, #tpu.memory_space<vmem>>, vector<1x16xf32>,
        %get3A_250 = vector.shape_cast %get3A_249 : vector<1x16xf32> to vector<16xf32>
        %get3A_251 = arith.index_cast %add3A_187 : i32 to index
        %get3A_252 = arith.constant 64 : index
        %get3A_253 = tpu.vector_load %arg12[%get3A_251, %get3A_252] {strides = array<i32>} : memref<256x128xf32, #tpu.memory_space<vmem>>, vector<1x16xf32>,
        %get3A_254 = vector.shape_cast %get3A_253 : vector<1x16xf32> to vector<16xf32>
        %add3A_255 = arith.addf %get3A_250, %get3A_254 : vector<16xf32>
        %max3A_256 = arith.constant 0.000000e+00 : f32
        %max3A_257 = vector.broadcast %max3A_256 : f32 to vector<16xf32>
        %max3A_258 = arith.maximumf %add3A_255, %max3A_257 : vector<16xf32>
        %mul3A_259 = vector.broadcast %squeeze3A : f32 to vector<16xf32>
        %mul3A_260 = arith.mulf %max3A_258, %mul3A_259 : vector<16xf32>
        %max3A_261 = arith.maximumf %broadcast_in_dim3A_168, %mul3A_260 : vector<16xf32>
        %get3A_262 = arith.index_cast %add3A_187 : i32 to index
        %get3A_263 = arith.constant 80 : index
        %get3A_264 = tpu.vector_load %arg11[%get3A_262, %get3A_263] {strides = array<i32>} : memref<256x128xf32, #tpu.memory_space<vmem>>, vector<1x16xf32>,
        %get3A_265 = vector.shape_cast %get3A_264 : vector<1x16xf32> to vector<16xf32>
        %get3A_266 = arith.index_cast %add3A_187 : i32 to index
        %get3A_267 = arith.constant 80 : index
        %get3A_268 = tpu.vector_load %arg12[%get3A_266, %get3A_267] {strides = array<i32>} : memref<256x128xf32, #tpu.memory_space<vmem>>, vector<1x16xf32>,
        %get3A_269 = vector.shape_cast %get3A_268 : vector<1x16xf32> to vector<16xf32>
        %add3A_270 = arith.addf %get3A_265, %get3A_269 : vector<16xf32>
        %max3A_271 = arith.constant 0.000000e+00 : f32
        %max3A_272 = vector.broadcast %max3A_271 : f32 to vector<16xf32>
        %max3A_273 = arith.maximumf %add3A_270, %max3A_272 : vector<16xf32>
        %mul3A_274 = vector.broadcast %squeeze3A : f32 to vector<16xf32>
        %mul3A_275 = arith.mulf %max3A_273, %mul3A_274 : vector<16xf32>
        %max3A_276 = arith.maximumf %broadcast_in_dim3A_170, %mul3A_275 : vector<16xf32>
        %get3A_277 = arith.index_cast %add3A_187 : i32 to index
        %get3A_278 = arith.constant 96 : index
        %get3A_279 = tpu.vector_load %arg11[%get3A_277, %get3A_278] {strides = array<i32>} : memref<256x128xf32, #tpu.memory_space<vmem>>, vector<1x16xf32>,
        %get3A_280 = vector.shape_cast %get3A_279 : vector<1x16xf32> to vector<16xf32>
        %get3A_281 = arith.index_cast %add3A_187 : i32 to index
        %get3A_282 = arith.constant 96 : index
        %get3A_283 = tpu.vector_load %arg12[%get3A_281, %get3A_282] {strides = array<i32>} : memref<256x128xf32, #tpu.memory_space<vmem>>, vector<1x16xf32>,
        %get3A_284 = vector.shape_cast %get3A_283 : vector<1x16xf32> to vector<16xf32>
        %add3A_285 = arith.addf %get3A_280, %get3A_284 : vector<16xf32>
        %max3A_286 = arith.constant 0.000000e+00 : f32
        %max3A_287 = vector.broadcast %max3A_286 : f32 to vector<16xf32>
        %max3A_288 = arith.maximumf %add3A_285, %max3A_287 : vector<16xf32>
        %mul3A_289 = vector.broadcast %squeeze3A : f32 to vector<16xf32>
        %mul3A_290 = arith.mulf %max3A_288, %mul3A_289 : vector<16xf32>
        %max3A_291 = arith.maximumf %broadcast_in_dim3A_172, %mul3A_290 : vector<16xf32>
        %get3A_292 = arith.index_cast %add3A_187 : i32 to index
        %get3A_293 = arith.constant 112 : index
        %get3A_294 = tpu.vector_load %arg11[%get3A_292, %get3A_293] {strides = array<i32>} : memref<256x128xf32, #tpu.memory_space<vmem>>, vector<1x16xf32>,
        %get3A_295 = vector.shape_cast %get3A_294 : vector<1x16xf32> to vector<16xf32>
        %get3A_296 = arith.index_cast %add3A_187 : i32 to index
        %get3A_297 = arith.constant 112 : index
        %get3A_298 = tpu.vector_load %arg12[%get3A_296, %get3A_297] {strides = array<i32>} : memref<256x128xf32, #tpu.memory_space<vmem>>, vector<1x16xf32>,
        %get3A_299 = vector.shape_cast %get3A_298 : vector<1x16xf32> to vector<16xf32>
        %add3A_300 = arith.addf %get3A_295, %get3A_299 : vector<16xf32>
        %max3A_301 = arith.constant 0.000000e+00 : f32
        %max3A_302 = vector.broadcast %max3A_301 : f32 to vector<16xf32>
        %max3A_303 = arith.maximumf %add3A_300, %max3A_302 : vector<16xf32>
        %mul3A_304 = vector.broadcast %squeeze3A : f32 to vector<16xf32>
        %mul3A_305 = arith.mulf %max3A_303, %mul3A_304 : vector<16xf32>
        %max3A_306 = arith.maximumf %broadcast_in_dim3A_174, %mul3A_305 : vector<16xf32>
        %mul3A_307 = arith.constant 16 : i32
        %mul3A_308 = arith.muli %scan3A_159, %mul3A_307 : i32
        %add3A_309 = arith.constant 128 : i32
        %add3A_310 = arith.addi %add3A_309, %mul3A_308 : i32
        %add3A_311 = arith.constant 1 : i32
        %add3A_312 = arith.addi %add3A_310, %add3A_311 : i32
        %slice3A_313 = vector.extract_strided_slice %get3A_181 {offsets = [1], sizes = [1], strides = [1]} : vector<16xf32> to vector<1xf32>
        %squeeze3A_314 = vector.extract %slice3A_313[0] : f32 from vector<1xf32>
        %get3A_315 = arith.index_cast %add3A_312 : i32 to index
        %get3A_316 = arith.constant 0 : index
        %get3A_317 = tpu.vector_load %arg11[%get3A_315, %get3A_316] {strides = array<i32>} : memref<256x128xf32, #tpu.memory_space<vmem>>, vector<1x16xf32>,
        %get3A_318 = vector.shape_cast %get3A_317 : vector<1x16xf32> to vector<16xf32>
        %get3A_319 = arith.index_cast %add3A_312 : i32 to index
        %get3A_320 = arith.constant 0 : index
        %get3A_321 = tpu.vector_load %arg12[%get3A_319, %get3A_320] {strides = array<i32>} : memref<256x128xf32, #tpu.memory_space<vmem>>, vector<1x16xf32>,
        %get3A_322 = vector.shape_cast %get3A_321 : vector<1x16xf32> to vector<16xf32>
        %add3A_323 = arith.addf %get3A_318, %get3A_322 : vector<16xf32>
        %max3A_324 = arith.constant 0.000000e+00 : f32
        %max3A_325 = vector.broadcast %max3A_324 : f32 to vector<16xf32>
        %max3A_326 = arith.maximumf %add3A_323, %max3A_325 : vector<16xf32>
        %mul3A_327 = vector.broadcast %squeeze3A_314 : f32 to vector<16xf32>
        %mul3A_328 = arith.mulf %max3A_326, %mul3A_327 : vector<16xf32>
        %max3A_329 = arith.maximumf %max3A_201, %mul3A_328 : vector<16xf32>
        %get3A_330 = arith.index_cast %add3A_312 : i32 to index
        %get3A_331 = arith.constant 16 : index
        %get3A_332 = tpu.vector_load %arg11[%get3A_330, %get3A_331] {strides = array<i32>} : memref<256x128xf32, #tpu.memory_space<vmem>>, vector<1x16xf32>,
        %get3A_333 = vector.shape_cast %get3A_332 : vector<1x16xf32> to vector<16xf32>
        %get3A_334 = arith.index_cast %add3A_312 : i32 to index
        %get3A_335 = arith.constant 16 : index
        %get3A_336 = tpu.vector_load %arg12[%get3A_334, %get3A_335] {strides = array<i32>} : memref<256x128xf32, #tpu.memory_space<vmem>>, vector<1x16xf32>,
        %get3A_337 = vector.shape_cast %get3A_336 : vector<1x16xf32> to vector<16xf32>
        %add3A_338 = arith.addf %get3A_333, %get3A_337 : vector<16xf32>
        %max3A_339 = arith.constant 0.000000e+00 : f32
        %max3A_340 = vector.broadcast %max3A_339 : f32 to vector<16xf32>
        %max3A_341 = arith.maximumf %add3A_338, %max3A_340 : vector<16xf32>
        %mul3A_342 = vector.broadcast %squeeze3A_314 : f32 to vector<16xf32>
        %mul3A_343 = arith.mulf %max3A_341, %mul3A_342 : vector<16xf32>
        %max3A_344 = arith.maximumf %max3A_216, %mul3A_343 : vector<16xf32>
        %get3A_345 = arith.index_cast %add3A_312 : i32 to index
        %get3A_346 = arith.constant 32 : index
        %get3A_347 = tpu.vector_load %arg11[%get3A_345, %get3A_346] {strides = array<i32>} : memref<256x128xf32, #tpu.memory_space<vmem>>, vector<1x16xf32>,
        %get3A_348 = vector.shape_cast %get3A_347 : vector<1x16xf32> to vector<16xf32>
        %get3A_349 = arith.index_cast %add3A_312 : i32 to index
        %get3A_350 = arith.constant 32 : index
        %get3A_351 = tpu.vector_load %arg12[%get3A_349, %get3A_350] {strides = array<i32>} : memref<256x128xf32, #tpu.memory_space<vmem>>, vector<1x16xf32>,
        %get3A_352 = vector.shape_cast %get3A_351 : vector<1x16xf32> to vector<16xf32>
        %add3A_353 = arith.addf %get3A_348, %get3A_352 : vector<16xf32>
        %max3A_354 = arith.constant 0.000000e+00 : f32
        %max3A_355 = vector.broadcast %max3A_354 : f32 to vector<16xf32>
        %max3A_356 = arith.maximumf %add3A_353, %max3A_355 : vector<16xf32>
        %mul3A_357 = vector.broadcast %squeeze3A_314 : f32 to vector<16xf32>
        %mul3A_358 = arith.mulf %max3A_356, %mul3A_357 : vector<16xf32>
        %max3A_359 = arith.maximumf %max3A_231, %mul3A_358 : vector<16xf32>
        %get3A_360 = arith.index_cast %add3A_312 : i32 to index
        %get3A_361 = arith.constant 48 : index
        %get3A_362 = tpu.vector_load %arg11[%get3A_360, %get3A_361] {strides = array<i32>} : memref<256x128xf32, #tpu.memory_space<vmem>>, vector<1x16xf32>,
        %get3A_363 = vector.shape_cast %get3A_362 : vector<1x16xf32> to vector<16xf32>
        %get3A_364 = arith.index_cast %add3A_312 : i32 to index
        %get3A_365 = arith.constant 48 : index
        %get3A_366 = tpu.vector_load %arg12[%get3A_364, %get3A_365] {strides = array<i32>} : memref<256x128xf32, #tpu.memory_space<vmem>>, vector<1x16xf32>,
        %get3A_367 = vector.shape_cast %get3A_366 : vector<1x16xf32> to vector<16xf32>
        %add3A_368 = arith.addf %get3A_363, %get3A_367 : vector<16xf32>
        %max3A_369 = arith.constant 0.000000e+00 : f32
        %max3A_370 = vector.broadcast %max3A_369 : f32 to vector<16xf32>
        %max3A_371 = arith.maximumf %add3A_368, %max3A_370 : vector<16xf32>
        %mul3A_372 = vector.broadcast %squeeze3A_314 : f32 to vector<16xf32>
        %mul3A_373 = arith.mulf %max3A_371, %mul3A_372 : vector<16xf32>
        %max3A_374 = arith.maximumf %max3A_246, %mul3A_373 : vector<16xf32>
        %get3A_375 = arith.index_cast %add3A_312 : i32 to index
        %get3A_376 = arith.constant 64 : index
        %get3A_377 = tpu.vector_load %arg11[%get3A_375, %get3A_376] {strides = array<i32>} : memref<256x128xf32, #tpu.memory_space<vmem>>, vector<1x16xf32>,
        %get3A_378 = vector.shape_cast %get3A_377 : vector<1x16xf32> to vector<16xf32>
        %get3A_379 = arith.index_cast %add3A_312 : i32 to index
        %get3A_380 = arith.constant 64 : index
        %get3A_381 = tpu.vector_load %arg12[%get3A_379, %get3A_380] {strides = array<i32>} : memref<256x128xf32, #tpu.memory_space<vmem>>, vector<1x16xf32>,
        %get3A_382 = vector.shape_cast %get3A_381 : vector<1x16xf32> to vector<16xf32>
        %add3A_383 = arith.addf %get3A_378, %get3A_382 : vector<16xf32>
        %max3A_384 = arith.constant 0.000000e+00 : f32
        %max3A_385 = vector.broadcast %max3A_384 : f32 to vector<16xf32>
        %max3A_386 = arith.maximumf %add3A_383, %max3A_385 : vector<16xf32>
        %mul3A_387 = vector.broadcast %squeeze3A_314 : f32 to vector<16xf32>
        %mul3A_388 = arith.mulf %max3A_386, %mul3A_387 : vector<16xf32>
        %max3A_389 = arith.maximumf %max3A_261, %mul3A_388 : vector<16xf32>
        %get3A_390 = arith.index_cast %add3A_312 : i32 to index
        %get3A_391 = arith.constant 80 : index
        %get3A_392 = tpu.vector_load %arg11[%get3A_390, %get3A_391] {strides = array<i32>} : memref<256x128xf32, #tpu.memory_space<vmem>>, vector<1x16xf32>,
        %get3A_393 = vector.shape_cast %get3A_392 : vector<1x16xf32> to vector<16xf32>
        %get3A_394 = arith.index_cast %add3A_312 : i32 to index
        %get3A_395 = arith.constant 80 : index
        %get3A_396 = tpu.vector_load %arg12[%get3A_394, %get3A_395] {strides = array<i32>} : memref<256x128xf32, #tpu.memory_space<vmem>>, vector<1x16xf32>,
        %get3A_397 = vector.shape_cast %get3A_396 : vector<1x16xf32> to vector<16xf32>
        %add3A_398 = arith.addf %get3A_393, %get3A_397 : vector<16xf32>
        %max3A_399 = arith.constant 0.000000e+00 : f32
        %max3A_400 = vector.broadcast %max3A_399 : f32 to vector<16xf32>
        %max3A_401 = arith.maximumf %add3A_398, %max3A_400 : vector<16xf32>
        %mul3A_402 = vector.broadcast %squeeze3A_314 : f32 to vector<16xf32>
        %mul3A_403 = arith.mulf %max3A_401, %mul3A_402 : vector<16xf32>
        %max3A_404 = arith.maximumf %max3A_276, %mul3A_403 : vector<16xf32>
        %get3A_405 = arith.index_cast %add3A_312 : i32 to index
        %get3A_406 = arith.constant 96 : index
        %get3A_407 = tpu.vector_load %arg11[%get3A_405, %get3A_406] {strides = array<i32>} : memref<256x128xf32, #tpu.memory_space<vmem>>, vector<1x16xf32>,
        %get3A_408 = vector.shape_cast %get3A_407 : vector<1x16xf32> to vector<16xf32>
        %get3A_409 = arith.index_cast %add3A_312 : i32 to index
        %get3A_410 = arith.constant 96 : index
        %get3A_411 = tpu.vector_load %arg12[%get3A_409, %get3A_410] {strides = array<i32>} : memref<256x128xf32, #tpu.memory_space<vmem>>, vector<1x16xf32>,
        %get3A_412 = vector.shape_cast %get3A_411 : vector<1x16xf32> to vector<16xf32>
        %add3A_413 = arith.addf %get3A_408, %get3A_412 : vector<16xf32>
        %max3A_414 = arith.constant 0.000000e+00 : f32
        %max3A_415 = vector.broadcast %max3A_414 : f32 to vector<16xf32>
        %max3A_416 = arith.maximumf %add3A_413, %max3A_415 : vector<16xf32>
        %mul3A_417 = vector.broadcast %squeeze3A_314 : f32 to vector<16xf32>
        %mul3A_418 = arith.mulf %max3A_416, %mul3A_417 : vector<16xf32>
        %max3A_419 = arith.maximumf %max3A_291, %mul3A_418 : vector<16xf32>
        %get3A_420 = arith.index_cast %add3A_312 : i32 to index
        %get3A_421 = arith.constant 112 : index
        %get3A_422 = tpu.vector_load %arg11[%get3A_420, %get3A_421] {strides = array<i32>} : memref<256x128xf32, #tpu.memory_space<vmem>>, vector<1x16xf32>,
        %get3A_423 = vector.shape_cast %get3A_422 : vector<1x16xf32> to vector<16xf32>
        %get3A_424 = arith.index_cast %add3A_312 : i32 to index
        %get3A_425 = arith.constant 112 : index
        %get3A_426 = tpu.vector_load %arg12[%get3A_424, %get3A_425] {strides = array<i32>} : memref<256x128xf32, #tpu.memory_space<vmem>>, vector<1x16xf32>,
        %get3A_427 = vector.shape_cast %get3A_426 : vector<1x16xf32> to vector<16xf32>
        %add3A_428 = arith.addf %get3A_423, %get3A_427 : vector<16xf32>
        %max3A_429 = arith.constant 0.000000e+00 : f32
        %max3A_430 = vector.broadcast %max3A_429 : f32 to vector<16xf32>
        %max3A_431 = arith.maximumf %add3A_428, %max3A_430 : vector<16xf32>
        %mul3A_432 = vector.broadcast %squeeze3A_314 : f32 to vector<16xf32>
        %mul3A_433 = arith.mulf %max3A_431, %mul3A_432 : vector<16xf32>
        %max3A_434 = arith.maximumf %max3A_306, %mul3A_433 : vector<16xf32>
        %mul3A_435 = arith.constant 16 : i32
        %mul3A_436 = arith.muli %scan3A_159, %mul3A_435 : i32
        %add3A_437 = arith.constant 128 : i32
        %add3A_438 = arith.addi %add3A_437, %mul3A_436 : i32
        %add3A_439 = arith.constant 2 : i32
        %add3A_440 = arith.addi %add3A_438, %add3A_439 : i32
        %slice3A_441 = vector.extract_strided_slice %get3A_181 {offsets = [2], sizes = [1], strides = [1]} : vector<16xf32> to vector<1xf32>
        %squeeze3A_442 = vector.extract %slice3A_441[0] : f32 from vector<1xf32>
        %get3A_443 = arith.index_cast %add3A_440 : i32 to index
        %get3A_444 = arith.constant 0 : index
        %get3A_445 = tpu.vector_load %arg11[%get3A_443, %get3A_444] {strides = array<i32>} : memref<256x128xf32, #tpu.memory_space<vmem>>, vector<1x16xf32>,
        %get3A_446 = vector.shape_cast %get3A_445 : vector<1x16xf32> to vector<16xf32>
        %get3A_447 = arith.index_cast %add3A_440 : i32 to index
        %get3A_448 = arith.constant 0 : index
        %get3A_449 = tpu.vector_load %arg12[%get3A_447, %get3A_448] {strides = array<i32>} : memref<256x128xf32, #tpu.memory_space<vmem>>, vector<1x16xf32>,
        %get3A_450 = vector.shape_cast %get3A_449 : vector<1x16xf32> to vector<16xf32>
        %add3A_451 = arith.addf %get3A_446, %get3A_450 : vector<16xf32>
        %max3A_452 = arith.constant 0.000000e+00 : f32
        %max3A_453 = vector.broadcast %max3A_452 : f32 to vector<16xf32>
        %max3A_454 = arith.maximumf %add3A_451, %max3A_453 : vector<16xf32>
        %mul3A_455 = vector.broadcast %squeeze3A_442 : f32 to vector<16xf32>
        %mul3A_456 = arith.mulf %max3A_454, %mul3A_455 : vector<16xf32>
        %max3A_457 = arith.maximumf %max3A_329, %mul3A_456 : vector<16xf32>
        %get3A_458 = arith.index_cast %add3A_440 : i32 to index
        %get3A_459 = arith.constant 16 : index
        %get3A_460 = tpu.vector_load %arg11[%get3A_458, %get3A_459] {strides = array<i32>} : memref<256x128xf32, #tpu.memory_space<vmem>>, vector<1x16xf32>,
        %get3A_461 = vector.shape_cast %get3A_460 : vector<1x16xf32> to vector<16xf32>
        %get3A_462 = arith.index_cast %add3A_440 : i32 to index
        %get3A_463 = arith.constant 16 : index
        %get3A_464 = tpu.vector_load %arg12[%get3A_462, %get3A_463] {strides = array<i32>} : memref<256x128xf32, #tpu.memory_space<vmem>>, vector<1x16xf32>,
        %get3A_465 = vector.shape_cast %get3A_464 : vector<1x16xf32> to vector<16xf32>
        %add3A_466 = arith.addf %get3A_461, %get3A_465 : vector<16xf32>
        %max3A_467 = arith.constant 0.000000e+00 : f32
        %max3A_468 = vector.broadcast %max3A_467 : f32 to vector<16xf32>
        %max3A_469 = arith.maximumf %add3A_466, %max3A_468 : vector<16xf32>
        %mul3A_470 = vector.broadcast %squeeze3A_442 : f32 to vector<16xf32>
        %mul3A_471 = arith.mulf %max3A_469, %mul3A_470 : vector<16xf32>
        %max3A_472 = arith.maximumf %max3A_344, %mul3A_471 : vector<16xf32>
        %get3A_473 = arith.index_cast %add3A_440 : i32 to index
        %get3A_474 = arith.constant 32 : index
        %get3A_475 = tpu.vector_load %arg11[%get3A_473, %get3A_474] {strides = array<i32>} : memref<256x128xf32, #tpu.memory_space<vmem>>, vector<1x16xf32>,
        %get3A_476 = vector.shape_cast %get3A_475 : vector<1x16xf32> to vector<16xf32>
        %get3A_477 = arith.index_cast %add3A_440 : i32 to index
        %get3A_478 = arith.constant 32 : index
        %get3A_479 = tpu.vector_load %arg12[%get3A_477, %get3A_478] {strides = array<i32>} : memref<256x128xf32, #tpu.memory_space<vmem>>, vector<1x16xf32>,
        %get3A_480 = vector.shape_cast %get3A_479 : vector<1x16xf32> to vector<16xf32>
        %add3A_481 = arith.addf %get3A_476, %get3A_480 : vector<16xf32>
        %max3A_482 = arith.constant 0.000000e+00 : f32
        %max3A_483 = vector.broadcast %max3A_482 : f32 to vector<16xf32>
        %max3A_484 = arith.maximumf %add3A_481, %max3A_483 : vector<16xf32>
        %mul3A_485 = vector.broadcast %squeeze3A_442 : f32 to vector<16xf32>
        %mul3A_486 = arith.mulf %max3A_484, %mul3A_485 : vector<16xf32>
        %max3A_487 = arith.maximumf %max3A_359, %mul3A_486 : vector<16xf32>
        %get3A_488 = arith.index_cast %add3A_440 : i32 to index
        %get3A_489 = arith.constant 48 : index
        %get3A_490 = tpu.vector_load %arg11[%get3A_488, %get3A_489] {strides = array<i32>} : memref<256x128xf32, #tpu.memory_space<vmem>>, vector<1x16xf32>,
        %get3A_491 = vector.shape_cast %get3A_490 : vector<1x16xf32> to vector<16xf32>
        %get3A_492 = arith.index_cast %add3A_440 : i32 to index
        %get3A_493 = arith.constant 48 : index
        %get3A_494 = tpu.vector_load %arg12[%get3A_492, %get3A_493] {strides = array<i32>} : memref<256x128xf32, #tpu.memory_space<vmem>>, vector<1x16xf32>,
        %get3A_495 = vector.shape_cast %get3A_494 : vector<1x16xf32> to vector<16xf32>
        %add3A_496 = arith.addf %get3A_491, %get3A_495 : vector<16xf32>
        %max3A_497 = arith.constant 0.000000e+00 : f32
        %max3A_498 = vector.broadcast %max3A_497 : f32 to vector<16xf32>
        %max3A_499 = arith.maximumf %add3A_496, %max3A_498 : vector<16xf32>
        %mul3A_500 = vector.broadcast %squeeze3A_442 : f32 to vector<16xf32>
        %mul3A_501 = arith.mulf %max3A_499, %mul3A_500 : vector<16xf32>
        %max3A_502 = arith.maximumf %max3A_374, %mul3A_501 : vector<16xf32>
        %get3A_503 = arith.index_cast %add3A_440 : i32 to index
        %get3A_504 = arith.constant 64 : index
        %get3A_505 = tpu.vector_load %arg11[%get3A_503, %get3A_504] {strides = array<i32>} : memref<256x128xf32, #tpu.memory_space<vmem>>, vector<1x16xf32>,
        %get3A_506 = vector.shape_cast %get3A_505 : vector<1x16xf32> to vector<16xf32>
        %get3A_507 = arith.index_cast %add3A_440 : i32 to index
        %get3A_508 = arith.constant 64 : index
        %get3A_509 = tpu.vector_load %arg12[%get3A_507, %get3A_508] {strides = array<i32>} : memref<256x128xf32, #tpu.memory_space<vmem>>, vector<1x16xf32>,
        %get3A_510 = vector.shape_cast %get3A_509 : vector<1x16xf32> to vector<16xf32>
        %add3A_511 = arith.addf %get3A_506, %get3A_510 : vector<16xf32>
        %max3A_512 = arith.constant 0.000000e+00 : f32
        %max3A_513 = vector.broadcast %max3A_512 : f32 to vector<16xf32>
        %max3A_514 = arith.maximumf %add3A_511, %max3A_513 : vector<16xf32>
        %mul3A_515 = vector.broadcast %squeeze3A_442 : f32 to vector<16xf32>
        %mul3A_516 = arith.mulf %max3A_514, %mul3A_515 : vector<16xf32>
        %max3A_517 = arith.maximumf %max3A_389, %mul3A_516 : vector<16xf32>
        %get3A_518 = arith.index_cast %add3A_440 : i32 to index
        %get3A_519 = arith.constant 80 : index
        %get3A_520 = tpu.vector_load %arg11[%get3A_518, %get3A_519] {strides = array<i32>} : memref<256x128xf32, #tpu.memory_space<vmem>>, vector<1x16xf32>,
        %get3A_521 = vector.shape_cast %get3A_520 : vector<1x16xf32> to vector<16xf32>
        %get3A_522 = arith.index_cast %add3A_440 : i32 to index
        %get3A_523 = arith.constant 80 : index
        %get3A_524 = tpu.vector_load %arg12[%get3A_522, %get3A_523] {strides = array<i32>} : memref<256x128xf32, #tpu.memory_space<vmem>>, vector<1x16xf32>,
        %get3A_525 = vector.shape_cast %get3A_524 : vector<1x16xf32> to vector<16xf32>
        %add3A_526 = arith.addf %get3A_521, %get3A_525 : vector<16xf32>
        %max3A_527 = arith.constant 0.000000e+00 : f32
        %max3A_528 = vector.broadcast %max3A_527 : f32 to vector<16xf32>
        %max3A_529 = arith.maximumf %add3A_526, %max3A_528 : vector<16xf32>
        %mul3A_530 = vector.broadcast %squeeze3A_442 : f32 to vector<16xf32>
        %mul3A_531 = arith.mulf %max3A_529, %mul3A_530 : vector<16xf32>
        %max3A_532 = arith.maximumf %max3A_404, %mul3A_531 : vector<16xf32>
        %get3A_533 = arith.index_cast %add3A_440 : i32 to index
        %get3A_534 = arith.constant 96 : index
        %get3A_535 = tpu.vector_load %arg11[%get3A_533, %get3A_534] {strides = array<i32>} : memref<256x128xf32, #tpu.memory_space<vmem>>, vector<1x16xf32>,
        %get3A_536 = vector.shape_cast %get3A_535 : vector<1x16xf32> to vector<16xf32>
        %get3A_537 = arith.index_cast %add3A_440 : i32 to index
        %get3A_538 = arith.constant 96 : index
        %get3A_539 = tpu.vector_load %arg12[%get3A_537, %get3A_538] {strides = array<i32>} : memref<256x128xf32, #tpu.memory_space<vmem>>, vector<1x16xf32>,
        %get3A_540 = vector.shape_cast %get3A_539 : vector<1x16xf32> to vector<16xf32>
        %add3A_541 = arith.addf %get3A_536, %get3A_540 : vector<16xf32>
        %max3A_542 = arith.constant 0.000000e+00 : f32
        %max3A_543 = vector.broadcast %max3A_542 : f32 to vector<16xf32>
        %max3A_544 = arith.maximumf %add3A_541, %max3A_543 : vector<16xf32>
        %mul3A_545 = vector.broadcast %squeeze3A_442 : f32 to vector<16xf32>
        %mul3A_546 = arith.mulf %max3A_544, %mul3A_545 : vector<16xf32>
        %max3A_547 = arith.maximumf %max3A_419, %mul3A_546 : vector<16xf32>
        %get3A_548 = arith.index_cast %add3A_440 : i32 to index
        %get3A_549 = arith.constant 112 : index
        %get3A_550 = tpu.vector_load %arg11[%get3A_548, %get3A_549] {strides = array<i32>} : memref<256x128xf32, #tpu.memory_space<vmem>>, vector<1x16xf32>,
        %get3A_551 = vector.shape_cast %get3A_550 : vector<1x16xf32> to vector<16xf32>
        %get3A_552 = arith.index_cast %add3A_440 : i32 to index
        %get3A_553 = arith.constant 112 : index
        %get3A_554 = tpu.vector_load %arg12[%get3A_552, %get3A_553] {strides = array<i32>} : memref<256x128xf32, #tpu.memory_space<vmem>>, vector<1x16xf32>,
        %get3A_555 = vector.shape_cast %get3A_554 : vector<1x16xf32> to vector<16xf32>
        %add3A_556 = arith.addf %get3A_551, %get3A_555 : vector<16xf32>
        %max3A_557 = arith.constant 0.000000e+00 : f32
        %max3A_558 = vector.broadcast %max3A_557 : f32 to vector<16xf32>
        %max3A_559 = arith.maximumf %add3A_556, %max3A_558 : vector<16xf32>
        %mul3A_560 = vector.broadcast %squeeze3A_442 : f32 to vector<16xf32>
        %mul3A_561 = arith.mulf %max3A_559, %mul3A_560 : vector<16xf32>
        %max3A_562 = arith.maximumf %max3A_434, %mul3A_561 : vector<16xf32>
        %mul3A_563 = arith.constant 16 : i32
        %mul3A_564 = arith.muli %scan3A_159, %mul3A_563 : i32
        %add3A_565 = arith.constant 128 : i32
        %add3A_566 = arith.addi %add3A_565, %mul3A_564 : i32
        %add3A_567 = arith.constant 3 : i32
        %add3A_568 = arith.addi %add3A_566, %add3A_567 : i32
        %slice3A_569 = vector.extract_strided_slice %get3A_181 {offsets = [3], sizes = [1], strides = [1]} : vector<16xf32> to vector<1xf32>
        %squeeze3A_570 = vector.extract %slice3A_569[0] : f32 from vector<1xf32>
        %get3A_571 = arith.index_cast %add3A_568 : i32 to index
        %get3A_572 = arith.constant 0 : index
        %get3A_573 = tpu.vector_load %arg11[%get3A_571, %get3A_572] {strides = array<i32>} : memref<256x128xf32, #tpu.memory_space<vmem>>, vector<1x16xf32>,
        %get3A_574 = vector.shape_cast %get3A_573 : vector<1x16xf32> to vector<16xf32>
        %get3A_575 = arith.index_cast %add3A_568 : i32 to index
        %get3A_576 = arith.constant 0 : index
        %get3A_577 = tpu.vector_load %arg12[%get3A_575, %get3A_576] {strides = array<i32>} : memref<256x128xf32, #tpu.memory_space<vmem>>, vector<1x16xf32>,
        %get3A_578 = vector.shape_cast %get3A_577 : vector<1x16xf32> to vector<16xf32>
        %add3A_579 = arith.addf %get3A_574, %get3A_578 : vector<16xf32>
        %max3A_580 = arith.constant 0.000000e+00 : f32
        %max3A_581 = vector.broadcast %max3A_580 : f32 to vector<16xf32>
        %max3A_582 = arith.maximumf %add3A_579, %max3A_581 : vector<16xf32>
        %mul3A_583 = vector.broadcast %squeeze3A_570 : f32 to vector<16xf32>
        %mul3A_584 = arith.mulf %max3A_582, %mul3A_583 : vector<16xf32>
        %max3A_585 = arith.maximumf %max3A_457, %mul3A_584 : vector<16xf32>
        %get3A_586 = arith.index_cast %add3A_568 : i32 to index
        %get3A_587 = arith.constant 16 : index
        %get3A_588 = tpu.vector_load %arg11[%get3A_586, %get3A_587] {strides = array<i32>} : memref<256x128xf32, #tpu.memory_space<vmem>>, vector<1x16xf32>,
        %get3A_589 = vector.shape_cast %get3A_588 : vector<1x16xf32> to vector<16xf32>
        %get3A_590 = arith.index_cast %add3A_568 : i32 to index
        %get3A_591 = arith.constant 16 : index
        %get3A_592 = tpu.vector_load %arg12[%get3A_590, %get3A_591] {strides = array<i32>} : memref<256x128xf32, #tpu.memory_space<vmem>>, vector<1x16xf32>,
        %get3A_593 = vector.shape_cast %get3A_592 : vector<1x16xf32> to vector<16xf32>
        %add3A_594 = arith.addf %get3A_589, %get3A_593 : vector<16xf32>
        %max3A_595 = arith.constant 0.000000e+00 : f32
        %max3A_596 = vector.broadcast %max3A_595 : f32 to vector<16xf32>
        %max3A_597 = arith.maximumf %add3A_594, %max3A_596 : vector<16xf32>
        %mul3A_598 = vector.broadcast %squeeze3A_570 : f32 to vector<16xf32>
        %mul3A_599 = arith.mulf %max3A_597, %mul3A_598 : vector<16xf32>
        %max3A_600 = arith.maximumf %max3A_472, %mul3A_599 : vector<16xf32>
        %get3A_601 = arith.index_cast %add3A_568 : i32 to index
        %get3A_602 = arith.constant 32 : index
        %get3A_603 = tpu.vector_load %arg11[%get3A_601, %get3A_602] {strides = array<i32>} : memref<256x128xf32, #tpu.memory_space<vmem>>, vector<1x16xf32>,
        %get3A_604 = vector.shape_cast %get3A_603 : vector<1x16xf32> to vector<16xf32>
        %get3A_605 = arith.index_cast %add3A_568 : i32 to index
        %get3A_606 = arith.constant 32 : index
        %get3A_607 = tpu.vector_load %arg12[%get3A_605, %get3A_606] {strides = array<i32>} : memref<256x128xf32, #tpu.memory_space<vmem>>, vector<1x16xf32>,
        %get3A_608 = vector.shape_cast %get3A_607 : vector<1x16xf32> to vector<16xf32>
        %add3A_609 = arith.addf %get3A_604, %get3A_608 : vector<16xf32>
        %max3A_610 = arith.constant 0.000000e+00 : f32
        %max3A_611 = vector.broadcast %max3A_610 : f32 to vector<16xf32>
        %max3A_612 = arith.maximumf %add3A_609, %max3A_611 : vector<16xf32>
        %mul3A_613 = vector.broadcast %squeeze3A_570 : f32 to vector<16xf32>
        %mul3A_614 = arith.mulf %max3A_612, %mul3A_613 : vector<16xf32>
        %max3A_615 = arith.maximumf %max3A_487, %mul3A_614 : vector<16xf32>
        %get3A_616 = arith.index_cast %add3A_568 : i32 to index
        %get3A_617 = arith.constant 48 : index
        %get3A_618 = tpu.vector_load %arg11[%get3A_616, %get3A_617] {strides = array<i32>} : memref<256x128xf32, #tpu.memory_space<vmem>>, vector<1x16xf32>,
        %get3A_619 = vector.shape_cast %get3A_618 : vector<1x16xf32> to vector<16xf32>
        %get3A_620 = arith.index_cast %add3A_568 : i32 to index
        %get3A_621 = arith.constant 48 : index
        %get3A_622 = tpu.vector_load %arg12[%get3A_620, %get3A_621] {strides = array<i32>} : memref<256x128xf32, #tpu.memory_space<vmem>>, vector<1x16xf32>,
        %get3A_623 = vector.shape_cast %get3A_622 : vector<1x16xf32> to vector<16xf32>
        %add3A_624 = arith.addf %get3A_619, %get3A_623 : vector<16xf32>
        %max3A_625 = arith.constant 0.000000e+00 : f32
        %max3A_626 = vector.broadcast %max3A_625 : f32 to vector<16xf32>
        %max3A_627 = arith.maximumf %add3A_624, %max3A_626 : vector<16xf32>
        %mul3A_628 = vector.broadcast %squeeze3A_570 : f32 to vector<16xf32>
        %mul3A_629 = arith.mulf %max3A_627, %mul3A_628 : vector<16xf32>
        %max3A_630 = arith.maximumf %max3A_502, %mul3A_629 : vector<16xf32>
        %get3A_631 = arith.index_cast %add3A_568 : i32 to index
        %get3A_632 = arith.constant 64 : index
        %get3A_633 = tpu.vector_load %arg11[%get3A_631, %get3A_632] {strides = array<i32>} : memref<256x128xf32, #tpu.memory_space<vmem>>, vector<1x16xf32>,
        %get3A_634 = vector.shape_cast %get3A_633 : vector<1x16xf32> to vector<16xf32>
        %get3A_635 = arith.index_cast %add3A_568 : i32 to index
        %get3A_636 = arith.constant 64 : index
        %get3A_637 = tpu.vector_load %arg12[%get3A_635, %get3A_636] {strides = array<i32>} : memref<256x128xf32, #tpu.memory_space<vmem>>, vector<1x16xf32>,
        %get3A_638 = vector.shape_cast %get3A_637 : vector<1x16xf32> to vector<16xf32>
        %add3A_639 = arith.addf %get3A_634, %get3A_638 : vector<16xf32>
        %max3A_640 = arith.constant 0.000000e+00 : f32
        %max3A_641 = vector.broadcast %max3A_640 : f32 to vector<16xf32>
        %max3A_642 = arith.maximumf %add3A_639, %max3A_641 : vector<16xf32>
        %mul3A_643 = vector.broadcast %squeeze3A_570 : f32 to vector<16xf32>
        %mul3A_644 = arith.mulf %max3A_642, %mul3A_643 : vector<16xf32>
        %max3A_645 = arith.maximumf %max3A_517, %mul3A_644 : vector<16xf32>
        %get3A_646 = arith.index_cast %add3A_568 : i32 to index
        %get3A_647 = arith.constant 80 : index
        %get3A_648 = tpu.vector_load %arg11[%get3A_646, %get3A_647] {strides = array<i32>} : memref<256x128xf32, #tpu.memory_space<vmem>>, vector<1x16xf32>,
        %get3A_649 = vector.shape_cast %get3A_648 : vector<1x16xf32> to vector<16xf32>
        %get3A_650 = arith.index_cast %add3A_568 : i32 to index
        %get3A_651 = arith.constant 80 : index
        %get3A_652 = tpu.vector_load %arg12[%get3A_650, %get3A_651] {strides = array<i32>} : memref<256x128xf32, #tpu.memory_space<vmem>>, vector<1x16xf32>,
        %get3A_653 = vector.shape_cast %get3A_652 : vector<1x16xf32> to vector<16xf32>
        %add3A_654 = arith.addf %get3A_649, %get3A_653 : vector<16xf32>
        %max3A_655 = arith.constant 0.000000e+00 : f32
        %max3A_656 = vector.broadcast %max3A_655 : f32 to vector<16xf32>
        %max3A_657 = arith.maximumf %add3A_654, %max3A_656 : vector<16xf32>
        %mul3A_658 = vector.broadcast %squeeze3A_570 : f32 to vector<16xf32>
        %mul3A_659 = arith.mulf %max3A_657, %mul3A_658 : vector<16xf32>
        %max3A_660 = arith.maximumf %max3A_532, %mul3A_659 : vector<16xf32>
        %get3A_661 = arith.index_cast %add3A_568 : i32 to index
        %get3A_662 = arith.constant 96 : index
        %get3A_663 = tpu.vector_load %arg11[%get3A_661, %get3A_662] {strides = array<i32>} : memref<256x128xf32, #tpu.memory_space<vmem>>, vector<1x16xf32>,
        %get3A_664 = vector.shape_cast %get3A_663 : vector<1x16xf32> to vector<16xf32>
        %get3A_665 = arith.index_cast %add3A_568 : i32 to index
        %get3A_666 = arith.constant 96 : index
        %get3A_667 = tpu.vector_load %arg12[%get3A_665, %get3A_666] {strides = array<i32>} : memref<256x128xf32, #tpu.memory_space<vmem>>, vector<1x16xf32>,
        %get3A_668 = vector.shape_cast %get3A_667 : vector<1x16xf32> to vector<16xf32>
        %add3A_669 = arith.addf %get3A_664, %get3A_668 : vector<16xf32>
        %max3A_670 = arith.constant 0.000000e+00 : f32
        %max3A_671 = vector.broadcast %max3A_670 : f32 to vector<16xf32>
        %max3A_672 = arith.maximumf %add3A_669, %max3A_671 : vector<16xf32>
        %mul3A_673 = vector.broadcast %squeeze3A_570 : f32 to vector<16xf32>
        %mul3A_674 = arith.mulf %max3A_672, %mul3A_673 : vector<16xf32>
        %max3A_675 = arith.maximumf %max3A_547, %mul3A_674 : vector<16xf32>
        %get3A_676 = arith.index_cast %add3A_568 : i32 to index
        %get3A_677 = arith.constant 112 : index
        %get3A_678 = tpu.vector_load %arg11[%get3A_676, %get3A_677] {strides = array<i32>} : memref<256x128xf32, #tpu.memory_space<vmem>>, vector<1x16xf32>,
        %get3A_679 = vector.shape_cast %get3A_678 : vector<1x16xf32> to vector<16xf32>
        %get3A_680 = arith.index_cast %add3A_568 : i32 to index
        %get3A_681 = arith.constant 112 : index
        %get3A_682 = tpu.vector_load %arg12[%get3A_680, %get3A_681] {strides = array<i32>} : memref<256x128xf32, #tpu.memory_space<vmem>>, vector<1x16xf32>,
        %get3A_683 = vector.shape_cast %get3A_682 : vector<1x16xf32> to vector<16xf32>
        %add3A_684 = arith.addf %get3A_679, %get3A_683 : vector<16xf32>
        %max3A_685 = arith.constant 0.000000e+00 : f32
        %max3A_686 = vector.broadcast %max3A_685 : f32 to vector<16xf32>
        %max3A_687 = arith.maximumf %add3A_684, %max3A_686 : vector<16xf32>
        %mul3A_688 = vector.broadcast %squeeze3A_570 : f32 to vector<16xf32>
        %mul3A_689 = arith.mulf %max3A_687, %mul3A_688 : vector<16xf32>
        %max3A_690 = arith.maximumf %max3A_562, %mul3A_689 : vector<16xf32>
        %mul3A_691 = arith.constant 16 : i32
        %mul3A_692 = arith.muli %scan3A_159, %mul3A_691 : i32
        %add3A_693 = arith.constant 128 : i32
        %add3A_694 = arith.addi %add3A_693, %mul3A_692 : i32
        %add3A_695 = arith.constant 4 : i32
        %add3A_696 = arith.addi %add3A_694, %add3A_695 : i32
        %slice3A_697 = vector.extract_strided_slice %get3A_181 {offsets = [4], sizes = [1], strides = [1]} : vector<16xf32> to vector<1xf32>
        %squeeze3A_698 = vector.extract %slice3A_697[0] : f32 from vector<1xf32>
        %get3A_699 = arith.index_cast %add3A_696 : i32 to index
        %get3A_700 = arith.constant 0 : index
        %get3A_701 = tpu.vector_load %arg11[%get3A_699, %get3A_700] {strides = array<i32>} : memref<256x128xf32, #tpu.memory_space<vmem>>, vector<1x16xf32>,
        %get3A_702 = vector.shape_cast %get3A_701 : vector<1x16xf32> to vector<16xf32>
        %get3A_703 = arith.index_cast %add3A_696 : i32 to index
        %get3A_704 = arith.constant 0 : index
        %get3A_705 = tpu.vector_load %arg12[%get3A_703, %get3A_704] {strides = array<i32>} : memref<256x128xf32, #tpu.memory_space<vmem>>, vector<1x16xf32>,
        %get3A_706 = vector.shape_cast %get3A_705 : vector<1x16xf32> to vector<16xf32>
        %add3A_707 = arith.addf %get3A_702, %get3A_706 : vector<16xf32>
        %max3A_708 = arith.constant 0.000000e+00 : f32
        %max3A_709 = vector.broadcast %max3A_708 : f32 to vector<16xf32>
        %max3A_710 = arith.maximumf %add3A_707, %max3A_709 : vector<16xf32>
        %mul3A_711 = vector.broadcast %squeeze3A_698 : f32 to vector<16xf32>
        %mul3A_712 = arith.mulf %max3A_710, %mul3A_711 : vector<16xf32>
        %max3A_713 = arith.maximumf %max3A_585, %mul3A_712 : vector<16xf32>
        %get3A_714 = arith.index_cast %add3A_696 : i32 to index
        %get3A_715 = arith.constant 16 : index
        %get3A_716 = tpu.vector_load %arg11[%get3A_714, %get3A_715] {strides = array<i32>} : memref<256x128xf32, #tpu.memory_space<vmem>>, vector<1x16xf32>,
        %get3A_717 = vector.shape_cast %get3A_716 : vector<1x16xf32> to vector<16xf32>
        %get3A_718 = arith.index_cast %add3A_696 : i32 to index
        %get3A_719 = arith.constant 16 : index
        %get3A_720 = tpu.vector_load %arg12[%get3A_718, %get3A_719] {strides = array<i32>} : memref<256x128xf32, #tpu.memory_space<vmem>>, vector<1x16xf32>,
        %get3A_721 = vector.shape_cast %get3A_720 : vector<1x16xf32> to vector<16xf32>
        %add3A_722 = arith.addf %get3A_717, %get3A_721 : vector<16xf32>
        %max3A_723 = arith.constant 0.000000e+00 : f32
        %max3A_724 = vector.broadcast %max3A_723 : f32 to vector<16xf32>
        %max3A_725 = arith.maximumf %add3A_722, %max3A_724 : vector<16xf32>
        %mul3A_726 = vector.broadcast %squeeze3A_698 : f32 to vector<16xf32>
        %mul3A_727 = arith.mulf %max3A_725, %mul3A_726 : vector<16xf32>
        %max3A_728 = arith.maximumf %max3A_600, %mul3A_727 : vector<16xf32>
        %get3A_729 = arith.index_cast %add3A_696 : i32 to index
        %get3A_730 = arith.constant 32 : index
        %get3A_731 = tpu.vector_load %arg11[%get3A_729, %get3A_730] {strides = array<i32>} : memref<256x128xf32, #tpu.memory_space<vmem>>, vector<1x16xf32>,
        %get3A_732 = vector.shape_cast %get3A_731 : vector<1x16xf32> to vector<16xf32>
        %get3A_733 = arith.index_cast %add3A_696 : i32 to index
        %get3A_734 = arith.constant 32 : index
        %get3A_735 = tpu.vector_load %arg12[%get3A_733, %get3A_734] {strides = array<i32>} : memref<256x128xf32, #tpu.memory_space<vmem>>, vector<1x16xf32>,
        %get3A_736 = vector.shape_cast %get3A_735 : vector<1x16xf32> to vector<16xf32>
        %add3A_737 = arith.addf %get3A_732, %get3A_736 : vector<16xf32>
        %max3A_738 = arith.constant 0.000000e+00 : f32
        %max3A_739 = vector.broadcast %max3A_738 : f32 to vector<16xf32>
        %max3A_740 = arith.maximumf %add3A_737, %max3A_739 : vector<16xf32>
        %mul3A_741 = vector.broadcast %squeeze3A_698 : f32 to vector<16xf32>
        %mul3A_742 = arith.mulf %max3A_740, %mul3A_741 : vector<16xf32>
        %max3A_743 = arith.maximumf %max3A_615, %mul3A_742 : vector<16xf32>
        %get3A_744 = arith.index_cast %add3A_696 : i32 to index
        %get3A_745 = arith.constant 48 : index
        %get3A_746 = tpu.vector_load %arg11[%get3A_744, %get3A_745] {strides = array<i32>} : memref<256x128xf32, #tpu.memory_space<vmem>>, vector<1x16xf32>,
        %get3A_747 = vector.shape_cast %get3A_746 : vector<1x16xf32> to vector<16xf32>
        %get3A_748 = arith.index_cast %add3A_696 : i32 to index
        %get3A_749 = arith.constant 48 : index
        %get3A_750 = tpu.vector_load %arg12[%get3A_748, %get3A_749] {strides = array<i32>} : memref<256x128xf32, #tpu.memory_space<vmem>>, vector<1x16xf32>,
        %get3A_751 = vector.shape_cast %get3A_750 : vector<1x16xf32> to vector<16xf32>
        %add3A_752 = arith.addf %get3A_747, %get3A_751 : vector<16xf32>
        %max3A_753 = arith.constant 0.000000e+00 : f32
        %max3A_754 = vector.broadcast %max3A_753 : f32 to vector<16xf32>
        %max3A_755 = arith.maximumf %add3A_752, %max3A_754 : vector<16xf32>
        %mul3A_756 = vector.broadcast %squeeze3A_698 : f32 to vector<16xf32>
        %mul3A_757 = arith.mulf %max3A_755, %mul3A_756 : vector<16xf32>
        %max3A_758 = arith.maximumf %max3A_630, %mul3A_757 : vector<16xf32>
        %get3A_759 = arith.index_cast %add3A_696 : i32 to index
        %get3A_760 = arith.constant 64 : index
        %get3A_761 = tpu.vector_load %arg11[%get3A_759, %get3A_760] {strides = array<i32>} : memref<256x128xf32, #tpu.memory_space<vmem>>, vector<1x16xf32>,
        %get3A_762 = vector.shape_cast %get3A_761 : vector<1x16xf32> to vector<16xf32>
        %get3A_763 = arith.index_cast %add3A_696 : i32 to index
        %get3A_764 = arith.constant 64 : index
        %get3A_765 = tpu.vector_load %arg12[%get3A_763, %get3A_764] {strides = array<i32>} : memref<256x128xf32, #tpu.memory_space<vmem>>, vector<1x16xf32>,
        %get3A_766 = vector.shape_cast %get3A_765 : vector<1x16xf32> to vector<16xf32>
        %add3A_767 = arith.addf %get3A_762, %get3A_766 : vector<16xf32>
        %max3A_768 = arith.constant 0.000000e+00 : f32
        %max3A_769 = vector.broadcast %max3A_768 : f32 to vector<16xf32>
        %max3A_770 = arith.maximumf %add3A_767, %max3A_769 : vector<16xf32>
        %mul3A_771 = vector.broadcast %squeeze3A_698 : f32 to vector<16xf32>
        %mul3A_772 = arith.mulf %max3A_770, %mul3A_771 : vector<16xf32>
        %max3A_773 = arith.maximumf %max3A_645, %mul3A_772 : vector<16xf32>
        %get3A_774 = arith.index_cast %add3A_696 : i32 to index
        %get3A_775 = arith.constant 80 : index
        %get3A_776 = tpu.vector_load %arg11[%get3A_774, %get3A_775] {strides = array<i32>} : memref<256x128xf32, #tpu.memory_space<vmem>>, vector<1x16xf32>,
        %get3A_777 = vector.shape_cast %get3A_776 : vector<1x16xf32> to vector<16xf32>
        %get3A_778 = arith.index_cast %add3A_696 : i32 to index
        %get3A_779 = arith.constant 80 : index
        %get3A_780 = tpu.vector_load %arg12[%get3A_778, %get3A_779] {strides = array<i32>} : memref<256x128xf32, #tpu.memory_space<vmem>>, vector<1x16xf32>,
        %get3A_781 = vector.shape_cast %get3A_780 : vector<1x16xf32> to vector<16xf32>
        %add3A_782 = arith.addf %get3A_777, %get3A_781 : vector<16xf32>
        %max3A_783 = arith.constant 0.000000e+00 : f32
        %max3A_784 = vector.broadcast %max3A_783 : f32 to vector<16xf32>
        %max3A_785 = arith.maximumf %add3A_782, %max3A_784 : vector<16xf32>
        %mul3A_786 = vector.broadcast %squeeze3A_698 : f32 to vector<16xf32>
        %mul3A_787 = arith.mulf %max3A_785, %mul3A_786 : vector<16xf32>
        %max3A_788 = arith.maximumf %max3A_660, %mul3A_787 : vector<16xf32>
        %get3A_789 = arith.index_cast %add3A_696 : i32 to index
        %get3A_790 = arith.constant 96 : index
        %get3A_791 = tpu.vector_load %arg11[%get3A_789, %get3A_790] {strides = array<i32>} : memref<256x128xf32, #tpu.memory_space<vmem>>, vector<1x16xf32>,
        %get3A_792 = vector.shape_cast %get3A_791 : vector<1x16xf32> to vector<16xf32>
        %get3A_793 = arith.index_cast %add3A_696 : i32 to index
        %get3A_794 = arith.constant 96 : index
        %get3A_795 = tpu.vector_load %arg12[%get3A_793, %get3A_794] {strides = array<i32>} : memref<256x128xf32, #tpu.memory_space<vmem>>, vector<1x16xf32>,
        %get3A_796 = vector.shape_cast %get3A_795 : vector<1x16xf32> to vector<16xf32>
        %add3A_797 = arith.addf %get3A_792, %get3A_796 : vector<16xf32>
        %max3A_798 = arith.constant 0.000000e+00 : f32
        %max3A_799 = vector.broadcast %max3A_798 : f32 to vector<16xf32>
        %max3A_800 = arith.maximumf %add3A_797, %max3A_799 : vector<16xf32>
        %mul3A_801 = vector.broadcast %squeeze3A_698 : f32 to vector<16xf32>
        %mul3A_802 = arith.mulf %max3A_800, %mul3A_801 : vector<16xf32>
        %max3A_803 = arith.maximumf %max3A_675, %mul3A_802 : vector<16xf32>
        %get3A_804 = arith.index_cast %add3A_696 : i32 to index
        %get3A_805 = arith.constant 112 : index
        %get3A_806 = tpu.vector_load %arg11[%get3A_804, %get3A_805] {strides = array<i32>} : memref<256x128xf32, #tpu.memory_space<vmem>>, vector<1x16xf32>,
        %get3A_807 = vector.shape_cast %get3A_806 : vector<1x16xf32> to vector<16xf32>
        %get3A_808 = arith.index_cast %add3A_696 : i32 to index
        %get3A_809 = arith.constant 112 : index
        %get3A_810 = tpu.vector_load %arg12[%get3A_808, %get3A_809] {strides = array<i32>} : memref<256x128xf32, #tpu.memory_space<vmem>>, vector<1x16xf32>,
        %get3A_811 = vector.shape_cast %get3A_810 : vector<1x16xf32> to vector<16xf32>
        %add3A_812 = arith.addf %get3A_807, %get3A_811 : vector<16xf32>
        %max3A_813 = arith.constant 0.000000e+00 : f32
        %max3A_814 = vector.broadcast %max3A_813 : f32 to vector<16xf32>
        %max3A_815 = arith.maximumf %add3A_812, %max3A_814 : vector<16xf32>
        %mul3A_816 = vector.broadcast %squeeze3A_698 : f32 to vector<16xf32>
        %mul3A_817 = arith.mulf %max3A_815, %mul3A_816 : vector<16xf32>
        %max3A_818 = arith.maximumf %max3A_690, %mul3A_817 : vector<16xf32>
        %mul3A_819 = arith.constant 16 : i32
        %mul3A_820 = arith.muli %scan3A_159, %mul3A_819 : i32
        %add3A_821 = arith.constant 128 : i32
        %add3A_822 = arith.addi %add3A_821, %mul3A_820 : i32
        %add3A_823 = arith.constant 5 : i32
        %add3A_824 = arith.addi %add3A_822, %add3A_823 : i32
        %slice3A_825 = vector.extract_strided_slice %get3A_181 {offsets = [5], sizes = [1], strides = [1]} : vector<16xf32> to vector<1xf32>
        %squeeze3A_826 = vector.extract %slice3A_825[0] : f32 from vector<1xf32>
        %get3A_827 = arith.index_cast %add3A_824 : i32 to index
        %get3A_828 = arith.constant 0 : index
        %get3A_829 = tpu.vector_load %arg11[%get3A_827, %get3A_828] {strides = array<i32>} : memref<256x128xf32, #tpu.memory_space<vmem>>, vector<1x16xf32>,
        %get3A_830 = vector.shape_cast %get3A_829 : vector<1x16xf32> to vector<16xf32>
        %get3A_831 = arith.index_cast %add3A_824 : i32 to index
        %get3A_832 = arith.constant 0 : index
        %get3A_833 = tpu.vector_load %arg12[%get3A_831, %get3A_832] {strides = array<i32>} : memref<256x128xf32, #tpu.memory_space<vmem>>, vector<1x16xf32>,
        %get3A_834 = vector.shape_cast %get3A_833 : vector<1x16xf32> to vector<16xf32>
        %add3A_835 = arith.addf %get3A_830, %get3A_834 : vector<16xf32>
        %max3A_836 = arith.constant 0.000000e+00 : f32
        %max3A_837 = vector.broadcast %max3A_836 : f32 to vector<16xf32>
        %max3A_838 = arith.maximumf %add3A_835, %max3A_837 : vector<16xf32>
        %mul3A_839 = vector.broadcast %squeeze3A_826 : f32 to vector<16xf32>
        %mul3A_840 = arith.mulf %max3A_838, %mul3A_839 : vector<16xf32>
        %max3A_841 = arith.maximumf %max3A_713, %mul3A_840 : vector<16xf32>
        %get3A_842 = arith.index_cast %add3A_824 : i32 to index
        %get3A_843 = arith.constant 16 : index
        %get3A_844 = tpu.vector_load %arg11[%get3A_842, %get3A_843] {strides = array<i32>} : memref<256x128xf32, #tpu.memory_space<vmem>>, vector<1x16xf32>,
        %get3A_845 = vector.shape_cast %get3A_844 : vector<1x16xf32> to vector<16xf32>
        %get3A_846 = arith.index_cast %add3A_824 : i32 to index
        %get3A_847 = arith.constant 16 : index
        %get3A_848 = tpu.vector_load %arg12[%get3A_846, %get3A_847] {strides = array<i32>} : memref<256x128xf32, #tpu.memory_space<vmem>>, vector<1x16xf32>,
        %get3A_849 = vector.shape_cast %get3A_848 : vector<1x16xf32> to vector<16xf32>
        %add3A_850 = arith.addf %get3A_845, %get3A_849 : vector<16xf32>
        %max3A_851 = arith.constant 0.000000e+00 : f32
        %max3A_852 = vector.broadcast %max3A_851 : f32 to vector<16xf32>
        %max3A_853 = arith.maximumf %add3A_850, %max3A_852 : vector<16xf32>
        %mul3A_854 = vector.broadcast %squeeze3A_826 : f32 to vector<16xf32>
        %mul3A_855 = arith.mulf %max3A_853, %mul3A_854 : vector<16xf32>
        %max3A_856 = arith.maximumf %max3A_728, %mul3A_855 : vector<16xf32>
        %get3A_857 = arith.index_cast %add3A_824 : i32 to index
        %get3A_858 = arith.constant 32 : index
        %get3A_859 = tpu.vector_load %arg11[%get3A_857, %get3A_858] {strides = array<i32>} : memref<256x128xf32, #tpu.memory_space<vmem>>, vector<1x16xf32>,
        %get3A_860 = vector.shape_cast %get3A_859 : vector<1x16xf32> to vector<16xf32>
        %get3A_861 = arith.index_cast %add3A_824 : i32 to index
        %get3A_862 = arith.constant 32 : index
        %get3A_863 = tpu.vector_load %arg12[%get3A_861, %get3A_862] {strides = array<i32>} : memref<256x128xf32, #tpu.memory_space<vmem>>, vector<1x16xf32>,
        %get3A_864 = vector.shape_cast %get3A_863 : vector<1x16xf32> to vector<16xf32>
        %add3A_865 = arith.addf %get3A_860, %get3A_864 : vector<16xf32>
        %max3A_866 = arith.constant 0.000000e+00 : f32
        %max3A_867 = vector.broadcast %max3A_866 : f32 to vector<16xf32>
        %max3A_868 = arith.maximumf %add3A_865, %max3A_867 : vector<16xf32>
        %mul3A_869 = vector.broadcast %squeeze3A_826 : f32 to vector<16xf32>
        %mul3A_870 = arith.mulf %max3A_868, %mul3A_869 : vector<16xf32>
        %max3A_871 = arith.maximumf %max3A_743, %mul3A_870 : vector<16xf32>
        %get3A_872 = arith.index_cast %add3A_824 : i32 to index
        %get3A_873 = arith.constant 48 : index
        %get3A_874 = tpu.vector_load %arg11[%get3A_872, %get3A_873] {strides = array<i32>} : memref<256x128xf32, #tpu.memory_space<vmem>>, vector<1x16xf32>,
        %get3A_875 = vector.shape_cast %get3A_874 : vector<1x16xf32> to vector<16xf32>
        %get3A_876 = arith.index_cast %add3A_824 : i32 to index
        %get3A_877 = arith.constant 48 : index
        %get3A_878 = tpu.vector_load %arg12[%get3A_876, %get3A_877] {strides = array<i32>} : memref<256x128xf32, #tpu.memory_space<vmem>>, vector<1x16xf32>,
        %get3A_879 = vector.shape_cast %get3A_878 : vector<1x16xf32> to vector<16xf32>
        %add3A_880 = arith.addf %get3A_875, %get3A_879 : vector<16xf32>
        %max3A_881 = arith.constant 0.000000e+00 : f32
        %max3A_882 = vector.broadcast %max3A_881 : f32 to vector<16xf32>
        %max3A_883 = arith.maximumf %add3A_880, %max3A_882 : vector<16xf32>
        %mul3A_884 = vector.broadcast %squeeze3A_826 : f32 to vector<16xf32>
        %mul3A_885 = arith.mulf %max3A_883, %mul3A_884 : vector<16xf32>
        %max3A_886 = arith.maximumf %max3A_758, %mul3A_885 : vector<16xf32>
        %get3A_887 = arith.index_cast %add3A_824 : i32 to index
        %get3A_888 = arith.constant 64 : index
        %get3A_889 = tpu.vector_load %arg11[%get3A_887, %get3A_888] {strides = array<i32>} : memref<256x128xf32, #tpu.memory_space<vmem>>, vector<1x16xf32>,
        %get3A_890 = vector.shape_cast %get3A_889 : vector<1x16xf32> to vector<16xf32>
        %get3A_891 = arith.index_cast %add3A_824 : i32 to index
        %get3A_892 = arith.constant 64 : index
        %get3A_893 = tpu.vector_load %arg12[%get3A_891, %get3A_892] {strides = array<i32>} : memref<256x128xf32, #tpu.memory_space<vmem>>, vector<1x16xf32>,
        %get3A_894 = vector.shape_cast %get3A_893 : vector<1x16xf32> to vector<16xf32>
        %add3A_895 = arith.addf %get3A_890, %get3A_894 : vector<16xf32>
        %max3A_896 = arith.constant 0.000000e+00 : f32
        %max3A_897 = vector.broadcast %max3A_896 : f32 to vector<16xf32>
        %max3A_898 = arith.maximumf %add3A_895, %max3A_897 : vector<16xf32>
        %mul3A_899 = vector.broadcast %squeeze3A_826 : f32 to vector<16xf32>
        %mul3A_900 = arith.mulf %max3A_898, %mul3A_899 : vector<16xf32>
        %max3A_901 = arith.maximumf %max3A_773, %mul3A_900 : vector<16xf32>
        %get3A_902 = arith.index_cast %add3A_824 : i32 to index
        %get3A_903 = arith.constant 80 : index
        %get3A_904 = tpu.vector_load %arg11[%get3A_902, %get3A_903] {strides = array<i32>} : memref<256x128xf32, #tpu.memory_space<vmem>>, vector<1x16xf32>,
        %get3A_905 = vector.shape_cast %get3A_904 : vector<1x16xf32> to vector<16xf32>
        %get3A_906 = arith.index_cast %add3A_824 : i32 to index
        %get3A_907 = arith.constant 80 : index
        %get3A_908 = tpu.vector_load %arg12[%get3A_906, %get3A_907] {strides = array<i32>} : memref<256x128xf32, #tpu.memory_space<vmem>>, vector<1x16xf32>,
        %get3A_909 = vector.shape_cast %get3A_908 : vector<1x16xf32> to vector<16xf32>
        %add3A_910 = arith.addf %get3A_905, %get3A_909 : vector<16xf32>
        %max3A_911 = arith.constant 0.000000e+00 : f32
        %max3A_912 = vector.broadcast %max3A_911 : f32 to vector<16xf32>
        %max3A_913 = arith.maximumf %add3A_910, %max3A_912 : vector<16xf32>
        %mul3A_914 = vector.broadcast %squeeze3A_826 : f32 to vector<16xf32>
        %mul3A_915 = arith.mulf %max3A_913, %mul3A_914 : vector<16xf32>
        %max3A_916 = arith.maximumf %max3A_788, %mul3A_915 : vector<16xf32>
        %get3A_917 = arith.index_cast %add3A_824 : i32 to index
        %get3A_918 = arith.constant 96 : index
        %get3A_919 = tpu.vector_load %arg11[%get3A_917, %get3A_918] {strides = array<i32>} : memref<256x128xf32, #tpu.memory_space<vmem>>, vector<1x16xf32>,
        %get3A_920 = vector.shape_cast %get3A_919 : vector<1x16xf32> to vector<16xf32>
        %get3A_921 = arith.index_cast %add3A_824 : i32 to index
        %get3A_922 = arith.constant 96 : index
        %get3A_923 = tpu.vector_load %arg12[%get3A_921, %get3A_922] {strides = array<i32>} : memref<256x128xf32, #tpu.memory_space<vmem>>, vector<1x16xf32>,
        %get3A_924 = vector.shape_cast %get3A_923 : vector<1x16xf32> to vector<16xf32>
        %add3A_925 = arith.addf %get3A_920, %get3A_924 : vector<16xf32>
        %max3A_926 = arith.constant 0.000000e+00 : f32
        %max3A_927 = vector.broadcast %max3A_926 : f32 to vector<16xf32>
        %max3A_928 = arith.maximumf %add3A_925, %max3A_927 : vector<16xf32>
        %mul3A_929 = vector.broadcast %squeeze3A_826 : f32 to vector<16xf32>
        %mul3A_930 = arith.mulf %max3A_928, %mul3A_929 : vector<16xf32>
        %max3A_931 = arith.maximumf %max3A_803, %mul3A_930 : vector<16xf32>
        %get3A_932 = arith.index_cast %add3A_824 : i32 to index
        %get3A_933 = arith.constant 112 : index
        %get3A_934 = tpu.vector_load %arg11[%get3A_932, %get3A_933] {strides = array<i32>} : memref<256x128xf32, #tpu.memory_space<vmem>>, vector<1x16xf32>,
        %get3A_935 = vector.shape_cast %get3A_934 : vector<1x16xf32> to vector<16xf32>
        %get3A_936 = arith.index_cast %add3A_824 : i32 to index
        %get3A_937 = arith.constant 112 : index
        %get3A_938 = tpu.vector_load %arg12[%get3A_936, %get3A_937] {strides = array<i32>} : memref<256x128xf32, #tpu.memory_space<vmem>>, vector<1x16xf32>,
        %get3A_939 = vector.shape_cast %get3A_938 : vector<1x16xf32> to vector<16xf32>
        %add3A_940 = arith.addf %get3A_935, %get3A_939 : vector<16xf32>
        %max3A_941 = arith.constant 0.000000e+00 : f32
        %max3A_942 = vector.broadcast %max3A_941 : f32 to vector<16xf32>
        %max3A_943 = arith.maximumf %add3A_940, %max3A_942 : vector<16xf32>
        %mul3A_944 = vector.broadcast %squeeze3A_826 : f32 to vector<16xf32>
        %mul3A_945 = arith.mulf %max3A_943, %mul3A_944 : vector<16xf32>
        %max3A_946 = arith.maximumf %max3A_818, %mul3A_945 : vector<16xf32>
        %mul3A_947 = arith.constant 16 : i32
        %mul3A_948 = arith.muli %scan3A_159, %mul3A_947 : i32
        %add3A_949 = arith.constant 128 : i32
        %add3A_950 = arith.addi %add3A_949, %mul3A_948 : i32
        %add3A_951 = arith.constant 6 : i32
        %add3A_952 = arith.addi %add3A_950, %add3A_951 : i32
        %slice3A_953 = vector.extract_strided_slice %get3A_181 {offsets = [6], sizes = [1], strides = [1]} : vector<16xf32> to vector<1xf32>
        %squeeze3A_954 = vector.extract %slice3A_953[0] : f32 from vector<1xf32>
        %get3A_955 = arith.index_cast %add3A_952 : i32 to index
        %get3A_956 = arith.constant 0 : index
        %get3A_957 = tpu.vector_load %arg11[%get3A_955, %get3A_956] {strides = array<i32>} : memref<256x128xf32, #tpu.memory_space<vmem>>, vector<1x16xf32>,
        %get3A_958 = vector.shape_cast %get3A_957 : vector<1x16xf32> to vector<16xf32>
        %get3A_959 = arith.index_cast %add3A_952 : i32 to index
        %get3A_960 = arith.constant 0 : index
        %get3A_961 = tpu.vector_load %arg12[%get3A_959, %get3A_960] {strides = array<i32>} : memref<256x128xf32, #tpu.memory_space<vmem>>, vector<1x16xf32>,
        %get3A_962 = vector.shape_cast %get3A_961 : vector<1x16xf32> to vector<16xf32>
        %add3A_963 = arith.addf %get3A_958, %get3A_962 : vector<16xf32>
        %max3A_964 = arith.constant 0.000000e+00 : f32
        %max3A_965 = vector.broadcast %max3A_964 : f32 to vector<16xf32>
        %max3A_966 = arith.maximumf %add3A_963, %max3A_965 : vector<16xf32>
        %mul3A_967 = vector.broadcast %squeeze3A_954 : f32 to vector<16xf32>
        %mul3A_968 = arith.mulf %max3A_966, %mul3A_967 : vector<16xf32>
        %max3A_969 = arith.maximumf %max3A_841, %mul3A_968 : vector<16xf32>
        %get3A_970 = arith.index_cast %add3A_952 : i32 to index
        %get3A_971 = arith.constant 16 : index
        %get3A_972 = tpu.vector_load %arg11[%get3A_970, %get3A_971] {strides = array<i32>} : memref<256x128xf32, #tpu.memory_space<vmem>>, vector<1x16xf32>,
        %get3A_973 = vector.shape_cast %get3A_972 : vector<1x16xf32> to vector<16xf32>
        %get3A_974 = arith.index_cast %add3A_952 : i32 to index
        %get3A_975 = arith.constant 16 : index
        %get3A_976 = tpu.vector_load %arg12[%get3A_974, %get3A_975] {strides = array<i32>} : memref<256x128xf32, #tpu.memory_space<vmem>>, vector<1x16xf32>,
        %get3A_977 = vector.shape_cast %get3A_976 : vector<1x16xf32> to vector<16xf32>
        %add3A_978 = arith.addf %get3A_973, %get3A_977 : vector<16xf32>
        %max3A_979 = arith.constant 0.000000e+00 : f32
        %max3A_980 = vector.broadcast %max3A_979 : f32 to vector<16xf32>
        %max3A_981 = arith.maximumf %add3A_978, %max3A_980 : vector<16xf32>
        %mul3A_982 = vector.broadcast %squeeze3A_954 : f32 to vector<16xf32>
        %mul3A_983 = arith.mulf %max3A_981, %mul3A_982 : vector<16xf32>
        %max3A_984 = arith.maximumf %max3A_856, %mul3A_983 : vector<16xf32>
        %get3A_985 = arith.index_cast %add3A_952 : i32 to index
        %get3A_986 = arith.constant 32 : index
        %get3A_987 = tpu.vector_load %arg11[%get3A_985, %get3A_986] {strides = array<i32>} : memref<256x128xf32, #tpu.memory_space<vmem>>, vector<1x16xf32>,
        %get3A_988 = vector.shape_cast %get3A_987 : vector<1x16xf32> to vector<16xf32>
        %get3A_989 = arith.index_cast %add3A_952 : i32 to index
        %get3A_990 = arith.constant 32 : index
        %get3A_991 = tpu.vector_load %arg12[%get3A_989, %get3A_990] {strides = array<i32>} : memref<256x128xf32, #tpu.memory_space<vmem>>, vector<1x16xf32>,
        %get3A_992 = vector.shape_cast %get3A_991 : vector<1x16xf32> to vector<16xf32>
        %add3A_993 = arith.addf %get3A_988, %get3A_992 : vector<16xf32>
        %max3A_994 = arith.constant 0.000000e+00 : f32
        %max3A_995 = vector.broadcast %max3A_994 : f32 to vector<16xf32>
        %max3A_996 = arith.maximumf %add3A_993, %max3A_995 : vector<16xf32>
        %mul3A_997 = vector.broadcast %squeeze3A_954 : f32 to vector<16xf32>
        %mul3A_998 = arith.mulf %max3A_996, %mul3A_997 : vector<16xf32>
        %max3A_999 = arith.maximumf %max3A_871, %mul3A_998 : vector<16xf32>
        %get3A_1000 = arith.index_cast %add3A_952 : i32 to index
        %get3A_1001 = arith.constant 48 : index
        %get3A_1002 = tpu.vector_load %arg11[%get3A_1000, %get3A_1001] {strides = array<i32>} : memref<256x128xf32, #tpu.memory_space<vmem>>, vector<1x16xf32>,
        %get3A_1003 = vector.shape_cast %get3A_1002 : vector<1x16xf32> to vector<16xf32>
        %get3A_1004 = arith.index_cast %add3A_952 : i32 to index
        %get3A_1005 = arith.constant 48 : index
        %get3A_1006 = tpu.vector_load %arg12[%get3A_1004, %get3A_1005] {strides = array<i32>} : memref<256x128xf32, #tpu.memory_space<vmem>>, vector<1x16xf32>,
        %get3A_1007 = vector.shape_cast %get3A_1006 : vector<1x16xf32> to vector<16xf32>
        %add3A_1008 = arith.addf %get3A_1003, %get3A_1007 : vector<16xf32>
        %max3A_1009 = arith.constant 0.000000e+00 : f32
        %max3A_1010 = vector.broadcast %max3A_1009 : f32 to vector<16xf32>
        %max3A_1011 = arith.maximumf %add3A_1008, %max3A_1010 : vector<16xf32>
        %mul3A_1012 = vector.broadcast %squeeze3A_954 : f32 to vector<16xf32>
        %mul3A_1013 = arith.mulf %max3A_1011, %mul3A_1012 : vector<16xf32>
        %max3A_1014 = arith.maximumf %max3A_886, %mul3A_1013 : vector<16xf32>
        %get3A_1015 = arith.index_cast %add3A_952 : i32 to index
        %get3A_1016 = arith.constant 64 : index
        %get3A_1017 = tpu.vector_load %arg11[%get3A_1015, %get3A_1016] {strides = array<i32>} : memref<256x128xf32, #tpu.memory_space<vmem>>, vector<1x16xf32>,
        %get3A_1018 = vector.shape_cast %get3A_1017 : vector<1x16xf32> to vector<16xf32>
        %get3A_1019 = arith.index_cast %add3A_952 : i32 to index
        %get3A_1020 = arith.constant 64 : index
        %get3A_1021 = tpu.vector_load %arg12[%get3A_1019, %get3A_1020] {strides = array<i32>} : memref<256x128xf32, #tpu.memory_space<vmem>>, vector<1x16xf32>,
        %get3A_1022 = vector.shape_cast %get3A_1021 : vector<1x16xf32> to vector<16xf32>
        %add3A_1023 = arith.addf %get3A_1018, %get3A_1022 : vector<16xf32>
        %max3A_1024 = arith.constant 0.000000e+00 : f32
        %max3A_1025 = vector.broadcast %max3A_1024 : f32 to vector<16xf32>
        %max3A_1026 = arith.maximumf %add3A_1023, %max3A_1025 : vector<16xf32>
        %mul3A_1027 = vector.broadcast %squeeze3A_954 : f32 to vector<16xf32>
        %mul3A_1028 = arith.mulf %max3A_1026, %mul3A_1027 : vector<16xf32>
        %max3A_1029 = arith.maximumf %max3A_901, %mul3A_1028 : vector<16xf32>
        %get3A_1030 = arith.index_cast %add3A_952 : i32 to index
        %get3A_1031 = arith.constant 80 : index
        %get3A_1032 = tpu.vector_load %arg11[%get3A_1030, %get3A_1031] {strides = array<i32>} : memref<256x128xf32, #tpu.memory_space<vmem>>, vector<1x16xf32>,
        %get3A_1033 = vector.shape_cast %get3A_1032 : vector<1x16xf32> to vector<16xf32>
        %get3A_1034 = arith.index_cast %add3A_952 : i32 to index
        %get3A_1035 = arith.constant 80 : index
        %get3A_1036 = tpu.vector_load %arg12[%get3A_1034, %get3A_1035] {strides = array<i32>} : memref<256x128xf32, #tpu.memory_space<vmem>>, vector<1x16xf32>,
        %get3A_1037 = vector.shape_cast %get3A_1036 : vector<1x16xf32> to vector<16xf32>
        %add3A_1038 = arith.addf %get3A_1033, %get3A_1037 : vector<16xf32>
        %max3A_1039 = arith.constant 0.000000e+00 : f32
        %max3A_1040 = vector.broadcast %max3A_1039 : f32 to vector<16xf32>
        %max3A_1041 = arith.maximumf %add3A_1038, %max3A_1040 : vector<16xf32>
        %mul3A_1042 = vector.broadcast %squeeze3A_954 : f32 to vector<16xf32>
        %mul3A_1043 = arith.mulf %max3A_1041, %mul3A_1042 : vector<16xf32>
        %max3A_1044 = arith.maximumf %max3A_916, %mul3A_1043 : vector<16xf32>
        %get3A_1045 = arith.index_cast %add3A_952 : i32 to index
        %get3A_1046 = arith.constant 96 : index
        %get3A_1047 = tpu.vector_load %arg11[%get3A_1045, %get3A_1046] {strides = array<i32>} : memref<256x128xf32, #tpu.memory_space<vmem>>, vector<1x16xf32>,
        %get3A_1048 = vector.shape_cast %get3A_1047 : vector<1x16xf32> to vector<16xf32>
        %get3A_1049 = arith.index_cast %add3A_952 : i32 to index
        %get3A_1050 = arith.constant 96 : index
        %get3A_1051 = tpu.vector_load %arg12[%get3A_1049, %get3A_1050] {strides = array<i32>} : memref<256x128xf32, #tpu.memory_space<vmem>>, vector<1x16xf32>,
        %get3A_1052 = vector.shape_cast %get3A_1051 : vector<1x16xf32> to vector<16xf32>
        %add3A_1053 = arith.addf %get3A_1048, %get3A_1052 : vector<16xf32>
        %max3A_1054 = arith.constant 0.000000e+00 : f32
        %max3A_1055 = vector.broadcast %max3A_1054 : f32 to vector<16xf32>
        %max3A_1056 = arith.maximumf %add3A_1053, %max3A_1055 : vector<16xf32>
        %mul3A_1057 = vector.broadcast %squeeze3A_954 : f32 to vector<16xf32>
        %mul3A_1058 = arith.mulf %max3A_1056, %mul3A_1057 : vector<16xf32>
        %max3A_1059 = arith.maximumf %max3A_931, %mul3A_1058 : vector<16xf32>
        %get3A_1060 = arith.index_cast %add3A_952 : i32 to index
        %get3A_1061 = arith.constant 112 : index
        %get3A_1062 = tpu.vector_load %arg11[%get3A_1060, %get3A_1061] {strides = array<i32>} : memref<256x128xf32, #tpu.memory_space<vmem>>, vector<1x16xf32>,
        %get3A_1063 = vector.shape_cast %get3A_1062 : vector<1x16xf32> to vector<16xf32>
        %get3A_1064 = arith.index_cast %add3A_952 : i32 to index
        %get3A_1065 = arith.constant 112 : index
        %get3A_1066 = tpu.vector_load %arg12[%get3A_1064, %get3A_1065] {strides = array<i32>} : memref<256x128xf32, #tpu.memory_space<vmem>>, vector<1x16xf32>,
        %get3A_1067 = vector.shape_cast %get3A_1066 : vector<1x16xf32> to vector<16xf32>
        %add3A_1068 = arith.addf %get3A_1063, %get3A_1067 : vector<16xf32>
        %max3A_1069 = arith.constant 0.000000e+00 : f32
        %max3A_1070 = vector.broadcast %max3A_1069 : f32 to vector<16xf32>
        %max3A_1071 = arith.maximumf %add3A_1068, %max3A_1070 : vector<16xf32>
        %mul3A_1072 = vector.broadcast %squeeze3A_954 : f32 to vector<16xf32>
        %mul3A_1073 = arith.mulf %max3A_1071, %mul3A_1072 : vector<16xf32>
        %max3A_1074 = arith.maximumf %max3A_946, %mul3A_1073 : vector<16xf32>
        %mul3A_1075 = arith.constant 16 : i32
        %mul3A_1076 = arith.muli %scan3A_159, %mul3A_1075 : i32
        %add3A_1077 = arith.constant 128 : i32
        %add3A_1078 = arith.addi %add3A_1077, %mul3A_1076 : i32
        %add3A_1079 = arith.constant 7 : i32
        %add3A_1080 = arith.addi %add3A_1078, %add3A_1079 : i32
        %slice3A_1081 = vector.extract_strided_slice %get3A_181 {offsets = [7], sizes = [1], strides = [1]} : vector<16xf32> to vector<1xf32>
        %squeeze3A_1082 = vector.extract %slice3A_1081[0] : f32 from vector<1xf32>
        %get3A_1083 = arith.index_cast %add3A_1080 : i32 to index
        %get3A_1084 = arith.constant 0 : index
        %get3A_1085 = tpu.vector_load %arg11[%get3A_1083, %get3A_1084] {strides = array<i32>} : memref<256x128xf32, #tpu.memory_space<vmem>>, vector<1x16xf32>,
        %get3A_1086 = vector.shape_cast %get3A_1085 : vector<1x16xf32> to vector<16xf32>
        %get3A_1087 = arith.index_cast %add3A_1080 : i32 to index
        %get3A_1088 = arith.constant 0 : index
        %get3A_1089 = tpu.vector_load %arg12[%get3A_1087, %get3A_1088] {strides = array<i32>} : memref<256x128xf32, #tpu.memory_space<vmem>>, vector<1x16xf32>,
        %get3A_1090 = vector.shape_cast %get3A_1089 : vector<1x16xf32> to vector<16xf32>
        %add3A_1091 = arith.addf %get3A_1086, %get3A_1090 : vector<16xf32>
        %max3A_1092 = arith.constant 0.000000e+00 : f32
        %max3A_1093 = vector.broadcast %max3A_1092 : f32 to vector<16xf32>
        %max3A_1094 = arith.maximumf %add3A_1091, %max3A_1093 : vector<16xf32>
        %mul3A_1095 = vector.broadcast %squeeze3A_1082 : f32 to vector<16xf32>
        %mul3A_1096 = arith.mulf %max3A_1094, %mul3A_1095 : vector<16xf32>
        %max3A_1097 = arith.maximumf %max3A_969, %mul3A_1096 : vector<16xf32>
        %get3A_1098 = arith.index_cast %add3A_1080 : i32 to index
        %get3A_1099 = arith.constant 16 : index
        %get3A_1100 = tpu.vector_load %arg11[%get3A_1098, %get3A_1099] {strides = array<i32>} : memref<256x128xf32, #tpu.memory_space<vmem>>, vector<1x16xf32>,
        %get3A_1101 = vector.shape_cast %get3A_1100 : vector<1x16xf32> to vector<16xf32>
        %get3A_1102 = arith.index_cast %add3A_1080 : i32 to index
        %get3A_1103 = arith.constant 16 : index
        %get3A_1104 = tpu.vector_load %arg12[%get3A_1102, %get3A_1103] {strides = array<i32>} : memref<256x128xf32, #tpu.memory_space<vmem>>, vector<1x16xf32>,
        %get3A_1105 = vector.shape_cast %get3A_1104 : vector<1x16xf32> to vector<16xf32>
        %add3A_1106 = arith.addf %get3A_1101, %get3A_1105 : vector<16xf32>
        %max3A_1107 = arith.constant 0.000000e+00 : f32
        %max3A_1108 = vector.broadcast %max3A_1107 : f32 to vector<16xf32>
        %max3A_1109 = arith.maximumf %add3A_1106, %max3A_1108 : vector<16xf32>
        %mul3A_1110 = vector.broadcast %squeeze3A_1082 : f32 to vector<16xf32>
        %mul3A_1111 = arith.mulf %max3A_1109, %mul3A_1110 : vector<16xf32>
        %max3A_1112 = arith.maximumf %max3A_984, %mul3A_1111 : vector<16xf32>
        %get3A_1113 = arith.index_cast %add3A_1080 : i32 to index
        %get3A_1114 = arith.constant 32 : index
        %get3A_1115 = tpu.vector_load %arg11[%get3A_1113, %get3A_1114] {strides = array<i32>} : memref<256x128xf32, #tpu.memory_space<vmem>>, vector<1x16xf32>,
        %get3A_1116 = vector.shape_cast %get3A_1115 : vector<1x16xf32> to vector<16xf32>
        %get3A_1117 = arith.index_cast %add3A_1080 : i32 to index
        %get3A_1118 = arith.constant 32 : index
        %get3A_1119 = tpu.vector_load %arg12[%get3A_1117, %get3A_1118] {strides = array<i32>} : memref<256x128xf32, #tpu.memory_space<vmem>>, vector<1x16xf32>,
        %get3A_1120 = vector.shape_cast %get3A_1119 : vector<1x16xf32> to vector<16xf32>
        %add3A_1121 = arith.addf %get3A_1116, %get3A_1120 : vector<16xf32>
        %max3A_1122 = arith.constant 0.000000e+00 : f32
        %max3A_1123 = vector.broadcast %max3A_1122 : f32 to vector<16xf32>
        %max3A_1124 = arith.maximumf %add3A_1121, %max3A_1123 : vector<16xf32>
        %mul3A_1125 = vector.broadcast %squeeze3A_1082 : f32 to vector<16xf32>
        %mul3A_1126 = arith.mulf %max3A_1124, %mul3A_1125 : vector<16xf32>
        %max3A_1127 = arith.maximumf %max3A_999, %mul3A_1126 : vector<16xf32>
        %get3A_1128 = arith.index_cast %add3A_1080 : i32 to index
        %get3A_1129 = arith.constant 48 : index
        %get3A_1130 = tpu.vector_load %arg11[%get3A_1128, %get3A_1129] {strides = array<i32>} : memref<256x128xf32, #tpu.memory_space<vmem>>, vector<1x16xf32>,
        %get3A_1131 = vector.shape_cast %get3A_1130 : vector<1x16xf32> to vector<16xf32>
        %get3A_1132 = arith.index_cast %add3A_1080 : i32 to index
        %get3A_1133 = arith.constant 48 : index
        %get3A_1134 = tpu.vector_load %arg12[%get3A_1132, %get3A_1133] {strides = array<i32>} : memref<256x128xf32, #tpu.memory_space<vmem>>, vector<1x16xf32>,
        %get3A_1135 = vector.shape_cast %get3A_1134 : vector<1x16xf32> to vector<16xf32>
        %add3A_1136 = arith.addf %get3A_1131, %get3A_1135 : vector<16xf32>
        %max3A_1137 = arith.constant 0.000000e+00 : f32
        %max3A_1138 = vector.broadcast %max3A_1137 : f32 to vector<16xf32>
        %max3A_1139 = arith.maximumf %add3A_1136, %max3A_1138 : vector<16xf32>
        %mul3A_1140 = vector.broadcast %squeeze3A_1082 : f32 to vector<16xf32>
        %mul3A_1141 = arith.mulf %max3A_1139, %mul3A_1140 : vector<16xf32>
        %max3A_1142 = arith.maximumf %max3A_1014, %mul3A_1141 : vector<16xf32>
        %get3A_1143 = arith.index_cast %add3A_1080 : i32 to index
        %get3A_1144 = arith.constant 64 : index
        %get3A_1145 = tpu.vector_load %arg11[%get3A_1143, %get3A_1144] {strides = array<i32>} : memref<256x128xf32, #tpu.memory_space<vmem>>, vector<1x16xf32>,
        %get3A_1146 = vector.shape_cast %get3A_1145 : vector<1x16xf32> to vector<16xf32>
        %get3A_1147 = arith.index_cast %add3A_1080 : i32 to index
        %get3A_1148 = arith.constant 64 : index
        %get3A_1149 = tpu.vector_load %arg12[%get3A_1147, %get3A_1148] {strides = array<i32>} : memref<256x128xf32, #tpu.memory_space<vmem>>, vector<1x16xf32>,
        %get3A_1150 = vector.shape_cast %get3A_1149 : vector<1x16xf32> to vector<16xf32>
        %add3A_1151 = arith.addf %get3A_1146, %get3A_1150 : vector<16xf32>
        %max3A_1152 = arith.constant 0.000000e+00 : f32
        %max3A_1153 = vector.broadcast %max3A_1152 : f32 to vector<16xf32>
        %max3A_1154 = arith.maximumf %add3A_1151, %max3A_1153 : vector<16xf32>
        %mul3A_1155 = vector.broadcast %squeeze3A_1082 : f32 to vector<16xf32>
        %mul3A_1156 = arith.mulf %max3A_1154, %mul3A_1155 : vector<16xf32>
        %max3A_1157 = arith.maximumf %max3A_1029, %mul3A_1156 : vector<16xf32>
        %get3A_1158 = arith.index_cast %add3A_1080 : i32 to index
        %get3A_1159 = arith.constant 80 : index
        %get3A_1160 = tpu.vector_load %arg11[%get3A_1158, %get3A_1159] {strides = array<i32>} : memref<256x128xf32, #tpu.memory_space<vmem>>, vector<1x16xf32>,
        %get3A_1161 = vector.shape_cast %get3A_1160 : vector<1x16xf32> to vector<16xf32>
        %get3A_1162 = arith.index_cast %add3A_1080 : i32 to index
        %get3A_1163 = arith.constant 80 : index
        %get3A_1164 = tpu.vector_load %arg12[%get3A_1162, %get3A_1163] {strides = array<i32>} : memref<256x128xf32, #tpu.memory_space<vmem>>, vector<1x16xf32>,
        %get3A_1165 = vector.shape_cast %get3A_1164 : vector<1x16xf32> to vector<16xf32>
        %add3A_1166 = arith.addf %get3A_1161, %get3A_1165 : vector<16xf32>
        %max3A_1167 = arith.constant 0.000000e+00 : f32
        %max3A_1168 = vector.broadcast %max3A_1167 : f32 to vector<16xf32>
        %max3A_1169 = arith.maximumf %add3A_1166, %max3A_1168 : vector<16xf32>
        %mul3A_1170 = vector.broadcast %squeeze3A_1082 : f32 to vector<16xf32>
        %mul3A_1171 = arith.mulf %max3A_1169, %mul3A_1170 : vector<16xf32>
        %max3A_1172 = arith.maximumf %max3A_1044, %mul3A_1171 : vector<16xf32>
        %get3A_1173 = arith.index_cast %add3A_1080 : i32 to index
        %get3A_1174 = arith.constant 96 : index
        %get3A_1175 = tpu.vector_load %arg11[%get3A_1173, %get3A_1174] {strides = array<i32>} : memref<256x128xf32, #tpu.memory_space<vmem>>, vector<1x16xf32>,
        %get3A_1176 = vector.shape_cast %get3A_1175 : vector<1x16xf32> to vector<16xf32>
        %get3A_1177 = arith.index_cast %add3A_1080 : i32 to index
        %get3A_1178 = arith.constant 96 : index
        %get3A_1179 = tpu.vector_load %arg12[%get3A_1177, %get3A_1178] {strides = array<i32>} : memref<256x128xf32, #tpu.memory_space<vmem>>, vector<1x16xf32>,
        %get3A_1180 = vector.shape_cast %get3A_1179 : vector<1x16xf32> to vector<16xf32>
        %add3A_1181 = arith.addf %get3A_1176, %get3A_1180 : vector<16xf32>
        %max3A_1182 = arith.constant 0.000000e+00 : f32
        %max3A_1183 = vector.broadcast %max3A_1182 : f32 to vector<16xf32>
        %max3A_1184 = arith.maximumf %add3A_1181, %max3A_1183 : vector<16xf32>
        %mul3A_1185 = vector.broadcast %squeeze3A_1082 : f32 to vector<16xf32>
        %mul3A_1186 = arith.mulf %max3A_1184, %mul3A_1185 : vector<16xf32>
        %max3A_1187 = arith.maximumf %max3A_1059, %mul3A_1186 : vector<16xf32>
        %get3A_1188 = arith.index_cast %add3A_1080 : i32 to index
        %get3A_1189 = arith.constant 112 : index
        %get3A_1190 = tpu.vector_load %arg11[%get3A_1188, %get3A_1189] {strides = array<i32>} : memref<256x128xf32, #tpu.memory_space<vmem>>, vector<1x16xf32>,
        %get3A_1191 = vector.shape_cast %get3A_1190 : vector<1x16xf32> to vector<16xf32>
        %get3A_1192 = arith.index_cast %add3A_1080 : i32 to index
        %get3A_1193 = arith.constant 112 : index
        %get3A_1194 = tpu.vector_load %arg12[%get3A_1192, %get3A_1193] {strides = array<i32>} : memref<256x128xf32, #tpu.memory_space<vmem>>, vector<1x16xf32>,
        %get3A_1195 = vector.shape_cast %get3A_1194 : vector<1x16xf32> to vector<16xf32>
        %add3A_1196 = arith.addf %get3A_1191, %get3A_1195 : vector<16xf32>
        %max3A_1197 = arith.constant 0.000000e+00 : f32
        %max3A_1198 = vector.broadcast %max3A_1197 : f32 to vector<16xf32>
        %max3A_1199 = arith.maximumf %add3A_1196, %max3A_1198 : vector<16xf32>
        %mul3A_1200 = vector.broadcast %squeeze3A_1082 : f32 to vector<16xf32>
        %mul3A_1201 = arith.mulf %max3A_1199, %mul3A_1200 : vector<16xf32>
        %max3A_1202 = arith.maximumf %max3A_1074, %mul3A_1201 : vector<16xf32>
        %mul3A_1203 = arith.constant 16 : i32
        %mul3A_1204 = arith.muli %scan3A_159, %mul3A_1203 : i32
        %add3A_1205 = arith.constant 128 : i32
        %add3A_1206 = arith.addi %add3A_1205, %mul3A_1204 : i32
        %add3A_1207 = arith.constant 8 : i32
        %add3A_1208 = arith.addi %add3A_1206, %add3A_1207 : i32
        %slice3A_1209 = vector.extract_strided_slice %get3A_181 {offsets = [8], sizes = [1], strides = [1]} : vector<16xf32> to vector<1xf32>
        %squeeze3A_1210 = vector.extract %slice3A_1209[0] : f32 from vector<1xf32>
        %get3A_1211 = arith.index_cast %add3A_1208 : i32 to index
        %get3A_1212 = arith.constant 0 : index
        %get3A_1213 = tpu.vector_load %arg11[%get3A_1211, %get3A_1212] {strides = array<i32>} : memref<256x128xf32, #tpu.memory_space<vmem>>, vector<1x16xf32>,
        %get3A_1214 = vector.shape_cast %get3A_1213 : vector<1x16xf32> to vector<16xf32>
        %get3A_1215 = arith.index_cast %add3A_1208 : i32 to index
        %get3A_1216 = arith.constant 0 : index
        %get3A_1217 = tpu.vector_load %arg12[%get3A_1215, %get3A_1216] {strides = array<i32>} : memref<256x128xf32, #tpu.memory_space<vmem>>, vector<1x16xf32>,
        %get3A_1218 = vector.shape_cast %get3A_1217 : vector<1x16xf32> to vector<16xf32>
        %add3A_1219 = arith.addf %get3A_1214, %get3A_1218 : vector<16xf32>
        %max3A_1220 = arith.constant 0.000000e+00 : f32
        %max3A_1221 = vector.broadcast %max3A_1220 : f32 to vector<16xf32>
        %max3A_1222 = arith.maximumf %add3A_1219, %max3A_1221 : vector<16xf32>
        %mul3A_1223 = vector.broadcast %squeeze3A_1210 : f32 to vector<16xf32>
        %mul3A_1224 = arith.mulf %max3A_1222, %mul3A_1223 : vector<16xf32>
        %max3A_1225 = arith.maximumf %max3A_1097, %mul3A_1224 : vector<16xf32>
        %get3A_1226 = arith.index_cast %add3A_1208 : i32 to index
        %get3A_1227 = arith.constant 16 : index
        %get3A_1228 = tpu.vector_load %arg11[%get3A_1226, %get3A_1227] {strides = array<i32>} : memref<256x128xf32, #tpu.memory_space<vmem>>, vector<1x16xf32>,
        %get3A_1229 = vector.shape_cast %get3A_1228 : vector<1x16xf32> to vector<16xf32>
        %get3A_1230 = arith.index_cast %add3A_1208 : i32 to index
        %get3A_1231 = arith.constant 16 : index
        %get3A_1232 = tpu.vector_load %arg12[%get3A_1230, %get3A_1231] {strides = array<i32>} : memref<256x128xf32, #tpu.memory_space<vmem>>, vector<1x16xf32>,
        %get3A_1233 = vector.shape_cast %get3A_1232 : vector<1x16xf32> to vector<16xf32>
        %add3A_1234 = arith.addf %get3A_1229, %get3A_1233 : vector<16xf32>
        %max3A_1235 = arith.constant 0.000000e+00 : f32
        %max3A_1236 = vector.broadcast %max3A_1235 : f32 to vector<16xf32>
        %max3A_1237 = arith.maximumf %add3A_1234, %max3A_1236 : vector<16xf32>
        %mul3A_1238 = vector.broadcast %squeeze3A_1210 : f32 to vector<16xf32>
        %mul3A_1239 = arith.mulf %max3A_1237, %mul3A_1238 : vector<16xf32>
        %max3A_1240 = arith.maximumf %max3A_1112, %mul3A_1239 : vector<16xf32>
        %get3A_1241 = arith.index_cast %add3A_1208 : i32 to index
        %get3A_1242 = arith.constant 32 : index
        %get3A_1243 = tpu.vector_load %arg11[%get3A_1241, %get3A_1242] {strides = array<i32>} : memref<256x128xf32, #tpu.memory_space<vmem>>, vector<1x16xf32>,
        %get3A_1244 = vector.shape_cast %get3A_1243 : vector<1x16xf32> to vector<16xf32>
        %get3A_1245 = arith.index_cast %add3A_1208 : i32 to index
        %get3A_1246 = arith.constant 32 : index
        %get3A_1247 = tpu.vector_load %arg12[%get3A_1245, %get3A_1246] {strides = array<i32>} : memref<256x128xf32, #tpu.memory_space<vmem>>, vector<1x16xf32>,
        %get3A_1248 = vector.shape_cast %get3A_1247 : vector<1x16xf32> to vector<16xf32>
        %add3A_1249 = arith.addf %get3A_1244, %get3A_1248 : vector<16xf32>
        %max3A_1250 = arith.constant 0.000000e+00 : f32
        %max3A_1251 = vector.broadcast %max3A_1250 : f32 to vector<16xf32>
        %max3A_1252 = arith.maximumf %add3A_1249, %max3A_1251 : vector<16xf32>
        %mul3A_1253 = vector.broadcast %squeeze3A_1210 : f32 to vector<16xf32>
        %mul3A_1254 = arith.mulf %max3A_1252, %mul3A_1253 : vector<16xf32>
        %max3A_1255 = arith.maximumf %max3A_1127, %mul3A_1254 : vector<16xf32>
        %get3A_1256 = arith.index_cast %add3A_1208 : i32 to index
        %get3A_1257 = arith.constant 48 : index
        %get3A_1258 = tpu.vector_load %arg11[%get3A_1256, %get3A_1257] {strides = array<i32>} : memref<256x128xf32, #tpu.memory_space<vmem>>, vector<1x16xf32>,
        %get3A_1259 = vector.shape_cast %get3A_1258 : vector<1x16xf32> to vector<16xf32>
        %get3A_1260 = arith.index_cast %add3A_1208 : i32 to index
        %get3A_1261 = arith.constant 48 : index
        %get3A_1262 = tpu.vector_load %arg12[%get3A_1260, %get3A_1261] {strides = array<i32>} : memref<256x128xf32, #tpu.memory_space<vmem>>, vector<1x16xf32>,
        %get3A_1263 = vector.shape_cast %get3A_1262 : vector<1x16xf32> to vector<16xf32>
        %add3A_1264 = arith.addf %get3A_1259, %get3A_1263 : vector<16xf32>
        %max3A_1265 = arith.constant 0.000000e+00 : f32
        %max3A_1266 = vector.broadcast %max3A_1265 : f32 to vector<16xf32>
        %max3A_1267 = arith.maximumf %add3A_1264, %max3A_1266 : vector<16xf32>
        %mul3A_1268 = vector.broadcast %squeeze3A_1210 : f32 to vector<16xf32>
        %mul3A_1269 = arith.mulf %max3A_1267, %mul3A_1268 : vector<16xf32>
        %max3A_1270 = arith.maximumf %max3A_1142, %mul3A_1269 : vector<16xf32>
        %get3A_1271 = arith.index_cast %add3A_1208 : i32 to index
        %get3A_1272 = arith.constant 64 : index
        %get3A_1273 = tpu.vector_load %arg11[%get3A_1271, %get3A_1272] {strides = array<i32>} : memref<256x128xf32, #tpu.memory_space<vmem>>, vector<1x16xf32>,
        %get3A_1274 = vector.shape_cast %get3A_1273 : vector<1x16xf32> to vector<16xf32>
        %get3A_1275 = arith.index_cast %add3A_1208 : i32 to index
        %get3A_1276 = arith.constant 64 : index
        %get3A_1277 = tpu.vector_load %arg12[%get3A_1275, %get3A_1276] {strides = array<i32>} : memref<256x128xf32, #tpu.memory_space<vmem>>, vector<1x16xf32>,
        %get3A_1278 = vector.shape_cast %get3A_1277 : vector<1x16xf32> to vector<16xf32>
        %add3A_1279 = arith.addf %get3A_1274, %get3A_1278 : vector<16xf32>
        %max3A_1280 = arith.constant 0.000000e+00 : f32
        %max3A_1281 = vector.broadcast %max3A_1280 : f32 to vector<16xf32>
        %max3A_1282 = arith.maximumf %add3A_1279, %max3A_1281 : vector<16xf32>
        %mul3A_1283 = vector.broadcast %squeeze3A_1210 : f32 to vector<16xf32>
        %mul3A_1284 = arith.mulf %max3A_1282, %mul3A_1283 : vector<16xf32>
        %max3A_1285 = arith.maximumf %max3A_1157, %mul3A_1284 : vector<16xf32>
        %get3A_1286 = arith.index_cast %add3A_1208 : i32 to index
        %get3A_1287 = arith.constant 80 : index
        %get3A_1288 = tpu.vector_load %arg11[%get3A_1286, %get3A_1287] {strides = array<i32>} : memref<256x128xf32, #tpu.memory_space<vmem>>, vector<1x16xf32>,
        %get3A_1289 = vector.shape_cast %get3A_1288 : vector<1x16xf32> to vector<16xf32>
        %get3A_1290 = arith.index_cast %add3A_1208 : i32 to index
        %get3A_1291 = arith.constant 80 : index
        %get3A_1292 = tpu.vector_load %arg12[%get3A_1290, %get3A_1291] {strides = array<i32>} : memref<256x128xf32, #tpu.memory_space<vmem>>, vector<1x16xf32>,
        %get3A_1293 = vector.shape_cast %get3A_1292 : vector<1x16xf32> to vector<16xf32>
        %add3A_1294 = arith.addf %get3A_1289, %get3A_1293 : vector<16xf32>
        %max3A_1295 = arith.constant 0.000000e+00 : f32
        %max3A_1296 = vector.broadcast %max3A_1295 : f32 to vector<16xf32>
        %max3A_1297 = arith.maximumf %add3A_1294, %max3A_1296 : vector<16xf32>
        %mul3A_1298 = vector.broadcast %squeeze3A_1210 : f32 to vector<16xf32>
        %mul3A_1299 = arith.mulf %max3A_1297, %mul3A_1298 : vector<16xf32>
        %max3A_1300 = arith.maximumf %max3A_1172, %mul3A_1299 : vector<16xf32>
        %get3A_1301 = arith.index_cast %add3A_1208 : i32 to index
        %get3A_1302 = arith.constant 96 : index
        %get3A_1303 = tpu.vector_load %arg11[%get3A_1301, %get3A_1302] {strides = array<i32>} : memref<256x128xf32, #tpu.memory_space<vmem>>, vector<1x16xf32>,
        %get3A_1304 = vector.shape_cast %get3A_1303 : vector<1x16xf32> to vector<16xf32>
        %get3A_1305 = arith.index_cast %add3A_1208 : i32 to index
        %get3A_1306 = arith.constant 96 : index
        %get3A_1307 = tpu.vector_load %arg12[%get3A_1305, %get3A_1306] {strides = array<i32>} : memref<256x128xf32, #tpu.memory_space<vmem>>, vector<1x16xf32>,
        %get3A_1308 = vector.shape_cast %get3A_1307 : vector<1x16xf32> to vector<16xf32>
        %add3A_1309 = arith.addf %get3A_1304, %get3A_1308 : vector<16xf32>
        %max3A_1310 = arith.constant 0.000000e+00 : f32
        %max3A_1311 = vector.broadcast %max3A_1310 : f32 to vector<16xf32>
        %max3A_1312 = arith.maximumf %add3A_1309, %max3A_1311 : vector<16xf32>
        %mul3A_1313 = vector.broadcast %squeeze3A_1210 : f32 to vector<16xf32>
        %mul3A_1314 = arith.mulf %max3A_1312, %mul3A_1313 : vector<16xf32>
        %max3A_1315 = arith.maximumf %max3A_1187, %mul3A_1314 : vector<16xf32>
        %get3A_1316 = arith.index_cast %add3A_1208 : i32 to index
        %get3A_1317 = arith.constant 112 : index
        %get3A_1318 = tpu.vector_load %arg11[%get3A_1316, %get3A_1317] {strides = array<i32>} : memref<256x128xf32, #tpu.memory_space<vmem>>, vector<1x16xf32>,
        %get3A_1319 = vector.shape_cast %get3A_1318 : vector<1x16xf32> to vector<16xf32>
        %get3A_1320 = arith.index_cast %add3A_1208 : i32 to index
        %get3A_1321 = arith.constant 112 : index
        %get3A_1322 = tpu.vector_load %arg12[%get3A_1320, %get3A_1321] {strides = array<i32>} : memref<256x128xf32, #tpu.memory_space<vmem>>, vector<1x16xf32>,
        %get3A_1323 = vector.shape_cast %get3A_1322 : vector<1x16xf32> to vector<16xf32>
        %add3A_1324 = arith.addf %get3A_1319, %get3A_1323 : vector<16xf32>
        %max3A_1325 = arith.constant 0.000000e+00 : f32
        %max3A_1326 = vector.broadcast %max3A_1325 : f32 to vector<16xf32>
        %max3A_1327 = arith.maximumf %add3A_1324, %max3A_1326 : vector<16xf32>
        %mul3A_1328 = vector.broadcast %squeeze3A_1210 : f32 to vector<16xf32>
        %mul3A_1329 = arith.mulf %max3A_1327, %mul3A_1328 : vector<16xf32>
        %max3A_1330 = arith.maximumf %max3A_1202, %mul3A_1329 : vector<16xf32>
        %mul3A_1331 = arith.constant 16 : i32
        %mul3A_1332 = arith.muli %scan3A_159, %mul3A_1331 : i32
        %add3A_1333 = arith.constant 128 : i32
        %add3A_1334 = arith.addi %add3A_1333, %mul3A_1332 : i32
        %add3A_1335 = arith.constant 9 : i32
        %add3A_1336 = arith.addi %add3A_1334, %add3A_1335 : i32
        %slice3A_1337 = vector.extract_strided_slice %get3A_181 {offsets = [9], sizes = [1], strides = [1]} : vector<16xf32> to vector<1xf32>
        %squeeze3A_1338 = vector.extract %slice3A_1337[0] : f32 from vector<1xf32>
        %get3A_1339 = arith.index_cast %add3A_1336 : i32 to index
        %get3A_1340 = arith.constant 0 : index
        %get3A_1341 = tpu.vector_load %arg11[%get3A_1339, %get3A_1340] {strides = array<i32>} : memref<256x128xf32, #tpu.memory_space<vmem>>, vector<1x16xf32>,
        %get3A_1342 = vector.shape_cast %get3A_1341 : vector<1x16xf32> to vector<16xf32>
        %get3A_1343 = arith.index_cast %add3A_1336 : i32 to index
        %get3A_1344 = arith.constant 0 : index
        %get3A_1345 = tpu.vector_load %arg12[%get3A_1343, %get3A_1344] {strides = array<i32>} : memref<256x128xf32, #tpu.memory_space<vmem>>, vector<1x16xf32>,
        %get3A_1346 = vector.shape_cast %get3A_1345 : vector<1x16xf32> to vector<16xf32>
        %add3A_1347 = arith.addf %get3A_1342, %get3A_1346 : vector<16xf32>
        %max3A_1348 = arith.constant 0.000000e+00 : f32
        %max3A_1349 = vector.broadcast %max3A_1348 : f32 to vector<16xf32>
        %max3A_1350 = arith.maximumf %add3A_1347, %max3A_1349 : vector<16xf32>
        %mul3A_1351 = vector.broadcast %squeeze3A_1338 : f32 to vector<16xf32>
        %mul3A_1352 = arith.mulf %max3A_1350, %mul3A_1351 : vector<16xf32>
        %max3A_1353 = arith.maximumf %max3A_1225, %mul3A_1352 : vector<16xf32>
        %get3A_1354 = arith.index_cast %add3A_1336 : i32 to index
        %get3A_1355 = arith.constant 16 : index
        %get3A_1356 = tpu.vector_load %arg11[%get3A_1354, %get3A_1355] {strides = array<i32>} : memref<256x128xf32, #tpu.memory_space<vmem>>, vector<1x16xf32>,
        %get3A_1357 = vector.shape_cast %get3A_1356 : vector<1x16xf32> to vector<16xf32>
        %get3A_1358 = arith.index_cast %add3A_1336 : i32 to index
        %get3A_1359 = arith.constant 16 : index
        %get3A_1360 = tpu.vector_load %arg12[%get3A_1358, %get3A_1359] {strides = array<i32>} : memref<256x128xf32, #tpu.memory_space<vmem>>, vector<1x16xf32>,
        %get3A_1361 = vector.shape_cast %get3A_1360 : vector<1x16xf32> to vector<16xf32>
        %add3A_1362 = arith.addf %get3A_1357, %get3A_1361 : vector<16xf32>
        %max3A_1363 = arith.constant 0.000000e+00 : f32
        %max3A_1364 = vector.broadcast %max3A_1363 : f32 to vector<16xf32>
        %max3A_1365 = arith.maximumf %add3A_1362, %max3A_1364 : vector<16xf32>
        %mul3A_1366 = vector.broadcast %squeeze3A_1338 : f32 to vector<16xf32>
        %mul3A_1367 = arith.mulf %max3A_1365, %mul3A_1366 : vector<16xf32>
        %max3A_1368 = arith.maximumf %max3A_1240, %mul3A_1367 : vector<16xf32>
        %get3A_1369 = arith.index_cast %add3A_1336 : i32 to index
        %get3A_1370 = arith.constant 32 : index
        %get3A_1371 = tpu.vector_load %arg11[%get3A_1369, %get3A_1370] {strides = array<i32>} : memref<256x128xf32, #tpu.memory_space<vmem>>, vector<1x16xf32>,
        %get3A_1372 = vector.shape_cast %get3A_1371 : vector<1x16xf32> to vector<16xf32>
        %get3A_1373 = arith.index_cast %add3A_1336 : i32 to index
        %get3A_1374 = arith.constant 32 : index
        %get3A_1375 = tpu.vector_load %arg12[%get3A_1373, %get3A_1374] {strides = array<i32>} : memref<256x128xf32, #tpu.memory_space<vmem>>, vector<1x16xf32>,
        %get3A_1376 = vector.shape_cast %get3A_1375 : vector<1x16xf32> to vector<16xf32>
        %add3A_1377 = arith.addf %get3A_1372, %get3A_1376 : vector<16xf32>
        %max3A_1378 = arith.constant 0.000000e+00 : f32
        %max3A_1379 = vector.broadcast %max3A_1378 : f32 to vector<16xf32>
        %max3A_1380 = arith.maximumf %add3A_1377, %max3A_1379 : vector<16xf32>
        %mul3A_1381 = vector.broadcast %squeeze3A_1338 : f32 to vector<16xf32>
        %mul3A_1382 = arith.mulf %max3A_1380, %mul3A_1381 : vector<16xf32>
        %max3A_1383 = arith.maximumf %max3A_1255, %mul3A_1382 : vector<16xf32>
        %get3A_1384 = arith.index_cast %add3A_1336 : i32 to index
        %get3A_1385 = arith.constant 48 : index
        %get3A_1386 = tpu.vector_load %arg11[%get3A_1384, %get3A_1385] {strides = array<i32>} : memref<256x128xf32, #tpu.memory_space<vmem>>, vector<1x16xf32>,
        %get3A_1387 = vector.shape_cast %get3A_1386 : vector<1x16xf32> to vector<16xf32>
        %get3A_1388 = arith.index_cast %add3A_1336 : i32 to index
        %get3A_1389 = arith.constant 48 : index
        %get3A_1390 = tpu.vector_load %arg12[%get3A_1388, %get3A_1389] {strides = array<i32>} : memref<256x128xf32, #tpu.memory_space<vmem>>, vector<1x16xf32>,
        %get3A_1391 = vector.shape_cast %get3A_1390 : vector<1x16xf32> to vector<16xf32>
        %add3A_1392 = arith.addf %get3A_1387, %get3A_1391 : vector<16xf32>
        %max3A_1393 = arith.constant 0.000000e+00 : f32
        %max3A_1394 = vector.broadcast %max3A_1393 : f32 to vector<16xf32>
        %max3A_1395 = arith.maximumf %add3A_1392, %max3A_1394 : vector<16xf32>
        %mul3A_1396 = vector.broadcast %squeeze3A_1338 : f32 to vector<16xf32>
        %mul3A_1397 = arith.mulf %max3A_1395, %mul3A_1396 : vector<16xf32>
        %max3A_1398 = arith.maximumf %max3A_1270, %mul3A_1397 : vector<16xf32>
        %get3A_1399 = arith.index_cast %add3A_1336 : i32 to index
        %get3A_1400 = arith.constant 64 : index
        %get3A_1401 = tpu.vector_load %arg11[%get3A_1399, %get3A_1400] {strides = array<i32>} : memref<256x128xf32, #tpu.memory_space<vmem>>, vector<1x16xf32>,
        %get3A_1402 = vector.shape_cast %get3A_1401 : vector<1x16xf32> to vector<16xf32>
        %get3A_1403 = arith.index_cast %add3A_1336 : i32 to index
        %get3A_1404 = arith.constant 64 : index
        %get3A_1405 = tpu.vector_load %arg12[%get3A_1403, %get3A_1404] {strides = array<i32>} : memref<256x128xf32, #tpu.memory_space<vmem>>, vector<1x16xf32>,
        %get3A_1406 = vector.shape_cast %get3A_1405 : vector<1x16xf32> to vector<16xf32>
        %add3A_1407 = arith.addf %get3A_1402, %get3A_1406 : vector<16xf32>
        %max3A_1408 = arith.constant 0.000000e+00 : f32
        %max3A_1409 = vector.broadcast %max3A_1408 : f32 to vector<16xf32>
        %max3A_1410 = arith.maximumf %add3A_1407, %max3A_1409 : vector<16xf32>
        %mul3A_1411 = vector.broadcast %squeeze3A_1338 : f32 to vector<16xf32>
        %mul3A_1412 = arith.mulf %max3A_1410, %mul3A_1411 : vector<16xf32>
        %max3A_1413 = arith.maximumf %max3A_1285, %mul3A_1412 : vector<16xf32>
        %get3A_1414 = arith.index_cast %add3A_1336 : i32 to index
        %get3A_1415 = arith.constant 80 : index
        %get3A_1416 = tpu.vector_load %arg11[%get3A_1414, %get3A_1415] {strides = array<i32>} : memref<256x128xf32, #tpu.memory_space<vmem>>, vector<1x16xf32>,
        %get3A_1417 = vector.shape_cast %get3A_1416 : vector<1x16xf32> to vector<16xf32>
        %get3A_1418 = arith.index_cast %add3A_1336 : i32 to index
        %get3A_1419 = arith.constant 80 : index
        %get3A_1420 = tpu.vector_load %arg12[%get3A_1418, %get3A_1419] {strides = array<i32>} : memref<256x128xf32, #tpu.memory_space<vmem>>, vector<1x16xf32>,
        %get3A_1421 = vector.shape_cast %get3A_1420 : vector<1x16xf32> to vector<16xf32>
        %add3A_1422 = arith.addf %get3A_1417, %get3A_1421 : vector<16xf32>
        %max3A_1423 = arith.constant 0.000000e+00 : f32
        %max3A_1424 = vector.broadcast %max3A_1423 : f32 to vector<16xf32>
        %max3A_1425 = arith.maximumf %add3A_1422, %max3A_1424 : vector<16xf32>
        %mul3A_1426 = vector.broadcast %squeeze3A_1338 : f32 to vector<16xf32>
        %mul3A_1427 = arith.mulf %max3A_1425, %mul3A_1426 : vector<16xf32>
        %max3A_1428 = arith.maximumf %max3A_1300, %mul3A_1427 : vector<16xf32>
        %get3A_1429 = arith.index_cast %add3A_1336 : i32 to index
        %get3A_1430 = arith.constant 96 : index
        %get3A_1431 = tpu.vector_load %arg11[%get3A_1429, %get3A_1430] {strides = array<i32>} : memref<256x128xf32, #tpu.memory_space<vmem>>, vector<1x16xf32>,
        %get3A_1432 = vector.shape_cast %get3A_1431 : vector<1x16xf32> to vector<16xf32>
        %get3A_1433 = arith.index_cast %add3A_1336 : i32 to index
        %get3A_1434 = arith.constant 96 : index
        %get3A_1435 = tpu.vector_load %arg12[%get3A_1433, %get3A_1434] {strides = array<i32>} : memref<256x128xf32, #tpu.memory_space<vmem>>, vector<1x16xf32>,
        %get3A_1436 = vector.shape_cast %get3A_1435 : vector<1x16xf32> to vector<16xf32>
        %add3A_1437 = arith.addf %get3A_1432, %get3A_1436 : vector<16xf32>
        %max3A_1438 = arith.constant 0.000000e+00 : f32
        %max3A_1439 = vector.broadcast %max3A_1438 : f32 to vector<16xf32>
        %max3A_1440 = arith.maximumf %add3A_1437, %max3A_1439 : vector<16xf32>
        %mul3A_1441 = vector.broadcast %squeeze3A_1338 : f32 to vector<16xf32>
        %mul3A_1442 = arith.mulf %max3A_1440, %mul3A_1441 : vector<16xf32>
        %max3A_1443 = arith.maximumf %max3A_1315, %mul3A_1442 : vector<16xf32>
        %get3A_1444 = arith.index_cast %add3A_1336 : i32 to index
        %get3A_1445 = arith.constant 112 : index
        %get3A_1446 = tpu.vector_load %arg11[%get3A_1444, %get3A_1445] {strides = array<i32>} : memref<256x128xf32, #tpu.memory_space<vmem>>, vector<1x16xf32>,
        %get3A_1447 = vector.shape_cast %get3A_1446 : vector<1x16xf32> to vector<16xf32>
        %get3A_1448 = arith.index_cast %add3A_1336 : i32 to index
        %get3A_1449 = arith.constant 112 : index
        %get3A_1450 = tpu.vector_load %arg12[%get3A_1448, %get3A_1449] {strides = array<i32>} : memref<256x128xf32, #tpu.memory_space<vmem>>, vector<1x16xf32>,
        %get3A_1451 = vector.shape_cast %get3A_1450 : vector<1x16xf32> to vector<16xf32>
        %add3A_1452 = arith.addf %get3A_1447, %get3A_1451 : vector<16xf32>
        %max3A_1453 = arith.constant 0.000000e+00 : f32
        %max3A_1454 = vector.broadcast %max3A_1453 : f32 to vector<16xf32>
        %max3A_1455 = arith.maximumf %add3A_1452, %max3A_1454 : vector<16xf32>
        %mul3A_1456 = vector.broadcast %squeeze3A_1338 : f32 to vector<16xf32>
        %mul3A_1457 = arith.mulf %max3A_1455, %mul3A_1456 : vector<16xf32>
        %max3A_1458 = arith.maximumf %max3A_1330, %mul3A_1457 : vector<16xf32>
        %mul3A_1459 = arith.constant 16 : i32
        %mul3A_1460 = arith.muli %scan3A_159, %mul3A_1459 : i32
        %add3A_1461 = arith.constant 128 : i32
        %add3A_1462 = arith.addi %add3A_1461, %mul3A_1460 : i32
        %add3A_1463 = arith.constant 10 : i32
        %add3A_1464 = arith.addi %add3A_1462, %add3A_1463 : i32
        %slice3A_1465 = vector.extract_strided_slice %get3A_181 {offsets = [10], sizes = [1], strides = [1]} : vector<16xf32> to vector<1xf32>
        %squeeze3A_1466 = vector.extract %slice3A_1465[0] : f32 from vector<1xf32>
        %get3A_1467 = arith.index_cast %add3A_1464 : i32 to index
        %get3A_1468 = arith.constant 0 : index
        %get3A_1469 = tpu.vector_load %arg11[%get3A_1467, %get3A_1468] {strides = array<i32>} : memref<256x128xf32, #tpu.memory_space<vmem>>, vector<1x16xf32>,
        %get3A_1470 = vector.shape_cast %get3A_1469 : vector<1x16xf32> to vector<16xf32>
        %get3A_1471 = arith.index_cast %add3A_1464 : i32 to index
        %get3A_1472 = arith.constant 0 : index
        %get3A_1473 = tpu.vector_load %arg12[%get3A_1471, %get3A_1472] {strides = array<i32>} : memref<256x128xf32, #tpu.memory_space<vmem>>, vector<1x16xf32>,
        %get3A_1474 = vector.shape_cast %get3A_1473 : vector<1x16xf32> to vector<16xf32>
        %add3A_1475 = arith.addf %get3A_1470, %get3A_1474 : vector<16xf32>
        %max3A_1476 = arith.constant 0.000000e+00 : f32
        %max3A_1477 = vector.broadcast %max3A_1476 : f32 to vector<16xf32>
        %max3A_1478 = arith.maximumf %add3A_1475, %max3A_1477 : vector<16xf32>
        %mul3A_1479 = vector.broadcast %squeeze3A_1466 : f32 to vector<16xf32>
        %mul3A_1480 = arith.mulf %max3A_1478, %mul3A_1479 : vector<16xf32>
        %max3A_1481 = arith.maximumf %max3A_1353, %mul3A_1480 : vector<16xf32>
        %get3A_1482 = arith.index_cast %add3A_1464 : i32 to index
        %get3A_1483 = arith.constant 16 : index
        %get3A_1484 = tpu.vector_load %arg11[%get3A_1482, %get3A_1483] {strides = array<i32>} : memref<256x128xf32, #tpu.memory_space<vmem>>, vector<1x16xf32>,
        %get3A_1485 = vector.shape_cast %get3A_1484 : vector<1x16xf32> to vector<16xf32>
        %get3A_1486 = arith.index_cast %add3A_1464 : i32 to index
        %get3A_1487 = arith.constant 16 : index
        %get3A_1488 = tpu.vector_load %arg12[%get3A_1486, %get3A_1487] {strides = array<i32>} : memref<256x128xf32, #tpu.memory_space<vmem>>, vector<1x16xf32>,
        %get3A_1489 = vector.shape_cast %get3A_1488 : vector<1x16xf32> to vector<16xf32>
        %add3A_1490 = arith.addf %get3A_1485, %get3A_1489 : vector<16xf32>
        %max3A_1491 = arith.constant 0.000000e+00 : f32
        %max3A_1492 = vector.broadcast %max3A_1491 : f32 to vector<16xf32>
        %max3A_1493 = arith.maximumf %add3A_1490, %max3A_1492 : vector<16xf32>
        %mul3A_1494 = vector.broadcast %squeeze3A_1466 : f32 to vector<16xf32>
        %mul3A_1495 = arith.mulf %max3A_1493, %mul3A_1494 : vector<16xf32>
        %max3A_1496 = arith.maximumf %max3A_1368, %mul3A_1495 : vector<16xf32>
        %get3A_1497 = arith.index_cast %add3A_1464 : i32 to index
        %get3A_1498 = arith.constant 32 : index
        %get3A_1499 = tpu.vector_load %arg11[%get3A_1497, %get3A_1498] {strides = array<i32>} : memref<256x128xf32, #tpu.memory_space<vmem>>, vector<1x16xf32>,
        %get3A_1500 = vector.shape_cast %get3A_1499 : vector<1x16xf32> to vector<16xf32>
        %get3A_1501 = arith.index_cast %add3A_1464 : i32 to index
        %get3A_1502 = arith.constant 32 : index
        %get3A_1503 = tpu.vector_load %arg12[%get3A_1501, %get3A_1502] {strides = array<i32>} : memref<256x128xf32, #tpu.memory_space<vmem>>, vector<1x16xf32>,
        %get3A_1504 = vector.shape_cast %get3A_1503 : vector<1x16xf32> to vector<16xf32>
        %add3A_1505 = arith.addf %get3A_1500, %get3A_1504 : vector<16xf32>
        %max3A_1506 = arith.constant 0.000000e+00 : f32
        %max3A_1507 = vector.broadcast %max3A_1506 : f32 to vector<16xf32>
        %max3A_1508 = arith.maximumf %add3A_1505, %max3A_1507 : vector<16xf32>
        %mul3A_1509 = vector.broadcast %squeeze3A_1466 : f32 to vector<16xf32>
        %mul3A_1510 = arith.mulf %max3A_1508, %mul3A_1509 : vector<16xf32>
        %max3A_1511 = arith.maximumf %max3A_1383, %mul3A_1510 : vector<16xf32>
        %get3A_1512 = arith.index_cast %add3A_1464 : i32 to index
        %get3A_1513 = arith.constant 48 : index
        %get3A_1514 = tpu.vector_load %arg11[%get3A_1512, %get3A_1513] {strides = array<i32>} : memref<256x128xf32, #tpu.memory_space<vmem>>, vector<1x16xf32>,
        %get3A_1515 = vector.shape_cast %get3A_1514 : vector<1x16xf32> to vector<16xf32>
        %get3A_1516 = arith.index_cast %add3A_1464 : i32 to index
        %get3A_1517 = arith.constant 48 : index
        %get3A_1518 = tpu.vector_load %arg12[%get3A_1516, %get3A_1517] {strides = array<i32>} : memref<256x128xf32, #tpu.memory_space<vmem>>, vector<1x16xf32>,
        %get3A_1519 = vector.shape_cast %get3A_1518 : vector<1x16xf32> to vector<16xf32>
        %add3A_1520 = arith.addf %get3A_1515, %get3A_1519 : vector<16xf32>
        %max3A_1521 = arith.constant 0.000000e+00 : f32
        %max3A_1522 = vector.broadcast %max3A_1521 : f32 to vector<16xf32>
        %max3A_1523 = arith.maximumf %add3A_1520, %max3A_1522 : vector<16xf32>
        %mul3A_1524 = vector.broadcast %squeeze3A_1466 : f32 to vector<16xf32>
        %mul3A_1525 = arith.mulf %max3A_1523, %mul3A_1524 : vector<16xf32>
        %max3A_1526 = arith.maximumf %max3A_1398, %mul3A_1525 : vector<16xf32>
        %get3A_1527 = arith.index_cast %add3A_1464 : i32 to index
        %get3A_1528 = arith.constant 64 : index
        %get3A_1529 = tpu.vector_load %arg11[%get3A_1527, %get3A_1528] {strides = array<i32>} : memref<256x128xf32, #tpu.memory_space<vmem>>, vector<1x16xf32>,
        %get3A_1530 = vector.shape_cast %get3A_1529 : vector<1x16xf32> to vector<16xf32>
        %get3A_1531 = arith.index_cast %add3A_1464 : i32 to index
        %get3A_1532 = arith.constant 64 : index
        %get3A_1533 = tpu.vector_load %arg12[%get3A_1531, %get3A_1532] {strides = array<i32>} : memref<256x128xf32, #tpu.memory_space<vmem>>, vector<1x16xf32>,
        %get3A_1534 = vector.shape_cast %get3A_1533 : vector<1x16xf32> to vector<16xf32>
        %add3A_1535 = arith.addf %get3A_1530, %get3A_1534 : vector<16xf32>
        %max3A_1536 = arith.constant 0.000000e+00 : f32
        %max3A_1537 = vector.broadcast %max3A_1536 : f32 to vector<16xf32>
        %max3A_1538 = arith.maximumf %add3A_1535, %max3A_1537 : vector<16xf32>
        %mul3A_1539 = vector.broadcast %squeeze3A_1466 : f32 to vector<16xf32>
        %mul3A_1540 = arith.mulf %max3A_1538, %mul3A_1539 : vector<16xf32>
        %max3A_1541 = arith.maximumf %max3A_1413, %mul3A_1540 : vector<16xf32>
        %get3A_1542 = arith.index_cast %add3A_1464 : i32 to index
        %get3A_1543 = arith.constant 80 : index
        %get3A_1544 = tpu.vector_load %arg11[%get3A_1542, %get3A_1543] {strides = array<i32>} : memref<256x128xf32, #tpu.memory_space<vmem>>, vector<1x16xf32>,
        %get3A_1545 = vector.shape_cast %get3A_1544 : vector<1x16xf32> to vector<16xf32>
        %get3A_1546 = arith.index_cast %add3A_1464 : i32 to index
        %get3A_1547 = arith.constant 80 : index
        %get3A_1548 = tpu.vector_load %arg12[%get3A_1546, %get3A_1547] {strides = array<i32>} : memref<256x128xf32, #tpu.memory_space<vmem>>, vector<1x16xf32>,
        %get3A_1549 = vector.shape_cast %get3A_1548 : vector<1x16xf32> to vector<16xf32>
        %add3A_1550 = arith.addf %get3A_1545, %get3A_1549 : vector<16xf32>
        %max3A_1551 = arith.constant 0.000000e+00 : f32
        %max3A_1552 = vector.broadcast %max3A_1551 : f32 to vector<16xf32>
        %max3A_1553 = arith.maximumf %add3A_1550, %max3A_1552 : vector<16xf32>
        %mul3A_1554 = vector.broadcast %squeeze3A_1466 : f32 to vector<16xf32>
        %mul3A_1555 = arith.mulf %max3A_1553, %mul3A_1554 : vector<16xf32>
        %max3A_1556 = arith.maximumf %max3A_1428, %mul3A_1555 : vector<16xf32>
        %get3A_1557 = arith.index_cast %add3A_1464 : i32 to index
        %get3A_1558 = arith.constant 96 : index
        %get3A_1559 = tpu.vector_load %arg11[%get3A_1557, %get3A_1558] {strides = array<i32>} : memref<256x128xf32, #tpu.memory_space<vmem>>, vector<1x16xf32>,
        %get3A_1560 = vector.shape_cast %get3A_1559 : vector<1x16xf32> to vector<16xf32>
        %get3A_1561 = arith.index_cast %add3A_1464 : i32 to index
        %get3A_1562 = arith.constant 96 : index
        %get3A_1563 = tpu.vector_load %arg12[%get3A_1561, %get3A_1562] {strides = array<i32>} : memref<256x128xf32, #tpu.memory_space<vmem>>, vector<1x16xf32>,
        %get3A_1564 = vector.shape_cast %get3A_1563 : vector<1x16xf32> to vector<16xf32>
        %add3A_1565 = arith.addf %get3A_1560, %get3A_1564 : vector<16xf32>
        %max3A_1566 = arith.constant 0.000000e+00 : f32
        %max3A_1567 = vector.broadcast %max3A_1566 : f32 to vector<16xf32>
        %max3A_1568 = arith.maximumf %add3A_1565, %max3A_1567 : vector<16xf32>
        %mul3A_1569 = vector.broadcast %squeeze3A_1466 : f32 to vector<16xf32>
        %mul3A_1570 = arith.mulf %max3A_1568, %mul3A_1569 : vector<16xf32>
        %max3A_1571 = arith.maximumf %max3A_1443, %mul3A_1570 : vector<16xf32>
        %get3A_1572 = arith.index_cast %add3A_1464 : i32 to index
        %get3A_1573 = arith.constant 112 : index
        %get3A_1574 = tpu.vector_load %arg11[%get3A_1572, %get3A_1573] {strides = array<i32>} : memref<256x128xf32, #tpu.memory_space<vmem>>, vector<1x16xf32>,
        %get3A_1575 = vector.shape_cast %get3A_1574 : vector<1x16xf32> to vector<16xf32>
        %get3A_1576 = arith.index_cast %add3A_1464 : i32 to index
        %get3A_1577 = arith.constant 112 : index
        %get3A_1578 = tpu.vector_load %arg12[%get3A_1576, %get3A_1577] {strides = array<i32>} : memref<256x128xf32, #tpu.memory_space<vmem>>, vector<1x16xf32>,
        %get3A_1579 = vector.shape_cast %get3A_1578 : vector<1x16xf32> to vector<16xf32>
        %add3A_1580 = arith.addf %get3A_1575, %get3A_1579 : vector<16xf32>
        %max3A_1581 = arith.constant 0.000000e+00 : f32
        %max3A_1582 = vector.broadcast %max3A_1581 : f32 to vector<16xf32>
        %max3A_1583 = arith.maximumf %add3A_1580, %max3A_1582 : vector<16xf32>
        %mul3A_1584 = vector.broadcast %squeeze3A_1466 : f32 to vector<16xf32>
        %mul3A_1585 = arith.mulf %max3A_1583, %mul3A_1584 : vector<16xf32>
        %max3A_1586 = arith.maximumf %max3A_1458, %mul3A_1585 : vector<16xf32>
        %mul3A_1587 = arith.constant 16 : i32
        %mul3A_1588 = arith.muli %scan3A_159, %mul3A_1587 : i32
        %add3A_1589 = arith.constant 128 : i32
        %add3A_1590 = arith.addi %add3A_1589, %mul3A_1588 : i32
        %add3A_1591 = arith.constant 11 : i32
        %add3A_1592 = arith.addi %add3A_1590, %add3A_1591 : i32
        %slice3A_1593 = vector.extract_strided_slice %get3A_181 {offsets = [11], sizes = [1], strides = [1]} : vector<16xf32> to vector<1xf32>
        %squeeze3A_1594 = vector.extract %slice3A_1593[0] : f32 from vector<1xf32>
        %get3A_1595 = arith.index_cast %add3A_1592 : i32 to index
        %get3A_1596 = arith.constant 0 : index
        %get3A_1597 = tpu.vector_load %arg11[%get3A_1595, %get3A_1596] {strides = array<i32>} : memref<256x128xf32, #tpu.memory_space<vmem>>, vector<1x16xf32>,
        %get3A_1598 = vector.shape_cast %get3A_1597 : vector<1x16xf32> to vector<16xf32>
        %get3A_1599 = arith.index_cast %add3A_1592 : i32 to index
        %get3A_1600 = arith.constant 0 : index
        %get3A_1601 = tpu.vector_load %arg12[%get3A_1599, %get3A_1600] {strides = array<i32>} : memref<256x128xf32, #tpu.memory_space<vmem>>, vector<1x16xf32>,
        %get3A_1602 = vector.shape_cast %get3A_1601 : vector<1x16xf32> to vector<16xf32>
        %add3A_1603 = arith.addf %get3A_1598, %get3A_1602 : vector<16xf32>
        %max3A_1604 = arith.constant 0.000000e+00 : f32
        %max3A_1605 = vector.broadcast %max3A_1604 : f32 to vector<16xf32>
        %max3A_1606 = arith.maximumf %add3A_1603, %max3A_1605 : vector<16xf32>
        %mul3A_1607 = vector.broadcast %squeeze3A_1594 : f32 to vector<16xf32>
        %mul3A_1608 = arith.mulf %max3A_1606, %mul3A_1607 : vector<16xf32>
        %max3A_1609 = arith.maximumf %max3A_1481, %mul3A_1608 : vector<16xf32>
        %get3A_1610 = arith.index_cast %add3A_1592 : i32 to index
        %get3A_1611 = arith.constant 16 : index
        %get3A_1612 = tpu.vector_load %arg11[%get3A_1610, %get3A_1611] {strides = array<i32>} : memref<256x128xf32, #tpu.memory_space<vmem>>, vector<1x16xf32>,
        %get3A_1613 = vector.shape_cast %get3A_1612 : vector<1x16xf32> to vector<16xf32>
        %get3A_1614 = arith.index_cast %add3A_1592 : i32 to index
        %get3A_1615 = arith.constant 16 : index
        %get3A_1616 = tpu.vector_load %arg12[%get3A_1614, %get3A_1615] {strides = array<i32>} : memref<256x128xf32, #tpu.memory_space<vmem>>, vector<1x16xf32>,
        %get3A_1617 = vector.shape_cast %get3A_1616 : vector<1x16xf32> to vector<16xf32>
        %add3A_1618 = arith.addf %get3A_1613, %get3A_1617 : vector<16xf32>
        %max3A_1619 = arith.constant 0.000000e+00 : f32
        %max3A_1620 = vector.broadcast %max3A_1619 : f32 to vector<16xf32>
        %max3A_1621 = arith.maximumf %add3A_1618, %max3A_1620 : vector<16xf32>
        %mul3A_1622 = vector.broadcast %squeeze3A_1594 : f32 to vector<16xf32>
        %mul3A_1623 = arith.mulf %max3A_1621, %mul3A_1622 : vector<16xf32>
        %max3A_1624 = arith.maximumf %max3A_1496, %mul3A_1623 : vector<16xf32>
        %get3A_1625 = arith.index_cast %add3A_1592 : i32 to index
        %get3A_1626 = arith.constant 32 : index
        %get3A_1627 = tpu.vector_load %arg11[%get3A_1625, %get3A_1626] {strides = array<i32>} : memref<256x128xf32, #tpu.memory_space<vmem>>, vector<1x16xf32>,
        %get3A_1628 = vector.shape_cast %get3A_1627 : vector<1x16xf32> to vector<16xf32>
        %get3A_1629 = arith.index_cast %add3A_1592 : i32 to index
        %get3A_1630 = arith.constant 32 : index
        %get3A_1631 = tpu.vector_load %arg12[%get3A_1629, %get3A_1630] {strides = array<i32>} : memref<256x128xf32, #tpu.memory_space<vmem>>, vector<1x16xf32>,
        %get3A_1632 = vector.shape_cast %get3A_1631 : vector<1x16xf32> to vector<16xf32>
        %add3A_1633 = arith.addf %get3A_1628, %get3A_1632 : vector<16xf32>
        %max3A_1634 = arith.constant 0.000000e+00 : f32
        %max3A_1635 = vector.broadcast %max3A_1634 : f32 to vector<16xf32>
        %max3A_1636 = arith.maximumf %add3A_1633, %max3A_1635 : vector<16xf32>
        %mul3A_1637 = vector.broadcast %squeeze3A_1594 : f32 to vector<16xf32>
        %mul3A_1638 = arith.mulf %max3A_1636, %mul3A_1637 : vector<16xf32>
        %max3A_1639 = arith.maximumf %max3A_1511, %mul3A_1638 : vector<16xf32>
        %get3A_1640 = arith.index_cast %add3A_1592 : i32 to index
        %get3A_1641 = arith.constant 48 : index
        %get3A_1642 = tpu.vector_load %arg11[%get3A_1640, %get3A_1641] {strides = array<i32>} : memref<256x128xf32, #tpu.memory_space<vmem>>, vector<1x16xf32>,
        %get3A_1643 = vector.shape_cast %get3A_1642 : vector<1x16xf32> to vector<16xf32>
        %get3A_1644 = arith.index_cast %add3A_1592 : i32 to index
        %get3A_1645 = arith.constant 48 : index
        %get3A_1646 = tpu.vector_load %arg12[%get3A_1644, %get3A_1645] {strides = array<i32>} : memref<256x128xf32, #tpu.memory_space<vmem>>, vector<1x16xf32>,
        %get3A_1647 = vector.shape_cast %get3A_1646 : vector<1x16xf32> to vector<16xf32>
        %add3A_1648 = arith.addf %get3A_1643, %get3A_1647 : vector<16xf32>
        %max3A_1649 = arith.constant 0.000000e+00 : f32
        %max3A_1650 = vector.broadcast %max3A_1649 : f32 to vector<16xf32>
        %max3A_1651 = arith.maximumf %add3A_1648, %max3A_1650 : vector<16xf32>
        %mul3A_1652 = vector.broadcast %squeeze3A_1594 : f32 to vector<16xf32>
        %mul3A_1653 = arith.mulf %max3A_1651, %mul3A_1652 : vector<16xf32>
        %max3A_1654 = arith.maximumf %max3A_1526, %mul3A_1653 : vector<16xf32>
        %get3A_1655 = arith.index_cast %add3A_1592 : i32 to index
        %get3A_1656 = arith.constant 64 : index
        %get3A_1657 = tpu.vector_load %arg11[%get3A_1655, %get3A_1656] {strides = array<i32>} : memref<256x128xf32, #tpu.memory_space<vmem>>, vector<1x16xf32>,
        %get3A_1658 = vector.shape_cast %get3A_1657 : vector<1x16xf32> to vector<16xf32>
        %get3A_1659 = arith.index_cast %add3A_1592 : i32 to index
        %get3A_1660 = arith.constant 64 : index
        %get3A_1661 = tpu.vector_load %arg12[%get3A_1659, %get3A_1660] {strides = array<i32>} : memref<256x128xf32, #tpu.memory_space<vmem>>, vector<1x16xf32>,
        %get3A_1662 = vector.shape_cast %get3A_1661 : vector<1x16xf32> to vector<16xf32>
        %add3A_1663 = arith.addf %get3A_1658, %get3A_1662 : vector<16xf32>
        %max3A_1664 = arith.constant 0.000000e+00 : f32
        %max3A_1665 = vector.broadcast %max3A_1664 : f32 to vector<16xf32>
        %max3A_1666 = arith.maximumf %add3A_1663, %max3A_1665 : vector<16xf32>
        %mul3A_1667 = vector.broadcast %squeeze3A_1594 : f32 to vector<16xf32>
        %mul3A_1668 = arith.mulf %max3A_1666, %mul3A_1667 : vector<16xf32>
        %max3A_1669 = arith.maximumf %max3A_1541, %mul3A_1668 : vector<16xf32>
        %get3A_1670 = arith.index_cast %add3A_1592 : i32 to index
        %get3A_1671 = arith.constant 80 : index
        %get3A_1672 = tpu.vector_load %arg11[%get3A_1670, %get3A_1671] {strides = array<i32>} : memref<256x128xf32, #tpu.memory_space<vmem>>, vector<1x16xf32>,
        %get3A_1673 = vector.shape_cast %get3A_1672 : vector<1x16xf32> to vector<16xf32>
        %get3A_1674 = arith.index_cast %add3A_1592 : i32 to index
        %get3A_1675 = arith.constant 80 : index
        %get3A_1676 = tpu.vector_load %arg12[%get3A_1674, %get3A_1675] {strides = array<i32>} : memref<256x128xf32, #tpu.memory_space<vmem>>, vector<1x16xf32>,
        %get3A_1677 = vector.shape_cast %get3A_1676 : vector<1x16xf32> to vector<16xf32>
        %add3A_1678 = arith.addf %get3A_1673, %get3A_1677 : vector<16xf32>
        %max3A_1679 = arith.constant 0.000000e+00 : f32
        %max3A_1680 = vector.broadcast %max3A_1679 : f32 to vector<16xf32>
        %max3A_1681 = arith.maximumf %add3A_1678, %max3A_1680 : vector<16xf32>
        %mul3A_1682 = vector.broadcast %squeeze3A_1594 : f32 to vector<16xf32>
        %mul3A_1683 = arith.mulf %max3A_1681, %mul3A_1682 : vector<16xf32>
        %max3A_1684 = arith.maximumf %max3A_1556, %mul3A_1683 : vector<16xf32>
        %get3A_1685 = arith.index_cast %add3A_1592 : i32 to index
        %get3A_1686 = arith.constant 96 : index
        %get3A_1687 = tpu.vector_load %arg11[%get3A_1685, %get3A_1686] {strides = array<i32>} : memref<256x128xf32, #tpu.memory_space<vmem>>, vector<1x16xf32>,
        %get3A_1688 = vector.shape_cast %get3A_1687 : vector<1x16xf32> to vector<16xf32>
        %get3A_1689 = arith.index_cast %add3A_1592 : i32 to index
        %get3A_1690 = arith.constant 96 : index
        %get3A_1691 = tpu.vector_load %arg12[%get3A_1689, %get3A_1690] {strides = array<i32>} : memref<256x128xf32, #tpu.memory_space<vmem>>, vector<1x16xf32>,
        %get3A_1692 = vector.shape_cast %get3A_1691 : vector<1x16xf32> to vector<16xf32>
        %add3A_1693 = arith.addf %get3A_1688, %get3A_1692 : vector<16xf32>
        %max3A_1694 = arith.constant 0.000000e+00 : f32
        %max3A_1695 = vector.broadcast %max3A_1694 : f32 to vector<16xf32>
        %max3A_1696 = arith.maximumf %add3A_1693, %max3A_1695 : vector<16xf32>
        %mul3A_1697 = vector.broadcast %squeeze3A_1594 : f32 to vector<16xf32>
        %mul3A_1698 = arith.mulf %max3A_1696, %mul3A_1697 : vector<16xf32>
        %max3A_1699 = arith.maximumf %max3A_1571, %mul3A_1698 : vector<16xf32>
        %get3A_1700 = arith.index_cast %add3A_1592 : i32 to index
        %get3A_1701 = arith.constant 112 : index
        %get3A_1702 = tpu.vector_load %arg11[%get3A_1700, %get3A_1701] {strides = array<i32>} : memref<256x128xf32, #tpu.memory_space<vmem>>, vector<1x16xf32>,
        %get3A_1703 = vector.shape_cast %get3A_1702 : vector<1x16xf32> to vector<16xf32>
        %get3A_1704 = arith.index_cast %add3A_1592 : i32 to index
        %get3A_1705 = arith.constant 112 : index
        %get3A_1706 = tpu.vector_load %arg12[%get3A_1704, %get3A_1705] {strides = array<i32>} : memref<256x128xf32, #tpu.memory_space<vmem>>, vector<1x16xf32>,
        %get3A_1707 = vector.shape_cast %get3A_1706 : vector<1x16xf32> to vector<16xf32>
        %add3A_1708 = arith.addf %get3A_1703, %get3A_1707 : vector<16xf32>
        %max3A_1709 = arith.constant 0.000000e+00 : f32
        %max3A_1710 = vector.broadcast %max3A_1709 : f32 to vector<16xf32>
        %max3A_1711 = arith.maximumf %add3A_1708, %max3A_1710 : vector<16xf32>
        %mul3A_1712 = vector.broadcast %squeeze3A_1594 : f32 to vector<16xf32>
        %mul3A_1713 = arith.mulf %max3A_1711, %mul3A_1712 : vector<16xf32>
        %max3A_1714 = arith.maximumf %max3A_1586, %mul3A_1713 : vector<16xf32>
        %mul3A_1715 = arith.constant 16 : i32
        %mul3A_1716 = arith.muli %scan3A_159, %mul3A_1715 : i32
        %add3A_1717 = arith.constant 128 : i32
        %add3A_1718 = arith.addi %add3A_1717, %mul3A_1716 : i32
        %add3A_1719 = arith.constant 12 : i32
        %add3A_1720 = arith.addi %add3A_1718, %add3A_1719 : i32
        %slice3A_1721 = vector.extract_strided_slice %get3A_181 {offsets = [12], sizes = [1], strides = [1]} : vector<16xf32> to vector<1xf32>
        %squeeze3A_1722 = vector.extract %slice3A_1721[0] : f32 from vector<1xf32>
        %get3A_1723 = arith.index_cast %add3A_1720 : i32 to index
        %get3A_1724 = arith.constant 0 : index
        %get3A_1725 = tpu.vector_load %arg11[%get3A_1723, %get3A_1724] {strides = array<i32>} : memref<256x128xf32, #tpu.memory_space<vmem>>, vector<1x16xf32>,
        %get3A_1726 = vector.shape_cast %get3A_1725 : vector<1x16xf32> to vector<16xf32>
        %get3A_1727 = arith.index_cast %add3A_1720 : i32 to index
        %get3A_1728 = arith.constant 0 : index
        %get3A_1729 = tpu.vector_load %arg12[%get3A_1727, %get3A_1728] {strides = array<i32>} : memref<256x128xf32, #tpu.memory_space<vmem>>, vector<1x16xf32>,
        %get3A_1730 = vector.shape_cast %get3A_1729 : vector<1x16xf32> to vector<16xf32>
        %add3A_1731 = arith.addf %get3A_1726, %get3A_1730 : vector<16xf32>
        %max3A_1732 = arith.constant 0.000000e+00 : f32
        %max3A_1733 = vector.broadcast %max3A_1732 : f32 to vector<16xf32>
        %max3A_1734 = arith.maximumf %add3A_1731, %max3A_1733 : vector<16xf32>
        %mul3A_1735 = vector.broadcast %squeeze3A_1722 : f32 to vector<16xf32>
        %mul3A_1736 = arith.mulf %max3A_1734, %mul3A_1735 : vector<16xf32>
        %max3A_1737 = arith.maximumf %max3A_1609, %mul3A_1736 : vector<16xf32>
        %get3A_1738 = arith.index_cast %add3A_1720 : i32 to index
        %get3A_1739 = arith.constant 16 : index
        %get3A_1740 = tpu.vector_load %arg11[%get3A_1738, %get3A_1739] {strides = array<i32>} : memref<256x128xf32, #tpu.memory_space<vmem>>, vector<1x16xf32>,
        %get3A_1741 = vector.shape_cast %get3A_1740 : vector<1x16xf32> to vector<16xf32>
        %get3A_1742 = arith.index_cast %add3A_1720 : i32 to index
        %get3A_1743 = arith.constant 16 : index
        %get3A_1744 = tpu.vector_load %arg12[%get3A_1742, %get3A_1743] {strides = array<i32>} : memref<256x128xf32, #tpu.memory_space<vmem>>, vector<1x16xf32>,
        %get3A_1745 = vector.shape_cast %get3A_1744 : vector<1x16xf32> to vector<16xf32>
        %add3A_1746 = arith.addf %get3A_1741, %get3A_1745 : vector<16xf32>
        %max3A_1747 = arith.constant 0.000000e+00 : f32
        %max3A_1748 = vector.broadcast %max3A_1747 : f32 to vector<16xf32>
        %max3A_1749 = arith.maximumf %add3A_1746, %max3A_1748 : vector<16xf32>
        %mul3A_1750 = vector.broadcast %squeeze3A_1722 : f32 to vector<16xf32>
        %mul3A_1751 = arith.mulf %max3A_1749, %mul3A_1750 : vector<16xf32>
        %max3A_1752 = arith.maximumf %max3A_1624, %mul3A_1751 : vector<16xf32>
        %get3A_1753 = arith.index_cast %add3A_1720 : i32 to index
        %get3A_1754 = arith.constant 32 : index
        %get3A_1755 = tpu.vector_load %arg11[%get3A_1753, %get3A_1754] {strides = array<i32>} : memref<256x128xf32, #tpu.memory_space<vmem>>, vector<1x16xf32>,
        %get3A_1756 = vector.shape_cast %get3A_1755 : vector<1x16xf32> to vector<16xf32>
        %get3A_1757 = arith.index_cast %add3A_1720 : i32 to index
        %get3A_1758 = arith.constant 32 : index
        %get3A_1759 = tpu.vector_load %arg12[%get3A_1757, %get3A_1758] {strides = array<i32>} : memref<256x128xf32, #tpu.memory_space<vmem>>, vector<1x16xf32>,
        %get3A_1760 = vector.shape_cast %get3A_1759 : vector<1x16xf32> to vector<16xf32>
        %add3A_1761 = arith.addf %get3A_1756, %get3A_1760 : vector<16xf32>
        %max3A_1762 = arith.constant 0.000000e+00 : f32
        %max3A_1763 = vector.broadcast %max3A_1762 : f32 to vector<16xf32>
        %max3A_1764 = arith.maximumf %add3A_1761, %max3A_1763 : vector<16xf32>
        %mul3A_1765 = vector.broadcast %squeeze3A_1722 : f32 to vector<16xf32>
        %mul3A_1766 = arith.mulf %max3A_1764, %mul3A_1765 : vector<16xf32>
        %max3A_1767 = arith.maximumf %max3A_1639, %mul3A_1766 : vector<16xf32>
        %get3A_1768 = arith.index_cast %add3A_1720 : i32 to index
        %get3A_1769 = arith.constant 48 : index
        %get3A_1770 = tpu.vector_load %arg11[%get3A_1768, %get3A_1769] {strides = array<i32>} : memref<256x128xf32, #tpu.memory_space<vmem>>, vector<1x16xf32>,
        %get3A_1771 = vector.shape_cast %get3A_1770 : vector<1x16xf32> to vector<16xf32>
        %get3A_1772 = arith.index_cast %add3A_1720 : i32 to index
        %get3A_1773 = arith.constant 48 : index
        %get3A_1774 = tpu.vector_load %arg12[%get3A_1772, %get3A_1773] {strides = array<i32>} : memref<256x128xf32, #tpu.memory_space<vmem>>, vector<1x16xf32>,
        %get3A_1775 = vector.shape_cast %get3A_1774 : vector<1x16xf32> to vector<16xf32>
        %add3A_1776 = arith.addf %get3A_1771, %get3A_1775 : vector<16xf32>
        %max3A_1777 = arith.constant 0.000000e+00 : f32
        %max3A_1778 = vector.broadcast %max3A_1777 : f32 to vector<16xf32>
        %max3A_1779 = arith.maximumf %add3A_1776, %max3A_1778 : vector<16xf32>
        %mul3A_1780 = vector.broadcast %squeeze3A_1722 : f32 to vector<16xf32>
        %mul3A_1781 = arith.mulf %max3A_1779, %mul3A_1780 : vector<16xf32>
        %max3A_1782 = arith.maximumf %max3A_1654, %mul3A_1781 : vector<16xf32>
        %get3A_1783 = arith.index_cast %add3A_1720 : i32 to index
        %get3A_1784 = arith.constant 64 : index
        %get3A_1785 = tpu.vector_load %arg11[%get3A_1783, %get3A_1784] {strides = array<i32>} : memref<256x128xf32, #tpu.memory_space<vmem>>, vector<1x16xf32>,
        %get3A_1786 = vector.shape_cast %get3A_1785 : vector<1x16xf32> to vector<16xf32>
        %get3A_1787 = arith.index_cast %add3A_1720 : i32 to index
        %get3A_1788 = arith.constant 64 : index
        %get3A_1789 = tpu.vector_load %arg12[%get3A_1787, %get3A_1788] {strides = array<i32>} : memref<256x128xf32, #tpu.memory_space<vmem>>, vector<1x16xf32>,
        %get3A_1790 = vector.shape_cast %get3A_1789 : vector<1x16xf32> to vector<16xf32>
        %add3A_1791 = arith.addf %get3A_1786, %get3A_1790 : vector<16xf32>
        %max3A_1792 = arith.constant 0.000000e+00 : f32
        %max3A_1793 = vector.broadcast %max3A_1792 : f32 to vector<16xf32>
        %max3A_1794 = arith.maximumf %add3A_1791, %max3A_1793 : vector<16xf32>
        %mul3A_1795 = vector.broadcast %squeeze3A_1722 : f32 to vector<16xf32>
        %mul3A_1796 = arith.mulf %max3A_1794, %mul3A_1795 : vector<16xf32>
        %max3A_1797 = arith.maximumf %max3A_1669, %mul3A_1796 : vector<16xf32>
        %get3A_1798 = arith.index_cast %add3A_1720 : i32 to index
        %get3A_1799 = arith.constant 80 : index
        %get3A_1800 = tpu.vector_load %arg11[%get3A_1798, %get3A_1799] {strides = array<i32>} : memref<256x128xf32, #tpu.memory_space<vmem>>, vector<1x16xf32>,
        %get3A_1801 = vector.shape_cast %get3A_1800 : vector<1x16xf32> to vector<16xf32>
        %get3A_1802 = arith.index_cast %add3A_1720 : i32 to index
        %get3A_1803 = arith.constant 80 : index
        %get3A_1804 = tpu.vector_load %arg12[%get3A_1802, %get3A_1803] {strides = array<i32>} : memref<256x128xf32, #tpu.memory_space<vmem>>, vector<1x16xf32>,
        %get3A_1805 = vector.shape_cast %get3A_1804 : vector<1x16xf32> to vector<16xf32>
        %add3A_1806 = arith.addf %get3A_1801, %get3A_1805 : vector<16xf32>
        %max3A_1807 = arith.constant 0.000000e+00 : f32
        %max3A_1808 = vector.broadcast %max3A_1807 : f32 to vector<16xf32>
        %max3A_1809 = arith.maximumf %add3A_1806, %max3A_1808 : vector<16xf32>
        %mul3A_1810 = vector.broadcast %squeeze3A_1722 : f32 to vector<16xf32>
        %mul3A_1811 = arith.mulf %max3A_1809, %mul3A_1810 : vector<16xf32>
        %max3A_1812 = arith.maximumf %max3A_1684, %mul3A_1811 : vector<16xf32>
        %get3A_1813 = arith.index_cast %add3A_1720 : i32 to index
        %get3A_1814 = arith.constant 96 : index
        %get3A_1815 = tpu.vector_load %arg11[%get3A_1813, %get3A_1814] {strides = array<i32>} : memref<256x128xf32, #tpu.memory_space<vmem>>, vector<1x16xf32>,
        %get3A_1816 = vector.shape_cast %get3A_1815 : vector<1x16xf32> to vector<16xf32>
        %get3A_1817 = arith.index_cast %add3A_1720 : i32 to index
        %get3A_1818 = arith.constant 96 : index
        %get3A_1819 = tpu.vector_load %arg12[%get3A_1817, %get3A_1818] {strides = array<i32>} : memref<256x128xf32, #tpu.memory_space<vmem>>, vector<1x16xf32>,
        %get3A_1820 = vector.shape_cast %get3A_1819 : vector<1x16xf32> to vector<16xf32>
        %add3A_1821 = arith.addf %get3A_1816, %get3A_1820 : vector<16xf32>
        %max3A_1822 = arith.constant 0.000000e+00 : f32
        %max3A_1823 = vector.broadcast %max3A_1822 : f32 to vector<16xf32>
        %max3A_1824 = arith.maximumf %add3A_1821, %max3A_1823 : vector<16xf32>
        %mul3A_1825 = vector.broadcast %squeeze3A_1722 : f32 to vector<16xf32>
        %mul3A_1826 = arith.mulf %max3A_1824, %mul3A_1825 : vector<16xf32>
        %max3A_1827 = arith.maximumf %max3A_1699, %mul3A_1826 : vector<16xf32>
        %get3A_1828 = arith.index_cast %add3A_1720 : i32 to index
        %get3A_1829 = arith.constant 112 : index
        %get3A_1830 = tpu.vector_load %arg11[%get3A_1828, %get3A_1829] {strides = array<i32>} : memref<256x128xf32, #tpu.memory_space<vmem>>, vector<1x16xf32>,
        %get3A_1831 = vector.shape_cast %get3A_1830 : vector<1x16xf32> to vector<16xf32>
        %get3A_1832 = arith.index_cast %add3A_1720 : i32 to index
        %get3A_1833 = arith.constant 112 : index
        %get3A_1834 = tpu.vector_load %arg12[%get3A_1832, %get3A_1833] {strides = array<i32>} : memref<256x128xf32, #tpu.memory_space<vmem>>, vector<1x16xf32>,
        %get3A_1835 = vector.shape_cast %get3A_1834 : vector<1x16xf32> to vector<16xf32>
        %add3A_1836 = arith.addf %get3A_1831, %get3A_1835 : vector<16xf32>
        %max3A_1837 = arith.constant 0.000000e+00 : f32
        %max3A_1838 = vector.broadcast %max3A_1837 : f32 to vector<16xf32>
        %max3A_1839 = arith.maximumf %add3A_1836, %max3A_1838 : vector<16xf32>
        %mul3A_1840 = vector.broadcast %squeeze3A_1722 : f32 to vector<16xf32>
        %mul3A_1841 = arith.mulf %max3A_1839, %mul3A_1840 : vector<16xf32>
        %max3A_1842 = arith.maximumf %max3A_1714, %mul3A_1841 : vector<16xf32>
        %mul3A_1843 = arith.constant 16 : i32
        %mul3A_1844 = arith.muli %scan3A_159, %mul3A_1843 : i32
        %add3A_1845 = arith.constant 128 : i32
        %add3A_1846 = arith.addi %add3A_1845, %mul3A_1844 : i32
        %add3A_1847 = arith.constant 13 : i32
        %add3A_1848 = arith.addi %add3A_1846, %add3A_1847 : i32
        %slice3A_1849 = vector.extract_strided_slice %get3A_181 {offsets = [13], sizes = [1], strides = [1]} : vector<16xf32> to vector<1xf32>
        %squeeze3A_1850 = vector.extract %slice3A_1849[0] : f32 from vector<1xf32>
        %get3A_1851 = arith.index_cast %add3A_1848 : i32 to index
        %get3A_1852 = arith.constant 0 : index
        %get3A_1853 = tpu.vector_load %arg11[%get3A_1851, %get3A_1852] {strides = array<i32>} : memref<256x128xf32, #tpu.memory_space<vmem>>, vector<1x16xf32>,
        %get3A_1854 = vector.shape_cast %get3A_1853 : vector<1x16xf32> to vector<16xf32>
        %get3A_1855 = arith.index_cast %add3A_1848 : i32 to index
        %get3A_1856 = arith.constant 0 : index
        %get3A_1857 = tpu.vector_load %arg12[%get3A_1855, %get3A_1856] {strides = array<i32>} : memref<256x128xf32, #tpu.memory_space<vmem>>, vector<1x16xf32>,
        %get3A_1858 = vector.shape_cast %get3A_1857 : vector<1x16xf32> to vector<16xf32>
        %add3A_1859 = arith.addf %get3A_1854, %get3A_1858 : vector<16xf32>
        %max3A_1860 = arith.constant 0.000000e+00 : f32
        %max3A_1861 = vector.broadcast %max3A_1860 : f32 to vector<16xf32>
        %max3A_1862 = arith.maximumf %add3A_1859, %max3A_1861 : vector<16xf32>
        %mul3A_1863 = vector.broadcast %squeeze3A_1850 : f32 to vector<16xf32>
        %mul3A_1864 = arith.mulf %max3A_1862, %mul3A_1863 : vector<16xf32>
        %max3A_1865 = arith.maximumf %max3A_1737, %mul3A_1864 : vector<16xf32>
        %get3A_1866 = arith.index_cast %add3A_1848 : i32 to index
        %get3A_1867 = arith.constant 16 : index
        %get3A_1868 = tpu.vector_load %arg11[%get3A_1866, %get3A_1867] {strides = array<i32>} : memref<256x128xf32, #tpu.memory_space<vmem>>, vector<1x16xf32>,
        %get3A_1869 = vector.shape_cast %get3A_1868 : vector<1x16xf32> to vector<16xf32>
        %get3A_1870 = arith.index_cast %add3A_1848 : i32 to index
        %get3A_1871 = arith.constant 16 : index
        %get3A_1872 = tpu.vector_load %arg12[%get3A_1870, %get3A_1871] {strides = array<i32>} : memref<256x128xf32, #tpu.memory_space<vmem>>, vector<1x16xf32>,
        %get3A_1873 = vector.shape_cast %get3A_1872 : vector<1x16xf32> to vector<16xf32>
        %add3A_1874 = arith.addf %get3A_1869, %get3A_1873 : vector<16xf32>
        %max3A_1875 = arith.constant 0.000000e+00 : f32
        %max3A_1876 = vector.broadcast %max3A_1875 : f32 to vector<16xf32>
        %max3A_1877 = arith.maximumf %add3A_1874, %max3A_1876 : vector<16xf32>
        %mul3A_1878 = vector.broadcast %squeeze3A_1850 : f32 to vector<16xf32>
        %mul3A_1879 = arith.mulf %max3A_1877, %mul3A_1878 : vector<16xf32>
        %max3A_1880 = arith.maximumf %max3A_1752, %mul3A_1879 : vector<16xf32>
        %get3A_1881 = arith.index_cast %add3A_1848 : i32 to index
        %get3A_1882 = arith.constant 32 : index
        %get3A_1883 = tpu.vector_load %arg11[%get3A_1881, %get3A_1882] {strides = array<i32>} : memref<256x128xf32, #tpu.memory_space<vmem>>, vector<1x16xf32>,
        %get3A_1884 = vector.shape_cast %get3A_1883 : vector<1x16xf32> to vector<16xf32>
        %get3A_1885 = arith.index_cast %add3A_1848 : i32 to index
        %get3A_1886 = arith.constant 32 : index
        %get3A_1887 = tpu.vector_load %arg12[%get3A_1885, %get3A_1886] {strides = array<i32>} : memref<256x128xf32, #tpu.memory_space<vmem>>, vector<1x16xf32>,
        %get3A_1888 = vector.shape_cast %get3A_1887 : vector<1x16xf32> to vector<16xf32>
        %add3A_1889 = arith.addf %get3A_1884, %get3A_1888 : vector<16xf32>
        %max3A_1890 = arith.constant 0.000000e+00 : f32
        %max3A_1891 = vector.broadcast %max3A_1890 : f32 to vector<16xf32>
        %max3A_1892 = arith.maximumf %add3A_1889, %max3A_1891 : vector<16xf32>
        %mul3A_1893 = vector.broadcast %squeeze3A_1850 : f32 to vector<16xf32>
        %mul3A_1894 = arith.mulf %max3A_1892, %mul3A_1893 : vector<16xf32>
        %max3A_1895 = arith.maximumf %max3A_1767, %mul3A_1894 : vector<16xf32>
        %get3A_1896 = arith.index_cast %add3A_1848 : i32 to index
        %get3A_1897 = arith.constant 48 : index
        %get3A_1898 = tpu.vector_load %arg11[%get3A_1896, %get3A_1897] {strides = array<i32>} : memref<256x128xf32, #tpu.memory_space<vmem>>, vector<1x16xf32>,
        %get3A_1899 = vector.shape_cast %get3A_1898 : vector<1x16xf32> to vector<16xf32>
        %get3A_1900 = arith.index_cast %add3A_1848 : i32 to index
        %get3A_1901 = arith.constant 48 : index
        %get3A_1902 = tpu.vector_load %arg12[%get3A_1900, %get3A_1901] {strides = array<i32>} : memref<256x128xf32, #tpu.memory_space<vmem>>, vector<1x16xf32>,
        %get3A_1903 = vector.shape_cast %get3A_1902 : vector<1x16xf32> to vector<16xf32>
        %add3A_1904 = arith.addf %get3A_1899, %get3A_1903 : vector<16xf32>
        %max3A_1905 = arith.constant 0.000000e+00 : f32
        %max3A_1906 = vector.broadcast %max3A_1905 : f32 to vector<16xf32>
        %max3A_1907 = arith.maximumf %add3A_1904, %max3A_1906 : vector<16xf32>
        %mul3A_1908 = vector.broadcast %squeeze3A_1850 : f32 to vector<16xf32>
        %mul3A_1909 = arith.mulf %max3A_1907, %mul3A_1908 : vector<16xf32>
        %max3A_1910 = arith.maximumf %max3A_1782, %mul3A_1909 : vector<16xf32>
        %get3A_1911 = arith.index_cast %add3A_1848 : i32 to index
        %get3A_1912 = arith.constant 64 : index
        %get3A_1913 = tpu.vector_load %arg11[%get3A_1911, %get3A_1912] {strides = array<i32>} : memref<256x128xf32, #tpu.memory_space<vmem>>, vector<1x16xf32>,
        %get3A_1914 = vector.shape_cast %get3A_1913 : vector<1x16xf32> to vector<16xf32>
        %get3A_1915 = arith.index_cast %add3A_1848 : i32 to index
        %get3A_1916 = arith.constant 64 : index
        %get3A_1917 = tpu.vector_load %arg12[%get3A_1915, %get3A_1916] {strides = array<i32>} : memref<256x128xf32, #tpu.memory_space<vmem>>, vector<1x16xf32>,
        %get3A_1918 = vector.shape_cast %get3A_1917 : vector<1x16xf32> to vector<16xf32>
        %add3A_1919 = arith.addf %get3A_1914, %get3A_1918 : vector<16xf32>
        %max3A_1920 = arith.constant 0.000000e+00 : f32
        %max3A_1921 = vector.broadcast %max3A_1920 : f32 to vector<16xf32>
        %max3A_1922 = arith.maximumf %add3A_1919, %max3A_1921 : vector<16xf32>
        %mul3A_1923 = vector.broadcast %squeeze3A_1850 : f32 to vector<16xf32>
        %mul3A_1924 = arith.mulf %max3A_1922, %mul3A_1923 : vector<16xf32>
        %max3A_1925 = arith.maximumf %max3A_1797, %mul3A_1924 : vector<16xf32>
        %get3A_1926 = arith.index_cast %add3A_1848 : i32 to index
        %get3A_1927 = arith.constant 80 : index
        %get3A_1928 = tpu.vector_load %arg11[%get3A_1926, %get3A_1927] {strides = array<i32>} : memref<256x128xf32, #tpu.memory_space<vmem>>, vector<1x16xf32>,
        %get3A_1929 = vector.shape_cast %get3A_1928 : vector<1x16xf32> to vector<16xf32>
        %get3A_1930 = arith.index_cast %add3A_1848 : i32 to index
        %get3A_1931 = arith.constant 80 : index
        %get3A_1932 = tpu.vector_load %arg12[%get3A_1930, %get3A_1931] {strides = array<i32>} : memref<256x128xf32, #tpu.memory_space<vmem>>, vector<1x16xf32>,
        %get3A_1933 = vector.shape_cast %get3A_1932 : vector<1x16xf32> to vector<16xf32>
        %add3A_1934 = arith.addf %get3A_1929, %get3A_1933 : vector<16xf32>
        %max3A_1935 = arith.constant 0.000000e+00 : f32
        %max3A_1936 = vector.broadcast %max3A_1935 : f32 to vector<16xf32>
        %max3A_1937 = arith.maximumf %add3A_1934, %max3A_1936 : vector<16xf32>
        %mul3A_1938 = vector.broadcast %squeeze3A_1850 : f32 to vector<16xf32>
        %mul3A_1939 = arith.mulf %max3A_1937, %mul3A_1938 : vector<16xf32>
        %max3A_1940 = arith.maximumf %max3A_1812, %mul3A_1939 : vector<16xf32>
        %get3A_1941 = arith.index_cast %add3A_1848 : i32 to index
        %get3A_1942 = arith.constant 96 : index
        %get3A_1943 = tpu.vector_load %arg11[%get3A_1941, %get3A_1942] {strides = array<i32>} : memref<256x128xf32, #tpu.memory_space<vmem>>, vector<1x16xf32>,
        %get3A_1944 = vector.shape_cast %get3A_1943 : vector<1x16xf32> to vector<16xf32>
        %get3A_1945 = arith.index_cast %add3A_1848 : i32 to index
        %get3A_1946 = arith.constant 96 : index
        %get3A_1947 = tpu.vector_load %arg12[%get3A_1945, %get3A_1946] {strides = array<i32>} : memref<256x128xf32, #tpu.memory_space<vmem>>, vector<1x16xf32>,
        %get3A_1948 = vector.shape_cast %get3A_1947 : vector<1x16xf32> to vector<16xf32>
        %add3A_1949 = arith.addf %get3A_1944, %get3A_1948 : vector<16xf32>
        %max3A_1950 = arith.constant 0.000000e+00 : f32
        %max3A_1951 = vector.broadcast %max3A_1950 : f32 to vector<16xf32>
        %max3A_1952 = arith.maximumf %add3A_1949, %max3A_1951 : vector<16xf32>
        %mul3A_1953 = vector.broadcast %squeeze3A_1850 : f32 to vector<16xf32>
        %mul3A_1954 = arith.mulf %max3A_1952, %mul3A_1953 : vector<16xf32>
        %max3A_1955 = arith.maximumf %max3A_1827, %mul3A_1954 : vector<16xf32>
        %get3A_1956 = arith.index_cast %add3A_1848 : i32 to index
        %get3A_1957 = arith.constant 112 : index
        %get3A_1958 = tpu.vector_load %arg11[%get3A_1956, %get3A_1957] {strides = array<i32>} : memref<256x128xf32, #tpu.memory_space<vmem>>, vector<1x16xf32>,
        %get3A_1959 = vector.shape_cast %get3A_1958 : vector<1x16xf32> to vector<16xf32>
        %get3A_1960 = arith.index_cast %add3A_1848 : i32 to index
        %get3A_1961 = arith.constant 112 : index
        %get3A_1962 = tpu.vector_load %arg12[%get3A_1960, %get3A_1961] {strides = array<i32>} : memref<256x128xf32, #tpu.memory_space<vmem>>, vector<1x16xf32>,
        %get3A_1963 = vector.shape_cast %get3A_1962 : vector<1x16xf32> to vector<16xf32>
        %add3A_1964 = arith.addf %get3A_1959, %get3A_1963 : vector<16xf32>
        %max3A_1965 = arith.constant 0.000000e+00 : f32
        %max3A_1966 = vector.broadcast %max3A_1965 : f32 to vector<16xf32>
        %max3A_1967 = arith.maximumf %add3A_1964, %max3A_1966 : vector<16xf32>
        %mul3A_1968 = vector.broadcast %squeeze3A_1850 : f32 to vector<16xf32>
        %mul3A_1969 = arith.mulf %max3A_1967, %mul3A_1968 : vector<16xf32>
        %max3A_1970 = arith.maximumf %max3A_1842, %mul3A_1969 : vector<16xf32>
        %mul3A_1971 = arith.constant 16 : i32
        %mul3A_1972 = arith.muli %scan3A_159, %mul3A_1971 : i32
        %add3A_1973 = arith.constant 128 : i32
        %add3A_1974 = arith.addi %add3A_1973, %mul3A_1972 : i32
        %add3A_1975 = arith.constant 14 : i32
        %add3A_1976 = arith.addi %add3A_1974, %add3A_1975 : i32
        %slice3A_1977 = vector.extract_strided_slice %get3A_181 {offsets = [14], sizes = [1], strides = [1]} : vector<16xf32> to vector<1xf32>
        %squeeze3A_1978 = vector.extract %slice3A_1977[0] : f32 from vector<1xf32>
        %get3A_1979 = arith.index_cast %add3A_1976 : i32 to index
        %get3A_1980 = arith.constant 0 : index
        %get3A_1981 = tpu.vector_load %arg11[%get3A_1979, %get3A_1980] {strides = array<i32>} : memref<256x128xf32, #tpu.memory_space<vmem>>, vector<1x16xf32>,
        %get3A_1982 = vector.shape_cast %get3A_1981 : vector<1x16xf32> to vector<16xf32>
        %get3A_1983 = arith.index_cast %add3A_1976 : i32 to index
        %get3A_1984 = arith.constant 0 : index
        %get3A_1985 = tpu.vector_load %arg12[%get3A_1983, %get3A_1984] {strides = array<i32>} : memref<256x128xf32, #tpu.memory_space<vmem>>, vector<1x16xf32>,
        %get3A_1986 = vector.shape_cast %get3A_1985 : vector<1x16xf32> to vector<16xf32>
        %add3A_1987 = arith.addf %get3A_1982, %get3A_1986 : vector<16xf32>
        %max3A_1988 = arith.constant 0.000000e+00 : f32
        %max3A_1989 = vector.broadcast %max3A_1988 : f32 to vector<16xf32>
        %max3A_1990 = arith.maximumf %add3A_1987, %max3A_1989 : vector<16xf32>
        %mul3A_1991 = vector.broadcast %squeeze3A_1978 : f32 to vector<16xf32>
        %mul3A_1992 = arith.mulf %max3A_1990, %mul3A_1991 : vector<16xf32>
        %max3A_1993 = arith.maximumf %max3A_1865, %mul3A_1992 : vector<16xf32>
        %get3A_1994 = arith.index_cast %add3A_1976 : i32 to index
        %get3A_1995 = arith.constant 16 : index
        %get3A_1996 = tpu.vector_load %arg11[%get3A_1994, %get3A_1995] {strides = array<i32>} : memref<256x128xf32, #tpu.memory_space<vmem>>, vector<1x16xf32>,
        %get3A_1997 = vector.shape_cast %get3A_1996 : vector<1x16xf32> to vector<16xf32>
        %get3A_1998 = arith.index_cast %add3A_1976 : i32 to index
        %get3A_1999 = arith.constant 16 : index
        %get3A_2000 = tpu.vector_load %arg12[%get3A_1998, %get3A_1999] {strides = array<i32>} : memref<256x128xf32, #tpu.memory_space<vmem>>, vector<1x16xf32>,
        %get3A_2001 = vector.shape_cast %get3A_2000 : vector<1x16xf32> to vector<16xf32>
        %add3A_2002 = arith.addf %get3A_1997, %get3A_2001 : vector<16xf32>
        %max3A_2003 = arith.constant 0.000000e+00 : f32
        %max3A_2004 = vector.broadcast %max3A_2003 : f32 to vector<16xf32>
        %max3A_2005 = arith.maximumf %add3A_2002, %max3A_2004 : vector<16xf32>
        %mul3A_2006 = vector.broadcast %squeeze3A_1978 : f32 to vector<16xf32>
        %mul3A_2007 = arith.mulf %max3A_2005, %mul3A_2006 : vector<16xf32>
        %max3A_2008 = arith.maximumf %max3A_1880, %mul3A_2007 : vector<16xf32>
        %get3A_2009 = arith.index_cast %add3A_1976 : i32 to index
        %get3A_2010 = arith.constant 32 : index
        %get3A_2011 = tpu.vector_load %arg11[%get3A_2009, %get3A_2010] {strides = array<i32>} : memref<256x128xf32, #tpu.memory_space<vmem>>, vector<1x16xf32>,
        %get3A_2012 = vector.shape_cast %get3A_2011 : vector<1x16xf32> to vector<16xf32>
        %get3A_2013 = arith.index_cast %add3A_1976 : i32 to index
        %get3A_2014 = arith.constant 32 : index
        %get3A_2015 = tpu.vector_load %arg12[%get3A_2013, %get3A_2014] {strides = array<i32>} : memref<256x128xf32, #tpu.memory_space<vmem>>, vector<1x16xf32>,
        %get3A_2016 = vector.shape_cast %get3A_2015 : vector<1x16xf32> to vector<16xf32>
        %add3A_2017 = arith.addf %get3A_2012, %get3A_2016 : vector<16xf32>
        %max3A_2018 = arith.constant 0.000000e+00 : f32
        %max3A_2019 = vector.broadcast %max3A_2018 : f32 to vector<16xf32>
        %max3A_2020 = arith.maximumf %add3A_2017, %max3A_2019 : vector<16xf32>
        %mul3A_2021 = vector.broadcast %squeeze3A_1978 : f32 to vector<16xf32>
        %mul3A_2022 = arith.mulf %max3A_2020, %mul3A_2021 : vector<16xf32>
        %max3A_2023 = arith.maximumf %max3A_1895, %mul3A_2022 : vector<16xf32>
        %get3A_2024 = arith.index_cast %add3A_1976 : i32 to index
        %get3A_2025 = arith.constant 48 : index
        %get3A_2026 = tpu.vector_load %arg11[%get3A_2024, %get3A_2025] {strides = array<i32>} : memref<256x128xf32, #tpu.memory_space<vmem>>, vector<1x16xf32>,
        %get3A_2027 = vector.shape_cast %get3A_2026 : vector<1x16xf32> to vector<16xf32>
        %get3A_2028 = arith.index_cast %add3A_1976 : i32 to index
        %get3A_2029 = arith.constant 48 : index
        %get3A_2030 = tpu.vector_load %arg12[%get3A_2028, %get3A_2029] {strides = array<i32>} : memref<256x128xf32, #tpu.memory_space<vmem>>, vector<1x16xf32>,
        %get3A_2031 = vector.shape_cast %get3A_2030 : vector<1x16xf32> to vector<16xf32>
        %add3A_2032 = arith.addf %get3A_2027, %get3A_2031 : vector<16xf32>
        %max3A_2033 = arith.constant 0.000000e+00 : f32
        %max3A_2034 = vector.broadcast %max3A_2033 : f32 to vector<16xf32>
        %max3A_2035 = arith.maximumf %add3A_2032, %max3A_2034 : vector<16xf32>
        %mul3A_2036 = vector.broadcast %squeeze3A_1978 : f32 to vector<16xf32>
        %mul3A_2037 = arith.mulf %max3A_2035, %mul3A_2036 : vector<16xf32>
        %max3A_2038 = arith.maximumf %max3A_1910, %mul3A_2037 : vector<16xf32>
        %get3A_2039 = arith.index_cast %add3A_1976 : i32 to index
        %get3A_2040 = arith.constant 64 : index
        %get3A_2041 = tpu.vector_load %arg11[%get3A_2039, %get3A_2040] {strides = array<i32>} : memref<256x128xf32, #tpu.memory_space<vmem>>, vector<1x16xf32>,
        %get3A_2042 = vector.shape_cast %get3A_2041 : vector<1x16xf32> to vector<16xf32>
        %get3A_2043 = arith.index_cast %add3A_1976 : i32 to index
        %get3A_2044 = arith.constant 64 : index
        %get3A_2045 = tpu.vector_load %arg12[%get3A_2043, %get3A_2044] {strides = array<i32>} : memref<256x128xf32, #tpu.memory_space<vmem>>, vector<1x16xf32>,
        %get3A_2046 = vector.shape_cast %get3A_2045 : vector<1x16xf32> to vector<16xf32>
        %add3A_2047 = arith.addf %get3A_2042, %get3A_2046 : vector<16xf32>
        %max3A_2048 = arith.constant 0.000000e+00 : f32
        %max3A_2049 = vector.broadcast %max3A_2048 : f32 to vector<16xf32>
        %max3A_2050 = arith.maximumf %add3A_2047, %max3A_2049 : vector<16xf32>
        %mul3A_2051 = vector.broadcast %squeeze3A_1978 : f32 to vector<16xf32>
        %mul3A_2052 = arith.mulf %max3A_2050, %mul3A_2051 : vector<16xf32>
        %max3A_2053 = arith.maximumf %max3A_1925, %mul3A_2052 : vector<16xf32>
        %get3A_2054 = arith.index_cast %add3A_1976 : i32 to index
        %get3A_2055 = arith.constant 80 : index
        %get3A_2056 = tpu.vector_load %arg11[%get3A_2054, %get3A_2055] {strides = array<i32>} : memref<256x128xf32, #tpu.memory_space<vmem>>, vector<1x16xf32>,
        %get3A_2057 = vector.shape_cast %get3A_2056 : vector<1x16xf32> to vector<16xf32>
        %get3A_2058 = arith.index_cast %add3A_1976 : i32 to index
        %get3A_2059 = arith.constant 80 : index
        %get3A_2060 = tpu.vector_load %arg12[%get3A_2058, %get3A_2059] {strides = array<i32>} : memref<256x128xf32, #tpu.memory_space<vmem>>, vector<1x16xf32>,
        %get3A_2061 = vector.shape_cast %get3A_2060 : vector<1x16xf32> to vector<16xf32>
        %add3A_2062 = arith.addf %get3A_2057, %get3A_2061 : vector<16xf32>
        %max3A_2063 = arith.constant 0.000000e+00 : f32
        %max3A_2064 = vector.broadcast %max3A_2063 : f32 to vector<16xf32>
        %max3A_2065 = arith.maximumf %add3A_2062, %max3A_2064 : vector<16xf32>
        %mul3A_2066 = vector.broadcast %squeeze3A_1978 : f32 to vector<16xf32>
        %mul3A_2067 = arith.mulf %max3A_2065, %mul3A_2066 : vector<16xf32>
        %max3A_2068 = arith.maximumf %max3A_1940, %mul3A_2067 : vector<16xf32>
        %get3A_2069 = arith.index_cast %add3A_1976 : i32 to index
        %get3A_2070 = arith.constant 96 : index
        %get3A_2071 = tpu.vector_load %arg11[%get3A_2069, %get3A_2070] {strides = array<i32>} : memref<256x128xf32, #tpu.memory_space<vmem>>, vector<1x16xf32>,
        %get3A_2072 = vector.shape_cast %get3A_2071 : vector<1x16xf32> to vector<16xf32>
        %get3A_2073 = arith.index_cast %add3A_1976 : i32 to index
        %get3A_2074 = arith.constant 96 : index
        %get3A_2075 = tpu.vector_load %arg12[%get3A_2073, %get3A_2074] {strides = array<i32>} : memref<256x128xf32, #tpu.memory_space<vmem>>, vector<1x16xf32>,
        %get3A_2076 = vector.shape_cast %get3A_2075 : vector<1x16xf32> to vector<16xf32>
        %add3A_2077 = arith.addf %get3A_2072, %get3A_2076 : vector<16xf32>
        %max3A_2078 = arith.constant 0.000000e+00 : f32
        %max3A_2079 = vector.broadcast %max3A_2078 : f32 to vector<16xf32>
        %max3A_2080 = arith.maximumf %add3A_2077, %max3A_2079 : vector<16xf32>
        %mul3A_2081 = vector.broadcast %squeeze3A_1978 : f32 to vector<16xf32>
        %mul3A_2082 = arith.mulf %max3A_2080, %mul3A_2081 : vector<16xf32>
        %max3A_2083 = arith.maximumf %max3A_1955, %mul3A_2082 : vector<16xf32>
        %get3A_2084 = arith.index_cast %add3A_1976 : i32 to index
        %get3A_2085 = arith.constant 112 : index
        %get3A_2086 = tpu.vector_load %arg11[%get3A_2084, %get3A_2085] {strides = array<i32>} : memref<256x128xf32, #tpu.memory_space<vmem>>, vector<1x16xf32>,
        %get3A_2087 = vector.shape_cast %get3A_2086 : vector<1x16xf32> to vector<16xf32>
        %get3A_2088 = arith.index_cast %add3A_1976 : i32 to index
        %get3A_2089 = arith.constant 112 : index
        %get3A_2090 = tpu.vector_load %arg12[%get3A_2088, %get3A_2089] {strides = array<i32>} : memref<256x128xf32, #tpu.memory_space<vmem>>, vector<1x16xf32>,
        %get3A_2091 = vector.shape_cast %get3A_2090 : vector<1x16xf32> to vector<16xf32>
        %add3A_2092 = arith.addf %get3A_2087, %get3A_2091 : vector<16xf32>
        %max3A_2093 = arith.constant 0.000000e+00 : f32
        %max3A_2094 = vector.broadcast %max3A_2093 : f32 to vector<16xf32>
        %max3A_2095 = arith.maximumf %add3A_2092, %max3A_2094 : vector<16xf32>
        %mul3A_2096 = vector.broadcast %squeeze3A_1978 : f32 to vector<16xf32>
        %mul3A_2097 = arith.mulf %max3A_2095, %mul3A_2096 : vector<16xf32>
        %max3A_2098 = arith.maximumf %max3A_1970, %mul3A_2097 : vector<16xf32>
        %mul3A_2099 = arith.constant 16 : i32
        %mul3A_2100 = arith.muli %scan3A_159, %mul3A_2099 : i32
        %add3A_2101 = arith.constant 128 : i32
        %add3A_2102 = arith.addi %add3A_2101, %mul3A_2100 : i32
        %add3A_2103 = arith.constant 15 : i32
        %add3A_2104 = arith.addi %add3A_2102, %add3A_2103 : i32
        %slice3A_2105 = vector.extract_strided_slice %get3A_181 {offsets = [15], sizes = [1], strides = [1]} : vector<16xf32> to vector<1xf32>
        %squeeze3A_2106 = vector.extract %slice3A_2105[0] : f32 from vector<1xf32>
        %get3A_2107 = arith.index_cast %add3A_2104 : i32 to index
        %get3A_2108 = arith.constant 0 : index
        %get3A_2109 = tpu.vector_load %arg11[%get3A_2107, %get3A_2108] {strides = array<i32>} : memref<256x128xf32, #tpu.memory_space<vmem>>, vector<1x16xf32>,
        %get3A_2110 = vector.shape_cast %get3A_2109 : vector<1x16xf32> to vector<16xf32>
        %get3A_2111 = arith.index_cast %add3A_2104 : i32 to index
        %get3A_2112 = arith.constant 0 : index
        %get3A_2113 = tpu.vector_load %arg12[%get3A_2111, %get3A_2112] {strides = array<i32>} : memref<256x128xf32, #tpu.memory_space<vmem>>, vector<1x16xf32>,
        %get3A_2114 = vector.shape_cast %get3A_2113 : vector<1x16xf32> to vector<16xf32>
        %add3A_2115 = arith.addf %get3A_2110, %get3A_2114 : vector<16xf32>
        %max3A_2116 = arith.constant 0.000000e+00 : f32
        %max3A_2117 = vector.broadcast %max3A_2116 : f32 to vector<16xf32>
        %max3A_2118 = arith.maximumf %add3A_2115, %max3A_2117 : vector<16xf32>
        %mul3A_2119 = vector.broadcast %squeeze3A_2106 : f32 to vector<16xf32>
        %mul3A_2120 = arith.mulf %max3A_2118, %mul3A_2119 : vector<16xf32>
        %max3A_2121 = arith.maximumf %max3A_1993, %mul3A_2120 : vector<16xf32>
        %get3A_2122 = arith.index_cast %add3A_2104 : i32 to index
        %get3A_2123 = arith.constant 16 : index
        %get3A_2124 = tpu.vector_load %arg11[%get3A_2122, %get3A_2123] {strides = array<i32>} : memref<256x128xf32, #tpu.memory_space<vmem>>, vector<1x16xf32>,
        %get3A_2125 = vector.shape_cast %get3A_2124 : vector<1x16xf32> to vector<16xf32>
        %get3A_2126 = arith.index_cast %add3A_2104 : i32 to index
        %get3A_2127 = arith.constant 16 : index
        %get3A_2128 = tpu.vector_load %arg12[%get3A_2126, %get3A_2127] {strides = array<i32>} : memref<256x128xf32, #tpu.memory_space<vmem>>, vector<1x16xf32>,
        %get3A_2129 = vector.shape_cast %get3A_2128 : vector<1x16xf32> to vector<16xf32>
        %add3A_2130 = arith.addf %get3A_2125, %get3A_2129 : vector<16xf32>
        %max3A_2131 = arith.constant 0.000000e+00 : f32
        %max3A_2132 = vector.broadcast %max3A_2131 : f32 to vector<16xf32>
        %max3A_2133 = arith.maximumf %add3A_2130, %max3A_2132 : vector<16xf32>
        %mul3A_2134 = vector.broadcast %squeeze3A_2106 : f32 to vector<16xf32>
        %mul3A_2135 = arith.mulf %max3A_2133, %mul3A_2134 : vector<16xf32>
        %max3A_2136 = arith.maximumf %max3A_2008, %mul3A_2135 : vector<16xf32>
        %get3A_2137 = arith.index_cast %add3A_2104 : i32 to index
        %get3A_2138 = arith.constant 32 : index
        %get3A_2139 = tpu.vector_load %arg11[%get3A_2137, %get3A_2138] {strides = array<i32>} : memref<256x128xf32, #tpu.memory_space<vmem>>, vector<1x16xf32>,
        %get3A_2140 = vector.shape_cast %get3A_2139 : vector<1x16xf32> to vector<16xf32>
        %get3A_2141 = arith.index_cast %add3A_2104 : i32 to index
        %get3A_2142 = arith.constant 32 : index
        %get3A_2143 = tpu.vector_load %arg12[%get3A_2141, %get3A_2142] {strides = array<i32>} : memref<256x128xf32, #tpu.memory_space<vmem>>, vector<1x16xf32>,
        %get3A_2144 = vector.shape_cast %get3A_2143 : vector<1x16xf32> to vector<16xf32>
        %add3A_2145 = arith.addf %get3A_2140, %get3A_2144 : vector<16xf32>
        %max3A_2146 = arith.constant 0.000000e+00 : f32
        %max3A_2147 = vector.broadcast %max3A_2146 : f32 to vector<16xf32>
        %max3A_2148 = arith.maximumf %add3A_2145, %max3A_2147 : vector<16xf32>
        %mul3A_2149 = vector.broadcast %squeeze3A_2106 : f32 to vector<16xf32>
        %mul3A_2150 = arith.mulf %max3A_2148, %mul3A_2149 : vector<16xf32>
        %max3A_2151 = arith.maximumf %max3A_2023, %mul3A_2150 : vector<16xf32>
        %get3A_2152 = arith.index_cast %add3A_2104 : i32 to index
        %get3A_2153 = arith.constant 48 : index
        %get3A_2154 = tpu.vector_load %arg11[%get3A_2152, %get3A_2153] {strides = array<i32>} : memref<256x128xf32, #tpu.memory_space<vmem>>, vector<1x16xf32>,
        %get3A_2155 = vector.shape_cast %get3A_2154 : vector<1x16xf32> to vector<16xf32>
        %get3A_2156 = arith.index_cast %add3A_2104 : i32 to index
        %get3A_2157 = arith.constant 48 : index
        %get3A_2158 = tpu.vector_load %arg12[%get3A_2156, %get3A_2157] {strides = array<i32>} : memref<256x128xf32, #tpu.memory_space<vmem>>, vector<1x16xf32>,
        %get3A_2159 = vector.shape_cast %get3A_2158 : vector<1x16xf32> to vector<16xf32>
        %add3A_2160 = arith.addf %get3A_2155, %get3A_2159 : vector<16xf32>
        %max3A_2161 = arith.constant 0.000000e+00 : f32
        %max3A_2162 = vector.broadcast %max3A_2161 : f32 to vector<16xf32>
        %max3A_2163 = arith.maximumf %add3A_2160, %max3A_2162 : vector<16xf32>
        %mul3A_2164 = vector.broadcast %squeeze3A_2106 : f32 to vector<16xf32>
        %mul3A_2165 = arith.mulf %max3A_2163, %mul3A_2164 : vector<16xf32>
        %max3A_2166 = arith.maximumf %max3A_2038, %mul3A_2165 : vector<16xf32>
        %get3A_2167 = arith.index_cast %add3A_2104 : i32 to index
        %get3A_2168 = arith.constant 64 : index
        %get3A_2169 = tpu.vector_load %arg11[%get3A_2167, %get3A_2168] {strides = array<i32>} : memref<256x128xf32, #tpu.memory_space<vmem>>, vector<1x16xf32>,
        %get3A_2170 = vector.shape_cast %get3A_2169 : vector<1x16xf32> to vector<16xf32>
        %get3A_2171 = arith.index_cast %add3A_2104 : i32 to index
        %get3A_2172 = arith.constant 64 : index
        %get3A_2173 = tpu.vector_load %arg12[%get3A_2171, %get3A_2172] {strides = array<i32>} : memref<256x128xf32, #tpu.memory_space<vmem>>, vector<1x16xf32>,
        %get3A_2174 = vector.shape_cast %get3A_2173 : vector<1x16xf32> to vector<16xf32>
        %add3A_2175 = arith.addf %get3A_2170, %get3A_2174 : vector<16xf32>
        %max3A_2176 = arith.constant 0.000000e+00 : f32
        %max3A_2177 = vector.broadcast %max3A_2176 : f32 to vector<16xf32>
        %max3A_2178 = arith.maximumf %add3A_2175, %max3A_2177 : vector<16xf32>
        %mul3A_2179 = vector.broadcast %squeeze3A_2106 : f32 to vector<16xf32>
        %mul3A_2180 = arith.mulf %max3A_2178, %mul3A_2179 : vector<16xf32>
        %max3A_2181 = arith.maximumf %max3A_2053, %mul3A_2180 : vector<16xf32>
        %get3A_2182 = arith.index_cast %add3A_2104 : i32 to index
        %get3A_2183 = arith.constant 80 : index
        %get3A_2184 = tpu.vector_load %arg11[%get3A_2182, %get3A_2183] {strides = array<i32>} : memref<256x128xf32, #tpu.memory_space<vmem>>, vector<1x16xf32>,
        %get3A_2185 = vector.shape_cast %get3A_2184 : vector<1x16xf32> to vector<16xf32>
        %get3A_2186 = arith.index_cast %add3A_2104 : i32 to index
        %get3A_2187 = arith.constant 80 : index
        %get3A_2188 = tpu.vector_load %arg12[%get3A_2186, %get3A_2187] {strides = array<i32>} : memref<256x128xf32, #tpu.memory_space<vmem>>, vector<1x16xf32>,
        %get3A_2189 = vector.shape_cast %get3A_2188 : vector<1x16xf32> to vector<16xf32>
        %add3A_2190 = arith.addf %get3A_2185, %get3A_2189 : vector<16xf32>
        %max3A_2191 = arith.constant 0.000000e+00 : f32
        %max3A_2192 = vector.broadcast %max3A_2191 : f32 to vector<16xf32>
        %max3A_2193 = arith.maximumf %add3A_2190, %max3A_2192 : vector<16xf32>
        %mul3A_2194 = vector.broadcast %squeeze3A_2106 : f32 to vector<16xf32>
        %mul3A_2195 = arith.mulf %max3A_2193, %mul3A_2194 : vector<16xf32>
        %max3A_2196 = arith.maximumf %max3A_2068, %mul3A_2195 : vector<16xf32>
        %get3A_2197 = arith.index_cast %add3A_2104 : i32 to index
        %get3A_2198 = arith.constant 96 : index
        %get3A_2199 = tpu.vector_load %arg11[%get3A_2197, %get3A_2198] {strides = array<i32>} : memref<256x128xf32, #tpu.memory_space<vmem>>, vector<1x16xf32>,
        %get3A_2200 = vector.shape_cast %get3A_2199 : vector<1x16xf32> to vector<16xf32>
        %get3A_2201 = arith.index_cast %add3A_2104 : i32 to index
        %get3A_2202 = arith.constant 96 : index
        %get3A_2203 = tpu.vector_load %arg12[%get3A_2201, %get3A_2202] {strides = array<i32>} : memref<256x128xf32, #tpu.memory_space<vmem>>, vector<1x16xf32>,
        %get3A_2204 = vector.shape_cast %get3A_2203 : vector<1x16xf32> to vector<16xf32>
        %add3A_2205 = arith.addf %get3A_2200, %get3A_2204 : vector<16xf32>
        %max3A_2206 = arith.constant 0.000000e+00 : f32
        %max3A_2207 = vector.broadcast %max3A_2206 : f32 to vector<16xf32>
        %max3A_2208 = arith.maximumf %add3A_2205, %max3A_2207 : vector<16xf32>
        %mul3A_2209 = vector.broadcast %squeeze3A_2106 : f32 to vector<16xf32>
        %mul3A_2210 = arith.mulf %max3A_2208, %mul3A_2209 : vector<16xf32>
        %max3A_2211 = arith.maximumf %max3A_2083, %mul3A_2210 : vector<16xf32>
        %get3A_2212 = arith.index_cast %add3A_2104 : i32 to index
        %get3A_2213 = arith.constant 112 : index
        %get3A_2214 = tpu.vector_load %arg11[%get3A_2212, %get3A_2213] {strides = array<i32>} : memref<256x128xf32, #tpu.memory_space<vmem>>, vector<1x16xf32>,
        %get3A_2215 = vector.shape_cast %get3A_2214 : vector<1x16xf32> to vector<16xf32>
        %get3A_2216 = arith.index_cast %add3A_2104 : i32 to index
        %get3A_2217 = arith.constant 112 : index
        %get3A_2218 = tpu.vector_load %arg12[%get3A_2216, %get3A_2217] {strides = array<i32>} : memref<256x128xf32, #tpu.memory_space<vmem>>, vector<1x16xf32>,
        %get3A_2219 = vector.shape_cast %get3A_2218 : vector<1x16xf32> to vector<16xf32>
        %add3A_2220 = arith.addf %get3A_2215, %get3A_2219 : vector<16xf32>
        %max3A_2221 = arith.constant 0.000000e+00 : f32
        %max3A_2222 = vector.broadcast %max3A_2221 : f32 to vector<16xf32>
        %max3A_2223 = arith.maximumf %add3A_2220, %max3A_2222 : vector<16xf32>
        %mul3A_2224 = vector.broadcast %squeeze3A_2106 : f32 to vector<16xf32>
        %mul3A_2225 = arith.mulf %max3A_2223, %mul3A_2224 : vector<16xf32>
        %max3A_2226 = arith.maximumf %max3A_2098, %mul3A_2225 : vector<16xf32>
        %mul3A_2227 = arith.constant 8 : i32
        %mul3A_2228 = arith.muli %add3A_101, %mul3A_2227 : i32
        %add3A_2229 = arith.addi %mul3A_2228, %scan3A_159 : i32
        %swap3A = arith.index_cast %add3A_2229 : i32 to index
        %swap3A_2230 = arith.constant 0 : index
        %swap3A_2231 = tpu.vector_load %arg13[%swap3A, %swap3A_2230] {strides = array<i32>} : memref<320x128xf32, #tpu.memory_space<vmem>>, vector<1x16xf32>,
        %swap3A_2232 = vector.shape_cast %swap3A_2231 : vector<1x16xf32> to vector<16xf32>
        %swap3A_2233 = vector.shape_cast %max3A_2121 : vector<16xf32> to vector<1x16xf32>
        tpu.vector_store %arg13[%swap3A, %swap3A_2230], %swap3A_2233 {strides = array<i32>} : memref<320x128xf32, #tpu.memory_space<vmem>>, vector<1x16xf32>,
        %mul3A_2234 = arith.constant 8 : i32
        %mul3A_2235 = arith.muli %add3A_101, %mul3A_2234 : i32
        %add3A_2236 = arith.addi %mul3A_2235, %scan3A_159 : i32
        %swap3A_2237 = arith.index_cast %add3A_2236 : i32 to index
        %swap3A_2238 = arith.constant 16 : index
        %swap3A_2239 = tpu.vector_load %arg13[%swap3A_2237, %swap3A_2238] {strides = array<i32>} : memref<320x128xf32, #tpu.memory_space<vmem>>, vector<1x16xf32>,
        %swap3A_2240 = vector.shape_cast %swap3A_2239 : vector<1x16xf32> to vector<16xf32>
        %swap3A_2241 = vector.shape_cast %max3A_2136 : vector<16xf32> to vector<1x16xf32>
        tpu.vector_store %arg13[%swap3A_2237, %swap3A_2238], %swap3A_2241 {strides = array<i32>} : memref<320x128xf32, #tpu.memory_space<vmem>>, vector<1x16xf32>,
        %mul3A_2242 = arith.constant 8 : i32
        %mul3A_2243 = arith.muli %add3A_101, %mul3A_2242 : i32
        %add3A_2244 = arith.addi %mul3A_2243, %scan3A_159 : i32
        %swap3A_2245 = arith.index_cast %add3A_2244 : i32 to index
        %swap3A_2246 = arith.constant 32 : index
        %swap3A_2247 = tpu.vector_load %arg13[%swap3A_2245, %swap3A_2246] {strides = array<i32>} : memref<320x128xf32, #tpu.memory_space<vmem>>, vector<1x16xf32>,
        %swap3A_2248 = vector.shape_cast %swap3A_2247 : vector<1x16xf32> to vector<16xf32>
        %swap3A_2249 = vector.shape_cast %max3A_2151 : vector<16xf32> to vector<1x16xf32>
        tpu.vector_store %arg13[%swap3A_2245, %swap3A_2246], %swap3A_2249 {strides = array<i32>} : memref<320x128xf32, #tpu.memory_space<vmem>>, vector<1x16xf32>,
        %mul3A_2250 = arith.constant 8 : i32
        %mul3A_2251 = arith.muli %add3A_101, %mul3A_2250 : i32
        %add3A_2252 = arith.addi %mul3A_2251, %scan3A_159 : i32
        %swap3A_2253 = arith.index_cast %add3A_2252 : i32 to index
        %swap3A_2254 = arith.constant 48 : index
        %swap3A_2255 = tpu.vector_load %arg13[%swap3A_2253, %swap3A_2254] {strides = array<i32>} : memref<320x128xf32, #tpu.memory_space<vmem>>, vector<1x16xf32>,
        %swap3A_2256 = vector.shape_cast %swap3A_2255 : vector<1x16xf32> to vector<16xf32>
        %swap3A_2257 = vector.shape_cast %max3A_2166 : vector<16xf32> to vector<1x16xf32>
        tpu.vector_store %arg13[%swap3A_2253, %swap3A_2254], %swap3A_2257 {strides = array<i32>} : memref<320x128xf32, #tpu.memory_space<vmem>>, vector<1x16xf32>,
        %mul3A_2258 = arith.constant 8 : i32
        %mul3A_2259 = arith.muli %add3A_101, %mul3A_2258 : i32
        %add3A_2260 = arith.addi %mul3A_2259, %scan3A_159 : i32
        %swap3A_2261 = arith.index_cast %add3A_2260 : i32 to index
        %swap3A_2262 = arith.constant 64 : index
        %swap3A_2263 = tpu.vector_load %arg13[%swap3A_2261, %swap3A_2262] {strides = array<i32>} : memref<320x128xf32, #tpu.memory_space<vmem>>, vector<1x16xf32>,
        %swap3A_2264 = vector.shape_cast %swap3A_2263 : vector<1x16xf32> to vector<16xf32>
        %swap3A_2265 = vector.shape_cast %max3A_2181 : vector<16xf32> to vector<1x16xf32>
        tpu.vector_store %arg13[%swap3A_2261, %swap3A_2262], %swap3A_2265 {strides = array<i32>} : memref<320x128xf32, #tpu.memory_space<vmem>>, vector<1x16xf32>,
        %mul3A_2266 = arith.constant 8 : i32
        %mul3A_2267 = arith.muli %add3A_101, %mul3A_2266 : i32
        %add3A_2268 = arith.addi %mul3A_2267, %scan3A_159 : i32
        %swap3A_2269 = arith.index_cast %add3A_2268 : i32 to index
        %swap3A_2270 = arith.constant 80 : index
        %swap3A_2271 = tpu.vector_load %arg13[%swap3A_2269, %swap3A_2270] {strides = array<i32>} : memref<320x128xf32, #tpu.memory_space<vmem>>, vector<1x16xf32>,
        %swap3A_2272 = vector.shape_cast %swap3A_2271 : vector<1x16xf32> to vector<16xf32>
        %swap3A_2273 = vector.shape_cast %max3A_2196 : vector<16xf32> to vector<1x16xf32>
        tpu.vector_store %arg13[%swap3A_2269, %swap3A_2270], %swap3A_2273 {strides = array<i32>} : memref<320x128xf32, #tpu.memory_space<vmem>>, vector<1x16xf32>,
        %mul3A_2274 = arith.constant 8 : i32
        %mul3A_2275 = arith.muli %add3A_101, %mul3A_2274 : i32
        %add3A_2276 = arith.addi %mul3A_2275, %scan3A_159 : i32
        %swap3A_2277 = arith.index_cast %add3A_2276 : i32 to index
        %swap3A_2278 = arith.constant 96 : index
        %swap3A_2279 = tpu.vector_load %arg13[%swap3A_2277, %swap3A_2278] {strides = array<i32>} : memref<320x128xf32, #tpu.memory_space<vmem>>, vector<1x16xf32>,
        %swap3A_2280 = vector.shape_cast %swap3A_2279 : vector<1x16xf32> to vector<16xf32>
        %swap3A_2281 = vector.shape_cast %max3A_2211 : vector<16xf32> to vector<1x16xf32>
        tpu.vector_store %arg13[%swap3A_2277, %swap3A_2278], %swap3A_2281 {strides = array<i32>} : memref<320x128xf32, #tpu.memory_space<vmem>>, vector<1x16xf32>,
        %mul3A_2282 = arith.constant 8 : i32
        %mul3A_2283 = arith.muli %add3A_101, %mul3A_2282 : i32
        %add3A_2284 = arith.addi %mul3A_2283, %scan3A_159 : i32
        %swap3A_2285 = arith.index_cast %add3A_2284 : i32 to index
        %swap3A_2286 = arith.constant 112 : index
        %swap3A_2287 = tpu.vector_load %arg13[%swap3A_2285, %swap3A_2286] {strides = array<i32>} : memref<320x128xf32, #tpu.memory_space<vmem>>, vector<1x16xf32>,
        %swap3A_2288 = vector.shape_cast %swap3A_2287 : vector<1x16xf32> to vector<16xf32>
        %swap3A_2289 = vector.shape_cast %max3A_2226 : vector<16xf32> to vector<1x16xf32>
        tpu.vector_store %arg13[%swap3A_2285, %swap3A_2286], %swap3A_2289 {strides = array<i32>} : memref<320x128xf32, #tpu.memory_space<vmem>>, vector<1x16xf32>,
      }
      %scan3A_158 = arith.constant 8 : i32
    }
    %scan3A_39 = arith.constant 20 : i32
    "tpu.region"() ({
      %run_scoped3A = tpu.sem_alloc : memref<!tpu.dma_semaphore, #tpu.memory_space<semaphore_mem>>
      %dma_start3A_40 = arith.constant 0 : i32
      %dma_start3A_41 = tpu.memref_slice %arg7[%mul3A_4, %dma_start3A_40] : memref<10240x128xf32, #tpu.memory_space<hbm>> -> memref<320x128xf32, #tpu.memory_space<hbm>>
      %dma_start3A_42 = arith.constant 0 : i32
      %dma_start3A_43 = tpu.memref_slice %arg7[%mul3A_4, %dma_start3A_42] : memref<10240x128xf32, #tpu.memory_space<hbm>> -> memref<320x128xf32, #tpu.memory_space<hbm>>
      tpu.enqueue_dma source(%arg13 : memref<320x128xf32, #tpu.memory_space<vmem>>) target(%dma_start3A_43 : memref<320x128xf32, #tpu.memory_space<hbm>>) target_semaphore(%run_scoped3A : memref<!tpu.dma_semaphore, #tpu.memory_space<semaphore_mem>>)
      %dma_wait3A = arith.constant 0 : i32
      %dma_wait3A_44 = tpu.memref_slice %arg7[%mul3A_4, %dma_wait3A] : memref<10240x128xf32, #tpu.memory_space<hbm>> -> memref<320x128xf32, #tpu.memory_space<hbm>>
      %dma_wait3A_45 = arith.constant 0 : i32
      %dma_wait3A_46 = tpu.memref_slice %arg7[%mul3A_4, %dma_wait3A_45] : memref<10240x128xf32, #tpu.memory_space<hbm>> -> memref<320x128xf32, #tpu.memory_space<hbm>>
      tpu.wait_dma2 semaphore(%run_scoped3A : memref<!tpu.dma_semaphore, #tpu.memory_space<semaphore_mem>>) src(%arg13 : memref<320x128xf32, #tpu.memory_space<vmem>>) dst(%dma_wait3A_46 : memref<320x128xf32, #tpu.memory_space<hbm>>)
      tpu.yield
    }) : () -> ()
    return
  }
}

module attributes {stable_mosaic.version = 14 : i64} {
  func.func @_tc_body(%arg0: i32, %arg1: memref<128x512xf32, #tpu.memory_space<vmem>>, %arg2: memref<512x16xf32, #tpu.memory_space<vmem>>, %arg3: memref<128x128xf32, #tpu.memory_space<vmem>>, %arg4: memref<128x128xf32, #tpu.memory_space<vmem>>, %arg5: memref<1x128xf32, #tpu.memory_space<vmem>>, %arg6: memref<1x16xf32, #tpu.memory_space<vmem>>, %arg7: memref<1x1xf32, #tpu.memory_space<vmem>>, %arg8: memref<512x128xf32, #tpu.memory_space<vmem>>, %arg9: memref<512x128xf32, #tpu.memory_space<vmem>>, %arg10: memref<512x16xf32, #tpu.memory_space<vmem>>) attributes {dimension_semantics = [#tpu.dimension_semantics<arbitrary>], iteration_bounds = array<i64: 20>, scalar_prefetch = 0 : i64, scratch_operands = 0 : i64, tpu.core_type = #tpu.core_type<tc>, window_params = [{transform_indices = @transform_0, window_bounds = array<i64: 128, 512>}, {transform_indices = @transform_1, window_bounds = array<i64: 512, 16>}, {pipeline_mode = #tpu.pipeline_mode<synchronous>, transform_indices = @transform_2, window_bounds = array<i64: 128, 128>}, {pipeline_mode = #tpu.pipeline_mode<synchronous>, transform_indices = @transform_3, window_bounds = array<i64: 128, 128>}, {pipeline_mode = #tpu.pipeline_mode<synchronous>, transform_indices = @transform_4, window_bounds = array<i64: 1, 128>}, {pipeline_mode = #tpu.pipeline_mode<synchronous>, transform_indices = @transform_5, window_bounds = array<i64: 1, 16>}, {pipeline_mode = #tpu.pipeline_mode<synchronous>, transform_indices = @transform_6, window_bounds = array<i64: 1, 1>}, {transform_indices = @transform_7, window_bounds = array<i64: 512, 128>}, {transform_indices = @transform_8, window_bounds = array<i64: 512, 128>}, {transform_indices = @transform_9, window_bounds = array<i64: 512, 16>}]} {
    %get3A = arith.constant 0 : index
    %get3A_0 = arith.constant 0 : index
    %get3A_1 = vector.load %arg1[%get3A, %get3A_0] : memref<128x512xf32, #tpu.memory_space<vmem>>, vector<128x512xf32>
    %get3A_2 = arith.constant 0 : index
    %get3A_3 = arith.constant 0 : index
    %get3A_4 = vector.load %arg3[%get3A_2, %get3A_3] : memref<128x128xf32, #tpu.memory_space<vmem>>, vector<128x128xf32>
    %get3A_5 = arith.constant 0 : index
    %get3A_6 = arith.constant 0 : index
    %get3A_7 = vector.load %arg4[%get3A_5, %get3A_6] : memref<128x128xf32, #tpu.memory_space<vmem>>, vector<128x128xf32>
    %dot_general3A = arith.constant dense<0.000000e+00> : vector<512x128xf32>
    %dot_general3A_8 = tpu.matmul %get3A_1, %get3A_4, %dot_general3A {dimension_numbers = #tpu.dot_dimension_numbers<[0], [1], [1], [0], [0, 1, 1, 0], [], []>, transpose_lhs_hint = false} : vector<128x512xf32>, vector<128x128xf32>, vector<512x128xf32> -> vector<512x128xf32>
    %get3A_9 = arith.constant 0 : index
    %get3A_10 = arith.constant 0 : index
    %get3A_11 = vector.load %arg5[%get3A_9, %get3A_10] : memref<1x128xf32, #tpu.memory_space<vmem>>, vector<1x128xf32>
    %add3A = vector.broadcast %get3A_11 : vector<1x128xf32> to vector<512x128xf32>
    %add3A_12 = arith.addf %dot_general3A_8, %add3A : vector<512x128xf32>
    %swap3A = arith.constant 0 : index
    %swap3A_13 = arith.constant 0 : index
    %swap3A_14 = vector.load %arg8[%swap3A, %swap3A_13] : memref<512x128xf32, #tpu.memory_space<vmem>>, vector<512x128xf32>
    tpu.vector_store %arg8[%swap3A, %swap3A_13], %add3A_12 {strides = array<i32>} : memref<512x128xf32, #tpu.memory_space<vmem>>, vector<512x128xf32>,
    %dot_general3A_15 = arith.constant dense<0.000000e+00> : vector<512x128xf32>
    %dot_general3A_16 = tpu.matmul %get3A_1, %get3A_7, %dot_general3A_15 {dimension_numbers = #tpu.dot_dimension_numbers<[0], [1], [1], [0], [0, 1, 1, 0], [], []>, transpose_lhs_hint = false} : vector<128x512xf32>, vector<128x128xf32>, vector<512x128xf32> -> vector<512x128xf32>
    %swap3A_17 = arith.constant 0 : index
    %swap3A_18 = arith.constant 0 : index
    %swap3A_19 = vector.load %arg9[%swap3A_17, %swap3A_18] : memref<512x128xf32, #tpu.memory_space<vmem>>, vector<512x128xf32>
    tpu.vector_store %arg9[%swap3A_17, %swap3A_18], %dot_general3A_16 {strides = array<i32>} : memref<512x128xf32, #tpu.memory_space<vmem>>, vector<512x128xf32>,
    %get3A_20 = arith.constant 0 : index
    %get3A_21 = arith.constant 0 : index
    %get3A_22 = vector.load %arg2[%get3A_20, %get3A_21] : memref<512x16xf32, #tpu.memory_space<vmem>>, vector<512x16xf32>
    %get3A_23 = arith.constant 0 : index
    %get3A_24 = arith.constant 0 : index
    %get3A_25 = vector.load %arg6[%get3A_23, %get3A_24] : memref<1x16xf32, #tpu.memory_space<vmem>>, vector<1x16xf32>
    %mul3A = vector.broadcast %get3A_25 : vector<1x16xf32> to vector<512x16xf32>
    %mul3A_26 = arith.mulf %get3A_22, %mul3A : vector<512x16xf32>
    %reduce_sum3A = arith.constant dense<0.000000e+00> : vector<512xf32>
    %reduce_sum3A_27 = vector.multi_reduction <add>, %mul3A_26, %reduce_sum3A [1] : vector<512x16xf32> to vector<512xf32>
    %broadcast_in_dim3A = vector.shape_cast %reduce_sum3A_27 : vector<512xf32> to vector<512x1xf32>
    %get3A_28 = arith.constant 0 : index
    %get3A_29 = arith.constant 0 : index
    %get3A_30 = vector.load %arg7[%get3A_28, %get3A_29] : memref<1x1xf32, #tpu.memory_space<vmem>>, vector<1x1xf32>
    %get3A_31 = vector.extract %get3A_30[0, 0] : f32 from vector<1x1xf32>
    %add3A_32 = vector.broadcast %get3A_31 : f32 to vector<512x1xf32>
    %add3A_33 = arith.addf %broadcast_in_dim3A, %add3A_32 : vector<512x1xf32>
    %tanh3A = math.tanh %add3A_33 : vector<512x1xf32>
    %add3A_34 = arith.constant 1.000000e+00 : f32
    %add3A_35 = vector.broadcast %add3A_34 : f32 to vector<512x1xf32>
    %add3A_36 = arith.addf %tanh3A, %add3A_35 : vector<512x1xf32>
    %neg3A = arith.constant 0.000000e+00 : f32
    %neg3A_37 = vector.broadcast %neg3A : f32 to vector<512x16xf32>
    %neg3A_38 = arith.subf %neg3A_37, %get3A_22 : vector<512x16xf32>
    %mul3A_39 = vector.broadcast %add3A_36 : vector<512x1xf32> to vector<512x16xf32>
    %mul3A_40 = arith.mulf %neg3A_38, %mul3A_39 : vector<512x16xf32>
    %logistic3A = arith.negf %mul3A_40 : vector<512x16xf32>
    %logistic3A_41 = math.exp %logistic3A : vector<512x16xf32>
    %logistic3A_42 = arith.constant 1.000000e+00 : f32
    %logistic3A_43 = vector.broadcast %logistic3A_42 : f32 to vector<512x16xf32>
    %logistic3A_44 = arith.addf %logistic3A_43, %logistic3A_41 : vector<512x16xf32>
    %logistic3A_45 = arith.divf %logistic3A_43, %logistic3A_44 : vector<512x16xf32>
    %mul3A_46 = arith.constant 2.000000e+00 : f32
    %mul3A_47 = vector.broadcast %mul3A_46 : f32 to vector<512x16xf32>
    %mul3A_48 = arith.mulf %mul3A_47, %logistic3A_45 : vector<512x16xf32>
    %swap3A_49 = arith.constant 0 : index
    %swap3A_50 = arith.constant 0 : index
    %swap3A_51 = vector.load %arg10[%swap3A_49, %swap3A_50] : memref<512x16xf32, #tpu.memory_space<vmem>>, vector<512x16xf32>
    tpu.vector_store %arg10[%swap3A_49, %swap3A_50], %mul3A_48 {strides = array<i32>} : memref<512x16xf32, #tpu.memory_space<vmem>>, vector<512x16xf32>,
    return
  }
  func.func @transform_0(%arg0: i32) -> (i32, i32) {
    %c0_i32 = arith.constant 0 : i32
    %c0_i32_0 = arith.constant 0 : i32
    return %c0_i32, %arg0 : i32, i32
  }
  func.func @transform_1(%arg0: i32) -> (i32, i32) {
    %c0_i32 = arith.constant 0 : i32
    %c0_i32_0 = arith.constant 0 : i32
    return %arg0, %c0_i32 : i32, i32
  }
  func.func @transform_2(%arg0: i32) -> (i32, i32) {
    %c0_i32 = arith.constant 0 : i32
    %c0_i32_0 = arith.constant 0 : i32
    %c0_i32_1 = arith.constant 0 : i32
    return %c0_i32, %c0_i32_0 : i32, i32
  }
  func.func @transform_3(%arg0: i32) -> (i32, i32) {
    %c0_i32 = arith.constant 0 : i32
    %c0_i32_0 = arith.constant 0 : i32
    %c0_i32_1 = arith.constant 0 : i32
    return %c0_i32, %c0_i32_0 : i32, i32
  }
  func.func @transform_4(%arg0: i32) -> (i32, i32) {
    %c0_i32 = arith.constant 0 : i32
    %c0_i32_0 = arith.constant 0 : i32
    %c0_i32_1 = arith.constant 0 : i32
    return %c0_i32, %c0_i32_0 : i32, i32
  }
  func.func @transform_5(%arg0: i32) -> (i32, i32) {
    %c0_i32 = arith.constant 0 : i32
    %c0_i32_0 = arith.constant 0 : i32
    %c0_i32_1 = arith.constant 0 : i32
    return %c0_i32, %c0_i32_0 : i32, i32
  }
  func.func @transform_6(%arg0: i32) -> (i32, i32) {
    %c0_i32 = arith.constant 0 : i32
    %c0_i32_0 = arith.constant 0 : i32
    %c0_i32_1 = arith.constant 0 : i32
    return %c0_i32, %c0_i32_0 : i32, i32
  }
  func.func @transform_7(%arg0: i32) -> (i32, i32) {
    %c0_i32 = arith.constant 0 : i32
    %c0_i32_0 = arith.constant 0 : i32
    return %arg0, %c0_i32 : i32, i32
  }
  func.func @transform_8(%arg0: i32) -> (i32, i32) {
    %c0_i32 = arith.constant 0 : i32
    %c0_i32_0 = arith.constant 0 : i32
    return %arg0, %c0_i32 : i32, i32
  }
  func.func @transform_9(%arg0: i32) -> (i32, i32) {
    %c0_i32 = arith.constant 0 : i32
    %c0_i32_0 = arith.constant 0 : i32
    return %arg0, %c0_i32 : i32, i32
  }
}

</mosaic_0001>

<sc_bundles>
// kernel: kernel.4.cloned.1.call-start
scs
__scs_entry_jumppad:
0x0: {  	(pc) =	sbr.rel $0x88, $3  }
0x1: {  	(tag) =	ssettag $0x0;
	lr =	simm.s32 $0x1  }
0x2: {  	[smem:$0x3F9A] =	sst lr;
	_ =	strace $0xD0000000  }
0x3: {  	_ = 	snop  }
0x4: {  	_ = 	snop  }
0x5: {  	_ = 	snop  }
0x6: {  	_ = 	snop  }
0x7: {  	_ = 	snop  }
__scs_overlays_trampoline_lowered:
0x8: {  	[smem:$0x3FA9] =	sst s0  }
0x9: {  	[smem:$0x3FAA] =	sst s1  }
0xa: {  	[smem:$0x3FAB] =	sst s2  }
0xb: {  	[smem:$0x3FAC] =	sst s3  }
0xc: {  	[smem:$0x3FAD] =	sst s4  }
0xd: {  	[smem:$0x3FAE] =	sst s5  }
0xe: {  	[smem:$0x3FAF] =	sst s6  }
0xf: {  	[smem:$0x3FB0] =	sst s7  }
0x10: {  	[smem:$0x3FB1] =	sst s8  }
0x11: {  	[smem:$0x3FB2] =	sst s9;
	s0 =	simm.s32 @!p0 $0x0  }
0x12: {  	s1 =	sld [smem:$0x3F98];
	s0 =	simm.s32 @p0 $0x1  }
0x13: {  	[smem:$0x3FB3] =	sst s0;
	s0 =	simm.s32 @!p1 $0x0  }
0x14: {  	s2 =	sld [smem:$0x3F97];
	s0 =	simm.s32 @p1 $0x1  }
0x15: {  	[smem:$0x3FB4] =	sst s0;
	s0 =	simm.s32 @!p2 $0x0  }
0x16: {  	s3 =	sld [smem:$0x3FDB];
	s0 =	simm.s32 @p2 $0x1  }
0x17: {  	s4 =	simm.s32 $0x1BF5;
	[smem:$0x3FB6] =	sst s0  }
0x18: {  	s0 =	sld [smem:$0x3F99];
	_ =	swait.ge [sflag:s4], $0x0  }
0x19: {  	s7 =	sld [smem:$0x3F9A]  }
0x1a: {  	s8 =	sadd.s32 $0xFFFFE003, lr  }
0x1b: {  	s9 =	sadd.s32 $0xFFFFFEF7, lr;
	s5 =	simm.s32 $0xFFFFFFFF;
	p2 =	slt.u32 s8, $0xFFFFF086  }
0x1c: {  	p1 =	slt.u32 s9, $0xF7A;
	s5 =	simm.s32 @!p2 $0x0  }
0x1d: {  	s5 =	simm.s32 @p1 $0x1;
	p0 =	seq.s32 s7, s2  }
0x1e: {  	s7 =	smul.u32 @!p0 $0xF7A, s2;
	p2 =	seq.s32 @!p0 s5, $0x0  }
0x1f: {  	s9 =	smul.u32 $0xF7A, s1;
	s8 =	simm.s32 @!p0 $0x1BF5;
	p2 =	por !p2, p0  }
0x20: {  	[sflag:s8] =	ssyncset.s32 @!p0 $0xFFFFF086;
	s6 =	sadd.s32 @!p0 s3, s7;
	s7 =	simm.s32 @!p0 $0x108  }
0x21: {  	s3 =	sadd.s32 s3, s9;
	s6 =	sadd.s32 @!p0 $0x88, s6;
	s7 =	simm.s32 @p2 $0x1082  }
0x22: {  	[simem:s7], [sflag:s8] =	dma.local @!p0 [hbm:s6], $0xF7A  }
0x23: {  	s9 =	sor.u32 $0xD0000000, s2;
	s6 =	simm.s32 $0x108;
	_ =	swait.ge @!p0 [sflag:s8], $0x0  }
0x24: {  	s3 =	sadd.s32 $0x88, s3;
	s6 =	simm.s32 @!p1 $0x1082;
	[sflag:s4] =	ssyncset.s32 $0xFFFFF086  }
0x25: {  	[simem:s6], [sflag:s4] =	dma.local [hbm:s3], $0xF7A  }
0x26: {  	[smem:$0x3F9A] =	sst s1;
	(tag) =	ssettag s2;
	_ =	strace s9  }
0x27: {  	s1 =	sld [smem:$0x3FAA]  }
0x28: {  	s2 =	sld [smem:$0x3FAB]  }
0x29: {  	s4 =	sld [smem:$0x3FAD]  }
0x2a: {  	p0 =	seq.s32 s5, $0x0;
	s5 =	sld [smem:$0x3FAE]  }
0x2b: {  	s6 =	sld [smem:$0x3FAF]  }
0x2c: {  	s7 =	sld [smem:$0x3FB0]  }
0x2d: {  	s3 =	simm.s32 $0x108;
	s8 =	sld [smem:$0x3FB1]  }
0x2e: {  	s3 =	simm.s32 @!p0 $0x1082;
	s9 =	sld [smem:$0x3FB2]  }
0x2f: {  	lr =	sadd.s32 s0, s3;
	s0 =	sld [smem:$0x3FA9]  }
0x30: {  	s3 =	sld [smem:$0x3FAC]  }
0x31: {  	[smem:$0x3FB5] =	sst s10  }
0x32: {  	s10 =	sld [smem:$0x3FB3];
	_ =	sdelay $0x3  }
0x33: {  	p0 =	seq.s32 s10, $0x1;
	s10 =	sld [smem:$0x3FB5];
	_ =	sdelay $0x3  }
0x34: {  	[smem:$0x3FB5] =	sst s10  }
0x35: {  	s10 =	sld [smem:$0x3FB4];
	_ =	sdelay $0x3  }
0x36: {  	p1 =	seq.s32 s10, $0x1;
	s10 =	sld [smem:$0x3FB5];
	_ =	sdelay $0x3  }
0x37: {  	[smem:$0x3FB5] =	sst s10  }
0x38: {  	s10 =	sld [smem:$0x3FB6]  }
0x39: {  	_ = 	snop;
	(pc) =	sbr.ind lr, $3  }
0x3a: {  	_ = 	snop  }
0x3b: {  	_ = 	snop  }
0x3c: {  	p2 =	seq.s32 s10, $0x1;
	s10 =	sld [smem:$0x3FB5]  }
0x3d: {  	_ =	shalt  }
0x3e: {  	_ =	shalt  }
0x3f: {  	_ =	shalt  }
0x40: {  	_ =	shalt  }
0x41: {  	_ =	shalt  }
0x42: {  	_ =	shalt  }
0x43: {  	_ =	shalt  }
0x44: {  	_ =	shalt  }
0x45: {  	_ =	shalt  }
0x46: {  	_ =	shalt  }
0x47: {  	_ =	shalt  }
0x48: {  	_ =	shalt  }
0x49: {  	_ =	shalt  }
0x4a: {  	_ =	shalt  }
0x4b: {  	_ =	shalt  }
0x4c: {  	_ =	shalt  }
0x4d: {  	_ =	shalt  }
0x4e: {  	_ =	shalt  }
0x4f: {  	_ =	shalt  }
0x50: {  	_ =	shalt  }
0x51: {  	_ =	shalt  }
0x52: {  	_ =	shalt  }
0x53: {  	_ =	shalt  }
0x54: {  	_ =	shalt  }
0x55: {  	_ =	shalt  }
0x56: {  	_ =	shalt  }
0x57: {  	_ =	shalt  }
0x58: {  	_ =	shalt  }
0x59: {  	_ =	shalt  }
0x5a: {  	_ =	shalt  }
0x5b: {  	_ =	shalt  }
0x5c: {  	_ =	shalt  }
0x5d: {  	_ =	shalt  }
0x5e: {  	_ =	shalt  }
0x5f: {  	_ =	shalt  }
0x60: {  	_ =	shalt  }
0x61: {  	_ =	shalt  }
0x62: {  	_ =	shalt  }
0x63: {  	_ =	shalt  }
0x64: {  	_ =	shalt  }
0x65: {  	_ =	shalt  }
0x66: {  	_ =	shalt  }
0x67: {  	_ =	shalt  }
0x68: {  	_ =	shalt  }
0x69: {  	_ =	shalt  }
0x6a: {  	_ =	shalt  }
0x6b: {  	_ =	shalt  }
0x6c: {  	_ =	shalt  }
0x6d: {  	_ =	shalt  }
0x6e: {  	_ =	shalt  }
0x6f: {  	_ =	shalt  }
0x70: {  	_ =	shalt  }
0x71: {  	_ =	shalt  }
0x72: {  	_ =	shalt  }
0x73: {  	_ =	shalt  }
0x74: {  	_ =	shalt  }
0x75: {  	_ =	shalt  }
0x76: {  	_ =	shalt  }
0x77: {  	_ =	shalt  }
0x78: {  	_ =	shalt  }
0x79: {  	_ =	shalt  }
0x7a: {  	_ =	shalt  }
0x7b: {  	_ =	shalt  }
0x7c: {  	_ =	shalt  }
0x7d: {  	_ =	shalt  }
0x7e: {  	_ =	shalt  }
0x7f: {  	_ =	shalt  }
0x80: {  	_ =	shalt  }
0x81: {  	_ =	shalt  }
0x82: {  	_ =	shalt  }
0x83: {  	_ =	shalt  }
0x84: {  	_ =	shalt  }
0x85: {  	_ =	shalt  }
0x86: {  	_ =	shalt  }
0x87: {  	_ =	shalt  }
.Lfunc_end0:
.L_simem_size_0:
called_computation_lowered:
.L_overlay_start_0:
0x88: {  	s2 =	sld [smem:$0x3FD9]  }
0x89: {  	s3 =	sld [smem:$0x3FFE];
	_ =	sdelay $0x1  }
0x8a: {  	s1 =	srdreg.scid  }
0x8b: {  	s0 =	sand.u32 $0x1, s1  }
0x8c: {  	s17 =	sshll.u32 s0, $0xA;
	s2 =	sadd.s32 s3, s2  }
0x8d: {  	s2 =	sadd.s32 s2, s17  }
0x8e: {  	[smem:$0x3FC1] =	sst s2  }
0x8f: {  	_ = 	snop  }
0x90: {  	s2 =	sld [smem:$0x3FD0];
	(tm) =	ssettm $0x1  }
0x91: {  	s18 =	sld [smem:$0x3FFB];
	_ =	sdelay $0x3  }
0x92: {  	_ =	strace s18  }
0x93: {  	s3 =	sld [smem:$0x3FFC];
	_ =	sdelay $0x3  }
0x94: {  	_ =	strace s3  }
0x95: {  	s3 =	sld [smem:$0x3FFD];
	_ =	sdelay $0x3  }
0x96: {  	_ =	strace s3  }
0x97: {  	_ =	strace $0x8FFFFFFF  }
0x98: {  	s19 =	sld [smem:$0x3FDB];
	_ =	sdelay $0x1  }
0x99: {  	s4 =	simm.s32 $_scs_section_size  }
0x9a: {  	s5 =	simm.s32 $_size__tile_overlayer_lowered;
	s6 =	simm.s32 $_tile_overlayer_lowered  }
0x9b: {  	s22 =	simm.s32 $0x1BFF;
	s21 =	sshll.u32 s6, $0x1;
	s3 =	sadd.s32 s4, s19  }
0x9c: {  	s7 =	simm.s32 $0x0;
	s20 =	sshll.u32 s5, $0x1;
	s5 =	sadd.s32 s21, s3  }
0x9d: {  	[timem:s7], [sflag:s22] =	dma.local [hbm:s5], s20  }
0x9e: {  	_ =	swait.ge [sflag:s22], s20  }
0x9f: {  	s4 =	ssub.s32 $0x0, s20;
	[sflag:s22] =	ssyncset.done $0x0  }
0xa0: {  	[sflag:s22] =	ssyncadd.s32 s4;
	_ =	sdelay $0x1  }
0xa1: {  	s23 =	simm.s32 $0x1B8B  }
0xa2: {  	_ =	swait.ge [sflag:s23], $0x1  }
0xa3: {  	[sflag:s23] =	ssyncset.done $0x0  }
0xa4: {  	s25 =	simm.s32 $0x1B8E;
	s24 =	sld [smem:$0x3FFE];
	[sflag:s23] =	ssyncadd.s32 $0xFFFFFFFF  }
0xa5: {  	s26 =	simm.s32 $execute0_lowered;
	[smem:$0x3FD2] =	sst s25  }
0xa6: {  	s5 =	sshll.u32 s26, $0x1;
	_ =	strace $0x80000046;
	[dreg:$0x1] =	wrdreg $0xFFFFFFFF  }
0xa7: {  	s28 =	simm.s32 $_size_execute0_lowered;
	s3 =	sadd.s32 s3, s5;
	[dreg:$0x0] =	wrdreg $0x0  }
0xa8: {  	s5 =	sshll.u32 s28, $0x1;
	[dreg:$0x2] =	wrdreg s3  }
0xa9: {  	[dreg:$0x3] =	wrdreg s5  }
0xaa: {  	[dreg:$0x4] =	wrdreg $0xC0  }
0xab: {  	_ =	task [dreg:s7], $0x5FFFF  }
0xac: {  	[dreg:$0x1] =	wrdreg $0xFFFFFFFF  }
0xad: {  	[dreg:$0x0] =	wrdreg $0x60  }
0xae: {  	[dreg:$0x2] =	wrdreg s24  }
0xaf: {  	[dreg:$0x3] =	wrdreg s2  }
0xb0: {  	[dreg:$0x4] =	wrdreg $0x9  }
0xb1: {  	_ =	task.clear_ibuf [dreg:s7], $0x5FFFF;
	_ =	strace $0x90000046  }
0xb2: {  	s29 =	simm.s32 $0x9;
	_ =	strace $0x80000048  }
0xb3: {  	_ =	swait.ge [sflag:s29], $0x1  }
0xb4: {  	[sflag:s29] =	ssyncadd.s32 $0xFFFFFFFF  }
0xb5: {  	_ =	strace $0x90000048  }
0xb6: {  	_ =	sfence  }
0xb7: {  	s30 =	sld [smem:$0x0];
	_ =	sdelay $0x2  }
0xb8: {  	s31 =	sshll.u32 s1, $0xD;
	s1 =	sshrl.u32 s1, $0x2  }
0xb9: {  	s3 =	sand.u32 $0x4000, s31;
	s1 =	sadd.s32 s1, s30  }
0xba: {  	s0 =	sor.u32 s3, s0;
	s1 =	sshll.u32 s1, $0x11  }
0xbb: {  	s0 =	sor.u32 s1, s0  }
0xbc: {  	s0 =	sadd.s32 $0x8F2B, s0  }
0xbd: {  	[sflag:s0] =	ssyncadd.remote.s32 $0x1  }
0xbe: {  	_ =	sfence.sel $0xFFFF  }
0xbf: {  	[dreg:$0x0] =	wrdreg $0xFFFFFFFF;
	(pc) =	sbr.abs _section_cstart, $3  }
0xc0: {  	[dreg:$0x1] =	wrdreg $0xFFFFFFFF  }
0xc1: {  	_ =	task.clear_ibuf [dreg:s7], $0x2FFFF;
	_ =	strace $0x9FFFFFFF  }
0xc2: {  	(tm) =	ssettm $0x7FFFFFFF  }
0xc3: {  	_ =	shalt  }
tec
execute0_lowered:
.L_overlay_start_1:
0x0: {  	(tag) =	ssettag $0x1  }
0x1: {  	s0 =	rddreg [dreg:$0x0]  }
0x2: {  	s1 =	rddreg [dreg:$0x1]  }
0x3: {  	s3 =	srdreg.scid;
	s5 =	stileid.u32  }
0x4: {  	s2 =	simm.s32 $0x0;
	s10 =	simm.s32 $0x9;
	s11 =	simm.s32 $0x1400  }
0x5: {  	s13 =	simm.s32 $0x40;
	s19 =	simm.s32 $0x7C00;
	s20 =	simm.s32 $0xFC00  }
0x6: {  	s21 =	simm.s32 $0x9C00;
	s22 =	simm.s32 $0x11C00;
	s23 =	simm.s32 $0x1  }
0x7: {  	s24 =	simm.s32 $0x3;
	s25 =	simm.s32 $0x2;
	s28 =	simm.s32 $0x5  }
0x8: {  	s29 =	simm.s32 $0x7;
	s4 =	sand.u32 $0x1, s3;
	s26 =	sshll.u32 s5, $0x1  }
0x9: {  	s30 =	simm.s32 $0x6;
	s31 =	simm.s32 $0x8;
	s5 =	sor.u32 s4, s26  }
0xa: {  	[smem:$0x7FF] =	sst s2;
	s3 =	sadd.s32 $0x1600, s0;
	s6 =	smul.u32 $0x280, s5  }
0xb: {  	_ =	strace $0x80000047;
	s7 =	ssub.s32 $0x2, s4;
	s5 =	smul.u32 $0x1400, s5  }
0xc: {  	s4 =	sadd.s32 $0x29600, s0;
	s26 =	simm.s32 $0x4;
	s9 =	sshrl.u32 s7, $0x1  }
0xd: {  	s9 =	ssub.s32 s7, s9;
	s8 =	sadd.s32 s6, s0;
	s0 =	sadd.s32 s5, s0  }
0xe: {  	s6 =	sadd.s32 s1, s6;
	s9 =	smax.u32 s9, $0x1;
	s1 =	simm.s32 $0x0  }
0xf: {  	s5 =	sadd.s32 $0x56600, s8;
	s7 =	sadd.s32 $0x51600, s8;
	s8 =	sadd.s32 $0x5B600, s0  }
.LBB2_1:
0x10: {  	[tilespmem:s2], [sflag:$0x9] =	stream.linear.gather [hbm4b:s5+s2], $0x1400, $0x38;
	[tilespmem:$0x1DC00] =	vst v63  }
0x11: {  	_ =	swait.ge [sflag:s10], $0x1400  }
0x12: {  	[sflag:s10] =	ssyncset.done $0x0  }
0x13: {  	[sflag:s10] =	ssyncadd.s32 $0xFFFFEC00  }
0x14: {  	[tilespmem:s11], [sflag:$0x9] =	stream.linear.gather [hbm4b:s6+s2], $0x1400, $0x38;
	[tilespmem:$0x1DC00] =	vst v63  }
0x15: {  	_ =	swait.ge [sflag:s10], $0x1400  }
0x16: {  	[sflag:s10] =	ssyncset.done $0x0  }
0x17: {  	s0 =	simm.s32 $0x2800;
	[sflag:s10] =	ssyncadd.s32 $0xFFFFEC00  }
0x18: {  	[tilespmem:s0], [sflag:$0x9] =	stream.linear.gather [hbm4b:s7+s2], $0x1400, $0x38;
	[tilespmem:$0x1DC00] =	vst v63  }
0x19: {  	_ =	swait.ge [sflag:s10], $0x1400  }
0x1a: {  	[sflag:s10] =	ssyncset.done $0x0  }
0x1b: {  	s15 =	simm.s32 $0x3C00;
	[sflag:s10] =	ssyncadd.s32 $0xFFFFEC00  }
0x1c: {  	[tilespmem:s15], [sflag:$0x1] =	stream.indirect.gather [hbm4b:s3+s13], $0x80, s2, s13, $0xb8;
	[tilespmem:$0x1DC00] =	vst v63  }
0x1d: {  	s16 =	simm.s32 $0xBC00  }
0x1e: {  	[tilespmem:s16], [sflag:$0x3] =	stream.indirect.gather [hbm4b:s4+s13], $0x80, s11, s13, $0xb8;
	[tilespmem:$0x1DC00] =	vst v63  }
0x1f: {  	s17 =	simm.s32 $0x5C00  }
0x20: {  	[tilespmem:s17], [sflag:$0x2] =	stream.indirect.gather [hbm4b:s3+s13], $0x80, s13, s13, $0xb8;
	[tilespmem:$0x1DC00] =	vst v63  }
0x21: {  	s18 =	simm.s32 $0x1440;
	s12 =	simm.s32 $0xDC00  }
0x22: {  	[tilespmem:s12], [sflag:$0x4] =	stream.indirect.gather [hbm4b:s4+s13], $0x80, s18, s13, $0xb8;
	[tilespmem:$0x1DC00] =	vst v63  }
0x23: {  	s12 =	simm.s32 $0x0  }
.LBB2_2:
0x24: {  	s14 =	sshllo.u32 s12, $0x1  }
0x25: {  	s15 =	sshll.u32 s14, $0x7  }
0x26: {  	[tilespmem:s19], [sflag:$0x5] =	stream.indirect.gather [hbm4b:s3+s13], $0x80, s15, s13, $0xb8;
	[tilespmem:$0x1DC00] =	vst v63  }
0x27: {  	s16 =	sadd.s32 $0x1400, s15  }
0x28: {  	[tilespmem:s20], [sflag:$0x7] =	stream.indirect.gather [hbm4b:s4+s13], $0x80, s16, s13, $0xb8;
	[tilespmem:$0x1DC00] =	vst v63  }
0x29: {  	s0 =	sor.u32 $0x40, s15  }
0x2a: {  	[tilespmem:s21], [sflag:$0x6] =	stream.indirect.gather [hbm4b:s3+s13], $0x80, s0, s13, $0xb8;
	[tilespmem:$0x1DC00] =	vst v63  }
0x2b: {  	s17 =	sadd.s32 $0x1440, s15  }
0x2c: {  	[tilespmem:s22], [sflag:$0x8] =	stream.indirect.gather [hbm4b:s4+s13], $0x80, s17, s13, $0xb8;
	[tilespmem:$0x1DC00] =	vst v63  }
0x2d: {  	_ =	swait.ge [sflag:s23], $0x2000  }
0x2e: {  	[sflag:s23] =	ssyncset.done $0x0  }
0x2f: {  	[sflag:s23] =	ssyncadd.s32 $0xFFFFE000  }
0x30: {  	_ =	swait.ge [sflag:s24], $0x2000  }
0x31: {  	[sflag:s24] =	ssyncset.done $0x0  }
0x32: {  	[sflag:s24] =	ssyncadd.s32 $0xFFFFE000  }
0x33: {  	s18 =	sshll.u32 s12, $0x8;
	_ =	swait.ge [sflag:s25], $0x2000  }
0x34: {  	s16 =	sand.u32 $0x3FFFFF00, s18;
	s17 =	sshll.u32 s12, $0xB;
	[sflag:s25] =	ssyncset.done $0x0  }
0x35: {  	s18 =	sadd.s32 $0x2800, s16;
	s17 =	sand.u32 $0x3FFFF800, s17;
	[sflag:s25] =	ssyncadd.s32 $0xFFFFE000  }
0x36: {  	v0 =	vmov s18;
	s17 =	sadd.s32 $0x13C00, s17;
	_ =	swait.ge [sflag:s26], $0x2000  }
0x37: {  	v63 =	vmov s17;
	[sflag:s26] =	ssyncset.done $0x0;
	[tilespmem:$0x1FFE0] =	vst v0  }
0x38: {  	s16 =	simm.s32 $0x0;
	[tilespmem:$0x1FFF0] =	vst v63;
	[sflag:s26] =	ssyncadd.s32 $0xFFFFE000  }
.LBB2_3:
0x39: {  	s0 =	sshll.u32 s16, $0xB  }
0x3a: {  	v50 =	vld [tilespmem:s0+$0x3DF0];
	_ =	sdelay $0x4  }
0x3b: {  	[tilespmem:$0x1FD40] =	vst v50;
	v50 =	vld [tilespmem:s0+$0xBDF0];
	_ =	sdelay $0x4  }
0x3c: {  	[tilespmem:$0x1FD50] =	vst v50;
	v50 =	vld [tilespmem:s0+$0x3E00];
	_ =	sdelay $0x4  }
0x3d: {  	[tilespmem:$0x1FD60] =	vst v50;
	v50 =	vld [tilespmem:s0+$0xBE00];
	_ =	sdelay $0x2  }
0x3e: {  	v0 =	vld [tilespmem:$0x1FFE0]  }
0x3f: {  	v15 =	vld [tilespmem:s0+$0x3C00]  }
0x40: {  	[tilespmem:$0x1FD70] =	vst v50;
	v50 =	vld [tilespmem:s0+$0x3E10]  }
0x41: {  	v2 =	vld [tilespmem:s0+$0xBC00]  }
0x42: {  	v17 =	vld [tilespmem:s0+$0x3C10]  }
0x43: {  	v18 =	vld [tilespmem:s0+$0xBC10]  }
0x44: {  	v19 =	vld [tilespmem:s0+$0x3C20]  }
0x45: {  	[tilespmem:$0x1FD80] =	vst v50;
	v50 =	vld [tilespmem:s0+$0xBE10]  }
0x46: {  	v20 =	vld [tilespmem:s0+$0xBC20]  }
0x47: {  	v22 =	vld [tilespmem:s0+$0x3C30]  }
0x48: {  	v25 =	vld [tilespmem:s0+$0xBC30]  }
0x49: {  	v35 =	vld [tilespmem:s0+$0x3C40]  }
0x4a: {  	[tilespmem:$0x1FD90] =	vst v50;
	v50 =	vld [tilespmem:s0+$0x3E20]  }
0x4b: {  	v40 =	vld [tilespmem:s0+$0xBC40]  }
0x4c: {  	v34 =	vld [tilespmem:s0+$0x3C50]  }
0x4d: {  	v48 =	vld [tilespmem:s0+$0xBC50]  }
0x4e: {  	v51 =	vld [tilespmem:s0+$0x3C60]  }
0x4f: {  	[tilespmem:$0x1FDA0] =	vst v50;
	v50 =	vld [tilespmem:s0+$0xBE20]  }
0x50: {  	v52 =	vld [tilespmem:s0+$0xBC60]  }
0x51: {  	v61 =	vld [tilespmem:s0+$0x3C70]  }
0x52: {  	v63 =	vld [tilespmem:s0+$0xBC70]  }
0x53: {  	v3 =	vld [tilespmem:s0+$0x3C80]  }
0x54: {  	[tilespmem:$0x1FDB0] =	vst v50;
	v50 =	vld [tilespmem:s0+$0x3E30]  }
0x55: {  	v6 =	vld [tilespmem:s0+$0xBC80]  }
0x56: {  	v8 =	vld [tilespmem:s0+$0x3C90]  }
0x57: {  	v9 =	vld [tilespmem:s0+$0xBC90]  }
0x58: {  	v1 =	vld [tilespmem:s0+$0x3CA0]  }
0x59: {  	[tilespmem:$0x1FDC0] =	vst v50;
	v50 =	vld [tilespmem:s0+$0xBE30]  }
0x5a: {  	v5 =	vld [tilespmem:s0+$0x3CB0]  }
0x5b: {  	v4 =	vld [tilespmem:s0+$0xBCB0]  }
0x5c: {  	v10 =	vld [tilespmem:s0+$0x3CC0]  }
0x5d: {  	v7 =	vld [tilespmem:s0+$0xBCC0]  }
0x5e: {  	[tilespmem:$0x1FDD0] =	vst v50;
	v50 =	vld [tilespmem:s0+$0x3E40]  }
0x5f: {  	v12 =	vld [tilespmem:s0+$0x3CD0]  }
0x60: {  	v11 =	vld [tilespmem:s0+$0xBCD0]  }
0x61: {  	v14 =	vld [tilespmem:s0+$0x3CE0]  }
0x62: {  	v13 =	vld [tilespmem:s0+$0xBCE0]  }
0x63: {  	[tilespmem:$0x1FDE0] =	vst v50;
	v50 =	vld [tilespmem:s0+$0xBE40]  }
0x64: {  	v36 =	vld [tilespmem:s0+$0x3CF0]  }
0x65: {  	v38 =	vld [tilespmem:s0+$0xBCF0]  }
0x66: {  	v29 =	vld [tilespmem:s0+$0x3D00]  }
0x67: {  	v37 =	vld [tilespmem:s0+$0xBD00]  }
0x68: {  	[tilespmem:$0x1FDF0] =	vst v50;
	v50 =	vld [tilespmem:s0+$0x3E50]  }
0x69: {  	v43 =	vld [tilespmem:s0+$0x3D10]  }
0x6a: {  	v33 =	vld [tilespmem:s0+$0xBD10]  }
0x6b: {  	v39 =	vld [tilespmem:s0+$0x3D20]  }
0x6c: {  	v44 =	vld [tilespmem:s0+$0xBD20]  }
0x6d: {  	[tilespmem:$0x1FE00] =	vst v50;
	v50 =	vld [tilespmem:s0+$0xBE50]  }
0x6e: {  	v53 =	vld [tilespmem:s0+$0x3D30]  }
0x6f: {  	v30 =	vld [tilespmem:s0+$0xBD30]  }
0x70: {  	v45 =	vld [tilespmem:s0+$0x3D40]  }
0x71: {  	v21 =	vld [tilespmem:s0+$0xBD40]  }
0x72: {  	[tilespmem:$0x1FE10] =	vst v50;
	v50 =	vld [tilespmem:s0+$0x3E60]  }
0x73: {  	v49 =	vld [tilespmem:s0+$0x3D50]  }
0x74: {  	v23 =	vld [tilespmem:s0+$0xBD50]  }
0x75: {  	v54 =	vld [tilespmem:s0+$0x3D60]  }
0x76: {  	v24 =	vld [tilespmem:s0+$0xBD60]  }
0x77: {  	[tilespmem:$0x1FE20] =	vst v50;
	v50 =	vld [tilespmem:s0+$0xBE60]  }
0x78: {  	v55 =	vld [tilespmem:s0+$0x3D70]  }
0x79: {  	v58 =	vld [tilespmem:s0+$0xBD70]  }
0x7a: {  	v26 =	vld [tilespmem:s0+$0x3D80]  }
0x7b: {  	v57 =	vld [tilespmem:s0+$0xBD80]  }
0x7c: {  	[tilespmem:$0x1FE30] =	vst v50;
	v50 =	vld [tilespmem:s0+$0x3E70]  }
0x7d: {  	v56 =	vld [tilespmem:s0+$0x3D90]  }
0x7e: {  	v27 =	vld [tilespmem:s0+$0xBD90]  }
0x7f: {  	v32 =	vld [tilespmem:s0+$0x3DA0]  }
0x80: {  	v59 =	vld [tilespmem:s0+$0xBDA0]  }
0x81: {  	[tilespmem:$0x1FE40] =	vst v50;
	v50 =	vld [tilespmem:s0+$0xBE70]  }
0x82: {  	v60 =	vld [tilespmem:s0+$0x3DB0]  }
0x83: {  	v28 =	vld [tilespmem:s0+$0xBDB0]  }
0x84: {  	v41 =	vld [tilespmem:s0+$0x3DC0]  }
0x85: {  	v31 =	vld [tilespmem:s0+$0xBDC0]  }
0x86: {  	[tilespmem:$0x1FE50] =	vst v50;
	v50 =	vld [tilespmem:s0+$0x3E80]  }
0x87: {  	v46 =	vld [tilespmem:s0+$0x3DD0]  }
0x88: {  	v42 =	vld [tilespmem:s0+$0xBDD0]  }
0x89: {  	v62 =	vld [tilespmem:s0+$0x3DE0]  }
0x8a: {  	v47 =	vld [tilespmem:s0+$0xBDE0]  }
0x8b: {  	[tilespmem:$0x1FE60] =	vst v50;
	v50 =	vld [tilespmem:s0+$0xBE80]  }
0x8c: {  	v17 =	vadd.f32 v18, v17;
	v18 =	vadd.f32 v20, v19;
	v20 =	vld [tilespmem:s0+$0x3EC0]  }
0x8d: {  	v15 =	vadd.f32 v2, v15;
	v2 =	vld [tilespmem:s0+$0xBEC0]  }
0x8e: {  	v19 =	vadd.f32 v25, v22;
	v25 =	vadd.f32 v52, v51;
	v51 =	vld [tilespmem:s0+$0xBED0]  }
0x8f: {  	v22 =	vadd.f32 v48, v34;
	v34 =	vadd.f32 v63, v61;
	v61 =	vld [tilespmem:s0+$0x3EE0]  }
0x90: {  	[tilespmem:$0x1FE70] =	vst v50;
	v50 =	vld [tilespmem:s0+$0x3E90]  }
0x91: {  	v7 =	vadd.f32 v7, v10;
	v10 =	vld [tilespmem:s0+$0x3F30]  }
0x92: {  	v43 =	vadd.f32 v33, v43;
	v33 =	vadd.f32 v59, v32;
	v59 =	vld [tilespmem:s0+$0xBFD0]  }
0x93: {  	v27 =	vadd.f32 v27, v56;
	v56 =	vld [tilespmem:s0+$0x3FF0]  }
0x94: {  	v47 =	vadd.f32 v47, v62;
	v62 =	vld [tilespmem:s0+$0xC000]  }
0x95: {  	[tilespmem:$0x1FE80] =	vst v50;
	v50 =	vld [tilespmem:s0+$0xBE90]  }
0x96: {  	s17 =	sshll.u32 s16, $0x4;
	v41 =	vadd.f32 v31, v41;
	v31 =	vld [tilespmem:s0+$0xC030]  }
0x97: {  	s17 =	sand.u32 $0x3FFFFFF0, s17;
	v46 =	vadd.f32 v42, v46;
	v42 =	vld [tilespmem:s0+$0xC040]  }
0x98: {  	v16 =	vld.idx.msk [tilespmem:v0+s17+$0x0 ss:$0x1], $0xffff  }
0x99: {  	v0 =	vld [tilespmem:s0+$0xBCA0]  }
0x9a: {  	[tilespmem:$0x1FE90] =	vst v50;
	v50 =	vld [tilespmem:s0+$0x3EA0]  }
0x9b: {  	v63 =	vmax.f32 v17, $0.0e+00;
	v17 =	vld [tilespmem:s0+$0xBEF0]  }
0x9c: {  	v48 =	vmax.f32 v19, $0.0e+00;
	v19 =	vld [tilespmem:s0+$0x3F10]  }
0x9d: {  	v52 =	vmax.f32 v15, $0.0e+00;
	v15 =	vld [tilespmem:s0+$0xBF10]  }
0x9e: {  	[tilespmem:$0x1FEE0] =	vst v20;
	v20 =	vadd.f32 v40, v35;
	v40 =	vld [tilespmem:s0+$0xBEE0]  }
0x9f: {  	v3 =	vadd.f32 v6, v3;
	[tilespmem:$0x1FEA0] =	vst v50;
	v50 =	vld [tilespmem:s0+$0xBEA0]  }
0xa0: {  	v12 =	vadd.f32 v11, v12;
	v11 =	vmax.f32 v43, $0.0e+00;
	v43 =	vld [tilespmem:s0+$0x3FD0];
	[tilespmem:$0x1FF00] =	vst v51;
	v6 =	vbroadcast v16, $0x0  }
0xa1: {  	v8 =	vadd.f32 v9, v8;
	[tilespmem:$0x1FF10] =	vst v61;
	v35 =	vmax.f32 v18, $0.0e+00;
	v61 =	vmax.f32 v25, $0.0e+00;
	v25 =	vld [tilespmem:s0+$0xBF00]  }
0xa2: {  	v0 =	vadd.f32 v0, v1;
	v51 =	vmax.f32 v20, $0.0e+00;
	v20 =	vld [tilespmem:s0+$0x3F00];
	[tilespmem:$0x1FF40] =	vst v19;
	v1 =	vmul.f32 v52, v6  }
0xa3: {  	v19 =	vld [tilespmem:s0+$0xBF40];
	v9 =	vmul.f32 v63, v6;
	v18 =	vmul.f32 v35, v6;
	v52 =	vmax.f32 v22, $0.0e+00;
	[tilespmem:$0x1FF20] =	vst v40  }
0xa4: {  	v63 =	vmax.f32 v34, $0.0e+00;
	v34 =	vbroadcast v16, $0x1;
	v40 =	vmul.f32 v48, v6;
	[tilespmem:$0x1FEB0] =	vst v50;
	v50 =	vld [tilespmem:s0+$0x3EB0]  }
0xa5: {  	v35 =	vld [tilespmem:s0+$0x3F20];
	v48 =	vmul.f32 v51, v6;
	v51 =	vmul.f32 v52, v6  }
0xa6: {  	v52 =	vmul.f32 v61, v6;
	v6 =	vmul.f32 v63, v6;
	v63 =	vld [tilespmem:s0+$0xBF20]  }
0xa7: {  	v22 =	vmax.f32 v8, $0.0e+00;
	v0 =	vmax.f32 v0, $0.0e+00;
	v61 =	vmax.f32 v18, $0.0e+00;
	v18 =	vld [tilespmem:s0+$0xBF30]  }
0xa8: {  	v4 =	vadd.f32 v4, v5;
	v5 =	vmul.f32 v22, v34;
	v0 =	vmul.f32 v0, v34;
	v22 =	vld [tilespmem:s0+$0x3F40]  }
0xa9: {  	[tilespmem:$0x1FEC0] =	vst v50;
	v50 =	vld [tilespmem:s0+$0xBEB0]  }
0xaa: {  	v7 =	vmax.f32 v7, $0.0e+00;
	v0 =	vmax.f32 v61, v0;
	v61 =	vld [tilespmem:s0+$0xBF50]  }
0xab: {  	v7 =	vmul.f32 v7, v34;
	[tilespmem:$0x1FF50] =	vst v35;
	v35 =	vmax.f32 v40, $0.0e+00;
	v40 =	vmax.f32 v48, $0.0e+00;
	v48 =	vld [tilespmem:s0+$0x3F50]  }
0xac: {  	v14 =	vadd.f32 v13, v14;
	[tilespmem:$0x1FF60] =	vst v63;
	v63 =	vadd.f32 v37, v29;
	v29 =	vld [tilespmem:s0+$0x3F60]  }
0xad: {  	v4 =	vmax.f32 v4, $0.0e+00;
	v7 =	vmax.f32 v40, v7;
	v40 =	vld [tilespmem:s0+$0x3F70]  }
0xae: {  	v8 =	vmax.f32 v14, $0.0e+00;
	v4 =	vmul.f32 v4, v34;
	[tilespmem:$0x1FED0] =	vst v50;
	v50 =	vld [tilespmem:s0+$0x3ED0]  }
0xaf: {  	v8 =	vmul.f32 v8, v34;
	v37 =	vld [tilespmem:s0+$0x3F80]  }
0xb0: {  	v4 =	vmax.f32 v35, v4;
	v35 =	vmax.f32 v52, $0.0e+00;
	v52 =	vld [tilespmem:s0+$0x3F90]  }
0xb1: {  	v8 =	vmax.f32 v35, v8;
	v35 =	vld [tilespmem:s0+$0xBF80]  }
0xb2: {  	[tilespmem:$0x1FF90] =	vst v61;
	v61 =	vld [tilespmem:s0+$0x3FA0]  }
0xb3: {  	[tilespmem:$0x1FEF0] =	vst v50;
	v50 =	vld [tilespmem:s0+$0x3EF0]  }
0xb4: {  	[tilespmem:$0x1FF80] =	vst v48;
	v48 =	vadd.f32 v44, v39;
	v39 =	vld [tilespmem:s0+$0x3FB0]  }
0xb5: {  	v3 =	vmax.f32 v3, $0.0e+00;
	[tilespmem:$0x1FFA0] =	vst v29;
	v29 =	vld [tilespmem:s0+$0xBF70]  }
0xb6: {  	v3 =	vmul.f32 v3, v34;
	[tilespmem:$0x1FFB0] =	vst v40;
	v40 =	vld [tilespmem:s0+$0xBFA0]  }
0xb7: {  	[tilespmem:$0x1FF70] =	vst v10;
	v10 =	vmax.f32 v63, $0.0e+00;
	v63 =	vadd.f32 v24, v54;
	v54 =	vmax.f32 v46, $0.0e+00;
	v46 =	vld [tilespmem:$0x1FD80]  }
0xb8: {  	v1 =	vmax.f32 v1, $0.0e+00;
	v37 =	vadd.f32 v35, v37;
	v35 =	vld [tilespmem:s0+$0x4120];
	[tilespmem:$0x1FF30] =	vst v50;
	v50 =	vmax.f32 v9, $0.0e+00  }
0xb9: {  	v1 =	vmax.f32 v1, v3;
	[tilespmem:$0x1FFD0] =	vst v61;
	v61 =	vld [tilespmem:$0x1FD60];
	v3 =	vmax.f32 v50, v5;
	v50 =	vadd.f32 v38, v36  }
0xba: {  	v14 =	vbroadcast v16, $0x3;
	v5 =	vmax.f32 v12, $0.0e+00;
	v36 =	vld [tilespmem:s0+$0xBF60]  }
0xbb: {  	v12 =	vbroadcast v16, $0x2;
	v38 =	vld [tilespmem:s0+$0xBF90];
	v9 =	vmax.f32 v50, $0.0e+00;
	v50 =	vadd.f32 v30, v53  }
0xbc: {  	v5 =	vmul.f32 v5, v34;
	v53 =	vadd.f32 v23, v49;
	v23 =	vadd.f32 v57, v26;
	v57 =	vld [tilespmem:s0+$0xBFB0]  }
0xbd: {  	v51 =	vmax.f32 v51, $0.0e+00;
	v10 =	vmul.f32 v10, v12;
	v11 =	vmul.f32 v11, v12;
	v49 =	vld [tilespmem:s0+$0xBFF0]  }
0xbe: {  	v5 =	vmax.f32 v51, v5;
	v51 =	vadd.f32 v21, v45;
	v21 =	vadd.f32 v58, v55;
	v58 =	vld [tilespmem:s0+$0x3FC0]  }
0xbf: {  	v6 =	vmax.f32 v6, $0.0e+00;
	v9 =	vmul.f32 v9, v34;
	v34 =	vadd.f32 v28, v60;
	v60 =	vld [tilespmem:s0+$0x3FE0]  }
0xc0: {  	v55 =	vld [tilespmem:s0+$0xBFE0];
	v1 =	vmax.f32 v1, v10;
	v3 =	vmax.f32 v3, v11;
	v11 =	vmax.f32 v53, $0.0e+00  }
0xc1: {  	v13 =	vmax.f32 v50, $0.0e+00;
	v53 =	vld [tilespmem:s0+$0x4000];
	v6 =	vmax.f32 v6, v9;
	v11 =	vmul.f32 v11, v12  }
0xc2: {  	v50 =	vld [tilespmem:$0x1FD50];
	v9 =	vmax.f32 v48, $0.0e+00;
	v13 =	vmul.f32 v13, v12;
	v10 =	vmax.f32 v51, $0.0e+00  }
0xc3: {  	v48 =	vld [tilespmem:$0x1FD40];
	v9 =	vmul.f32 v9, v12;
	v10 =	vmul.f32 v10, v12;
	v11 =	vmax.f32 v5, v11  }
0xc4: {  	v5 =	vmax.f32 v33, $0.0e+00;
	v33 =	vmax.f32 v47, $0.0e+00;
	v47 =	vld [tilespmem:$0x1FD90];
	v49 =	vadd.f32 v49, v56  }
0xc5: {  	v56 =	vld [tilespmem:s0+$0xC160];
	v0 =	vmax.f32 v0, v9;
	v9 =	vmax.f32 v4, v13;
	v10 =	vmax.f32 v7, v10  }
0xc6: {  	v4 =	vmax.f32 v63, $0.0e+00;
	v7 =	vmax.f32 v21, $0.0e+00;
	v45 =	vmul.f32 v5, v14;
	v63 =	vld [tilespmem:$0x1FD70]  }
0xc7: {  	v24 =	vmul.f32 v7, v12;
	v7 =	vld [tilespmem:s0+$0xBFC0]  }
0xc8: {  	v26 =	vmax.f32 v23, $0.0e+00;
	v4 =	vmul.f32 v4, v12;
	v23 =	vmax.f32 v0, v45;
	v45 =	vld [tilespmem:s0+$0xC010]  }
0xc9: {  	v51 =	vadd.f32 v50, v48;
	v50 =	vld [tilespmem:s0+$0xC020]  }
0xca: {  	v48 =	vld [tilespmem:$0x1FDA0];
	v13 =	vmax.f32 v8, v4;
	v12 =	vmax.f32 v6, v24  }
0xcb: {  	v4 =	vmax.f32 v27, $0.0e+00;
	v6 =	vmax.f32 v34, $0.0e+00;
	v34 =	vmax.f32 v51, $0.0e+00;
	v51 =	vld [tilespmem:$0x1FDB0]  }
0xcc: {  	v44 =	vmul.f32 v4, v14;
	v4 =	vld [tilespmem:$0x1FE20]  }
0xcd: {  	v8 =	vmax.f32 v41, $0.0e+00;
	v5 =	vadd.f32 v63, v61;
	v61 =	vld [tilespmem:$0x1FDC0]  }
0xce: {  	v8 =	vmul.f32 v8, v14;
	v63 =	vld [tilespmem:$0x1FDD0]  }
0xcf: {  	v41 =	vmul.f32 v34, v14;
	v34 =	vld [tilespmem:s0+$0x4050]  }
0xd0: {  	v30 =	vmul.f32 v26, v14;
	v26 =	vmax.f32 v10, v8;
	v8 =	vmul.f32 v54, v14;
	v54 =	vld [tilespmem:s0+$0x4010]  }
0xd1: {  	v21 =	vmax.f32 v3, v44;
	v44 =	vld [tilespmem:s0+$0x4020]  }
0xd2: {  	v24 =	vmul.f32 v33, v14;
	v6 =	vmul.f32 v6, v14;
	v14 =	vadd.f32 v47, v46;
	v46 =	vld [tilespmem:$0x1FDE0]  }
0xd3: {  	v28 =	vbroadcast v16, $0x4;
	v47 =	vld [tilespmem:$0x1FDF0]  }
0xd4: {  	v10 =	vmax.f32 v5, $0.0e+00;
	v12 =	vmax.f32 v12, v41;
	v41 =	vld [tilespmem:s0+$0x4030]  }
0xd5: {  	v5 =	vld [tilespmem:$0x1FE30];
	v10 =	vmul.f32 v10, v28  }
0xd6: {  	v1 =	vmax.f32 v1, v30;
	v30 =	vmax.f32 v11, v8;
	v8 =	vld [tilespmem:$0x1FEC0]  }
0xd7: {  	[tilespmem:$0x1FFC0] =	vst v52;
	v52 =	vadd.f32 v51, v48;
	v32 =	vmax.f32 v1, v10;
	v10 =	vld [tilespmem:s0+$0x4040]  }
0xd8: {  	v9 =	vmax.f32 v9, v6;
	v6 =	vadd.f32 v63, v61;
	v61 =	vld [tilespmem:$0x1FE10]  }
0xd9: {  	v51 =	vmax.f32 v14, $0.0e+00;
	v11 =	vmax.f32 v52, $0.0e+00;
	v52 =	vld [tilespmem:$0x1FE00]  }
0xda: {  	v14 =	vmul.f32 v51, v28;
	v51 =	vld [tilespmem:$0x1FE50]  }
0xdb: {  	v48 =	vadd.f32 v47, v46;
	v46 =	vld [tilespmem:$0x1FEE0]  }
0xdc: {  	v13 =	vmax.f32 v13, v24;
	v24 =	vmax.f32 v6, $0.0e+00;
	v6 =	vadd.f32 v5, v4;
	v4 =	vld [tilespmem:$0x1FE80]  }
0xdd: {  	v27 =	vmax.f32 v48, $0.0e+00;
	v48 =	vld [tilespmem:$0x1FE40]  }
0xde: {  	v5 =	vld [tilespmem:$0x1FE90];
	v63 =	vadd.f32 v61, v52  }
0xdf: {  	v11 =	vmul.f32 v11, v28;
	v24 =	vmul.f32 v24, v28;
	v61 =	vld [tilespmem:$0x1FE60]  }
0xe0: {  	v14 =	vmax.f32 v21, v14;
	v31 =	vadd.f32 v31, v41;
	v21 =	vmax.f32 v63, $0.0e+00;
	v63 =	vld [tilespmem:$0x1FE70]  }
0xe1: {  	v41 =	vld [tilespmem:s0+$0x4190];
	v27 =	vmul.f32 v27, v28;
	v9 =	vmax.f32 v9, v24;
	v24 =	vmax.f32 v6, $0.0e+00  }
0xe2: {  	v33 =	vmax.f32 v23, v11;
	v11 =	vld [tilespmem:s0+$0xC050];
	v3 =	vmul.f32 v24, v28;
	v52 =	vadd.f32 v51, v48  }
0xe3: {  	v23 =	vld [tilespmem:s0+$0x4060];
	v47 =	vmax.f32 v26, v27  }
0xe4: {  	v48 =	vmax.f32 v13, v3;
	v13 =	vadd.f32 v5, v4;
	v4 =	vld [tilespmem:$0x1FEB0];
	v26 =	vmax.f32 v52, $0.0e+00  }
0xe5: {  	v1 =	vmul.f32 v21, v28;
	v28 =	vmul.f32 v26, v28;
	v0 =	vadd.f32 v63, v61;
	v63 =	vld [tilespmem:$0x1FEA0]  }
0xe6: {  	v10 =	vadd.f32 v42, v10;
	v42 =	vld [tilespmem:s0+$0xC190];
	v51 =	vbroadcast v16, $0x5  }
0xe7: {  	v13 =	vmax.f32 v13, $0.0e+00;
	v52 =	vmax.f32 v12, v28;
	v12 =	vld [tilespmem:$0x1FED0]  }
0xe8: {  	v24 =	vld [tilespmem:s0+$0x4070];
	v13 =	vmul.f32 v13, v51  }
0xe9: {  	v21 =	vld [tilespmem:s0+$0xC060]  }
0xea: {  	v5 =	vadd.f32 v4, v63;
	v4 =	vadd.f32 v2, v46;
	v2 =	vmax.f32 v14, v13;
	v13 =	vld [tilespmem:$0x1FEF0]  }
0xeb: {  	v14 =	vld [tilespmem:$0x1FF00]  }
0xec: {  	v11 =	vadd.f32 v11, v34;
	v34 =	vld [tilespmem:s0+$0x41B0];
	v27 =	vmax.f32 v0, $0.0e+00;
	v61 =	vadd.f32 v12, v8  }
0xed: {  	v26 =	vld [tilespmem:s0+$0xC070];
	v6 =	vmul.f32 v27, v51  }
0xee: {  	v30 =	vmax.f32 v30, v1;
	v1 =	vadd.f32 v25, v20;
	v20 =	vld [tilespmem:s0+$0x40C0];
	v61 =	vmax.f32 v61, $0.0e+00  }
0xef: {  	v25 =	vld [tilespmem:s0+$0xC0C0];
	v63 =	vmax.f32 v32, v6;
	v6 =	vmax.f32 v4, $0.0e+00;
	v61 =	vmul.f32 v61, v51  }
0xf0: {  	v14 =	vadd.f32 v14, v13;
	v13 =	vmul.f32 v6, v51;
	v6 =	vld [tilespmem:$0x1FF10]  }
0xf1: {  	v9 =	vmax.f32 v9, v61;
	v61 =	vld [tilespmem:$0x1FF20]  }
0xf2: {  	v28 =	vld [tilespmem:s0+$0xC090]  }
0xf3: {  	v4 =	vld [tilespmem:$0x1FF30]  }
0xf4: {  	v21 =	vadd.f32 v21, v23;
	v23 =	vld [tilespmem:s0+$0xC1B0]  }
0xf5: {  	v53 =	vadd.f32 v62, v53;
	v27 =	vld [tilespmem:s0+$0x4080]  }
0xf6: {  	v62 =	vadd.f32 v26, v24;
	v24 =	vld [tilespmem:s0+$0x41C0];
	v5 =	vmax.f32 v5, $0.0e+00;
	v61 =	vadd.f32 v61, v6  }
0xf7: {  	v26 =	vld [tilespmem:s0+$0xC1C0];
	v0 =	vmul.f32 v5, v51  }
0xf8: {  	v12 =	vld [tilespmem:s0+$0xC080];
	v17 =	vadd.f32 v17, v4;
	v14 =	vmax.f32 v14, $0.0e+00;
	v5 =	vmax.f32 v61, $0.0e+00  }
0xf9: {  	v8 =	vld [tilespmem:s0+$0x4090];
	v14 =	vmul.f32 v14, v51;
	v61 =	vmul.f32 v5, v51  }
0xfa: {  	v32 =	vld [tilespmem:s0+$0x40A0];
	v17 =	vmax.f32 v17, $0.0e+00  }
0xfb: {  	v3 =	vmax.f32 v30, v14;
	v14 =	vmul.f32 v17, v51;
	v48 =	vmax.f32 v48, v61;
	v61 =	vld [tilespmem:$0x1FF40]  }
0xfc: {  	v46 =	vld [tilespmem:s0+$0xC0A0]  }
0xfd: {  	v51 =	vmax.f32 v52, v14;
	v14 =	vld [tilespmem:$0x1FF50]  }
0xfe: {  	v52 =	vld [tilespmem:$0x1FF60]  }
0xff: {  	v23 =	vadd.f32 v23, v34;
	v34 =	vld [tilespmem:s0+$0x42A0]  }
0x100: {  	v33 =	vmax.f32 v33, v0;
	v0 =	vbroadcast v16, $0x6;
	v30 =	vadd.f32 v15, v61;
	v61 =	vld [tilespmem:$0x1FF70]  }
0x101: {  	v1 =	vmax.f32 v1, $0.0e+00;
	v24 =	vadd.f32 v26, v24;
	v26 =	vld [tilespmem:s0+$0x42B0]  }
0x102: {  	v8 =	vadd.f32 v28, v8;
	v28 =	vld [tilespmem:s0+$0x41E0];
	v1 =	vmul.f32 v1, v0  }
0x103: {  	v46 =	vadd.f32 v46, v32;
	v32 =	vld [tilespmem:s0+$0x4200];
	v13 =	vmax.f32 v47, v13;
	v14 =	vadd.f32 v52, v14  }
0x104: {  	v47 =	vld [tilespmem:s0+$0xC0B0];
	v4 =	vmax.f32 v63, v1;
	v1 =	vadd.f32 v19, v22;
	v5 =	vmax.f32 v30, $0.0e+00  }
0x105: {  	v19 =	vld [tilespmem:s0+$0xC0E0];
	v14 =	vmax.f32 v14, $0.0e+00;
	v30 =	vmul.f32 v5, v0;
	v52 =	vadd.f32 v18, v61  }
0x106: {  	v63 =	vmul.f32 v14, v0;
	v61 =	vmax.f32 v1, $0.0e+00;
	v1 =	vld [tilespmem:$0x1FF80]  }
0x107: {  	v2 =	vmax.f32 v2, v30;
	v30 =	vld [tilespmem:$0x1FF90];
	v52 =	vmax.f32 v52, $0.0e+00  }
0x108: {  	v63 =	vmax.f32 v33, v63;
	v33 =	vld [tilespmem:$0x1FFA0];
	v52 =	vmul.f32 v52, v0  }
0x109: {  	v22 =	vld [tilespmem:s0+$0x40F0]  }
0x10a: {  	v9 =	vmax.f32 v9, v52;
	v52 =	vld [tilespmem:$0x1FFB0]  }
0x10b: {  	v6 =	vld [tilespmem:s0+$0x40B0]  }
0x10c: {  	v17 =	vld [tilespmem:s0+$0x40D0];
	v30 =	vadd.f32 v30, v1;
	v1 =	vmul.f32 v61, v0  }
0x10d: {  	v15 =	vld [tilespmem:s0+$0xC0D0];
	v33 =	vadd.f32 v36, v33  }
0x10e: {  	v14 =	vld [tilespmem:s0+$0xC0F0];
	v5 =	vmax.f32 v13, v1  }
0x10f: {  	v18 =	vld [tilespmem:s0+$0x40E0];
	v13 =	vmax.f32 v30, $0.0e+00;
	v1 =	vmax.f32 v33, $0.0e+00;
	v30 =	vadd.f32 v29, v52  }
0x110: {  	v49 =	vmax.f32 v49, $0.0e+00;
	v36 =	vld [tilespmem:s0+$0xC100];
	v52 =	vmul.f32 v1, v0  }
0x111: {  	v7 =	vadd.f32 v7, v58;
	v45 =	vadd.f32 v45, v54;
	v61 =	vld [tilespmem:s0+$0x4100];
	v30 =	vmax.f32 v30, $0.0e+00  }
0x112: {  	v13 =	vmul.f32 v13, v0;
	v0 =	vmul.f32 v30, v0;
	v30 =	vmax.f32 v48, v52;
	v52 =	vld [tilespmem:$0x1FFC0]  }
0x113: {  	v54 =	vadd.f32 v50, v44;
	v31 =	vmax.f32 v31, $0.0e+00;
	v10 =	vmax.f32 v10, $0.0e+00;
	v33 =	vld [tilespmem:s0+$0xC110]  }
0x114: {  	v21 =	vmax.f32 v21, $0.0e+00;
	v23 =	vmax.f32 v23, $0.0e+00;
	v0 =	vmax.f32 v51, v0;
	v51 =	vld [tilespmem:$0x1FFD0]  }
0x115: {  	v12 =	vadd.f32 v12, v27;
	v27 =	vbroadcast v16, $0x9;
	v24 =	vmax.f32 v24, $0.0e+00;
	v29 =	vld [tilespmem:s0+$0x4110]  }
0x116: {  	v1 =	vbroadcast v16, $0x7;
	v3 =	vmax.f32 v3, v13;
	v13 =	vmax.f32 v37, $0.0e+00;
	v37 =	vld [tilespmem:s0+$0xC120]  }
0x117: {  	v8 =	vmax.f32 v8, $0.0e+00;
	v6 =	vadd.f32 v47, v6;
	v48 =	vadd.f32 v38, v52;
	v38 =	vld [tilespmem:s0+$0x4130]  }
0x118: {  	v8 =	vmul.f32 v8, v27;
	v13 =	vmul.f32 v13, v1;
	v52 =	vadd.f32 v57, v39;
	v39 =	vld [tilespmem:s0+$0xC130]  }
0x119: {  	v6 =	vmax.f32 v6, $0.0e+00;
	v51 =	vadd.f32 v40, v51;
	v48 =	vmax.f32 v48, $0.0e+00;
	v40 =	vld [tilespmem:s0+$0x4140]  }
0x11a: {  	v13 =	vmax.f32 v4, v13;
	v58 =	vmax.f32 v52, $0.0e+00;
	v52 =	vld [tilespmem:s0+$0xC140];
	v4 =	vmul.f32 v48, v1  }
0x11b: {  	v57 =	vmax.f32 v51, $0.0e+00;
	v51 =	vmul.f32 v58, v1;
	v58 =	vadd.f32 v59, v43;
	v43 =	vld [tilespmem:s0+$0xC150]  }
0x11c: {  	v6 =	vmul.f32 v6, v27;
	v61 =	vadd.f32 v36, v61;
	v59 =	vld [tilespmem:s0+$0xC170];
	v48 =	vmul.f32 v57, v1  }
0x11d: {  	v57 =	vmax.f32 v7, $0.0e+00;
	v7 =	vld [tilespmem:s0+$0x4150];
	v2 =	vmax.f32 v2, v4;
	v47 =	vadd.f32 v39, v38  }
0x11e: {  	v4 =	vld [tilespmem:s0+$0x4160];
	v57 =	vmul.f32 v57, v1;
	v9 =	vmax.f32 v9, v51;
	v48 =	vmax.f32 v63, v48  }
0x11f: {  	v39 =	vld [tilespmem:s0+$0xC270];
	v63 =	vadd.f32 v55, v60;
	v60 =	vmax.f32 v58, $0.0e+00;
	v58 =	vbroadcast v16, $0x8  }
0x120: {  	v5 =	vmax.f32 v5, v57;
	v55 =	vmul.f32 v60, v1;
	v57 =	vld [tilespmem:s0+$0x4170];
	v60 =	vmax.f32 v11, $0.0e+00  }
0x121: {  	v11 =	vmax.f32 v62, $0.0e+00;
	v51 =	vmax.f32 v63, $0.0e+00;
	v63 =	vmax.f32 v53, $0.0e+00;
	v53 =	vld [tilespmem:s0+$0x4180]  }
0x122: {  	v31 =	vmul.f32 v31, v58;
	v3 =	vmax.f32 v3, v55;
	v55 =	vmax.f32 v45, $0.0e+00;
	v45 =	vld [tilespmem:s0+$0x41A0]  }
0x123: {  	v62 =	vbroadcast v16, $0xA;
	v10 =	vmul.f32 v10, v58;
	v7 =	vadd.f32 v43, v7;
	v43 =	vld [tilespmem:s0+$0x4290]  }
0x124: {  	v21 =	vmul.f32 v21, v58;
	v51 =	vmul.f32 v51, v1;
	v9 =	vmax.f32 v9, v31;
	v31 =	vld [tilespmem:s0+$0x41D0]  }
0x125: {  	v5 =	vmax.f32 v5, v10;
	v10 =	vmul.f32 v60, v58;
	v60 =	vadd.f32 v14, v22;
	v14 =	vld [tilespmem:s0+$0xC210]  }
0x126: {  	v1 =	vmul.f32 v49, v1;
	v44 =	vmul.f32 v55, v58;
	v55 =	vadd.f32 v19, v18;
	v18 =	vld [tilespmem:s0+$0x4220]  }
0x127: {  	v36 =	vmax.f32 v61, $0.0e+00;
	v49 =	vmul.f32 v63, v58;
	v63 =	vmul.f32 v11, v58;
	v22 =	vld [tilespmem:s0+$0xC220]  }
0x128: {  	v4 =	vadd.f32 v56, v4;
	v19 =	vld [tilespmem:s0+$0xC280];
	v30 =	vmax.f32 v30, v51;
	v0 =	vmax.f32 v0, v1  }
0x129: {  	v51 =	vld [tilespmem:s0+$0xC180];
	v13 =	vmax.f32 v13, v49;
	v1 =	vmax.f32 v54, $0.0e+00;
	v54 =	vadd.f32 v15, v17  }
0x12a: {  	v49 =	vld [tilespmem:s0+$0xC1A0];
	v6 =	vmax.f32 v9, v6;
	v7 =	vmax.f32 v7, $0.0e+00;
	v4 =	vmax.f32 v4, $0.0e+00  }
0x12b: {  	v15 =	vld [tilespmem:s0+$0xC200];
	v1 =	vmul.f32 v1, v58;
	v2 =	vmax.f32 v2, v44;
	v3 =	vmax.f32 v3, v10  }
0x12c: {  	v17 =	vld [tilespmem:s0+$0x4230];
	v44 =	vmax.f32 v12, $0.0e+00;
	v21 =	vmax.f32 v30, v21;
	v0 =	vmax.f32 v0, v63  }
0x12d: {  	v12 =	vld [tilespmem:s0+$0xC1D0];
	v10 =	vmax.f32 v46, $0.0e+00;
	v9 =	vmax.f32 v55, $0.0e+00;
	v46 =	vadd.f32 v37, v35  }
0x12e: {  	v30 =	vld [tilespmem:s0+$0xC1E0];
	v55 =	vadd.f32 v59, v57;
	v7 =	vmul.f32 v7, v62;
	v4 =	vmul.f32 v4, v62  }
0x12f: {  	v37 =	vld [tilespmem:s0+$0xC250];
	v57 =	vadd.f32 v42, v41;
	v59 =	vbroadcast v16, $0xB;
	v11 =	vmul.f32 v44, v27  }
0x130: {  	v41 =	vld [tilespmem:s0+$0x4280];
	v10 =	vmul.f32 v10, v27;
	v2 =	vmax.f32 v2, v8;
	v58 =	vmax.f32 v54, $0.0e+00  }
0x131: {  	v9 =	vmul.f32 v9, v27;
	v44 =	vadd.f32 v33, v29;
	v33 =	vld [tilespmem:s0+$0x4240];
	v29 =	vmax.f32 v47, $0.0e+00  }
0x132: {  	v47 =	vld [tilespmem:s0+$0xC2D0];
	v1 =	vmax.f32 v48, v1;
	v48 =	vadd.f32 v25, v20;
	v8 =	vmul.f32 v58, v27  }
0x133: {  	v20 =	vld [tilespmem:s0+$0x41F0];
	v29 =	vmul.f32 v29, v62;
	v24 =	vmul.f32 v24, v59;
	v11 =	vmax.f32 v13, v11  }
0x134: {  	v25 =	vld [tilespmem:s0+$0xC1F0];
	v1 =	vmax.f32 v1, v10;
	v9 =	vmax.f32 v21, v9;
	v13 =	vmax.f32 v48, $0.0e+00  }
0x135: {  	v10 =	vld [tilespmem:s0+$0x4210];
	v3 =	vmax.f32 v3, v8;
	v48 =	vmax.f32 v44, $0.0e+00;
	v8 =	vmax.f32 v46, $0.0e+00  }
0x136: {  	v6 =	vmax.f32 v6, v29;
	v29 =	vld [tilespmem:s0+$0x4270];
	v56 =	vadd.f32 v51, v53;
	v4 =	vmax.f32 v9, v4  }
0x137: {  	v44 =	vld [tilespmem:s0+$0xC2C0];
	v50 =	vmul.f32 v13, v27;
	v13 =	vmax.f32 v60, $0.0e+00;
	v8 =	vmul.f32 v8, v62  }
0x138: {  	v51 =	vld [tilespmem:s0+$0xC2E0];
	v3 =	vmax.f32 v3, v7;
	v60 =	vadd.f32 v49, v45;
	v12 =	vadd.f32 v12, v31  }
0x139: {  	v42 =	vadd.f32 v30, v28;
	v28 =	vld [tilespmem:s0+$0xC2B0];
	v49 =	vbroadcast v16, $0xC;
	v19 =	vadd.f32 v19, v41  }
0x13a: {  	v30 =	vld [tilespmem:s0+$0x43B0];
	v63 =	vmul.f32 v13, v27;
	v13 =	vmul.f32 v36, v62;
	v38 =	vmax.f32 v56, $0.0e+00  }
0x13b: {  	v27 =	vld [tilespmem:s0+$0xC230];
	v5 =	vmax.f32 v5, v50;
	v50 =	vadd.f32 v52, v40;
	v1 =	vmax.f32 v1, v8  }
0x13c: {  	v36 =	vld [tilespmem:s0+$0x4250];
	v40 =	vmax.f32 v57, $0.0e+00;
	v61 =	vmul.f32 v38, v59;
	v38 =	vmul.f32 v23, v59  }
0x13d: {  	v56 =	vld [tilespmem:s0+$0x4310];
	v12 =	vmax.f32 v12, $0.0e+00;
	v20 =	vadd.f32 v25, v20;
	v23 =	vmax.f32 v42, $0.0e+00  }
0x13e: {  	v52 =	vld [tilespmem:s0+$0xC240];
	v19 =	vmax.f32 v19, $0.0e+00;
	v0 =	vmax.f32 v0, v63;
	v11 =	vmax.f32 v11, v13  }
0x13f: {  	v8 =	vld [tilespmem:s0+$0xC260];
	v13 =	vmul.f32 v48, v62;
	v63 =	vmax.f32 v60, $0.0e+00;
	v12 =	vmul.f32 v12, v59  }
0x140: {  	v25 =	vld [tilespmem:s0+$0x42C0];
	v45 =	vmul.f32 v23, v59;
	v48 =	vadd.f32 v15, v32;
	v10 =	vadd.f32 v14, v10  }
0x141: {  	v42 =	vld [tilespmem:s0+$0xC340];
	v21 =	vmax.f32 v50, $0.0e+00;
	v9 =	vmax.f32 v11, v61;
	v7 =	vmul.f32 v63, v59  }
0x142: {  	v23 =	vld [tilespmem:s0+$0x42D0];
	v6 =	vmax.f32 v6, v38;
	v20 =	vmax.f32 v20, $0.0e+00;
	v50 =	vadd.f32 v22, v18  }
0x143: {  	v14 =	vld [tilespmem:s0+$0x42E0];
	v61 =	vbroadcast v16, $0xD;
	v2 =	vmax.f32 v2, v13;
	v54 =	vmul.f32 v21, v62  }
0x144: {  	v60 =	vld [tilespmem:s0+$0x4320];
	v13 =	vmax.f32 v55, $0.0e+00;
	v3 =	vmax.f32 v3, v12;
	v46 =	vmul.f32 v20, v59  }
0x145: {  	v11 =	vld [tilespmem:s0+$0xC2A0];
	v4 =	vmax.f32 v4, v45;
	v10 =	vmax.f32 v10, $0.0e+00;
	v58 =	vmul.f32 v13, v62  }
0x146: {  	v22 =	vld [tilespmem:s0+$0xC2F0];
	v62 =	vmul.f32 v40, v59;
	v1 =	vmax.f32 v1, v7;
	v7 =	vmax.f32 v48, $0.0e+00  }
0x147: {  	v63 =	vld [tilespmem:s0+$0x4330];
	v17 =	vadd.f32 v27, v17;
	v10 =	vmul.f32 v10, v49;
	v15 =	vmax.f32 v50, $0.0e+00  }
0x148: {  	v38 =	vld [tilespmem:s0+$0xC330];
	v55 =	vadd.f32 v37, v36;
	v59 =	vadd.f32 v39, v29;
	v37 =	vmul.f32 v19, v61  }
0x149: {  	v21 =	vld [tilespmem:s0+$0x4260];
	v5 =	vmax.f32 v5, v54;
	v7 =	vmul.f32 v7, v49;
	v15 =	vmul.f32 v15, v49  }
0x14a: {  	v20 =	vld [tilespmem:s0+$0x42F0];
	v52 =	vadd.f32 v52, v33;
	v44 =	vadd.f32 v44, v25;
	v0 =	vmax.f32 v0, v58  }
0x14b: {  	v45 =	vld [tilespmem:s0+$0x4350];
	v2 =	vmax.f32 v2, v62;
	v5 =	vmax.f32 v5, v24;
	v17 =	vmax.f32 v17, $0.0e+00  }
0x14c: {  	v40 =	vld [tilespmem:s0+$0xC290];
	v13 =	vadd.f32 v47, v23;
	v51 =	vadd.f32 v51, v14;
	v0 =	vmax.f32 v0, v46  }
0x14d: {  	v27 =	vld [tilespmem:s0+$0x4300];
	v7 =	vmax.f32 v9, v7;
	v2 =	vmax.f32 v2, v10;
	v53 =	vmul.f32 v17, v49  }
0x14e: {  	v48 =	vld [tilespmem:s0+$0xC360];
	v1 =	vmax.f32 v1, v15;
	v54 =	vmax.f32 v52, $0.0e+00;
	v17 =	vmax.f32 v55, $0.0e+00  }
0x14f: {  	v50 =	vld [tilespmem:s0+$0x4370];
	v41 =	vadd.f32 v11, v34;
	v55 =	vbroadcast v16, $0xE;
	v57 =	vmul.f32 v54, v49  }
0x150: {  	v58 =	vld [tilespmem:s0+$0xC310];
	v8 =	vadd.f32 v8, v21;
	v17 =	vmul.f32 v17, v49;
	v21 =	vmax.f32 v59, $0.0e+00  }
0x151: {  	v62 =	vld [tilespmem:s0+$0xC320];
	v7 =	vmax.f32 v7, v37;
	v13 =	vmax.f32 v13, $0.0e+00;
	v6 =	vmax.f32 v6, v53  }
0x152: {  	v47 =	vld [tilespmem:s0+$0x4360];
	v36 =	vmul.f32 v21, v49;
	v39 =	vadd.f32 v40, v43;
	v43 =	vadd.f32 v28, v26  }
0x153: {  	v10 =	vld [tilespmem:s0+$0xC300];
	v9 =	vmax.f32 v41, $0.0e+00;
	v21 =	vmax.f32 v44, $0.0e+00;
	v53 =	vadd.f32 v22, v20  }
0x154: {  	v46 =	vld [tilespmem:s0+$0xC350];
	v8 =	vmax.f32 v8, $0.0e+00;
	v5 =	vmax.f32 v5, v57;
	v9 =	vmul.f32 v9, v61  }
0x155: {  	v52 =	vld [tilespmem:s0+$0xC370];
	v3 =	vmax.f32 v3, v17;
	v21 =	vmul.f32 v21, v61;
	v8 =	vmul.f32 v8, v49  }
0x156: {  	v32 =	vld [tilespmem:s0+$0xC3B0];
	v0 =	vmax.f32 v0, v36;
	v12 =	vmax.f32 v43, $0.0e+00;
	v15 =	vadd.f32 v58, v56  }
0x157: {  	v34 =	vld [tilespmem:s0+$0x43C0];
	v49 =	vmul.f32 v13, v61;
	v60 =	vadd.f32 v62, v60;
	v62 =	vadd.f32 v38, v63  }
0x158: {  	v54 =	vld [tilespmem:s0+$0x4380];
	v33 =	vadd.f32 v48, v47;
	v12 =	vmul.f32 v12, v61;
	v1 =	vmax.f32 v1, v9  }
0x159: {  	v40 =	vld [tilespmem:s0+$0x4340];
	v5 =	vmax.f32 v5, v21;
	v10 =	vadd.f32 v10, v27;
	v31 =	vadd.f32 v46, v45  }
0x15a: {  	v41 =	vld [tilespmem:s0+$0xC3D0];
	v9 =	vadd.f32 v52, v50;
	v45 =	vbroadcast v16, $0xF;
	v4 =	vmax.f32 v4, v8  }
0x15b: {  	v57 =	vld [tilespmem:s0+$0x4390];
	v8 =	vmax.f32 v39, $0.0e+00;
	v3 =	vmax.f32 v3, v49;
	v15 =	vmax.f32 v15, $0.0e+00  }
0x15c: {  	v56 =	vld [tilespmem:s0+$0xC380];
	v29 =	vmax.f32 v60, $0.0e+00;
	v38 =	vmax.f32 v33, $0.0e+00;
	v8 =	vmul.f32 v8, v61  }
0x15d: {  	v58 =	vld [tilespmem:s0+$0xC390];
	v6 =	vmax.f32 v6, v12;
	v12 =	vmax.f32 v51, $0.0e+00;
	v10 =	vmax.f32 v10, $0.0e+00  }
0x15e: {  	v36 =	vld [tilespmem:s0+$0xC3C0];
	v59 =	vmul.f32 v15, v55;
	v11 =	vadd.f32 v42, v40;
	v35 =	vmax.f32 v31, $0.0e+00  }
0x15f: {  	v44 =	vld [tilespmem:s0+$0x43E0];
	v40 =	vmul.f32 v38, v55;
	v9 =	vmax.f32 v9, $0.0e+00;
	v12 =	vmul.f32 v12, v61  }
0x160: {  	v63 =	vld [tilespmem:s0+$0xC3A0];
	v15 =	vadd.f32 v32, v30;
	v10 =	vmul.f32 v10, v55;
	v37 =	vmul.f32 v35, v55  }
0x161: {  	v46 =	vld [tilespmem:s0+$0xC3E0];
	v9 =	vmul.f32 v9, v55;
	v2 =	vmax.f32 v2, v8;
	v8 =	vmax.f32 v53, $0.0e+00  }
0x162: {  	v39 =	vld [tilespmem:s0+$0x43D0];
	v11 =	vmax.f32 v11, $0.0e+00;
	v42 =	vadd.f32 v56, v54;
	v43 =	vadd.f32 v58, v57  }
0x163: {  	v49 =	vadd.f32 v36, v34;
	v51 =	vmax.f32 v15, $0.0e+00;
	v8 =	vmul.f32 v8, v61;
	v61 =	vld [tilespmem:s0+$0x43A0]  }
0x164: {  	v53 =	vld [tilespmem:$0x1FFF0];
	v4 =	vmax.f32 v4, v12;
	v7 =	vmax.f32 v7, v10;
	v2 =	vmax.f32 v2, v59  }
0x165: {  	v12 =	vmul.f32 v29, v55;
	v0 =	vmax.f32 v0, v8;
	v8 =	vmax.f32 v62, $0.0e+00  }
0x166: {  	v47 =	vld [tilespmem:s0+$0x43F0];
	v11 =	vmul.f32 v11, v55;
	v3 =	vmax.f32 v3, v37;
	v8 =	vmul.f32 v8, v55  }
0x167: {  	v48 =	vld [tilespmem:s0+$0xC3F0];
	v52 =	vadd.f32 v46, v44;
	v54 =	vmul.f32 v51, v45;
	v4 =	vmax.f32 v4, v40  }
0x168: {  	v6 =	vmax.f32 v6, v8;
	v10 =	vadd.f32 v63, v61;
	v8 =	vmax.f32 v42, $0.0e+00  }
0x169: {  	v13 =	vmax.f32 v43, $0.0e+00;
	v50 =	vadd.f32 v41, v39;
	v8 =	vmul.f32 v8, v45  }
0x16a: {  	s18 =	sshll.u32 s16, $0x7;
	v1 =	vmax.f32 v1, v12;
	v13 =	vmul.f32 v13, v45;
	v10 =	vmax.f32 v10, $0.0e+00  }
0x16b: {  	s17 =	sand.u32 $0x3FFFFF80, s18;
	v5 =	vmax.f32 v5, v11;
	v10 =	vmul.f32 v10, v45;
	v7 =	vmax.f32 v7, v8  }
0x16c: {  	v55 =	vadd.f32 v48, v47;
	v2 =	vmax.f32 v2, v13;
	v8 =	vmax.f32 v49, $0.0e+00;
	[tilespmem:v53+s17+$0x0 ss:$0x1] =	vst.idx.msk $0xffff, v7  }
0x16d: {  	v57 =	vmax.f32 v50, $0.0e+00;
	v56 =	vmul.f32 v8, v45;
	v1 =	vmax.f32 v1, v10;
	[tilespmem:v53+s17+$0x10 ss:$0x1] =	vst.idx.msk $0xffff, v2  }
0x16e: {  	p0 =	sne.s32 s16, $0x7;
	v59 =	vmax.f32 v52, $0.0e+00;
	v58 =	vmul.f32 v57, v45;
	v6 =	vmax.f32 v6, v54;
	[tilespmem:v53+s17+$0x20 ss:$0x1] =	vst.idx.msk $0xffff, v1  }
.Ltmp0:
0x16f: {  	v61 =	vmul.f32 v59, v45;
	v62 =	vmax.f32 v55, $0.0e+00;
	v60 =	vmax.f32 v5, v56;
	[tilespmem:v53+s17+$0x30 ss:$0x1] =	vst.idx.msk $0xffff, v6;
	(pc) =	sbr.rel @p0 .LBB2_3-.Ltmp0, $4  }
0x170: {  	v3 =	vmax.f32 v3, v58;
	v5 =	vmul.f32 v62, v45;
	[tilespmem:v53+s17+$0x40 ss:$0x1] =	vst.idx.msk $0xffff, v60  }
0x171: {  	v0 =	vmax.f32 v0, v9;
	v63 =	vmax.f32 v4, v61;
	[tilespmem:v53+s17+$0x50 ss:$0x1] =	vst.idx.msk $0xffff, v3  }
0x172: {  	v0 =	vmax.f32 v0, v5;
	[tilespmem:v53+s17+$0x60 ss:$0x1] =	vst.idx.msk $0xffff, v63  }
0x173: {  	s16 =	sadd.s32 $0x1, s16;
	[tilespmem:v53+s17+$0x70 ss:$0x1] =	vst.idx.msk $0xffff, v0  }
0x174: {  	p0 =	seq.s32 s12, $0x13  }
0x175: {  	s16 =	sshll.u32 @!p0 s12, $0x8  }
0x176: {  	s18 =	simm.s32 @!p0 $0x40;
	s0 =	simm.s32 @!p0 $0x3C00;
	s17 =	sadd.s32 @!p0 $0x100, s16  }
0x177: {  	[tilespmem:s0], [sflag:$0x1] =	stream.indirect.gather @!p0 [hbm4b:s3+s18], $0x80, s17, s18, $0xb8;
	[tilespmem:$0x1DC00] =	vst v63  }
0x178: {  	s0 =	sadd.s32 @!p0 $0x1500, s16;
	s17 =	simm.s32 @!p0 $0xBC00  }
0x179: {  	[tilespmem:s17], [sflag:$0x3] =	stream.indirect.gather @!p0 [hbm4b:s4+s18], $0x80, s0, s18, $0xb8;
	[tilespmem:$0x1DC00] =	vst v63  }
0x17a: {  	s0 =	sadd.s32 @!p0 $0x140, s16;
	s17 =	simm.s32 @!p0 $0x5C00  }
0x17b: {  	[tilespmem:s17], [sflag:$0x2] =	stream.indirect.gather @!p0 [hbm4b:s3+s18], $0x80, s0, s18, $0xb8;
	[tilespmem:$0x1DC00] =	vst v63  }
0x17c: {  	s0 =	sadd.s32 @!p0 $0x1540, s16;
	s16 =	simm.s32 @!p0 $0xDC00  }
0x17d: {  	[tilespmem:s16], [sflag:$0x4] =	stream.indirect.gather @!p0 [hbm4b:s4+s18], $0x80, s0, s18, $0xb8;
	[tilespmem:$0x1DC00] =	vst v63  }
0x17e: {  	_ =	swait.ge [sflag:s28], $0x2000  }
0x17f: {  	[sflag:s28] =	ssyncset.done $0x0  }
0x180: {  	[sflag:s28] =	ssyncadd.s32 $0xFFFFE000  }
0x181: {  	_ =	swait.ge [sflag:s29], $0x2000  }
0x182: {  	[sflag:s29] =	ssyncset.done $0x0  }
0x183: {  	[sflag:s29] =	ssyncadd.s32 $0xFFFFE000  }
0x184: {  	_ =	swait.ge [sflag:s30], $0x2000  }
0x185: {  	s17 =	sshll.u32 s14, $0xA;
	s18 =	sand.u32 $0x3FFFFF80, s15;
	[sflag:s30] =	ssyncset.done $0x0  }
0x186: {  	s0 =	sand.u32 $0x3FFFFC00, s17;
	s15 =	sadd.s32 $0x2800, s18;
	[sflag:s30] =	ssyncadd.s32 $0xFFFFE000  }
0x187: {  	s0 =	sadd.s32 $0x13C00, s0;
	v0 =	vmov s15;
	_ =	swait.ge [sflag:s31], $0x2000  }
0x188: {  	v63 =	vmov s0;
	[sflag:s31] =	ssyncset.done $0x0;
	[tilespmem:$0x1FD20] =	vst v0  }
0x189: {  	s14 =	simm.s32 $0x0;
	[tilespmem:$0x1FD30] =	vst v63;
	[sflag:s31] =	ssyncadd.s32 $0xFFFFE000  }
.LBB2_5:
0x18a: {  	s15 =	sshll.u32 s14, $0xB  }
0x18b: {  	v50 =	vld [tilespmem:s15+$0x7DF0];
	_ =	sdelay $0x4  }
0x18c: {  	[tilespmem:$0x1FA80] =	vst v50;
	v50 =	vld [tilespmem:s15+$0xFDF0];
	_ =	sdelay $0x4  }
0x18d: {  	[tilespmem:$0x1FA90] =	vst v50;
	v50 =	vld [tilespmem:s15+$0x7E00];
	_ =	sdelay $0x4  }
0x18e: {  	[tilespmem:$0x1FAA0] =	vst v50;
	v50 =	vld [tilespmem:s15+$0xFE00];
	_ =	sdelay $0x2  }
0x18f: {  	v0 =	vld [tilespmem:$0x1FD20]  }
0x190: {  	v15 =	vld [tilespmem:s15+$0x7C00]  }
0x191: {  	[tilespmem:$0x1FAB0] =	vst v50;
	v50 =	vld [tilespmem:s15+$0x7E10]  }
0x192: {  	v2 =	vld [tilespmem:s15+$0xFC00]  }
0x193: {  	v17 =	vld [tilespmem:s15+$0x7C10]  }
0x194: {  	v18 =	vld [tilespmem:s15+$0xFC10]  }
0x195: {  	v19 =	vld [tilespmem:s15+$0x7C20]  }
0x196: {  	[tilespmem:$0x1FAC0] =	vst v50;
	v50 =	vld [tilespmem:s15+$0xFE10]  }
0x197: {  	v20 =	vld [tilespmem:s15+$0xFC20]  }
0x198: {  	v22 =	vld [tilespmem:s15+$0x7C30]  }
0x199: {  	v25 =	vld [tilespmem:s15+$0xFC30]  }
0x19a: {  	v35 =	vld [tilespmem:s15+$0x7C40]  }
0x19b: {  	[tilespmem:$0x1FAD0] =	vst v50;
	v50 =	vld [tilespmem:s15+$0x7E20]  }
0x19c: {  	v40 =	vld [tilespmem:s15+$0xFC40]  }
0x19d: {  	v34 =	vld [tilespmem:s15+$0x7C50]  }
0x19e: {  	v48 =	vld [tilespmem:s15+$0xFC50]  }
0x19f: {  	v51 =	vld [tilespmem:s15+$0x7C60]  }
0x1a0: {  	[tilespmem:$0x1FAE0] =	vst v50;
	v50 =	vld [tilespmem:s15+$0xFE20]  }
0x1a1: {  	v52 =	vld [tilespmem:s15+$0xFC60]  }
0x1a2: {  	v61 =	vld [tilespmem:s15+$0x7C70]  }
0x1a3: {  	v63 =	vld [tilespmem:s15+$0xFC70]  }
0x1a4: {  	v3 =	vld [tilespmem:s15+$0x7C80]  }
0x1a5: {  	[tilespmem:$0x1FAF0] =	vst v50;
	v50 =	vld [tilespmem:s15+$0x7E30]  }
0x1a6: {  	v6 =	vld [tilespmem:s15+$0xFC80]  }
0x1a7: {  	v8 =	vld [tilespmem:s15+$0x7C90]  }
0x1a8: {  	v9 =	vld [tilespmem:s15+$0xFC90]  }
0x1a9: {  	v1 =	vld [tilespmem:s15+$0x7CA0]  }
0x1aa: {  	[tilespmem:$0x1FB00] =	vst v50;
	v50 =	vld [tilespmem:s15+$0xFE30]  }
0x1ab: {  	v5 =	vld [tilespmem:s15+$0x7CB0]  }
0x1ac: {  	v4 =	vld [tilespmem:s15+$0xFCB0]  }
0x1ad: {  	v10 =	vld [tilespmem:s15+$0x7CC0]  }
0x1ae: {  	v7 =	vld [tilespmem:s15+$0xFCC0]  }
0x1af: {  	[tilespmem:$0x1FB10] =	vst v50;
	v50 =	vld [tilespmem:s15+$0x7E40]  }
0x1b0: {  	v12 =	vld [tilespmem:s15+$0x7CD0]  }
0x1b1: {  	v11 =	vld [tilespmem:s15+$0xFCD0]  }
0x1b2: {  	v14 =	vld [tilespmem:s15+$0x7CE0]  }
0x1b3: {  	v13 =	vld [tilespmem:s15+$0xFCE0]  }
0x1b4: {  	[tilespmem:$0x1FB20] =	vst v50;
	v50 =	vld [tilespmem:s15+$0xFE40]  }
0x1b5: {  	v36 =	vld [tilespmem:s15+$0x7CF0]  }
0x1b6: {  	v38 =	vld [tilespmem:s15+$0xFCF0]  }
0x1b7: {  	v29 =	vld [tilespmem:s15+$0x7D00]  }
0x1b8: {  	v37 =	vld [tilespmem:s15+$0xFD00]  }
0x1b9: {  	[tilespmem:$0x1FB30] =	vst v50;
	v50 =	vld [tilespmem:s15+$0x7E50]  }
0x1ba: {  	v43 =	vld [tilespmem:s15+$0x7D10]  }
0x1bb: {  	v33 =	vld [tilespmem:s15+$0xFD10]  }
0x1bc: {  	v39 =	vld [tilespmem:s15+$0x7D20]  }
0x1bd: {  	v44 =	vld [tilespmem:s15+$0xFD20]  }
0x1be: {  	[tilespmem:$0x1FB40] =	vst v50;
	v50 =	vld [tilespmem:s15+$0xFE50]  }
0x1bf: {  	v53 =	vld [tilespmem:s15+$0x7D30]  }
0x1c0: {  	v30 =	vld [tilespmem:s15+$0xFD30]  }
0x1c1: {  	v45 =	vld [tilespmem:s15+$0x7D40]  }
0x1c2: {  	v21 =	vld [tilespmem:s15+$0xFD40]  }
0x1c3: {  	[tilespmem:$0x1FB50] =	vst v50;
	v50 =	vld [tilespmem:s15+$0x7E60]  }
0x1c4: {  	v49 =	vld [tilespmem:s15+$0x7D50]  }
0x1c5: {  	v23 =	vld [tilespmem:s15+$0xFD50]  }
0x1c6: {  	v54 =	vld [tilespmem:s15+$0x7D60]  }
0x1c7: {  	v24 =	vld [tilespmem:s15+$0xFD60]  }
0x1c8: {  	[tilespmem:$0x1FB60] =	vst v50;
	v50 =	vld [tilespmem:s15+$0xFE60]  }
0x1c9: {  	v55 =	vld [tilespmem:s15+$0x7D70]  }
0x1ca: {  	v58 =	vld [tilespmem:s15+$0xFD70]  }
0x1cb: {  	v26 =	vld [tilespmem:s15+$0x7D80]  }
0x1cc: {  	v57 =	vld [tilespmem:s15+$0xFD80]  }
0x1cd: {  	[tilespmem:$0x1FB70] =	vst v50;
	v50 =	vld [tilespmem:s15+$0x7E70]  }
0x1ce: {  	v56 =	vld [tilespmem:s15+$0x7D90]  }
0x1cf: {  	v27 =	vld [tilespmem:s15+$0xFD90]  }
0x1d0: {  	v32 =	vld [tilespmem:s15+$0x7DA0]  }
0x1d1: {  	v59 =	vld [tilespmem:s15+$0xFDA0]  }
0x1d2: {  	[tilespmem:$0x1FB80] =	vst v50;
	v50 =	vld [tilespmem:s15+$0xFE70]  }
0x1d3: {  	v60 =	vld [tilespmem:s15+$0x7DB0]  }
0x1d4: {  	v28 =	vld [tilespmem:s15+$0xFDB0]  }
0x1d5: {  	v41 =	vld [tilespmem:s15+$0x7DC0]  }
0x1d6: {  	v31 =	vld [tilespmem:s15+$0xFDC0]  }
0x1d7: {  	[tilespmem:$0x1FB90] =	vst v50;
	v50 =	vld [tilespmem:s15+$0x7E80]  }
0x1d8: {  	v46 =	vld [tilespmem:s15+$0x7DD0]  }
0x1d9: {  	v42 =	vld [tilespmem:s15+$0xFDD0]  }
0x1da: {  	v62 =	vld [tilespmem:s15+$0x7DE0]  }
0x1db: {  	v47 =	vld [tilespmem:s15+$0xFDE0]  }
0x1dc: {  	[tilespmem:$0x1FBA0] =	vst v50;
	v50 =	vld [tilespmem:s15+$0xFE80]  }
0x1dd: {  	v17 =	vadd.f32 v18, v17;
	v18 =	vadd.f32 v20, v19;
	v20 =	vld [tilespmem:s15+$0x7EC0]  }
0x1de: {  	v15 =	vadd.f32 v2, v15;
	v2 =	vld [tilespmem:s15+$0xFEC0]  }
0x1df: {  	v19 =	vadd.f32 v25, v22;
	v25 =	vadd.f32 v52, v51;
	v51 =	vld [tilespmem:s15+$0xFED0]  }
0x1e0: {  	v22 =	vadd.f32 v48, v34;
	v34 =	vadd.f32 v63, v61;
	v61 =	vld [tilespmem:s15+$0x7EE0]  }
0x1e1: {  	[tilespmem:$0x1FBB0] =	vst v50;
	v50 =	vld [tilespmem:s15+$0x7E90]  }
0x1e2: {  	v7 =	vadd.f32 v7, v10;
	v10 =	vld [tilespmem:s15+$0x7F30]  }
0x1e3: {  	v43 =	vadd.f32 v33, v43;
	v33 =	vadd.f32 v59, v32;
	v59 =	vld [tilespmem:s15+$0xFFD0]  }
0x1e4: {  	v27 =	vadd.f32 v27, v56;
	v56 =	vld [tilespmem:s15+$0x7FF0]  }
0x1e5: {  	v47 =	vadd.f32 v47, v62;
	v62 =	vld [tilespmem:s15+$0x10000]  }
0x1e6: {  	[tilespmem:$0x1FBC0] =	vst v50;
	v50 =	vld [tilespmem:s15+$0xFE90]  }
0x1e7: {  	s0 =	sshll.u32 s14, $0x4;
	v41 =	vadd.f32 v31, v41;
	v31 =	vld [tilespmem:s15+$0x10030]  }
0x1e8: {  	s0 =	sand.u32 $0x3FFFFFF0, s0;
	v46 =	vadd.f32 v42, v46;
	v42 =	vld [tilespmem:s15+$0x10040]  }
0x1e9: {  	v16 =	vld.idx.msk [tilespmem:v0+s0+$0x0 ss:$0x1], $0xffff  }
0x1ea: {  	v0 =	vld [tilespmem:s15+$0xFCA0]  }
0x1eb: {  	[tilespmem:$0x1FBD0] =	vst v50;
	v50 =	vld [tilespmem:s15+$0x7EA0]  }
0x1ec: {  	v63 =	vmax.f32 v17, $0.0e+00;
	v17 =	vld [tilespmem:s15+$0xFEF0]  }
0x1ed: {  	v48 =	vmax.f32 v19, $0.0e+00;
	v19 =	vld [tilespmem:s15+$0x7F10]  }
0x1ee: {  	v52 =	vmax.f32 v15, $0.0e+00;
	v15 =	vld [tilespmem:s15+$0xFF10]  }
0x1ef: {  	[tilespmem:$0x1FC20] =	vst v20;
	v20 =	vadd.f32 v40, v35;
	v40 =	vld [tilespmem:s15+$0xFEE0]  }
0x1f0: {  	v3 =	vadd.f32 v6, v3;
	[tilespmem:$0x1FBE0] =	vst v50;
	v50 =	vld [tilespmem:s15+$0xFEA0]  }
0x1f1: {  	v12 =	vadd.f32 v11, v12;
	v11 =	vmax.f32 v43, $0.0e+00;
	v43 =	vld [tilespmem:s15+$0x7FD0];
	[tilespmem:$0x1FC40] =	vst v51;
	v6 =	vbroadcast v16, $0x0  }
0x1f2: {  	v8 =	vadd.f32 v9, v8;
	[tilespmem:$0x1FC50] =	vst v61;
	v35 =	vmax.f32 v18, $0.0e+00;
	v61 =	vmax.f32 v25, $0.0e+00;
	v25 =	vld [tilespmem:s15+$0xFF00]  }
0x1f3: {  	v0 =	vadd.f32 v0, v1;
	v51 =	vmax.f32 v20, $0.0e+00;
	v20 =	vld [tilespmem:s15+$0x7F00];
	[tilespmem:$0x1FC80] =	vst v19;
	v1 =	vmul.f32 v52, v6  }
0x1f4: {  	v19 =	vld [tilespmem:s15+$0xFF40];
	v9 =	vmul.f32 v63, v6;
	v18 =	vmul.f32 v35, v6;
	v52 =	vmax.f32 v22, $0.0e+00;
	[tilespmem:$0x1FC60] =	vst v40  }
0x1f5: {  	v63 =	vmax.f32 v34, $0.0e+00;
	v34 =	vbroadcast v16, $0x1;
	v40 =	vmul.f32 v48, v6;
	[tilespmem:$0x1FBF0] =	vst v50;
	v50 =	vld [tilespmem:s15+$0x7EB0]  }
0x1f6: {  	v35 =	vld [tilespmem:s15+$0x7F20];
	v48 =	vmul.f32 v51, v6;
	v51 =	vmul.f32 v52, v6  }
0x1f7: {  	v52 =	vmul.f32 v61, v6;
	v6 =	vmul.f32 v63, v6;
	v63 =	vld [tilespmem:s15+$0xFF20]  }
0x1f8: {  	v22 =	vmax.f32 v8, $0.0e+00;
	v0 =	vmax.f32 v0, $0.0e+00;
	v61 =	vmax.f32 v18, $0.0e+00;
	v18 =	vld [tilespmem:s15+$0xFF30]  }
0x1f9: {  	v4 =	vadd.f32 v4, v5;
	v5 =	vmul.f32 v22, v34;
	v0 =	vmul.f32 v0, v34;
	v22 =	vld [tilespmem:s15+$0x7F40]  }
0x1fa: {  	[tilespmem:$0x1FC00] =	vst v50;
	v50 =	vld [tilespmem:s15+$0xFEB0]  }
0x1fb: {  	v7 =	vmax.f32 v7, $0.0e+00;
	v0 =	vmax.f32 v61, v0;
	v61 =	vld [tilespmem:s15+$0xFF50]  }
0x1fc: {  	v7 =	vmul.f32 v7, v34;
	[tilespmem:$0x1FC90] =	vst v35;
	v35 =	vmax.f32 v40, $0.0e+00;
	v40 =	vmax.f32 v48, $0.0e+00;
	v48 =	vld [tilespmem:s15+$0x7F50]  }
0x1fd: {  	v14 =	vadd.f32 v13, v14;
	[tilespmem:$0x1FCA0] =	vst v63;
	v63 =	vadd.f32 v37, v29;
	v29 =	vld [tilespmem:s15+$0x7F60]  }
0x1fe: {  	v4 =	vmax.f32 v4, $0.0e+00;
	v7 =	vmax.f32 v40, v7;
	v40 =	vld [tilespmem:s15+$0x7F70]  }
0x1ff: {  	v8 =	vmax.f32 v14, $0.0e+00;
	v4 =	vmul.f32 v4, v34;
	[tilespmem:$0x1FC10] =	vst v50;
	v50 =	vld [tilespmem:s15+$0x7ED0]  }
0x200: {  	v8 =	vmul.f32 v8, v34;
	v37 =	vld [tilespmem:s15+$0x7F80]  }
0x201: {  	v4 =	vmax.f32 v35, v4;
	v35 =	vmax.f32 v52, $0.0e+00;
	v52 =	vld [tilespmem:s15+$0x7F90]  }
0x202: {  	v8 =	vmax.f32 v35, v8;
	v35 =	vld [tilespmem:s15+$0xFF80]  }
0x203: {  	[tilespmem:$0x1FCD0] =	vst v61;
	v61 =	vld [tilespmem:s15+$0x7FA0]  }
0x204: {  	[tilespmem:$0x1FC30] =	vst v50;
	v50 =	vld [tilespmem:s15+$0x7EF0]  }
0x205: {  	[tilespmem:$0x1FCC0] =	vst v48;
	v48 =	vadd.f32 v44, v39;
	v39 =	vld [tilespmem:s15+$0x7FB0]  }
0x206: {  	v3 =	vmax.f32 v3, $0.0e+00;
	[tilespmem:$0x1FCE0] =	vst v29;
	v29 =	vld [tilespmem:s15+$0xFF70]  }
0x207: {  	v3 =	vmul.f32 v3, v34;
	[tilespmem:$0x1FCF0] =	vst v40;
	v40 =	vld [tilespmem:s15+$0xFFA0]  }
0x208: {  	[tilespmem:$0x1FCB0] =	vst v10;
	v10 =	vmax.f32 v63, $0.0e+00;
	v63 =	vadd.f32 v24, v54;
	v54 =	vmax.f32 v46, $0.0e+00;
	v46 =	vld [tilespmem:$0x1FAC0]  }
0x209: {  	v1 =	vmax.f32 v1, $0.0e+00;
	v37 =	vadd.f32 v35, v37;
	v35 =	vld [tilespmem:s15+$0x8120];
	[tilespmem:$0x1FC70] =	vst v50;
	v50 =	vmax.f32 v9, $0.0e+00  }
0x20a: {  	v1 =	vmax.f32 v1, v3;
	[tilespmem:$0x1FD10] =	vst v61;
	v61 =	vld [tilespmem:$0x1FAA0];
	v3 =	vmax.f32 v50, v5;
	v50 =	vadd.f32 v38, v36  }
0x20b: {  	v14 =	vbroadcast v16, $0x3;
	v5 =	vmax.f32 v12, $0.0e+00;
	v36 =	vld [tilespmem:s15+$0xFF60]  }
0x20c: {  	v12 =	vbroadcast v16, $0x2;
	v38 =	vld [tilespmem:s15+$0xFF90];
	v9 =	vmax.f32 v50, $0.0e+00;
	v50 =	vadd.f32 v30, v53  }
0x20d: {  	v5 =	vmul.f32 v5, v34;
	v53 =	vadd.f32 v23, v49;
	v23 =	vadd.f32 v57, v26;
	v57 =	vld [tilespmem:s15+$0xFFB0]  }
0x20e: {  	v51 =	vmax.f32 v51, $0.0e+00;
	v10 =	vmul.f32 v10, v12;
	v11 =	vmul.f32 v11, v12;
	v49 =	vld [tilespmem:s15+$0xFFF0]  }
0x20f: {  	v5 =	vmax.f32 v51, v5;
	v51 =	vadd.f32 v21, v45;
	v21 =	vadd.f32 v58, v55;
	v58 =	vld [tilespmem:s15+$0x7FC0]  }
0x210: {  	v6 =	vmax.f32 v6, $0.0e+00;
	v9 =	vmul.f32 v9, v34;
	v34 =	vadd.f32 v28, v60;
	v60 =	vld [tilespmem:s15+$0x7FE0]  }
0x211: {  	v55 =	vld [tilespmem:s15+$0xFFE0];
	v1 =	vmax.f32 v1, v10;
	v3 =	vmax.f32 v3, v11;
	v11 =	vmax.f32 v53, $0.0e+00  }
0x212: {  	v13 =	vmax.f32 v50, $0.0e+00;
	v53 =	vld [tilespmem:s15+$0x8000];
	v6 =	vmax.f32 v6, v9;
	v11 =	vmul.f32 v11, v12  }
0x213: {  	v50 =	vld [tilespmem:$0x1FA90];
	v9 =	vmax.f32 v48, $0.0e+00;
	v13 =	vmul.f32 v13, v12;
	v10 =	vmax.f32 v51, $0.0e+00  }
0x214: {  	v48 =	vld [tilespmem:$0x1FA80];
	v9 =	vmul.f32 v9, v12;
	v10 =	vmul.f32 v10, v12;
	v11 =	vmax.f32 v5, v11  }
0x215: {  	v5 =	vmax.f32 v33, $0.0e+00;
	v33 =	vmax.f32 v47, $0.0e+00;
	v47 =	vld [tilespmem:$0x1FAD0];
	v49 =	vadd.f32 v49, v56  }
0x216: {  	v56 =	vld [tilespmem:s15+$0x10160];
	v0 =	vmax.f32 v0, v9;
	v9 =	vmax.f32 v4, v13;
	v10 =	vmax.f32 v7, v10  }
0x217: {  	v4 =	vmax.f32 v63, $0.0e+00;
	v7 =	vmax.f32 v21, $0.0e+00;
	v45 =	vmul.f32 v5, v14;
	v63 =	vld [tilespmem:$0x1FAB0]  }
0x218: {  	v24 =	vmul.f32 v7, v12;
	v7 =	vld [tilespmem:s15+$0xFFC0]  }
0x219: {  	v26 =	vmax.f32 v23, $0.0e+00;
	v4 =	vmul.f32 v4, v12;
	v23 =	vmax.f32 v0, v45;
	v45 =	vld [tilespmem:s15+$0x10010]  }
0x21a: {  	v51 =	vadd.f32 v50, v48;
	v50 =	vld [tilespmem:s15+$0x10020]  }
0x21b: {  	v48 =	vld [tilespmem:$0x1FAE0];
	v13 =	vmax.f32 v8, v4;
	v12 =	vmax.f32 v6, v24  }
0x21c: {  	v4 =	vmax.f32 v27, $0.0e+00;
	v6 =	vmax.f32 v34, $0.0e+00;
	v34 =	vmax.f32 v51, $0.0e+00;
	v51 =	vld [tilespmem:$0x1FAF0]  }
0x21d: {  	v44 =	vmul.f32 v4, v14;
	v4 =	vld [tilespmem:$0x1FB60]  }
0x21e: {  	v8 =	vmax.f32 v41, $0.0e+00;
	v5 =	vadd.f32 v63, v61;
	v61 =	vld [tilespmem:$0x1FB00]  }
0x21f: {  	v8 =	vmul.f32 v8, v14;
	v63 =	vld [tilespmem:$0x1FB10]  }
0x220: {  	v41 =	vmul.f32 v34, v14;
	v34 =	vld [tilespmem:s15+$0x8050]  }
0x221: {  	v30 =	vmul.f32 v26, v14;
	v26 =	vmax.f32 v10, v8;
	v8 =	vmul.f32 v54, v14;
	v54 =	vld [tilespmem:s15+$0x8010]  }
0x222: {  	v21 =	vmax.f32 v3, v44;
	v44 =	vld [tilespmem:s15+$0x8020]  }
0x223: {  	v24 =	vmul.f32 v33, v14;
	v6 =	vmul.f32 v6, v14;
	v14 =	vadd.f32 v47, v46;
	v46 =	vld [tilespmem:$0x1FB20]  }
0x224: {  	v28 =	vbroadcast v16, $0x4;
	v47 =	vld [tilespmem:$0x1FB30]  }
0x225: {  	v10 =	vmax.f32 v5, $0.0e+00;
	v12 =	vmax.f32 v12, v41;
	v41 =	vld [tilespmem:s15+$0x8030]  }
0x226: {  	v5 =	vld [tilespmem:$0x1FB70];
	v10 =	vmul.f32 v10, v28  }
0x227: {  	v1 =	vmax.f32 v1, v30;
	v30 =	vmax.f32 v11, v8;
	v8 =	vld [tilespmem:$0x1FC00]  }
0x228: {  	[tilespmem:$0x1FD00] =	vst v52;
	v52 =	vadd.f32 v51, v48;
	v32 =	vmax.f32 v1, v10;
	v10 =	vld [tilespmem:s15+$0x8040]  }
0x229: {  	v9 =	vmax.f32 v9, v6;
	v6 =	vadd.f32 v63, v61;
	v61 =	vld [tilespmem:$0x1FB50]  }
0x22a: {  	v51 =	vmax.f32 v14, $0.0e+00;
	v11 =	vmax.f32 v52, $0.0e+00;
	v52 =	vld [tilespmem:$0x1FB40]  }
0x22b: {  	v14 =	vmul.f32 v51, v28;
	v51 =	vld [tilespmem:$0x1FB90]  }
0x22c: {  	v48 =	vadd.f32 v47, v46;
	v46 =	vld [tilespmem:$0x1FC20]  }
0x22d: {  	v13 =	vmax.f32 v13, v24;
	v24 =	vmax.f32 v6, $0.0e+00;
	v6 =	vadd.f32 v5, v4;
	v4 =	vld [tilespmem:$0x1FBC0]  }
0x22e: {  	v27 =	vmax.f32 v48, $0.0e+00;
	v48 =	vld [tilespmem:$0x1FB80]  }
0x22f: {  	v5 =	vld [tilespmem:$0x1FBD0];
	v63 =	vadd.f32 v61, v52  }
0x230: {  	v11 =	vmul.f32 v11, v28;
	v24 =	vmul.f32 v24, v28;
	v61 =	vld [tilespmem:$0x1FBA0]  }
0x231: {  	v14 =	vmax.f32 v21, v14;
	v31 =	vadd.f32 v31, v41;
	v21 =	vmax.f32 v63, $0.0e+00;
	v63 =	vld [tilespmem:$0x1FBB0]  }
0x232: {  	v41 =	vld [tilespmem:s15+$0x8190];
	v27 =	vmul.f32 v27, v28;
	v9 =	vmax.f32 v9, v24;
	v24 =	vmax.f32 v6, $0.0e+00  }
0x233: {  	v33 =	vmax.f32 v23, v11;
	v11 =	vld [tilespmem:s15+$0x10050];
	v3 =	vmul.f32 v24, v28;
	v52 =	vadd.f32 v51, v48  }
0x234: {  	v23 =	vld [tilespmem:s15+$0x8060];
	v47 =	vmax.f32 v26, v27  }
0x235: {  	v48 =	vmax.f32 v13, v3;
	v13 =	vadd.f32 v5, v4;
	v4 =	vld [tilespmem:$0x1FBF0];
	v26 =	vmax.f32 v52, $0.0e+00  }
0x236: {  	v1 =	vmul.f32 v21, v28;
	v28 =	vmul.f32 v26, v28;
	v0 =	vadd.f32 v63, v61;
	v63 =	vld [tilespmem:$0x1FBE0]  }
0x237: {  	v10 =	vadd.f32 v42, v10;
	v42 =	vld [tilespmem:s15+$0x10190];
	v51 =	vbroadcast v16, $0x5  }
0x238: {  	v13 =	vmax.f32 v13, $0.0e+00;
	v52 =	vmax.f32 v12, v28;
	v12 =	vld [tilespmem:$0x1FC10]  }
0x239: {  	v24 =	vld [tilespmem:s15+$0x8070];
	v13 =	vmul.f32 v13, v51  }
0x23a: {  	v21 =	vld [tilespmem:s15+$0x10060]  }
0x23b: {  	v5 =	vadd.f32 v4, v63;
	v4 =	vadd.f32 v2, v46;
	v2 =	vmax.f32 v14, v13;
	v13 =	vld [tilespmem:$0x1FC30]  }
0x23c: {  	v14 =	vld [tilespmem:$0x1FC40]  }
0x23d: {  	v11 =	vadd.f32 v11, v34;
	v34 =	vld [tilespmem:s15+$0x81B0];
	v27 =	vmax.f32 v0, $0.0e+00;
	v61 =	vadd.f32 v12, v8  }
0x23e: {  	v26 =	vld [tilespmem:s15+$0x10070];
	v6 =	vmul.f32 v27, v51  }
0x23f: {  	v30 =	vmax.f32 v30, v1;
	v1 =	vadd.f32 v25, v20;
	v20 =	vld [tilespmem:s15+$0x80C0];
	v61 =	vmax.f32 v61, $0.0e+00  }
0x240: {  	v25 =	vld [tilespmem:s15+$0x100C0];
	v63 =	vmax.f32 v32, v6;
	v6 =	vmax.f32 v4, $0.0e+00;
	v61 =	vmul.f32 v61, v51  }
0x241: {  	v14 =	vadd.f32 v14, v13;
	v13 =	vmul.f32 v6, v51;
	v6 =	vld [tilespmem:$0x1FC50]  }
0x242: {  	v9 =	vmax.f32 v9, v61;
	v61 =	vld [tilespmem:$0x1FC60]  }
0x243: {  	v28 =	vld [tilespmem:s15+$0x10090]  }
0x244: {  	v4 =	vld [tilespmem:$0x1FC70]  }
0x245: {  	v21 =	vadd.f32 v21, v23;
	v23 =	vld [tilespmem:s15+$0x101B0]  }
0x246: {  	v53 =	vadd.f32 v62, v53;
	v27 =	vld [tilespmem:s15+$0x8080]  }
0x247: {  	v62 =	vadd.f32 v26, v24;
	v24 =	vld [tilespmem:s15+$0x81C0];
	v5 =	vmax.f32 v5, $0.0e+00;
	v61 =	vadd.f32 v61, v6  }
0x248: {  	v26 =	vld [tilespmem:s15+$0x101C0];
	v0 =	vmul.f32 v5, v51  }
0x249: {  	v12 =	vld [tilespmem:s15+$0x10080];
	v17 =	vadd.f32 v17, v4;
	v14 =	vmax.f32 v14, $0.0e+00;
	v5 =	vmax.f32 v61, $0.0e+00  }
0x24a: {  	v8 =	vld [tilespmem:s15+$0x8090];
	v14 =	vmul.f32 v14, v51;
	v61 =	vmul.f32 v5, v51  }
0x24b: {  	v32 =	vld [tilespmem:s15+$0x80A0];
	v17 =	vmax.f32 v17, $0.0e+00  }
0x24c: {  	v3 =	vmax.f32 v30, v14;
	v14 =	vmul.f32 v17, v51;
	v48 =	vmax.f32 v48, v61;
	v61 =	vld [tilespmem:$0x1FC80]  }
0x24d: {  	v46 =	vld [tilespmem:s15+$0x100A0]  }
0x24e: {  	v51 =	vmax.f32 v52, v14;
	v14 =	vld [tilespmem:$0x1FC90]  }
0x24f: {  	v52 =	vld [tilespmem:$0x1FCA0]  }
0x250: {  	v23 =	vadd.f32 v23, v34;
	v34 =	vld [tilespmem:s15+$0x82A0]  }
0x251: {  	v33 =	vmax.f32 v33, v0;
	v0 =	vbroadcast v16, $0x6;
	v30 =	vadd.f32 v15, v61;
	v61 =	vld [tilespmem:$0x1FCB0]  }
0x252: {  	v1 =	vmax.f32 v1, $0.0e+00;
	v24 =	vadd.f32 v26, v24;
	v26 =	vld [tilespmem:s15+$0x82B0]  }
0x253: {  	v8 =	vadd.f32 v28, v8;
	v28 =	vld [tilespmem:s15+$0x81E0];
	v1 =	vmul.f32 v1, v0  }
0x254: {  	v46 =	vadd.f32 v46, v32;
	v32 =	vld [tilespmem:s15+$0x8200];
	v13 =	vmax.f32 v47, v13;
	v14 =	vadd.f32 v52, v14  }
0x255: {  	v47 =	vld [tilespmem:s15+$0x100B0];
	v4 =	vmax.f32 v63, v1;
	v1 =	vadd.f32 v19, v22;
	v5 =	vmax.f32 v30, $0.0e+00  }
0x256: {  	v19 =	vld [tilespmem:s15+$0x100E0];
	v14 =	vmax.f32 v14, $0.0e+00;
	v30 =	vmul.f32 v5, v0;
	v52 =	vadd.f32 v18, v61  }
0x257: {  	v63 =	vmul.f32 v14, v0;
	v61 =	vmax.f32 v1, $0.0e+00;
	v1 =	vld [tilespmem:$0x1FCC0]  }
0x258: {  	v2 =	vmax.f32 v2, v30;
	v30 =	vld [tilespmem:$0x1FCD0];
	v52 =	vmax.f32 v52, $0.0e+00  }
0x259: {  	v63 =	vmax.f32 v33, v63;
	v33 =	vld [tilespmem:$0x1FCE0];
	v52 =	vmul.f32 v52, v0  }
0x25a: {  	v22 =	vld [tilespmem:s15+$0x80F0]  }
0x25b: {  	v9 =	vmax.f32 v9, v52;
	v52 =	vld [tilespmem:$0x1FCF0]  }
0x25c: {  	v6 =	vld [tilespmem:s15+$0x80B0]  }
0x25d: {  	v17 =	vld [tilespmem:s15+$0x80D0];
	v30 =	vadd.f32 v30, v1;
	v1 =	vmul.f32 v61, v0  }
0x25e: {  	v15 =	vld [tilespmem:s15+$0x100D0];
	v33 =	vadd.f32 v36, v33  }
0x25f: {  	v14 =	vld [tilespmem:s15+$0x100F0];
	v5 =	vmax.f32 v13, v1  }
0x260: {  	v18 =	vld [tilespmem:s15+$0x80E0];
	v13 =	vmax.f32 v30, $0.0e+00;
	v1 =	vmax.f32 v33, $0.0e+00;
	v30 =	vadd.f32 v29, v52  }
0x261: {  	v49 =	vmax.f32 v49, $0.0e+00;
	v36 =	vld [tilespmem:s15+$0x10100];
	v52 =	vmul.f32 v1, v0  }
0x262: {  	v7 =	vadd.f32 v7, v58;
	v45 =	vadd.f32 v45, v54;
	v61 =	vld [tilespmem:s15+$0x8100];
	v30 =	vmax.f32 v30, $0.0e+00  }
0x263: {  	v13 =	vmul.f32 v13, v0;
	v0 =	vmul.f32 v30, v0;
	v30 =	vmax.f32 v48, v52;
	v52 =	vld [tilespmem:$0x1FD00]  }
0x264: {  	v54 =	vadd.f32 v50, v44;
	v31 =	vmax.f32 v31, $0.0e+00;
	v10 =	vmax.f32 v10, $0.0e+00;
	v33 =	vld [tilespmem:s15+$0x10110]  }
0x265: {  	v21 =	vmax.f32 v21, $0.0e+00;
	v23 =	vmax.f32 v23, $0.0e+00;
	v0 =	vmax.f32 v51, v0;
	v51 =	vld [tilespmem:$0x1FD10]  }
0x266: {  	v12 =	vadd.f32 v12, v27;
	v27 =	vbroadcast v16, $0x9;
	v24 =	vmax.f32 v24, $0.0e+00;
	v29 =	vld [tilespmem:s15+$0x8110]  }
0x267: {  	v1 =	vbroadcast v16, $0x7;
	v3 =	vmax.f32 v3, v13;
	v13 =	vmax.f32 v37, $0.0e+00;
	v37 =	vld [tilespmem:s15+$0x10120]  }
0x268: {  	v8 =	vmax.f32 v8, $0.0e+00;
	v6 =	vadd.f32 v47, v6;
	v48 =	vadd.f32 v38, v52;
	v38 =	vld [tilespmem:s15+$0x8130]  }
0x269: {  	v8 =	vmul.f32 v8, v27;
	v13 =	vmul.f32 v13, v1;
	v52 =	vadd.f32 v57, v39;
	v39 =	vld [tilespmem:s15+$0x10130]  }
0x26a: {  	v6 =	vmax.f32 v6, $0.0e+00;
	v51 =	vadd.f32 v40, v51;
	v48 =	vmax.f32 v48, $0.0e+00;
	v40 =	vld [tilespmem:s15+$0x8140]  }
0x26b: {  	v13 =	vmax.f32 v4, v13;
	v58 =	vmax.f32 v52, $0.0e+00;
	v52 =	vld [tilespmem:s15+$0x10140];
	v4 =	vmul.f32 v48, v1  }
0x26c: {  	v57 =	vmax.f32 v51, $0.0e+00;
	v51 =	vmul.f32 v58, v1;
	v58 =	vadd.f32 v59, v43;
	v43 =	vld [tilespmem:s15+$0x10150]  }
0x26d: {  	v6 =	vmul.f32 v6, v27;
	v61 =	vadd.f32 v36, v61;
	v59 =	vld [tilespmem:s15+$0x10170];
	v48 =	vmul.f32 v57, v1  }
0x26e: {  	v57 =	vmax.f32 v7, $0.0e+00;
	v7 =	vld [tilespmem:s15+$0x8150];
	v2 =	vmax.f32 v2, v4;
	v47 =	vadd.f32 v39, v38  }
0x26f: {  	v4 =	vld [tilespmem:s15+$0x8160];
	v57 =	vmul.f32 v57, v1;
	v9 =	vmax.f32 v9, v51;
	v48 =	vmax.f32 v63, v48  }
0x270: {  	v39 =	vld [tilespmem:s15+$0x10270];
	v63 =	vadd.f32 v55, v60;
	v60 =	vmax.f32 v58, $0.0e+00;
	v58 =	vbroadcast v16, $0x8  }
0x271: {  	v5 =	vmax.f32 v5, v57;
	v55 =	vmul.f32 v60, v1;
	v57 =	vld [tilespmem:s15+$0x8170];
	v60 =	vmax.f32 v11, $0.0e+00  }
0x272: {  	v11 =	vmax.f32 v62, $0.0e+00;
	v51 =	vmax.f32 v63, $0.0e+00;
	v63 =	vmax.f32 v53, $0.0e+00;
	v53 =	vld [tilespmem:s15+$0x8180]  }
0x273: {  	v31 =	vmul.f32 v31, v58;
	v3 =	vmax.f32 v3, v55;
	v55 =	vmax.f32 v45, $0.0e+00;
	v45 =	vld [tilespmem:s15+$0x81A0]  }
0x274: {  	v62 =	vbroadcast v16, $0xA;
	v10 =	vmul.f32 v10, v58;
	v7 =	vadd.f32 v43, v7;
	v43 =	vld [tilespmem:s15+$0x8290]  }
0x275: {  	v21 =	vmul.f32 v21, v58;
	v51 =	vmul.f32 v51, v1;
	v9 =	vmax.f32 v9, v31;
	v31 =	vld [tilespmem:s15+$0x81D0]  }
0x276: {  	v5 =	vmax.f32 v5, v10;
	v10 =	vmul.f32 v60, v58;
	v60 =	vadd.f32 v14, v22;
	v14 =	vld [tilespmem:s15+$0x10210]  }
0x277: {  	v1 =	vmul.f32 v49, v1;
	v44 =	vmul.f32 v55, v58;
	v55 =	vadd.f32 v19, v18;
	v18 =	vld [tilespmem:s15+$0x8220]  }
0x278: {  	v36 =	vmax.f32 v61, $0.0e+00;
	v49 =	vmul.f32 v63, v58;
	v63 =	vmul.f32 v11, v58;
	v22 =	vld [tilespmem:s15+$0x10220]  }
0x279: {  	v4 =	vadd.f32 v56, v4;
	v19 =	vld [tilespmem:s15+$0x10280];
	v30 =	vmax.f32 v30, v51;
	v0 =	vmax.f32 v0, v1  }
0x27a: {  	v51 =	vld [tilespmem:s15+$0x10180];
	v13 =	vmax.f32 v13, v49;
	v1 =	vmax.f32 v54, $0.0e+00;
	v54 =	vadd.f32 v15, v17  }
0x27b: {  	v49 =	vld [tilespmem:s15+$0x101A0];
	v6 =	vmax.f32 v9, v6;
	v7 =	vmax.f32 v7, $0.0e+00;
	v4 =	vmax.f32 v4, $0.0e+00  }
0x27c: {  	v15 =	vld [tilespmem:s15+$0x10200];
	v1 =	vmul.f32 v1, v58;
	v2 =	vmax.f32 v2, v44;
	v3 =	vmax.f32 v3, v10  }
0x27d: {  	v17 =	vld [tilespmem:s15+$0x8230];
	v44 =	vmax.f32 v12, $0.0e+00;
	v21 =	vmax.f32 v30, v21;
	v0 =	vmax.f32 v0, v63  }
0x27e: {  	v12 =	vld [tilespmem:s15+$0x101D0];
	v10 =	vmax.f32 v46, $0.0e+00;
	v9 =	vmax.f32 v55, $0.0e+00;
	v46 =	vadd.f32 v37, v35  }
0x27f: {  	v30 =	vld [tilespmem:s15+$0x101E0];
	v55 =	vadd.f32 v59, v57;
	v7 =	vmul.f32 v7, v62;
	v4 =	vmul.f32 v4, v62  }
0x280: {  	v37 =	vld [tilespmem:s15+$0x10250];
	v57 =	vadd.f32 v42, v41;
	v59 =	vbroadcast v16, $0xB;
	v11 =	vmul.f32 v44, v27  }
0x281: {  	v41 =	vld [tilespmem:s15+$0x8280];
	v10 =	vmul.f32 v10, v27;
	v2 =	vmax.f32 v2, v8;
	v58 =	vmax.f32 v54, $0.0e+00  }
0x282: {  	v9 =	vmul.f32 v9, v27;
	v44 =	vadd.f32 v33, v29;
	v33 =	vld [tilespmem:s15+$0x8240];
	v29 =	vmax.f32 v47, $0.0e+00  }
0x283: {  	v47 =	vld [tilespmem:s15+$0x102D0];
	v1 =	vmax.f32 v48, v1;
	v48 =	vadd.f32 v25, v20;
	v8 =	vmul.f32 v58, v27  }
0x284: {  	v20 =	vld [tilespmem:s15+$0x81F0];
	v29 =	vmul.f32 v29, v62;
	v24 =	vmul.f32 v24, v59;
	v11 =	vmax.f32 v13, v11  }
0x285: {  	v25 =	vld [tilespmem:s15+$0x101F0];
	v1 =	vmax.f32 v1, v10;
	v9 =	vmax.f32 v21, v9;
	v13 =	vmax.f32 v48, $0.0e+00  }
0x286: {  	v10 =	vld [tilespmem:s15+$0x8210];
	v3 =	vmax.f32 v3, v8;
	v48 =	vmax.f32 v44, $0.0e+00;
	v8 =	vmax.f32 v46, $0.0e+00  }
0x287: {  	v6 =	vmax.f32 v6, v29;
	v29 =	vld [tilespmem:s15+$0x8270];
	v56 =	vadd.f32 v51, v53;
	v4 =	vmax.f32 v9, v4  }
0x288: {  	v44 =	vld [tilespmem:s15+$0x102C0];
	v50 =	vmul.f32 v13, v27;
	v13 =	vmax.f32 v60, $0.0e+00;
	v8 =	vmul.f32 v8, v62  }
0x289: {  	v51 =	vld [tilespmem:s15+$0x102E0];
	v3 =	vmax.f32 v3, v7;
	v60 =	vadd.f32 v49, v45;
	v12 =	vadd.f32 v12, v31  }
0x28a: {  	v42 =	vadd.f32 v30, v28;
	v28 =	vld [tilespmem:s15+$0x102B0];
	v49 =	vbroadcast v16, $0xC;
	v19 =	vadd.f32 v19, v41  }
0x28b: {  	v30 =	vld [tilespmem:s15+$0x83B0];
	v63 =	vmul.f32 v13, v27;
	v13 =	vmul.f32 v36, v62;
	v38 =	vmax.f32 v56, $0.0e+00  }
0x28c: {  	v27 =	vld [tilespmem:s15+$0x10230];
	v5 =	vmax.f32 v5, v50;
	v50 =	vadd.f32 v52, v40;
	v1 =	vmax.f32 v1, v8  }
0x28d: {  	v36 =	vld [tilespmem:s15+$0x8250];
	v40 =	vmax.f32 v57, $0.0e+00;
	v61 =	vmul.f32 v38, v59;
	v38 =	vmul.f32 v23, v59  }
0x28e: {  	v56 =	vld [tilespmem:s15+$0x8310];
	v12 =	vmax.f32 v12, $0.0e+00;
	v20 =	vadd.f32 v25, v20;
	v23 =	vmax.f32 v42, $0.0e+00  }
0x28f: {  	v52 =	vld [tilespmem:s15+$0x10240];
	v19 =	vmax.f32 v19, $0.0e+00;
	v0 =	vmax.f32 v0, v63;
	v11 =	vmax.f32 v11, v13  }
0x290: {  	v8 =	vld [tilespmem:s15+$0x10260];
	v13 =	vmul.f32 v48, v62;
	v63 =	vmax.f32 v60, $0.0e+00;
	v12 =	vmul.f32 v12, v59  }
0x291: {  	v25 =	vld [tilespmem:s15+$0x82C0];
	v45 =	vmul.f32 v23, v59;
	v48 =	vadd.f32 v15, v32;
	v10 =	vadd.f32 v14, v10  }
0x292: {  	v42 =	vld [tilespmem:s15+$0x10340];
	v21 =	vmax.f32 v50, $0.0e+00;
	v9 =	vmax.f32 v11, v61;
	v7 =	vmul.f32 v63, v59  }
0x293: {  	v23 =	vld [tilespmem:s15+$0x82D0];
	v6 =	vmax.f32 v6, v38;
	v20 =	vmax.f32 v20, $0.0e+00;
	v50 =	vadd.f32 v22, v18  }
0x294: {  	v14 =	vld [tilespmem:s15+$0x82E0];
	v61 =	vbroadcast v16, $0xD;
	v2 =	vmax.f32 v2, v13;
	v54 =	vmul.f32 v21, v62  }
0x295: {  	v60 =	vld [tilespmem:s15+$0x8320];
	v13 =	vmax.f32 v55, $0.0e+00;
	v3 =	vmax.f32 v3, v12;
	v46 =	vmul.f32 v20, v59  }
0x296: {  	v11 =	vld [tilespmem:s15+$0x102A0];
	v4 =	vmax.f32 v4, v45;
	v10 =	vmax.f32 v10, $0.0e+00;
	v58 =	vmul.f32 v13, v62  }
0x297: {  	v22 =	vld [tilespmem:s15+$0x102F0];
	v62 =	vmul.f32 v40, v59;
	v1 =	vmax.f32 v1, v7;
	v7 =	vmax.f32 v48, $0.0e+00  }
0x298: {  	v63 =	vld [tilespmem:s15+$0x8330];
	v17 =	vadd.f32 v27, v17;
	v10 =	vmul.f32 v10, v49;
	v15 =	vmax.f32 v50, $0.0e+00  }
0x299: {  	v38 =	vld [tilespmem:s15+$0x10330];
	v55 =	vadd.f32 v37, v36;
	v59 =	vadd.f32 v39, v29;
	v37 =	vmul.f32 v19, v61  }
0x29a: {  	v21 =	vld [tilespmem:s15+$0x8260];
	v5 =	vmax.f32 v5, v54;
	v7 =	vmul.f32 v7, v49;
	v15 =	vmul.f32 v15, v49  }
0x29b: {  	v20 =	vld [tilespmem:s15+$0x82F0];
	v52 =	vadd.f32 v52, v33;
	v44 =	vadd.f32 v44, v25;
	v0 =	vmax.f32 v0, v58  }
0x29c: {  	v45 =	vld [tilespmem:s15+$0x8350];
	v2 =	vmax.f32 v2, v62;
	v5 =	vmax.f32 v5, v24;
	v17 =	vmax.f32 v17, $0.0e+00  }
0x29d: {  	v40 =	vld [tilespmem:s15+$0x10290];
	v13 =	vadd.f32 v47, v23;
	v51 =	vadd.f32 v51, v14;
	v0 =	vmax.f32 v0, v46  }
0x29e: {  	v27 =	vld [tilespmem:s15+$0x8300];
	v7 =	vmax.f32 v9, v7;
	v2 =	vmax.f32 v2, v10;
	v53 =	vmul.f32 v17, v49  }
0x29f: {  	v48 =	vld [tilespmem:s15+$0x10360];
	v1 =	vmax.f32 v1, v15;
	v54 =	vmax.f32 v52, $0.0e+00;
	v17 =	vmax.f32 v55, $0.0e+00  }
0x2a0: {  	v50 =	vld [tilespmem:s15+$0x8370];
	v41 =	vadd.f32 v11, v34;
	v55 =	vbroadcast v16, $0xE;
	v57 =	vmul.f32 v54, v49  }
0x2a1: {  	v58 =	vld [tilespmem:s15+$0x10310];
	v8 =	vadd.f32 v8, v21;
	v17 =	vmul.f32 v17, v49;
	v21 =	vmax.f32 v59, $0.0e+00  }
0x2a2: {  	v62 =	vld [tilespmem:s15+$0x10320];
	v7 =	vmax.f32 v7, v37;
	v13 =	vmax.f32 v13, $0.0e+00;
	v6 =	vmax.f32 v6, v53  }
0x2a3: {  	v47 =	vld [tilespmem:s15+$0x8360];
	v36 =	vmul.f32 v21, v49;
	v39 =	vadd.f32 v40, v43;
	v43 =	vadd.f32 v28, v26  }
0x2a4: {  	v10 =	vld [tilespmem:s15+$0x10300];
	v9 =	vmax.f32 v41, $0.0e+00;
	v21 =	vmax.f32 v44, $0.0e+00;
	v53 =	vadd.f32 v22, v20  }
0x2a5: {  	v46 =	vld [tilespmem:s15+$0x10350];
	v8 =	vmax.f32 v8, $0.0e+00;
	v5 =	vmax.f32 v5, v57;
	v9 =	vmul.f32 v9, v61  }
0x2a6: {  	v52 =	vld [tilespmem:s15+$0x10370];
	v3 =	vmax.f32 v3, v17;
	v21 =	vmul.f32 v21, v61;
	v8 =	vmul.f32 v8, v49  }
0x2a7: {  	v32 =	vld [tilespmem:s15+$0x103B0];
	v0 =	vmax.f32 v0, v36;
	v12 =	vmax.f32 v43, $0.0e+00;
	v15 =	vadd.f32 v58, v56  }
0x2a8: {  	v34 =	vld [tilespmem:s15+$0x83C0];
	v49 =	vmul.f32 v13, v61;
	v60 =	vadd.f32 v62, v60;
	v62 =	vadd.f32 v38, v63  }
0x2a9: {  	v54 =	vld [tilespmem:s15+$0x8380];
	v33 =	vadd.f32 v48, v47;
	v12 =	vmul.f32 v12, v61;
	v1 =	vmax.f32 v1, v9  }
0x2aa: {  	v40 =	vld [tilespmem:s15+$0x8340];
	v5 =	vmax.f32 v5, v21;
	v10 =	vadd.f32 v10, v27;
	v31 =	vadd.f32 v46, v45  }
0x2ab: {  	v41 =	vld [tilespmem:s15+$0x103D0];
	v9 =	vadd.f32 v52, v50;
	v45 =	vbroadcast v16, $0xF;
	v4 =	vmax.f32 v4, v8  }
0x2ac: {  	v57 =	vld [tilespmem:s15+$0x8390];
	v8 =	vmax.f32 v39, $0.0e+00;
	v3 =	vmax.f32 v3, v49;
	v15 =	vmax.f32 v15, $0.0e+00  }
0x2ad: {  	v56 =	vld [tilespmem:s15+$0x10380];
	v29 =	vmax.f32 v60, $0.0e+00;
	v38 =	vmax.f32 v33, $0.0e+00;
	v8 =	vmul.f32 v8, v61  }
0x2ae: {  	v58 =	vld [tilespmem:s15+$0x10390];
	v6 =	vmax.f32 v6, v12;
	v12 =	vmax.f32 v51, $0.0e+00;
	v10 =	vmax.f32 v10, $0.0e+00  }
0x2af: {  	v36 =	vld [tilespmem:s15+$0x103C0];
	v59 =	vmul.f32 v15, v55;
	v11 =	vadd.f32 v42, v40;
	v35 =	vmax.f32 v31, $0.0e+00  }
0x2b0: {  	v44 =	vld [tilespmem:s15+$0x83E0];
	v40 =	vmul.f32 v38, v55;
	v9 =	vmax.f32 v9, $0.0e+00;
	v12 =	vmul.f32 v12, v61  }
0x2b1: {  	v63 =	vld [tilespmem:s15+$0x103A0];
	v15 =	vadd.f32 v32, v30;
	v10 =	vmul.f32 v10, v55;
	v37 =	vmul.f32 v35, v55  }
0x2b2: {  	v46 =	vld [tilespmem:s15+$0x103E0];
	v9 =	vmul.f32 v9, v55;
	v2 =	vmax.f32 v2, v8;
	v8 =	vmax.f32 v53, $0.0e+00  }
0x2b3: {  	v39 =	vld [tilespmem:s15+$0x83D0];
	v11 =	vmax.f32 v11, $0.0e+00;
	v42 =	vadd.f32 v56, v54;
	v43 =	vadd.f32 v58, v57  }
0x2b4: {  	v49 =	vadd.f32 v36, v34;
	v51 =	vmax.f32 v15, $0.0e+00;
	v8 =	vmul.f32 v8, v61;
	v61 =	vld [tilespmem:s15+$0x83A0]  }
0x2b5: {  	v53 =	vld [tilespmem:$0x1FD30];
	v4 =	vmax.f32 v4, v12;
	v7 =	vmax.f32 v7, v10;
	v2 =	vmax.f32 v2, v59  }
0x2b6: {  	v12 =	vmul.f32 v29, v55;
	v0 =	vmax.f32 v0, v8;
	v8 =	vmax.f32 v62, $0.0e+00  }
0x2b7: {  	v47 =	vld [tilespmem:s15+$0x83F0];
	v11 =	vmul.f32 v11, v55;
	v3 =	vmax.f32 v3, v37;
	v8 =	vmul.f32 v8, v55  }
0x2b8: {  	v48 =	vld [tilespmem:s15+$0x103F0];
	v52 =	vadd.f32 v46, v44;
	v54 =	vmul.f32 v51, v45;
	v4 =	vmax.f32 v4, v40  }
0x2b9: {  	v6 =	vmax.f32 v6, v8;
	v10 =	vadd.f32 v63, v61;
	v8 =	vmax.f32 v42, $0.0e+00  }
0x2ba: {  	v13 =	vmax.f32 v43, $0.0e+00;
	v50 =	vadd.f32 v41, v39;
	v8 =	vmul.f32 v8, v45  }
0x2bb: {  	s18 =	sshll.u32 s14, $0x7;
	v1 =	vmax.f32 v1, v12;
	v13 =	vmul.f32 v13, v45;
	v10 =	vmax.f32 v10, $0.0e+00  }
0x2bc: {  	s0 =	sand.u32 $0x3FFFFF80, s18;
	v5 =	vmax.f32 v5, v11;
	v10 =	vmul.f32 v10, v45;
	v7 =	vmax.f32 v7, v8  }
0x2bd: {  	v55 =	vadd.f32 v48, v47;
	v2 =	vmax.f32 v2, v13;
	v8 =	vmax.f32 v49, $0.0e+00;
	[tilespmem:v53+s0+$0x0 ss:$0x1] =	vst.idx.msk $0xffff, v7  }
0x2be: {  	v57 =	vmax.f32 v50, $0.0e+00;
	v56 =	vmul.f32 v8, v45;
	v1 =	vmax.f32 v1, v10;
	[tilespmem:v53+s0+$0x10 ss:$0x1] =	vst.idx.msk $0xffff, v2  }
0x2bf: {  	p0 =	sne.s32 s14, $0x7;
	v59 =	vmax.f32 v52, $0.0e+00;
	v58 =	vmul.f32 v57, v45;
	v6 =	vmax.f32 v6, v54;
	[tilespmem:v53+s0+$0x20 ss:$0x1] =	vst.idx.msk $0xffff, v1  }
.Ltmp1:
0x2c0: {  	v61 =	vmul.f32 v59, v45;
	v62 =	vmax.f32 v55, $0.0e+00;
	v60 =	vmax.f32 v5, v56;
	[tilespmem:v53+s0+$0x30 ss:$0x1] =	vst.idx.msk $0xffff, v6;
	(pc) =	sbr.rel @p0 .LBB2_5-.Ltmp1, $4  }
0x2c1: {  	v3 =	vmax.f32 v3, v58;
	v5 =	vmul.f32 v62, v45;
	[tilespmem:v53+s0+$0x40 ss:$0x1] =	vst.idx.msk $0xffff, v60  }
0x2c2: {  	v0 =	vmax.f32 v0, v9;
	v63 =	vmax.f32 v4, v61;
	[tilespmem:v53+s0+$0x50 ss:$0x1] =	vst.idx.msk $0xffff, v3  }
0x2c3: {  	v0 =	vmax.f32 v0, v5;
	[tilespmem:v53+s0+$0x60 ss:$0x1] =	vst.idx.msk $0xffff, v63  }
0x2c4: {  	s14 =	sadd.s32 $0x1, s14;
	[tilespmem:v53+s0+$0x70 ss:$0x1] =	vst.idx.msk $0xffff, v0  }
0x2c5: {  	s12 =	sadd.s32 $0x1, s12  }
0x2c6: {  	p0 =	sne.s32 s12, $0x14  }
.Ltmp2:
0x2c7: {  	_ = 	snop;
	(pc) =	sbr.rel @p0 .LBB2_2-.Ltmp2, $1  }
0x2c8: {  	_ =	sdelay $0x3  }
0x2c9: {  	s1 =	sadd.s32 $0x1, s1  }
0x2ca: {  	p0 =	sne.s32 s1, s9  }
.Ltmp3:
0x2cb: {  	s0 =	simm.s32 $0x13C00;
	(pc) =	sbr.rel @p0 .LBB2_1-.Ltmp3, $4  }
0x2cc: {  	[hbm4b:s8+s2] =	stream.linear.scatter [tilespmem:s0], [sflag:$0x9], $0xA000, $0x38;
	[tilespmem:$0x1DC00] =	vst v63  }
0x2cd: {  	_ =	swait.ge [sflag:s10], $0xA000  }
0x2ce: {  	[sflag:s10] =	ssyncset.done $0x0  }
0x2cf: {  	[sflag:s10] =	ssyncadd.s32 $0xFFFF6000  }
0x2d0: {  	_ =	sfence.sel $0x180000  }
0x2d1: {  	[bflag:$0x0] =	sbarrier.arrive $0xFFFF  }
0x2d2: {  	_ =	strace $0x90000047  }
0x2d3: {  	s0 =	stileid.u32;
	[bflag:$0x2] =	sbarrier.arrive $0xFFFF  }
0x2d4: {  	p0 =	sne.s32 s0, $0x0;
	s0 =	rddreg [dreg:$0x2]  }
0x2d5: {  	s0 =	sadd.s32 @!p0 $0x100000, s0  }
0x2d6: {  	[sflag:s0] =	ssyncadd.tile.s32 @!p0 $0x1;
	_ =	shalt  }
.Lfunc_end2:
_tile_overlayer_lowered:
.L_overlay_start_2:
0x2d7: {  	(tag) =	ssettag $0x2  }
0x2d8: {  	s0 =	rddreg [dreg:$0x0];
	s2 =	stileid.u32  }
0x2d9: {  	s1 =	rddreg [dreg:$0x1];
	p0 =	sne.s32 s2, $0x0  }
0x2da: {  	s3 =	rddreg [dreg:$0x2];
	[bflag:$0x3] =	sbarrier.arrive $0xFFFF;
	s2 =	simm.s32 @!p0 $0x1C09  }
0x2db: {  	[timem:s3], [sflag:s2] =	dma.local @!p0 [hbm:s0], s1  }
0x2dc: {  	s0 =	simm.s32 @!p0 $0x9  }
0x2dd: {  	_ =	swait.ge @!p0 [sflag:s0], s1  }
0x2de: {  	s1 =	ssub.s32 @!p0 $0x0, s1;
	[sflag:s0] =	ssyncset.done @!p0 $0x0  }
0x2df: {  	[sflag:s0] =	ssyncadd.s32 @!p0 s1  }
0x2e0: {  	[bflag:$0x3] =	sbarrier.arrive $0xFFFF  }
0x2e1: {  	_ =	shalt  }

</sc_bundles>
